<compile_context>
chip_gen: v7x
topology: tpu7x:2x2x1
jax: 0.10.2.dev20260603
libtpu: 0.0.44.dev20260713+nightly
codegen_flags: <defaults>
</compile_context>

<pallas_src>
import functools

import jax
import jax.numpy as jnp
import numpy as np
from jax import lax
from jax.experimental import pallas as pl
from jax.experimental.pallas import tpu as pltpu
from jax.experimental.pallas import tpu_sc as plsc

N = 20000
C = 81
MAXI = 100
MINCONF = 0.7
NMS_T = 0.3
BLK = 2000
NSUB = 16
NCLS = 5
KCAP = 112
SENT = np.int32(0x7FFFFFFF)
BIGP = np.int32(1 << 30)


def _prep_body(rois_ref, probs_ref, deltas_ref, boxes_ref, dkey_ref, ccid_ref):
    p = probs_ref[...]
    m = jnp.max(p, axis=1, keepdims=True)
    iot = lax.broadcasted_iota(jnp.int32, p.shape, 1)
    cid = jnp.min(jnp.where(p == m, iot, C), axis=1)
    score = m[:, 0]

    d = deltas_ref[...]
    j = lax.broadcasted_iota(jnp.int32, d.shape, 1)
    selc = (j >> 2) == cid[:, None]
    comp = j & 3
    dy = jnp.sum(jnp.where(selc & (comp == 0), d, 0.0), axis=1) * 0.1
    dx = jnp.sum(jnp.where(selc & (comp == 1), d, 0.0), axis=1) * 0.1
    dh = jnp.sum(jnp.where(selc & (comp == 2), d, 0.0), axis=1) * 0.2
    dw = jnp.sum(jnp.where(selc & (comp == 3), d, 0.0), axis=1) * 0.2

    r = rois_ref[...]
    h = r[:, 2] - r[:, 0]
    w = r[:, 3] - r[:, 1]
    cy = (r[:, 0] + 0.5 * h) + dy * h
    cx = (r[:, 1] + 0.5 * w) + dx * w
    h = h * jnp.exp(dh)
    w = w * jnp.exp(dw)
    y1 = cy - 0.5 * h
    x1 = cx - 0.5 * w
    y2 = y1 + h
    x2 = x1 + w
    y1c = jnp.clip(y1, 0.0, 1.0)
    x1c = jnp.clip(x1, 0.0, 1.0)
    y2c = jnp.clip(y2, 0.0, 1.0)
    x2c = jnp.clip(x2, 0.0, 1.0)
    boxes_ref[...] = jnp.concatenate(
        [y1c[:, None], x1c[:, None], y2c[:, None], x2c[:, None],
         jnp.zeros((y1c.shape[0], 124), jnp.float32)], axis=1)

    dkey_ref[...] = jnp.bitwise_xor(
        lax.bitcast_convert_type(score, jnp.int32), jnp.int32(-1))[:, None]
    cand = (cid > 0) & (score >= MINCONF)
    ccid_ref[...] = jnp.where(cand, cid, 0)[:, None]


def _prep(rois, probs, deltas):
    nb = N // BLK
    return pl.pallas_call(
        _prep_body,
        grid=(nb,),
        in_specs=[
            pl.BlockSpec((BLK, 4), lambda i: (i, 0)),
            pl.BlockSpec((BLK, C), lambda i: (i, 0)),
            pl.BlockSpec((BLK, 4 * C), lambda i: (i, 0)),
        ],
        out_specs=[
            pl.BlockSpec((BLK, 128), lambda i: (i, 0)),
            pl.BlockSpec((BLK, 1), lambda i: (i, 0)),
            pl.BlockSpec((BLK, 1), lambda i: (i, 0)),
        ],
        out_shape=[
            jax.ShapeDtypeStruct((N, 128), jnp.float32),
            jax.ShapeDtypeStruct((N, 1), jnp.int32),
            jax.ShapeDtypeStruct((N, 1), jnp.int32),
        ],
    )(rois, probs, deltas)


def _iota16():
    return lax.broadcasted_iota(jnp.int32, (16,), 0)


def _sc_body(dkey_hbm, ccid_hbm, boxes_hbm, out_hbm,
             keyv, cidv, ak, ai, hist, hist2, cur2, kg, ka, b16, i16, mrowf,
             scnt, sem):
    w = lax.axis_index("s")
    z16i = jnp.zeros((16,), jnp.int32)
    z16f = jnp.zeros((16,), jnp.float32)
    lane0 = _iota16() == 0

    def _sget(ref, off):
        return ref[pl.ds(off, 16)][0]

    def _sput(ref, off, val, dtype=jnp.int32):
        plsc.store_compressed(ref.at[pl.ds(off, 16)],
                              jnp.full((16,), val, dtype), mask=lane0)

    def _sputsel(ref, off, cond, a, b):
        m16 = jnp.full((16,), cond)
        v = jnp.where(m16, jnp.full((16,), a, jnp.int32),
                      jnp.full((16,), b, jnp.int32))
        plsc.store_compressed(ref.at[pl.ds(off, 16)], v, mask=lane0)

    pltpu.sync_copy(dkey_hbm, keyv.at[pl.ds(0, N)])
    pltpu.sync_copy(ccid_hbm, cidv.at[pl.ds(0, N)])

    def _init_scnt(s, _):
        scnt[s] = 0
        return 0
    lax.fori_loop(0, 16, _init_scnt, 0)

    nine = jnp.full((16,), 9.0, jnp.float32)

    def _init_kg(i, _):
        kg[pl.ds(i * 16, 16)] = nine
        return 0
    lax.fori_loop(0, 4 * NCLS * (KCAP // 16), _init_kg, 0)

    def _init_ka(i, _):
        ka[pl.ds(i * 16, 16)] = z16f
        return 0
    lax.fori_loop(0, NCLS * (KCAP // 16), _init_ka, 0)

    def _scan(ch, cur):
        cv = cidv[pl.ds(ch * 16, 16)]
        kv = keyv[pl.ds(ch * 16, 16)]
        mask = (cv != 0) & (((cv - 1) & (NSUB - 1)) == w)
        gidx = ch * 16 + _iota16()
        packed = (gidx << 7) | cv
        plsc.store_compressed(ak.at[pl.ds(cur, 16)], kv, mask=mask)
        plsc.store_compressed(ai.at[pl.ds(cur, 16)], packed, mask=mask)
        return cur + jnp.sum(mask.astype(jnp.int32))

    K = lax.fori_loop(0, N // 16, _scan, jnp.int32(0))

    def _pass(shift, src_k, src_i, dst_k, dst_i):
        ck = (K + 15) >> 4
        base = _iota16() * ck

        def _zh2(i, _):
            l = i >> 4
            b = i & 15
            hist2[l, pl.ds(b * 16, 16)] = z16i
            return 0
        lax.fori_loop(0, 256, _zh2, 0)

        ones16 = jnp.full((16,), 1, jnp.int32)

        def _hv(t, _):
            e = base + t
            valid = e < K
            kv = plsc.load_gather(src_k, [e])
            dv = lax.shift_right_logical(kv, shift) & 255
            plsc.addupdate_scatter(hist2, [_iota16(), dv], ones16, mask=valid)
            return 0
        lax.fori_loop(0, ck, _hv, 0)

        def _tot(c, _):
            def _acc(l, acc):
                return acc + hist2[l, pl.ds(c * 16, 16)]
            hist[pl.ds(c * 16, 16)] = lax.fori_loop(0, 16, _acc, z16i)
            return 0
        lax.fori_loop(0, 16, _tot, 0)

        def _pf(b, run):
            t = _sget(hist, b)
            _sput(hist, b, run)
            return run + t
        lax.fori_loop(0, 256, _pf, jnp.int32(0))

        def _cur(c, _):
            def _row(l, run):
                cur2[l, pl.ds(c * 16, 16)] = run
                return run + hist2[l, pl.ds(c * 16, 16)]
            lax.fori_loop(0, 16, _row, hist[pl.ds(c * 16, 16)])
            return 0
        lax.fori_loop(0, 16, _cur, 0)

        def _sct(t, _):
            e = base + t
            valid = e < K
            kv = plsc.load_gather(src_k, [e])
            iv = plsc.load_gather(src_i, [e])
            dv = lax.shift_right_logical(kv, shift) & 255
            pos = plsc.load_gather(cur2, [_iota16(), dv])
            plsc.store_scatter(dst_k, [pos], kv, mask=valid)
            plsc.store_scatter(dst_i, [pos], iv, mask=valid)
            plsc.addupdate_scatter(cur2, [_iota16(), dv], ones16, mask=valid)
            return 0
        lax.fori_loop(0, ck, _sct, 0)

    _pass(0, ak, ai, keyv, cidv)
    _pass(8, keyv, cidv, ak, ai)
    _pass(16, ak, ai, keyv, cidv)
    sk, si = keyv, cidv

    si[pl.ds(K, 16)] = z16i

    col4 = _iota16() & 3

    @pl.loop(0, (K + 15) >> 4)
    def _chunk(ch):
        i16[...] = lax.shift_right_logical(si[pl.ds(ch * 16, 16)], 7)
        pltpu.async_copy(boxes_hbm.at[i16], b16, sem).wait()
        lim = jnp.minimum(16, K - ch * 16)

        def _elem(l, _):
            t = ch * 16 + l
            p = _sget(si, t)
            c = p & 127
            s = (c - 1) >> 4
            cs = scnt[s]

            @pl.when(cs < MAXI)
            def _():
                g4 = plsc.load_gather(b16, [jnp.full((16,), l, jnp.int32), col4])
                y1 = g4[0]
                x1 = g4[1]
                y2 = g4[2]
                x2 = g4[3]
                ar = (y2 - y1) * (x2 - x1)
                nj = (cs + 15) >> 4

                def _iou(j, acc):
                    o = s * KCAP + j * 16
                    ky1 = kg[pl.ds(o, 16)]
                    kx1 = kg[pl.ds(560 + o, 16)]
                    ky2 = kg[pl.ds(1120 + o, 16)]
                    kx2 = kg[pl.ds(1680 + o, 16)]
                    kar = ka[pl.ds(o, 16)]
                    yy1 = jnp.maximum(y1, ky1)
                    xx1 = jnp.maximum(x1, kx1)
                    yy2 = jnp.minimum(y2, ky2)
                    xx2 = jnp.minimum(x2, kx2)
                    inter = jnp.maximum(0.0, yy2 - yy1) * jnp.maximum(0.0, xx2 - xx1)
                    union = ar + kar - inter
                    iou = inter / jnp.maximum(union, 1e-12)
                    return acc | jnp.any(iou > NMS_T)

                sup = lax.fori_loop(0, nj, _iou, False)

                @pl.when(jnp.logical_not(sup))
                def _():
                    o = s * KCAP + cs
                    _sput(kg, o, y1, jnp.float32)
                    _sput(kg, 560 + o, x1, jnp.float32)
                    _sput(kg, 1120 + o, y2, jnp.float32)
                    _sput(kg, 1680 + o, x2, jnp.float32)
                    _sput(ka, o, ar, jnp.float32)
                    scnt[s] = cs + 1
                    mc = scnt[6]
                    _sput(mrowf, KOFF + mc, _sget(sk, t))
                    _sput(mrowf, GOFF + mc, p)
                    scnt[6] = mc + 1
            return 0

        lax.fori_loop(0, lim, _elem, 0)

    _sput(mrowf, 0, scnt[6])
    pltpu.sync_copy(mrowf.at[pl.ds(0, ROWL)],
                    out_hbm.at[pl.ds(w * ROWL, ROWL)])


def _sc_merge_body(lists_hbm, boxes_hbm, out_hbm,
                   allv, hk, hg, selg, selk, selc, boxr, outv, scnt, ptr, sem):
    ROW = ROWL
    w = lax.axis_index("s")
    z16f = jnp.zeros((16,), jnp.float32)
    lane0 = _iota16() == 0

    def _sput(ref, off, val, dtype=jnp.int32):
        plsc.store_compressed(ref.at[pl.ds(off, 16)],
                              jnp.full((16,), val, dtype), mask=lane0)

    def _ip(s, _):
        ptr[s] = 0
        scnt[s] = 0
        return 0
    lax.fori_loop(0, 16, _ip, 0)

    def _zo(b, _):
        outv[pl.ds(b * 16, 16)] = z16f
        return 0
    lax.fori_loop(0, 39, _zo, 0)

    @pl.when(w == 0)
    def _():
        pltpu.sync_copy(lists_hbm, allv.at[pl.ds(0, 16 * ROW)])

        def _ih(s, _):
            cl = allv[pl.ds(s * ROW, 16)][0]
            m16 = jnp.full((16,), cl > 0)
            kv = jnp.where(m16,
                           jnp.full((16,), allv[pl.ds(s * ROW + KOFF, 16)][0]),
                           jnp.full((16,), SENT))
            gv = jnp.where(m16,
                           jnp.full((16,), allv[pl.ds(s * ROW + GOFF, 16)][0]),
                           jnp.full((16,), BIGP))
            plsc.store_compressed(hk.at[pl.ds(s, 16)], kv, mask=lane0)
            plsc.store_compressed(hg.at[pl.ds(s, 16)], gv, mask=lane0)
            return 0
        lax.fori_loop(0, 16, _ih, 0)

        def _zs(b, _):
            selg[pl.ds(b * 16, 16)] = b * 16 + _iota16()
            return 0
        lax.fori_loop(0, 8, _zs, 0)

        def _pick(t, _):
            hkv = hk[pl.ds(0, 16)]
            m = jnp.min(hkv)

            @pl.when(m != SENT)
            def _():
                hgv = hg[pl.ds(0, 16)]
                cnd = jnp.where(hkv == m, hgv, jnp.full((16,), BIGP))
                gp = jnp.min(cnd)
                l = plsc.all_reduce_ffs(cnd == gp)[0]
                g = lax.shift_right_logical(gp, 7)
                c = gp & 127
                _sput(selg, t, g)
                _sput(selk, t, jnp.bitwise_xor(m, jnp.int32(-1)))
                _sput(selc, t, c)
                scnt[7] = t + 1
                pp = ptr[l] + 1
                ptr[l] = pp
                cl = allv[pl.ds(l * ROW, 16)][0]
                nk = allv[pl.ds(l * ROW + KOFF + pp, 16)][0]
                ng = allv[pl.ds(l * ROW + GOFF + pp, 16)][0]
                m16 = jnp.full((16,), pp < cl)
                kv = jnp.where(m16, jnp.full((16,), nk), jnp.full((16,), SENT))
                gv = jnp.where(m16, jnp.full((16,), ng), jnp.full((16,), BIGP))
                plsc.store_compressed(hk.at[pl.ds(l, 16)], kv, mask=lane0)
                plsc.store_compressed(hg.at[pl.ds(l, 16)], gv, mask=lane0)
            return 0

        lax.fori_loop(0, MAXI, _pick, 0)

        def _conv(t, _):
            sc16 = selc[pl.ds(t, 16)].astype(jnp.float32)
            plsc.store_compressed(outv.at[pl.ds(t * 6 + 4, 16)], sc16,
                                  mask=lane0)
            sk16 = plsc.bitcast(selk[pl.ds(t, 16)], jnp.float32)
            plsc.store_compressed(outv.at[pl.ds(t * 6 + 5, 16)], sk16,
                                  mask=lane0)
            return 0
        lax.fori_loop(0, scnt[7], _conv, 0)

        pltpu.async_copy(boxes_hbm.at[selg], boxr, sem).wait()
        col4 = _iota16() & 3

        def _fill(t, _):
            b4 = plsc.load_gather(boxr, [jnp.full((16,), t, jnp.int32), col4])
            for k in range(4):
                _sput(outv, t * 6 + k, b4[k], jnp.float32)
            return 0
        lax.fori_loop(0, scnt[7], _fill, 0)

        pltpu.sync_copy(outv.at[pl.ds(0, 600)], out_hbm)


KOFF = 8
GOFF = 584
ROWL = 1152


@functools.cache
def _make_sc_nms():
    cp = pltpu.CompilerParams(needs_layout_passes=False,
                              use_tc_tiling_on_sc=False)
    mesh = plsc.VectorSubcoreMesh(core_axis_name="c", subcore_axis_name="s",
                                  num_cores=1)
    nms = pl.kernel(
        _sc_body,
        out_type=jax.ShapeDtypeStruct((16 * ROWL,), jnp.int32),
        mesh=mesh,
        compiler_params=cp,
        scratch_types=[
            pltpu.VMEM((N + 16,), jnp.int32),
            pltpu.VMEM((N + 16,), jnp.int32),
            pltpu.VMEM((N + 16,), jnp.int32),
            pltpu.VMEM((N + 16,), jnp.int32),
            pltpu.VMEM((272,), jnp.int32),
            pltpu.VMEM((16, 272), jnp.int32),
            pltpu.VMEM((16, 272), jnp.int32),
            pltpu.VMEM((2256,), jnp.float32),
            pltpu.VMEM((576,), jnp.float32),
            pltpu.VMEM((16, 128), jnp.float32),
            pltpu.VMEM((16,), jnp.int32),
            pltpu.VMEM((ROWL + 16,), jnp.int32),
            pltpu.SMEM((16,), jnp.int32),
            pltpu.SemaphoreType.DMA,
        ])
    merge = pl.kernel(
        _sc_merge_body,
        out_type=jax.ShapeDtypeStruct((600,), jnp.float32),
        mesh=mesh,
        compiler_params=cp,
        scratch_types=[
            pltpu.VMEM((16 * ROWL + 16,), jnp.int32),
            pltpu.VMEM((32,), jnp.int32),
            pltpu.VMEM((32,), jnp.int32),
            pltpu.VMEM((128,), jnp.int32),
            pltpu.VMEM((128,), jnp.int32),
            pltpu.VMEM((128,), jnp.int32),
            pltpu.VMEM((128, 128), jnp.float32),
            pltpu.VMEM((624,), jnp.float32),
            pltpu.SMEM((16,), jnp.int32),
            pltpu.SMEM((16,), jnp.int32),
            pltpu.SemaphoreType.DMA,
        ])
    return nms, merge


def kernel(ROIs, probs, deltas):
    rois = ROIs.reshape(N, 4)
    p = probs.reshape(N, C)
    d = deltas.reshape(N, 4 * C)
    boxes, dkey, ccid = _prep(rois, p, d)
    nms, merge = _make_sc_nms()
    lists = nms(dkey.reshape(N), ccid.reshape(N), boxes)
    out = merge(lists, boxes)
    return out.reshape(1, MAXI, 6)

# --- scband reference (transcript-rebuilt; emitter-appended) ---
"""Pipeline reference for scband-detection-layer-21895743275509 (READ-ONLY COPY).

The authoritative reference and input builder live on the scoring server;
editing this copy changes nothing except your own understanding.
"""

import jax, jax.numpy as jnp
import numpy as np
from jax import lax

N = 20000
NUM_CLASSES = 81
MAX_INSTANCES = 100
MIN_CONFIDENCE = 0.7
NMS_THRESHOLD = 0.3
BBOX_STD_DEV = np.array([0.1, 0.1, 0.2, 0.2], np.float32)
WINDOW = np.array([0.0, 0.0, 1.0, 1.0], np.float32)


def setup_inputs(seed: int = 0):
    key = jax.random.key(seed)
    k1, k2, k3 = jax.random.split(key, 3)
    c = jax.random.uniform(k1, (1, N, 4), dtype=jnp.float32)
    y1 = jnp.minimum(c[..., 0], c[..., 2]); y2 = jnp.maximum(c[..., 0], c[..., 2])
    x1 = jnp.minimum(c[..., 1], c[..., 3]); x2 = jnp.maximum(c[..., 1], c[..., 3])
    ROIs = jnp.stack([y1, x1, y2, x2], axis=-1)
    probs = jax.random.uniform(k2, (1, N, NUM_CLASSES), dtype=jnp.float32)
    deltas = jax.random.normal(k3, (1, N, NUM_CLASSES, 4), dtype=jnp.float32) * 0.1
    return {"ROIs": ROIs, "probs": probs, "deltas": deltas}


def apply_box_delta(boxes, deltas):
    heights = boxes[:, 2] - boxes[:, 0]
    widths = boxes[:, 3] - boxes[:, 1]
    center_y = boxes[:, 0] + 0.5 * heights
    center_x = boxes[:, 1] + 0.5 * widths
    center_y = center_y + deltas[:, 0] * heights
    center_x = center_x + deltas[:, 1] * widths
    heights = heights * jnp.exp(deltas[:, 2])
    widths = widths * jnp.exp(deltas[:, 3])
    y1 = center_y - 0.5 * heights
    x1 = center_x - 0.5 * widths
    y2 = y1 + heights
    x2 = x1 + widths
    return jnp.stack([y1, x1, y2, x2], axis=1)


def clip_boxes(boxes, window):
    wy1, wx1, wy2, wx2 = window[0], window[1], window[2], window[3]
    y1 = jnp.clip(boxes[:, 0], wy1, wy2)
    x1 = jnp.clip(boxes[:, 1], wx1, wx2)
    y2 = jnp.clip(boxes[:, 2], wy1, wy2)
    x2 = jnp.clip(boxes[:, 3], wx1, wx2)
    return jnp.stack([y1, x1, y2, x2], axis=1)


def compute_keep_mask(class_ids, class_scores, boxes, cand_mask):
    n = boxes.shape[0]
    y1, x1, y2, x2 = boxes[:, 0], boxes[:, 1], boxes[:, 2], boxes[:, 3]
    areas = (y2 - y1) * (x2 - x1)
    order = jnp.argsort(-class_scores, stable=True)

    def body(t, state):
        kept, counts = state
        i = order[t]
        cid = class_ids[i]
        yy1 = jnp.maximum(y1[i], y1); xx1 = jnp.maximum(x1[i], x1)
        yy2 = jnp.minimum(y2[i], y2); xx2 = jnp.minimum(x2[i], x2)
        inter = jnp.maximum(0.0, yy2 - yy1) * jnp.maximum(0.0, xx2 - xx1)
        union = areas[i] + areas - inter
        iou = inter / jnp.maximum(union, 1e-12)
        suppressed = jnp.any(kept & (class_ids == cid) & (iou > NMS_THRESHOLD))
        keep_i = cand_mask[i] & jnp.logical_not(suppressed) & (counts[cid] < MAX_INSTANCES)
        kept = kept.at[i].set(keep_i)
        counts = counts.at[cid].add(keep_i.astype(jnp.int32))
        return kept, counts

    kept0 = jnp.zeros((n,), dtype=bool)
    counts0 = jnp.zeros((NUM_CLASSES,), dtype=jnp.int32)
    kept, _ = lax.fori_loop(0, n, body, (kept0, counts0))
    return kept


def refine_detections(rois, probs, deltas):
    class_ids = jnp.argmax(probs, axis=1)
    idx = jnp.arange(probs.shape[0])
    class_scores = probs[idx, class_ids]
    deltas_specific = deltas[idx, class_ids]
    refined = apply_box_delta(rois, deltas_specific * jnp.asarray(BBOX_STD_DEV))
    refined = clip_boxes(refined, jnp.asarray(WINDOW))
    cand_mask = (class_ids > 0) & (class_scores >= MIN_CONFIDENCE)
    kept = compute_keep_mask(class_ids, class_scores, refined, cand_mask)
    sort_key = jnp.where(kept, -class_scores, jnp.inf)
    top = jnp.argsort(sort_key, stable=True)[:MAX_INSTANCES]
    valid = kept[top]
    detections = jnp.concatenate([refined[top], class_ids[top][:, None].astype(jnp.float32), class_scores[top][:, None]], axis=1)
    detections = jnp.where(valid[:, None], detections, jnp.zeros_like(detections))
    return detections


def reference(ROIs, probs, deltas):
    out = [refine_detections(ROIs[b], probs[b], deltas[b]) for b in range(ROIs.shape[0])]
    return jnp.stack(out, axis=0)

if __name__ == "__main__":
    import jax
    _d = setup_inputs()
    print(jax.jit(kernel)(*tuple(_d.values())))

</pallas_src>

<mosaic_0001>
#map = affine_map<(d0, d1) -> (0)>
#map1 = affine_map<(d0, d1) -> (0, 0)>
module attributes {stable_mosaic.version = 14 : i64} {
  func.func @_sc_body(%arg0: i32, %arg1: i32, %arg2: memref<20000xi32, #tpu.memory_space<hbm>>, %arg3: memref<20000xi32, #tpu.memory_space<hbm>>, %arg4: memref<20000x128xf32, #tpu.memory_space<hbm>>, %arg5: memref<18432xi32, #tpu.memory_space<hbm>>, %arg6: memref<20016xi32, #tpu.memory_space<vmem>>, %arg7: memref<20016xi32, #tpu.memory_space<vmem>>, %arg8: memref<20016xi32, #tpu.memory_space<vmem>>, %arg9: memref<20016xi32, #tpu.memory_space<vmem>>, %arg10: memref<272xi32, #tpu.memory_space<vmem>>, %arg11: memref<16x272xi32, #tpu.memory_space<vmem>>, %arg12: memref<16x272xi32, #tpu.memory_space<vmem>>, %arg13: memref<2256xf32, #tpu.memory_space<vmem>>, %arg14: memref<576xf32, #tpu.memory_space<vmem>>, %arg15: memref<16x128xf32, #tpu.memory_space<vmem>>, %arg16: memref<16xi32, #tpu.memory_space<vmem>>, %arg17: memref<1168xi32, #tpu.memory_space<vmem>>, %arg18: memref<16xi32, #tpu.memory_space<smem>>, %arg19: memref<!tpu.dma_semaphore, #tpu.memory_space<semaphore_mem>>) attributes {dimension_semantics = [#tpu.dimension_semantics<core_parallel>, #tpu.dimension_semantics<subcore_parallel>], iteration_bounds = array<i64: 1, 16>, scalar_prefetch = 0 : i64, scratch_operands = 14 : i64, tpu.core_type = #tpu.core_type<sc_vector_subcore>, window_params = [{transform_indices = #map}, {transform_indices = #map}, {transform_indices = #map1}, {transform_indices = #map}]} {
    %broadcast_in_dim3A = arith.constant 0 : i32
    %broadcast_in_dim3A_0 = vector.broadcast %broadcast_in_dim3A : i32 to vector<16xi32>
    %broadcast_in_dim3A_1 = arith.constant 0.000000e+00 : f32
    %broadcast_in_dim3A_2 = vector.broadcast %broadcast_in_dim3A_1 : f32 to vector<16xf32>
    %iota3A = tpu.iota {dimensions = array<i32: 0>} : vector<16xi32>
    %eq3A = arith.constant 0 : i32
    %eq3A_3 = vector.broadcast %eq3A : i32 to vector<16xi32>
    %eq3A_4 = arith.cmpi eq, %iota3A, %eq3A_3 : vector<16xi32>
    "tpu.region"() ({
      %run_scoped3A = tpu.sem_alloc : memref<!tpu.dma_semaphore, #tpu.memory_space<semaphore_mem>>
      %dma_start3A = arith.constant 0 : i32
      %dma_start3A_245 = tpu.memref_slice %arg6[%dma_start3A] : memref<20016xi32, #tpu.memory_space<vmem>> -> memref<20000xi32, #tpu.memory_space<vmem>>
      %dma_start3A_246 = arith.constant 0 : i32
      %dma_start3A_247 = tpu.memref_slice %arg6[%dma_start3A_246] : memref<20016xi32, #tpu.memory_space<vmem>> -> memref<20000xi32, #tpu.memory_space<vmem>>
      tpu.enqueue_dma source(%arg2 : memref<20000xi32, #tpu.memory_space<hbm>>) target(%dma_start3A_247 : memref<20000xi32, #tpu.memory_space<vmem>>) target_semaphore(%run_scoped3A : memref<!tpu.dma_semaphore, #tpu.memory_space<semaphore_mem>>)
      %dma_wait3A = arith.constant 0 : i32
      %dma_wait3A_248 = tpu.memref_slice %arg6[%dma_wait3A] : memref<20016xi32, #tpu.memory_space<vmem>> -> memref<20000xi32, #tpu.memory_space<vmem>>
      %dma_wait3A_249 = arith.constant 0 : i32
      %dma_wait3A_250 = tpu.memref_slice %arg6[%dma_wait3A_249] : memref<20016xi32, #tpu.memory_space<vmem>> -> memref<20000xi32, #tpu.memory_space<vmem>>
      tpu.wait_dma2 semaphore(%run_scoped3A : memref<!tpu.dma_semaphore, #tpu.memory_space<semaphore_mem>>) src(%arg2 : memref<20000xi32, #tpu.memory_space<hbm>>) dst(%dma_wait3A_250 : memref<20000xi32, #tpu.memory_space<vmem>>)
      tpu.yield
    }) : () -> ()
    "tpu.region"() ({
      %run_scoped3A = tpu.sem_alloc : memref<!tpu.dma_semaphore, #tpu.memory_space<semaphore_mem>>
      %dma_start3A = arith.constant 0 : i32
      %dma_start3A_245 = tpu.memref_slice %arg7[%dma_start3A] : memref<20016xi32, #tpu.memory_space<vmem>> -> memref<20000xi32, #tpu.memory_space<vmem>>
      %dma_start3A_246 = arith.constant 0 : i32
      %dma_start3A_247 = tpu.memref_slice %arg7[%dma_start3A_246] : memref<20016xi32, #tpu.memory_space<vmem>> -> memref<20000xi32, #tpu.memory_space<vmem>>
      tpu.enqueue_dma source(%arg3 : memref<20000xi32, #tpu.memory_space<hbm>>) target(%dma_start3A_247 : memref<20000xi32, #tpu.memory_space<vmem>>) target_semaphore(%run_scoped3A : memref<!tpu.dma_semaphore, #tpu.memory_space<semaphore_mem>>)
      %dma_wait3A = arith.constant 0 : i32
      %dma_wait3A_248 = tpu.memref_slice %arg7[%dma_wait3A] : memref<20016xi32, #tpu.memory_space<vmem>> -> memref<20000xi32, #tpu.memory_space<vmem>>
      %dma_wait3A_249 = arith.constant 0 : i32
      %dma_wait3A_250 = tpu.memref_slice %arg7[%dma_wait3A_249] : memref<20016xi32, #tpu.memory_space<vmem>> -> memref<20000xi32, #tpu.memory_space<vmem>>
      tpu.wait_dma2 semaphore(%run_scoped3A : memref<!tpu.dma_semaphore, #tpu.memory_space<semaphore_mem>>) src(%arg3 : memref<20000xi32, #tpu.memory_space<hbm>>) dst(%dma_wait3A_250 : memref<20000xi32, #tpu.memory_space<vmem>>)
      tpu.yield
    }) : () -> ()
    %scan3A = arith.constant 0 : i32
    %scan3A_5 = arith.constant 0 : i32
    %scan3A_6 = arith.constant 16 : i32
    %scan3A_7 = arith.addi %scan3A_5, %scan3A_6 : i32
    %scan3A_8 = arith.constant 1 : i32
    %scan3A_9 = scf.for %scan3A_245 = %scan3A_5 to %scan3A_7 step %scan3A_8 iter_args(%scan3A_246 = %scan3A) -> (i32)  : i32 {
      %swap3A_247 = arith.constant 0 : i32
      %swap3A_248 = arith.index_cast %scan3A_245 : i32 to index
      %swap3A_249 = memref.load %arg18[%swap3A_248] : memref<16xi32, #tpu.memory_space<smem>>
      memref.store %swap3A_247, %arg18[%swap3A_248] : memref<16xi32, #tpu.memory_space<smem>>
      %scan3A_250 = arith.constant 0 : i32
      scf.yield %scan3A_250 : i32
    }
    %scan3A_10 = arith.constant 16 : i32
    %broadcast_in_dim3A_11 = arith.constant 9.000000e+00 : f32
    %broadcast_in_dim3A_12 = vector.broadcast %broadcast_in_dim3A_11 : f32 to vector<16xf32>
    %scan3A_13 = arith.constant 0 : i32
    %scan3A_14 = arith.constant 0 : i32
    %scan3A_15 = arith.constant 140 : i32
    %scan3A_16 = arith.addi %scan3A_14, %scan3A_15 : i32
    %scan3A_17 = arith.constant 1 : i32
    %scan3A_18 = scf.for %scan3A_245 = %scan3A_14 to %scan3A_16 step %scan3A_17 iter_args(%scan3A_246 = %scan3A_13) -> (i32)  : i32 {
      %mul3A_247 = arith.constant 16 : i32
      %mul3A_248 = arith.muli %scan3A_245, %mul3A_247 : i32
      %swap3A_249 = arith.index_cast %mul3A_248 : i32 to index
      %swap3A_250 = tpu.vector_load %arg13[%swap3A_249] {strides = array<i32>} : memref<2256xf32, #tpu.memory_space<vmem>>, vector<16xf32>,
      tpu.vector_store %arg13[%swap3A_249], %broadcast_in_dim3A_12 {strides = array<i32>} : memref<2256xf32, #tpu.memory_space<vmem>>, vector<16xf32>,
      %scan3A_251 = arith.constant 0 : i32
      scf.yield %scan3A_251 : i32
    }
    %scan3A_19 = arith.constant 140 : i32
    %scan3A_20 = arith.constant 0 : i32
    %scan3A_21 = arith.constant 0 : i32
    %scan3A_22 = arith.constant 35 : i32
    %scan3A_23 = arith.addi %scan3A_21, %scan3A_22 : i32
    %scan3A_24 = arith.constant 1 : i32
    %scan3A_25 = scf.for %scan3A_245 = %scan3A_21 to %scan3A_23 step %scan3A_24 iter_args(%scan3A_246 = %scan3A_20) -> (i32)  : i32 {
      %mul3A_247 = arith.constant 16 : i32
      %mul3A_248 = arith.muli %scan3A_245, %mul3A_247 : i32
      %swap3A_249 = arith.index_cast %mul3A_248 : i32 to index
      %swap3A_250 = tpu.vector_load %arg14[%swap3A_249] {strides = array<i32>} : memref<576xf32, #tpu.memory_space<vmem>>, vector<16xf32>,
      tpu.vector_store %arg14[%swap3A_249], %broadcast_in_dim3A_2 {strides = array<i32>} : memref<576xf32, #tpu.memory_space<vmem>>, vector<16xf32>,
      %scan3A_251 = arith.constant 0 : i32
      scf.yield %scan3A_251 : i32
    }
    %scan3A_26 = arith.constant 35 : i32
    %scan3A_27 = arith.constant 0 : i32
    %scan3A_28 = arith.constant 0 : i32
    %scan3A_29 = arith.constant 1250 : i32
    %scan3A_30 = arith.addi %scan3A_28, %scan3A_29 : i32
    %scan3A_31 = arith.constant 1 : i32
    %scan3A_32 = scf.for %scan3A_245 = %scan3A_28 to %scan3A_30 step %scan3A_31 iter_args(%scan3A_246 = %scan3A_27) -> (i32)  : i32 {
      %mul3A_247 = arith.constant 16 : i32
      %mul3A_248 = arith.muli %scan3A_245, %mul3A_247 : i32
      %get3A_249 = arith.index_cast %mul3A_248 : i32 to index
      %get3A_250 = tpu.vector_load %arg7[%get3A_249] {strides = array<i32>} : memref<20016xi32, #tpu.memory_space<vmem>>, vector<16xi32>,
      %mul3A_251 = arith.constant 16 : i32
      %mul3A_252 = arith.muli %scan3A_245, %mul3A_251 : i32
      %get3A_253 = arith.index_cast %mul3A_252 : i32 to index
      %get3A_254 = tpu.vector_load %arg6[%get3A_253] {strides = array<i32>} : memref<20016xi32, #tpu.memory_space<vmem>>, vector<16xi32>,
      %ne3A = arith.constant 0 : i32
      %ne3A_255 = vector.broadcast %ne3A : i32 to vector<16xi32>
      %ne3A_256 = arith.cmpi ne, %get3A_250, %ne3A_255 : vector<16xi32>
      %sub3A_257 = arith.constant 1 : i32
      %sub3A_258 = vector.broadcast %sub3A_257 : i32 to vector<16xi32>
      %sub3A_259 = arith.subi %get3A_250, %sub3A_258 : vector<16xi32>
      %and3A_260 = arith.constant 15 : i32
      %and3A_261 = vector.broadcast %and3A_260 : i32 to vector<16xi32>
      %and3A_262 = arith.andi %sub3A_259, %and3A_261 : vector<16xi32>
      %eq3A_263 = vector.broadcast %arg1 : i32 to vector<16xi32>
      %eq3A_264 = arith.cmpi eq, %and3A_262, %eq3A_263 : vector<16xi32>
      %and3A_265 = arith.andi %ne3A_256, %eq3A_264 : vector<16xi1>
      %mul3A_266 = arith.constant 16 : i32
      %mul3A_267 = arith.muli %scan3A_245, %mul3A_266 : i32
      %iota3A_268 = tpu.iota {dimensions = array<i32: 0>} : vector<16xi32>
      %add3A_269 = vector.broadcast %mul3A_267 : i32 to vector<16xi32>
      %add3A_270 = arith.addi %add3A_269, %iota3A_268 : vector<16xi32>
      %shift_left3A = arith.constant 7 : i32
      %shift_left3A_271 = vector.broadcast %shift_left3A : i32 to vector<16xi32>
      %shift_left3A_272 = arith.shli %add3A_270, %shift_left3A_271 : vector<16xi32>
      %or3A = arith.ori %shift_left3A_272, %get3A_250 : vector<16xi32>
      %swap3A_273 = arith.index_cast %scan3A_246 : i32 to index
      %swap3A_274 = tpu.vector_load %arg8[%swap3A_273] masked %and3A_265 {strides = array<i32>} : memref<20016xi32, #tpu.memory_space<vmem>>, vector<16xi32>, vector<16xi1>
      tpu.vector_store %arg8[%swap3A_273], %get3A_254 masked %and3A_265 {strides = array<i32>} : memref<20016xi32, #tpu.memory_space<vmem>>, vector<16xi32>, vector<16xi1>
      %swap3A_275 = arith.index_cast %scan3A_246 : i32 to index
      %swap3A_276 = tpu.vector_load %arg9[%swap3A_275] masked %and3A_265 {strides = array<i32>} : memref<20016xi32, #tpu.memory_space<vmem>>, vector<16xi32>, vector<16xi1>
      tpu.vector_store %arg9[%swap3A_275], %or3A masked %and3A_265 {strides = array<i32>} : memref<20016xi32, #tpu.memory_space<vmem>>, vector<16xi32>, vector<16xi1>
      %convert_element_type3A = arith.extui %and3A_265 : vector<16xi1> to vector<16xi32>
      %reduce_sum3A = arith.constant true
      %reduce_sum3A_277 = vector.broadcast %reduce_sum3A : i1 to vector<16xi1>
      %reduce_sum3A_278 = tpu.scan <sum>, %convert_element_type3A masked %reduce_sum3A_277 : vector<16xi32>, vector<16xi1> -> vector<16xi32>
      %reduce_sum3A_279 = vector.extract %reduce_sum3A_278[15] : i32 from vector<16xi32>
      %add3A_280 = arith.addi %scan3A_246, %reduce_sum3A_279 : i32
      scf.yield %add3A_280 : i32
    }
    %scan3A_33 = arith.constant 1250 : i32
    %add3A = arith.constant 15 : i32
    %add3A_34 = arith.addi %scan3A_32, %add3A : i32
    %shift_right_arithmetic3A = arith.constant 4 : i32
    %shift_right_arithmetic3A_35 = arith.shrsi %add3A_34, %shift_right_arithmetic3A : i32
    %iota3A_36 = tpu.iota {dimensions = array<i32: 0>} : vector<16xi32>
    %mul3A = vector.broadcast %shift_right_arithmetic3A_35 : i32 to vector<16xi32>
    %mul3A_37 = arith.muli %iota3A_36, %mul3A : vector<16xi32>
    %scan3A_38 = arith.constant 0 : i32
    %scan3A_39 = arith.constant 0 : i32
    %scan3A_40 = arith.constant 256 : i32
    %scan3A_41 = arith.addi %scan3A_39, %scan3A_40 : i32
    %scan3A_42 = arith.constant 1 : i32
    %scan3A_43 = scf.for %scan3A_245 = %scan3A_39 to %scan3A_41 step %scan3A_42 iter_args(%scan3A_246 = %scan3A_38) -> (i32)  : i32 {
      %shift_right_arithmetic3A_247 = arith.constant 4 : i32
      %shift_right_arithmetic3A_248 = arith.shrsi %scan3A_245, %shift_right_arithmetic3A_247 : i32
      %and3A_249 = arith.constant 15 : i32
      %and3A_250 = arith.andi %scan3A_245, %and3A_249 : i32
      %mul3A_251 = arith.constant 16 : i32
      %mul3A_252 = arith.muli %and3A_250, %mul3A_251 : i32
      %swap3A_253 = arith.index_cast %shift_right_arithmetic3A_248 : i32 to index
      %swap3A_254 = arith.index_cast %mul3A_252 : i32 to index
      %swap3A_255 = tpu.vector_load %arg11[%swap3A_253, %swap3A_254] {strides = array<i32>} : memref<16x272xi32, #tpu.memory_space<vmem>>, vector<16xi32>,
      tpu.vector_store %arg11[%swap3A_253, %swap3A_254], %broadcast_in_dim3A_0 {strides = array<i32>} : memref<16x272xi32, #tpu.memory_space<vmem>>, vector<16xi32>,
      %scan3A_256 = arith.constant 0 : i32
      scf.yield %scan3A_256 : i32
    }
    %scan3A_44 = arith.constant 256 : i32
    %broadcast_in_dim3A_45 = arith.constant 1 : i32
    %broadcast_in_dim3A_46 = vector.broadcast %broadcast_in_dim3A_45 : i32 to vector<16xi32>
    %while3A = arith.constant 0 : i32
    %while3A_47 = arith.constant 0 : i32
    %while3A_48 = arith.subi %shift_right_arithmetic3A_35, %while3A : i32
    %while3A_49 = arith.addi %while3A, %while3A_48 : i32
    %while3A_50 = arith.constant 1 : i32
    %while3A_51 = arith.divsi %while3A_48, %while3A_50 : i32
    %while3A_52 = arith.muli %while3A_51, %while3A_50 : i32
    %while3A_53 = arith.addi %while3A, %while3A_52 : i32
    %while3A_54 = arith.constant 1 : i32
    %while3A_55 = scf.for %while3A_245 = %while3A to %while3A_53 step %while3A_54 iter_args(%while3A_246 = %while3A_47) -> (i32)  : i32 {
      %add3A_247 = vector.broadcast %while3A_245 : i32 to vector<16xi32>
      %add3A_248 = arith.addi %mul3A_37, %add3A_247 : vector<16xi32>
      %lt3A = vector.broadcast %scan3A_32 : i32 to vector<16xi32>
      %lt3A_249 = arith.cmpi slt, %add3A_248, %lt3A : vector<16xi32>
      %gather3A = tpu.vector_load_idx %arg8[%add3A_248] : memref<20016xi32, #tpu.memory_space<vmem>>[vector<16xi32>], vector<16xi32>,
      %shift_right_logical3A = arith.constant 0 : i32
      %shift_right_logical3A_250 = vector.broadcast %shift_right_logical3A : i32 to vector<16xi32>
      %shift_right_logical3A_251 = arith.shrui %gather3A, %shift_right_logical3A_250 : vector<16xi32>
      %and3A_252 = arith.constant 255 : i32
      %and3A_253 = vector.broadcast %and3A_252 : i32 to vector<16xi32>
      %and3A_254 = arith.andi %shift_right_logical3A_251, %and3A_253 : vector<16xi32>
      %iota3A_255 = tpu.iota {dimensions = array<i32: 0>} : vector<16xi32>
      tpu.vector_store_idx %arg11[%iota3A_255, %and3A_254], %broadcast_in_dim3A_46 masked %lt3A_249 {add = true} : memref<16x272xi32, #tpu.memory_space<vmem>>[vector<16xi32>, vector<16xi32>], vector<16xi32>, vector<16xi1>
      %while3A_256 = arith.constant 0 : i32
      scf.yield %while3A_256 : i32
    }
    %while3A_56 = arith.constant 1 : i32
    %while3A_57 = scf.for %while3A_245 = %while3A_53 to %while3A_49 step %while3A_56 iter_args(%while3A_246 = %while3A_55) -> (i32)  : i32 {
      %add3A_247 = vector.broadcast %while3A_245 : i32 to vector<16xi32>
      %add3A_248 = arith.addi %mul3A_37, %add3A_247 : vector<16xi32>
      %lt3A = vector.broadcast %scan3A_32 : i32 to vector<16xi32>
      %lt3A_249 = arith.cmpi slt, %add3A_248, %lt3A : vector<16xi32>
      %gather3A = tpu.vector_load_idx %arg8[%add3A_248] : memref<20016xi32, #tpu.memory_space<vmem>>[vector<16xi32>], vector<16xi32>,
      %shift_right_logical3A = arith.constant 0 : i32
      %shift_right_logical3A_250 = vector.broadcast %shift_right_logical3A : i32 to vector<16xi32>
      %shift_right_logical3A_251 = arith.shrui %gather3A, %shift_right_logical3A_250 : vector<16xi32>
      %and3A_252 = arith.constant 255 : i32
      %and3A_253 = vector.broadcast %and3A_252 : i32 to vector<16xi32>
      %and3A_254 = arith.andi %shift_right_logical3A_251, %and3A_253 : vector<16xi32>
      %iota3A_255 = tpu.iota {dimensions = array<i32: 0>} : vector<16xi32>
      tpu.vector_store_idx %arg11[%iota3A_255, %and3A_254], %broadcast_in_dim3A_46 masked %lt3A_249 {add = true} : memref<16x272xi32, #tpu.memory_space<vmem>>[vector<16xi32>, vector<16xi32>], vector<16xi32>, vector<16xi1>
      %while3A_256 = arith.constant 0 : i32
      scf.yield %while3A_256 : i32
    }
    %scan3A_58 = arith.constant 0 : i32
    %scan3A_59 = arith.constant 0 : i32
    %scan3A_60 = arith.constant 16 : i32
    %scan3A_61 = arith.addi %scan3A_59, %scan3A_60 : i32
    %scan3A_62 = arith.constant 1 : i32
    %scan3A_63 = scf.for %scan3A_245 = %scan3A_59 to %scan3A_61 step %scan3A_62 iter_args(%scan3A_246 = %scan3A_58) -> (i32)  : i32 {
      %scan3A_247 = arith.constant 0 : i32
      %scan3A_248 = arith.constant 16 : i32
      %scan3A_249 = arith.addi %scan3A_247, %scan3A_248 : i32
      %scan3A_250 = arith.constant 1 : i32
      %scan3A_251 = scf.for %scan3A_258 = %scan3A_247 to %scan3A_249 step %scan3A_250 iter_args(%scan3A_259 = %broadcast_in_dim3A_0) -> (vector<16xi32>)  : i32 {
        %mul3A_260 = arith.constant 16 : i32
        %mul3A_261 = arith.muli %scan3A_245, %mul3A_260 : i32
        %get3A_262 = arith.index_cast %scan3A_258 : i32 to index
        %get3A_263 = arith.index_cast %mul3A_261 : i32 to index
        %get3A_264 = tpu.vector_load %arg11[%get3A_262, %get3A_263] {strides = array<i32>} : memref<16x272xi32, #tpu.memory_space<vmem>>, vector<16xi32>,
        %add3A_265 = arith.addi %scan3A_259, %get3A_264 : vector<16xi32>
        scf.yield %add3A_265 : vector<16xi32>
      }
      %scan3A_252 = arith.constant 16 : i32
      %mul3A_253 = arith.constant 16 : i32
      %mul3A_254 = arith.muli %scan3A_245, %mul3A_253 : i32
      %swap3A_255 = arith.index_cast %mul3A_254 : i32 to index
      %swap3A_256 = tpu.vector_load %arg10[%swap3A_255] {strides = array<i32>} : memref<272xi32, #tpu.memory_space<vmem>>, vector<16xi32>,
      tpu.vector_store %arg10[%swap3A_255], %scan3A_251 {strides = array<i32>} : memref<272xi32, #tpu.memory_space<vmem>>, vector<16xi32>,
      %scan3A_257 = arith.constant 0 : i32
      scf.yield %scan3A_257 : i32
    }
    %scan3A_64 = arith.constant 16 : i32
    %scan3A_65 = arith.constant 0 : i32
    %scan3A_66 = arith.constant 0 : i32
    %scan3A_67 = arith.constant 256 : i32
    %scan3A_68 = arith.addi %scan3A_66, %scan3A_67 : i32
    %scan3A_69 = arith.constant 1 : i32
    %scan3A_70 = scf.for %scan3A_245 = %scan3A_66 to %scan3A_68 step %scan3A_69 iter_args(%scan3A_246 = %scan3A_65) -> (i32)  : i32 {
      %get3A_247 = arith.index_cast %scan3A_245 : i32 to index
      %get3A_248 = tpu.vector_load %arg10[%get3A_247] {strides = array<i32>} : memref<272xi32, #tpu.memory_space<vmem>>, vector<16xi32>,
      %slice3A = vector.extract_strided_slice %get3A_248 {offsets = [0], sizes = [1], strides = [1]} : vector<16xi32> to vector<1xi32>
      %squeeze3A = vector.extract %slice3A[0] : i32 from vector<1xi32>
      %broadcast_in_dim3A_249 = vector.broadcast %scan3A_246 : i32 to vector<16xi32>
      %swap3A_250 = arith.index_cast %scan3A_245 : i32 to index
      %swap3A_251 = tpu.vector_load %arg10[%swap3A_250] masked %eq3A_4 {strides = array<i32>} : memref<272xi32, #tpu.memory_space<vmem>>, vector<16xi32>, vector<16xi1>
      tpu.vector_store %arg10[%swap3A_250], %broadcast_in_dim3A_249 masked %eq3A_4 {strides = array<i32>} : memref<272xi32, #tpu.memory_space<vmem>>, vector<16xi32>, vector<16xi1>
      %add3A_252 = arith.addi %scan3A_246, %squeeze3A : i32
      scf.yield %add3A_252 : i32
    }
    %scan3A_71 = arith.constant 256 : i32
    %scan3A_72 = arith.constant 0 : i32
    %scan3A_73 = arith.constant 0 : i32
    %scan3A_74 = arith.constant 16 : i32
    %scan3A_75 = arith.addi %scan3A_73, %scan3A_74 : i32
    %scan3A_76 = arith.constant 1 : i32
    %scan3A_77 = scf.for %scan3A_245 = %scan3A_73 to %scan3A_75 step %scan3A_76 iter_args(%scan3A_246 = %scan3A_72) -> (i32)  : i32 {
      %mul3A_247 = arith.constant 16 : i32
      %mul3A_248 = arith.muli %scan3A_245, %mul3A_247 : i32
      %get3A_249 = arith.index_cast %mul3A_248 : i32 to index
      %get3A_250 = tpu.vector_load %arg10[%get3A_249] {strides = array<i32>} : memref<272xi32, #tpu.memory_space<vmem>>, vector<16xi32>,
      %scan3A_251 = arith.constant 0 : i32
      %scan3A_252 = arith.constant 16 : i32
      %scan3A_253 = arith.addi %scan3A_251, %scan3A_252 : i32
      %scan3A_254 = arith.constant 1 : i32
      %scan3A_255 = scf.for %scan3A_258 = %scan3A_251 to %scan3A_253 step %scan3A_254 iter_args(%scan3A_259 = %get3A_250) -> (vector<16xi32>)  : i32 {
        %mul3A_260 = arith.constant 16 : i32
        %mul3A_261 = arith.muli %scan3A_245, %mul3A_260 : i32
        %swap3A_262 = arith.index_cast %scan3A_258 : i32 to index
        %swap3A_263 = arith.index_cast %mul3A_261 : i32 to index
        %swap3A_264 = tpu.vector_load %arg12[%swap3A_262, %swap3A_263] {strides = array<i32>} : memref<16x272xi32, #tpu.memory_space<vmem>>, vector<16xi32>,
        tpu.vector_store %arg12[%swap3A_262, %swap3A_263], %scan3A_259 {strides = array<i32>} : memref<16x272xi32, #tpu.memory_space<vmem>>, vector<16xi32>,
        %mul3A_265 = arith.constant 16 : i32
        %mul3A_266 = arith.muli %scan3A_245, %mul3A_265 : i32
        %get3A_267 = arith.index_cast %scan3A_258 : i32 to index
        %get3A_268 = arith.index_cast %mul3A_266 : i32 to index
        %get3A_269 = tpu.vector_load %arg11[%get3A_267, %get3A_268] {strides = array<i32>} : memref<16x272xi32, #tpu.memory_space<vmem>>, vector<16xi32>,
        %add3A_270 = arith.addi %scan3A_259, %get3A_269 : vector<16xi32>
        scf.yield %add3A_270 : vector<16xi32>
      }
      %scan3A_256 = arith.constant 16 : i32
      %scan3A_257 = arith.constant 0 : i32
      scf.yield %scan3A_257 : i32
    }
    %scan3A_78 = arith.constant 16 : i32
    %while3A_79 = arith.constant 0 : i32
    %while3A_80 = arith.constant 0 : i32
    %while3A_81 = arith.subi %shift_right_arithmetic3A_35, %while3A_79 : i32
    %while3A_82 = arith.addi %while3A_79, %while3A_81 : i32
    %while3A_83 = arith.constant 1 : i32
    %while3A_84 = arith.divsi %while3A_81, %while3A_83 : i32
    %while3A_85 = arith.muli %while3A_84, %while3A_83 : i32
    %while3A_86 = arith.addi %while3A_79, %while3A_85 : i32
    %while3A_87 = arith.constant 1 : i32
    %while3A_88 = scf.for %while3A_245 = %while3A_79 to %while3A_86 step %while3A_87 iter_args(%while3A_246 = %while3A_80) -> (i32)  : i32 {
      %add3A_247 = vector.broadcast %while3A_245 : i32 to vector<16xi32>
      %add3A_248 = arith.addi %mul3A_37, %add3A_247 : vector<16xi32>
      %lt3A = vector.broadcast %scan3A_32 : i32 to vector<16xi32>
      %lt3A_249 = arith.cmpi slt, %add3A_248, %lt3A : vector<16xi32>
      %gather3A = tpu.vector_load_idx %arg8[%add3A_248] : memref<20016xi32, #tpu.memory_space<vmem>>[vector<16xi32>], vector<16xi32>,
      %gather3A_250 = tpu.vector_load_idx %arg9[%add3A_248] : memref<20016xi32, #tpu.memory_space<vmem>>[vector<16xi32>], vector<16xi32>,
      %shift_right_logical3A = arith.constant 0 : i32
      %shift_right_logical3A_251 = vector.broadcast %shift_right_logical3A : i32 to vector<16xi32>
      %shift_right_logical3A_252 = arith.shrui %gather3A, %shift_right_logical3A_251 : vector<16xi32>
      %and3A_253 = arith.constant 255 : i32
      %and3A_254 = vector.broadcast %and3A_253 : i32 to vector<16xi32>
      %and3A_255 = arith.andi %shift_right_logical3A_252, %and3A_254 : vector<16xi32>
      %iota3A_256 = tpu.iota {dimensions = array<i32: 0>} : vector<16xi32>
      %gather3A_257 = tpu.vector_load_idx %arg12[%iota3A_256, %and3A_255] : memref<16x272xi32, #tpu.memory_space<vmem>>[vector<16xi32>, vector<16xi32>], vector<16xi32>,
      tpu.vector_store_idx %arg6[%gather3A_257], %gather3A masked %lt3A_249 : memref<20016xi32, #tpu.memory_space<vmem>>[vector<16xi32>], vector<16xi32>, vector<16xi1>
      tpu.vector_store_idx %arg7[%gather3A_257], %gather3A_250 masked %lt3A_249 : memref<20016xi32, #tpu.memory_space<vmem>>[vector<16xi32>], vector<16xi32>, vector<16xi1>
      %iota3A_258 = tpu.iota {dimensions = array<i32: 0>} : vector<16xi32>
      tpu.vector_store_idx %arg12[%iota3A_258, %and3A_255], %broadcast_in_dim3A_46 masked %lt3A_249 {add = true} : memref<16x272xi32, #tpu.memory_space<vmem>>[vector<16xi32>, vector<16xi32>], vector<16xi32>, vector<16xi1>
      %while3A_259 = arith.constant 0 : i32
      scf.yield %while3A_259 : i32
    }
    %while3A_89 = arith.constant 1 : i32
    %while3A_90 = scf.for %while3A_245 = %while3A_86 to %while3A_82 step %while3A_89 iter_args(%while3A_246 = %while3A_88) -> (i32)  : i32 {
      %add3A_247 = vector.broadcast %while3A_245 : i32 to vector<16xi32>
      %add3A_248 = arith.addi %mul3A_37, %add3A_247 : vector<16xi32>
      %lt3A = vector.broadcast %scan3A_32 : i32 to vector<16xi32>
      %lt3A_249 = arith.cmpi slt, %add3A_248, %lt3A : vector<16xi32>
      %gather3A = tpu.vector_load_idx %arg8[%add3A_248] : memref<20016xi32, #tpu.memory_space<vmem>>[vector<16xi32>], vector<16xi32>,
      %gather3A_250 = tpu.vector_load_idx %arg9[%add3A_248] : memref<20016xi32, #tpu.memory_space<vmem>>[vector<16xi32>], vector<16xi32>,
      %shift_right_logical3A = arith.constant 0 : i32
      %shift_right_logical3A_251 = vector.broadcast %shift_right_logical3A : i32 to vector<16xi32>
      %shift_right_logical3A_252 = arith.shrui %gather3A, %shift_right_logical3A_251 : vector<16xi32>
      %and3A_253 = arith.constant 255 : i32
      %and3A_254 = vector.broadcast %and3A_253 : i32 to vector<16xi32>
      %and3A_255 = arith.andi %shift_right_logical3A_252, %and3A_254 : vector<16xi32>
      %iota3A_256 = tpu.iota {dimensions = array<i32: 0>} : vector<16xi32>
      %gather3A_257 = tpu.vector_load_idx %arg12[%iota3A_256, %and3A_255] : memref<16x272xi32, #tpu.memory_space<vmem>>[vector<16xi32>, vector<16xi32>], vector<16xi32>,
      tpu.vector_store_idx %arg6[%gather3A_257], %gather3A masked %lt3A_249 : memref<20016xi32, #tpu.memory_space<vmem>>[vector<16xi32>], vector<16xi32>, vector<16xi1>
      tpu.vector_store_idx %arg7[%gather3A_257], %gather3A_250 masked %lt3A_249 : memref<20016xi32, #tpu.memory_space<vmem>>[vector<16xi32>], vector<16xi32>, vector<16xi1>
      %iota3A_258 = tpu.iota {dimensions = array<i32: 0>} : vector<16xi32>
      tpu.vector_store_idx %arg12[%iota3A_258, %and3A_255], %broadcast_in_dim3A_46 masked %lt3A_249 {add = true} : memref<16x272xi32, #tpu.memory_space<vmem>>[vector<16xi32>, vector<16xi32>], vector<16xi32>, vector<16xi1>
      %while3A_259 = arith.constant 0 : i32
      scf.yield %while3A_259 : i32
    }
    %add3A_91 = arith.constant 15 : i32
    %add3A_92 = arith.addi %scan3A_32, %add3A_91 : i32
    %shift_right_arithmetic3A_93 = arith.constant 4 : i32
    %shift_right_arithmetic3A_94 = arith.shrsi %add3A_92, %shift_right_arithmetic3A_93 : i32
    %iota3A_95 = tpu.iota {dimensions = array<i32: 0>} : vector<16xi32>
    %mul3A_96 = vector.broadcast %shift_right_arithmetic3A_94 : i32 to vector<16xi32>
    %mul3A_97 = arith.muli %iota3A_95, %mul3A_96 : vector<16xi32>
    %scan3A_98 = arith.constant 0 : i32
    %scan3A_99 = arith.constant 0 : i32
    %scan3A_100 = arith.constant 256 : i32
    %scan3A_101 = arith.addi %scan3A_99, %scan3A_100 : i32
    %scan3A_102 = arith.constant 1 : i32
    %scan3A_103 = scf.for %scan3A_245 = %scan3A_99 to %scan3A_101 step %scan3A_102 iter_args(%scan3A_246 = %scan3A_98) -> (i32)  : i32 {
      %shift_right_arithmetic3A_247 = arith.constant 4 : i32
      %shift_right_arithmetic3A_248 = arith.shrsi %scan3A_245, %shift_right_arithmetic3A_247 : i32
      %and3A_249 = arith.constant 15 : i32
      %and3A_250 = arith.andi %scan3A_245, %and3A_249 : i32
      %mul3A_251 = arith.constant 16 : i32
      %mul3A_252 = arith.muli %and3A_250, %mul3A_251 : i32
      %swap3A_253 = arith.index_cast %shift_right_arithmetic3A_248 : i32 to index
      %swap3A_254 = arith.index_cast %mul3A_252 : i32 to index
      %swap3A_255 = tpu.vector_load %arg11[%swap3A_253, %swap3A_254] {strides = array<i32>} : memref<16x272xi32, #tpu.memory_space<vmem>>, vector<16xi32>,
      tpu.vector_store %arg11[%swap3A_253, %swap3A_254], %broadcast_in_dim3A_0 {strides = array<i32>} : memref<16x272xi32, #tpu.memory_space<vmem>>, vector<16xi32>,
      %scan3A_256 = arith.constant 0 : i32
      scf.yield %scan3A_256 : i32
    }
    %scan3A_104 = arith.constant 256 : i32
    %broadcast_in_dim3A_105 = arith.constant 1 : i32
    %broadcast_in_dim3A_106 = vector.broadcast %broadcast_in_dim3A_105 : i32 to vector<16xi32>
    %while3A_107 = arith.constant 0 : i32
    %while3A_108 = arith.constant 0 : i32
    %while3A_109 = arith.subi %shift_right_arithmetic3A_94, %while3A_107 : i32
    %while3A_110 = arith.addi %while3A_107, %while3A_109 : i32
    %while3A_111 = arith.constant 1 : i32
    %while3A_112 = arith.divsi %while3A_109, %while3A_111 : i32
    %while3A_113 = arith.muli %while3A_112, %while3A_111 : i32
    %while3A_114 = arith.addi %while3A_107, %while3A_113 : i32
    %while3A_115 = arith.constant 1 : i32
    %while3A_116 = scf.for %while3A_245 = %while3A_107 to %while3A_114 step %while3A_115 iter_args(%while3A_246 = %while3A_108) -> (i32)  : i32 {
      %add3A_247 = vector.broadcast %while3A_245 : i32 to vector<16xi32>
      %add3A_248 = arith.addi %mul3A_97, %add3A_247 : vector<16xi32>
      %lt3A = vector.broadcast %scan3A_32 : i32 to vector<16xi32>
      %lt3A_249 = arith.cmpi slt, %add3A_248, %lt3A : vector<16xi32>
      %gather3A = tpu.vector_load_idx %arg6[%add3A_248] : memref<20016xi32, #tpu.memory_space<vmem>>[vector<16xi32>], vector<16xi32>,
      %shift_right_logical3A = arith.constant 8 : i32
      %shift_right_logical3A_250 = vector.broadcast %shift_right_logical3A : i32 to vector<16xi32>
      %shift_right_logical3A_251 = arith.shrui %gather3A, %shift_right_logical3A_250 : vector<16xi32>
      %and3A_252 = arith.constant 255 : i32
      %and3A_253 = vector.broadcast %and3A_252 : i32 to vector<16xi32>
      %and3A_254 = arith.andi %shift_right_logical3A_251, %and3A_253 : vector<16xi32>
      %iota3A_255 = tpu.iota {dimensions = array<i32: 0>} : vector<16xi32>
      tpu.vector_store_idx %arg11[%iota3A_255, %and3A_254], %broadcast_in_dim3A_106 masked %lt3A_249 {add = true} : memref<16x272xi32, #tpu.memory_space<vmem>>[vector<16xi32>, vector<16xi32>], vector<16xi32>, vector<16xi1>
      %while3A_256 = arith.constant 0 : i32
      scf.yield %while3A_256 : i32
    }
    %while3A_117 = arith.constant 1 : i32
    %while3A_118 = scf.for %while3A_245 = %while3A_114 to %while3A_110 step %while3A_117 iter_args(%while3A_246 = %while3A_116) -> (i32)  : i32 {
      %add3A_247 = vector.broadcast %while3A_245 : i32 to vector<16xi32>
      %add3A_248 = arith.addi %mul3A_97, %add3A_247 : vector<16xi32>
      %lt3A = vector.broadcast %scan3A_32 : i32 to vector<16xi32>
      %lt3A_249 = arith.cmpi slt, %add3A_248, %lt3A : vector<16xi32>
      %gather3A = tpu.vector_load_idx %arg6[%add3A_248] : memref<20016xi32, #tpu.memory_space<vmem>>[vector<16xi32>], vector<16xi32>,
      %shift_right_logical3A = arith.constant 8 : i32
      %shift_right_logical3A_250 = vector.broadcast %shift_right_logical3A : i32 to vector<16xi32>
      %shift_right_logical3A_251 = arith.shrui %gather3A, %shift_right_logical3A_250 : vector<16xi32>
      %and3A_252 = arith.constant 255 : i32
      %and3A_253 = vector.broadcast %and3A_252 : i32 to vector<16xi32>
      %and3A_254 = arith.andi %shift_right_logical3A_251, %and3A_253 : vector<16xi32>
      %iota3A_255 = tpu.iota {dimensions = array<i32: 0>} : vector<16xi32>
      tpu.vector_store_idx %arg11[%iota3A_255, %and3A_254], %broadcast_in_dim3A_106 masked %lt3A_249 {add = true} : memref<16x272xi32, #tpu.memory_space<vmem>>[vector<16xi32>, vector<16xi32>], vector<16xi32>, vector<16xi1>
      %while3A_256 = arith.constant 0 : i32
      scf.yield %while3A_256 : i32
    }
    %scan3A_119 = arith.constant 0 : i32
    %scan3A_120 = arith.constant 0 : i32
    %scan3A_121 = arith.constant 16 : i32
    %scan3A_122 = arith.addi %scan3A_120, %scan3A_121 : i32
    %scan3A_123 = arith.constant 1 : i32
    %scan3A_124 = scf.for %scan3A_245 = %scan3A_120 to %scan3A_122 step %scan3A_123 iter_args(%scan3A_246 = %scan3A_119) -> (i32)  : i32 {
      %scan3A_247 = arith.constant 0 : i32
      %scan3A_248 = arith.constant 16 : i32
      %scan3A_249 = arith.addi %scan3A_247, %scan3A_248 : i32
      %scan3A_250 = arith.constant 1 : i32
      %scan3A_251 = scf.for %scan3A_258 = %scan3A_247 to %scan3A_249 step %scan3A_250 iter_args(%scan3A_259 = %broadcast_in_dim3A_0) -> (vector<16xi32>)  : i32 {
        %mul3A_260 = arith.constant 16 : i32
        %mul3A_261 = arith.muli %scan3A_245, %mul3A_260 : i32
        %get3A_262 = arith.index_cast %scan3A_258 : i32 to index
        %get3A_263 = arith.index_cast %mul3A_261 : i32 to index
        %get3A_264 = tpu.vector_load %arg11[%get3A_262, %get3A_263] {strides = array<i32>} : memref<16x272xi32, #tpu.memory_space<vmem>>, vector<16xi32>,
        %add3A_265 = arith.addi %scan3A_259, %get3A_264 : vector<16xi32>
        scf.yield %add3A_265 : vector<16xi32>
      }
      %scan3A_252 = arith.constant 16 : i32
      %mul3A_253 = arith.constant 16 : i32
      %mul3A_254 = arith.muli %scan3A_245, %mul3A_253 : i32
      %swap3A_255 = arith.index_cast %mul3A_254 : i32 to index
      %swap3A_256 = tpu.vector_load %arg10[%swap3A_255] {strides = array<i32>} : memref<272xi32, #tpu.memory_space<vmem>>, vector<16xi32>,
      tpu.vector_store %arg10[%swap3A_255], %scan3A_251 {strides = array<i32>} : memref<272xi32, #tpu.memory_space<vmem>>, vector<16xi32>,
      %scan3A_257 = arith.constant 0 : i32
      scf.yield %scan3A_257 : i32
    }
    %scan3A_125 = arith.constant 16 : i32
    %scan3A_126 = arith.constant 0 : i32
    %scan3A_127 = arith.constant 0 : i32
    %scan3A_128 = arith.constant 256 : i32
    %scan3A_129 = arith.addi %scan3A_127, %scan3A_128 : i32
    %scan3A_130 = arith.constant 1 : i32
    %scan3A_131 = scf.for %scan3A_245 = %scan3A_127 to %scan3A_129 step %scan3A_130 iter_args(%scan3A_246 = %scan3A_126) -> (i32)  : i32 {
      %get3A_247 = arith.index_cast %scan3A_245 : i32 to index
      %get3A_248 = tpu.vector_load %arg10[%get3A_247] {strides = array<i32>} : memref<272xi32, #tpu.memory_space<vmem>>, vector<16xi32>,
      %slice3A = vector.extract_strided_slice %get3A_248 {offsets = [0], sizes = [1], strides = [1]} : vector<16xi32> to vector<1xi32>
      %squeeze3A = vector.extract %slice3A[0] : i32 from vector<1xi32>
      %broadcast_in_dim3A_249 = vector.broadcast %scan3A_246 : i32 to vector<16xi32>
      %swap3A_250 = arith.index_cast %scan3A_245 : i32 to index
      %swap3A_251 = tpu.vector_load %arg10[%swap3A_250] masked %eq3A_4 {strides = array<i32>} : memref<272xi32, #tpu.memory_space<vmem>>, vector<16xi32>, vector<16xi1>
      tpu.vector_store %arg10[%swap3A_250], %broadcast_in_dim3A_249 masked %eq3A_4 {strides = array<i32>} : memref<272xi32, #tpu.memory_space<vmem>>, vector<16xi32>, vector<16xi1>
      %add3A_252 = arith.addi %scan3A_246, %squeeze3A : i32
      scf.yield %add3A_252 : i32
    }
    %scan3A_132 = arith.constant 256 : i32
    %scan3A_133 = arith.constant 0 : i32
    %scan3A_134 = arith.constant 0 : i32
    %scan3A_135 = arith.constant 16 : i32
    %scan3A_136 = arith.addi %scan3A_134, %scan3A_135 : i32
    %scan3A_137 = arith.constant 1 : i32
    %scan3A_138 = scf.for %scan3A_245 = %scan3A_134 to %scan3A_136 step %scan3A_137 iter_args(%scan3A_246 = %scan3A_133) -> (i32)  : i32 {
      %mul3A_247 = arith.constant 16 : i32
      %mul3A_248 = arith.muli %scan3A_245, %mul3A_247 : i32
      %get3A_249 = arith.index_cast %mul3A_248 : i32 to index
      %get3A_250 = tpu.vector_load %arg10[%get3A_249] {strides = array<i32>} : memref<272xi32, #tpu.memory_space<vmem>>, vector<16xi32>,
      %scan3A_251 = arith.constant 0 : i32
      %scan3A_252 = arith.constant 16 : i32
      %scan3A_253 = arith.addi %scan3A_251, %scan3A_252 : i32
      %scan3A_254 = arith.constant 1 : i32
      %scan3A_255 = scf.for %scan3A_258 = %scan3A_251 to %scan3A_253 step %scan3A_254 iter_args(%scan3A_259 = %get3A_250) -> (vector<16xi32>)  : i32 {
        %mul3A_260 = arith.constant 16 : i32
        %mul3A_261 = arith.muli %scan3A_245, %mul3A_260 : i32
        %swap3A_262 = arith.index_cast %scan3A_258 : i32 to index
        %swap3A_263 = arith.index_cast %mul3A_261 : i32 to index
        %swap3A_264 = tpu.vector_load %arg12[%swap3A_262, %swap3A_263] {strides = array<i32>} : memref<16x272xi32, #tpu.memory_space<vmem>>, vector<16xi32>,
        tpu.vector_store %arg12[%swap3A_262, %swap3A_263], %scan3A_259 {strides = array<i32>} : memref<16x272xi32, #tpu.memory_space<vmem>>, vector<16xi32>,
        %mul3A_265 = arith.constant 16 : i32
        %mul3A_266 = arith.muli %scan3A_245, %mul3A_265 : i32
        %get3A_267 = arith.index_cast %scan3A_258 : i32 to index
        %get3A_268 = arith.index_cast %mul3A_266 : i32 to index
        %get3A_269 = tpu.vector_load %arg11[%get3A_267, %get3A_268] {strides = array<i32>} : memref<16x272xi32, #tpu.memory_space<vmem>>, vector<16xi32>,
        %add3A_270 = arith.addi %scan3A_259, %get3A_269 : vector<16xi32>
        scf.yield %add3A_270 : vector<16xi32>
      }
      %scan3A_256 = arith.constant 16 : i32
      %scan3A_257 = arith.constant 0 : i32
      scf.yield %scan3A_257 : i32
    }
    %scan3A_139 = arith.constant 16 : i32
    %while3A_140 = arith.constant 0 : i32
    %while3A_141 = arith.constant 0 : i32
    %while3A_142 = arith.subi %shift_right_arithmetic3A_94, %while3A_140 : i32
    %while3A_143 = arith.addi %while3A_140, %while3A_142 : i32
    %while3A_144 = arith.constant 1 : i32
    %while3A_145 = arith.divsi %while3A_142, %while3A_144 : i32
    %while3A_146 = arith.muli %while3A_145, %while3A_144 : i32
    %while3A_147 = arith.addi %while3A_140, %while3A_146 : i32
    %while3A_148 = arith.constant 1 : i32
    %while3A_149 = scf.for %while3A_245 = %while3A_140 to %while3A_147 step %while3A_148 iter_args(%while3A_246 = %while3A_141) -> (i32)  : i32 {
      %add3A_247 = vector.broadcast %while3A_245 : i32 to vector<16xi32>
      %add3A_248 = arith.addi %mul3A_97, %add3A_247 : vector<16xi32>
      %lt3A = vector.broadcast %scan3A_32 : i32 to vector<16xi32>
      %lt3A_249 = arith.cmpi slt, %add3A_248, %lt3A : vector<16xi32>
      %gather3A = tpu.vector_load_idx %arg6[%add3A_248] : memref<20016xi32, #tpu.memory_space<vmem>>[vector<16xi32>], vector<16xi32>,
      %gather3A_250 = tpu.vector_load_idx %arg7[%add3A_248] : memref<20016xi32, #tpu.memory_space<vmem>>[vector<16xi32>], vector<16xi32>,
      %shift_right_logical3A = arith.constant 8 : i32
      %shift_right_logical3A_251 = vector.broadcast %shift_right_logical3A : i32 to vector<16xi32>
      %shift_right_logical3A_252 = arith.shrui %gather3A, %shift_right_logical3A_251 : vector<16xi32>
      %and3A_253 = arith.constant 255 : i32
      %and3A_254 = vector.broadcast %and3A_253 : i32 to vector<16xi32>
      %and3A_255 = arith.andi %shift_right_logical3A_252, %and3A_254 : vector<16xi32>
      %iota3A_256 = tpu.iota {dimensions = array<i32: 0>} : vector<16xi32>
      %gather3A_257 = tpu.vector_load_idx %arg12[%iota3A_256, %and3A_255] : memref<16x272xi32, #tpu.memory_space<vmem>>[vector<16xi32>, vector<16xi32>], vector<16xi32>,
      tpu.vector_store_idx %arg8[%gather3A_257], %gather3A masked %lt3A_249 : memref<20016xi32, #tpu.memory_space<vmem>>[vector<16xi32>], vector<16xi32>, vector<16xi1>
      tpu.vector_store_idx %arg9[%gather3A_257], %gather3A_250 masked %lt3A_249 : memref<20016xi32, #tpu.memory_space<vmem>>[vector<16xi32>], vector<16xi32>, vector<16xi1>
      %iota3A_258 = tpu.iota {dimensions = array<i32: 0>} : vector<16xi32>
      tpu.vector_store_idx %arg12[%iota3A_258, %and3A_255], %broadcast_in_dim3A_106 masked %lt3A_249 {add = true} : memref<16x272xi32, #tpu.memory_space<vmem>>[vector<16xi32>, vector<16xi32>], vector<16xi32>, vector<16xi1>
      %while3A_259 = arith.constant 0 : i32
      scf.yield %while3A_259 : i32
    }
    %while3A_150 = arith.constant 1 : i32
    %while3A_151 = scf.for %while3A_245 = %while3A_147 to %while3A_143 step %while3A_150 iter_args(%while3A_246 = %while3A_149) -> (i32)  : i32 {
      %add3A_247 = vector.broadcast %while3A_245 : i32 to vector<16xi32>
      %add3A_248 = arith.addi %mul3A_97, %add3A_247 : vector<16xi32>
      %lt3A = vector.broadcast %scan3A_32 : i32 to vector<16xi32>
      %lt3A_249 = arith.cmpi slt, %add3A_248, %lt3A : vector<16xi32>
      %gather3A = tpu.vector_load_idx %arg6[%add3A_248] : memref<20016xi32, #tpu.memory_space<vmem>>[vector<16xi32>], vector<16xi32>,
      %gather3A_250 = tpu.vector_load_idx %arg7[%add3A_248] : memref<20016xi32, #tpu.memory_space<vmem>>[vector<16xi32>], vector<16xi32>,
      %shift_right_logical3A = arith.constant 8 : i32
      %shift_right_logical3A_251 = vector.broadcast %shift_right_logical3A : i32 to vector<16xi32>
      %shift_right_logical3A_252 = arith.shrui %gather3A, %shift_right_logical3A_251 : vector<16xi32>
      %and3A_253 = arith.constant 255 : i32
      %and3A_254 = vector.broadcast %and3A_253 : i32 to vector<16xi32>
      %and3A_255 = arith.andi %shift_right_logical3A_252, %and3A_254 : vector<16xi32>
      %iota3A_256 = tpu.iota {dimensions = array<i32: 0>} : vector<16xi32>
      %gather3A_257 = tpu.vector_load_idx %arg12[%iota3A_256, %and3A_255] : memref<16x272xi32, #tpu.memory_space<vmem>>[vector<16xi32>, vector<16xi32>], vector<16xi32>,
      tpu.vector_store_idx %arg8[%gather3A_257], %gather3A masked %lt3A_249 : memref<20016xi32, #tpu.memory_space<vmem>>[vector<16xi32>], vector<16xi32>, vector<16xi1>
      tpu.vector_store_idx %arg9[%gather3A_257], %gather3A_250 masked %lt3A_249 : memref<20016xi32, #tpu.memory_space<vmem>>[vector<16xi32>], vector<16xi32>, vector<16xi1>
      %iota3A_258 = tpu.iota {dimensions = array<i32: 0>} : vector<16xi32>
      tpu.vector_store_idx %arg12[%iota3A_258, %and3A_255], %broadcast_in_dim3A_106 masked %lt3A_249 {add = true} : memref<16x272xi32, #tpu.memory_space<vmem>>[vector<16xi32>, vector<16xi32>], vector<16xi32>, vector<16xi1>
      %while3A_259 = arith.constant 0 : i32
      scf.yield %while3A_259 : i32
    }
    %add3A_152 = arith.constant 15 : i32
    %add3A_153 = arith.addi %scan3A_32, %add3A_152 : i32
    %shift_right_arithmetic3A_154 = arith.constant 4 : i32
    %shift_right_arithmetic3A_155 = arith.shrsi %add3A_153, %shift_right_arithmetic3A_154 : i32
    %iota3A_156 = tpu.iota {dimensions = array<i32: 0>} : vector<16xi32>
    %mul3A_157 = vector.broadcast %shift_right_arithmetic3A_155 : i32 to vector<16xi32>
    %mul3A_158 = arith.muli %iota3A_156, %mul3A_157 : vector<16xi32>
    %scan3A_159 = arith.constant 0 : i32
    %scan3A_160 = arith.constant 0 : i32
    %scan3A_161 = arith.constant 256 : i32
    %scan3A_162 = arith.addi %scan3A_160, %scan3A_161 : i32
    %scan3A_163 = arith.constant 1 : i32
    %scan3A_164 = scf.for %scan3A_245 = %scan3A_160 to %scan3A_162 step %scan3A_163 iter_args(%scan3A_246 = %scan3A_159) -> (i32)  : i32 {
      %shift_right_arithmetic3A_247 = arith.constant 4 : i32
      %shift_right_arithmetic3A_248 = arith.shrsi %scan3A_245, %shift_right_arithmetic3A_247 : i32
      %and3A_249 = arith.constant 15 : i32
      %and3A_250 = arith.andi %scan3A_245, %and3A_249 : i32
      %mul3A_251 = arith.constant 16 : i32
      %mul3A_252 = arith.muli %and3A_250, %mul3A_251 : i32
      %swap3A_253 = arith.index_cast %shift_right_arithmetic3A_248 : i32 to index
      %swap3A_254 = arith.index_cast %mul3A_252 : i32 to index
      %swap3A_255 = tpu.vector_load %arg11[%swap3A_253, %swap3A_254] {strides = array<i32>} : memref<16x272xi32, #tpu.memory_space<vmem>>, vector<16xi32>,
      tpu.vector_store %arg11[%swap3A_253, %swap3A_254], %broadcast_in_dim3A_0 {strides = array<i32>} : memref<16x272xi32, #tpu.memory_space<vmem>>, vector<16xi32>,
      %scan3A_256 = arith.constant 0 : i32
      scf.yield %scan3A_256 : i32
    }
    %scan3A_165 = arith.constant 256 : i32
    %broadcast_in_dim3A_166 = arith.constant 1 : i32
    %broadcast_in_dim3A_167 = vector.broadcast %broadcast_in_dim3A_166 : i32 to vector<16xi32>
    %while3A_168 = arith.constant 0 : i32
    %while3A_169 = arith.constant 0 : i32
    %while3A_170 = arith.subi %shift_right_arithmetic3A_155, %while3A_168 : i32
    %while3A_171 = arith.addi %while3A_168, %while3A_170 : i32
    %while3A_172 = arith.constant 1 : i32
    %while3A_173 = arith.divsi %while3A_170, %while3A_172 : i32
    %while3A_174 = arith.muli %while3A_173, %while3A_172 : i32
    %while3A_175 = arith.addi %while3A_168, %while3A_174 : i32
    %while3A_176 = arith.constant 1 : i32
    %while3A_177 = scf.for %while3A_245 = %while3A_168 to %while3A_175 step %while3A_176 iter_args(%while3A_246 = %while3A_169) -> (i32)  : i32 {
      %add3A_247 = vector.broadcast %while3A_245 : i32 to vector<16xi32>
      %add3A_248 = arith.addi %mul3A_158, %add3A_247 : vector<16xi32>
      %lt3A = vector.broadcast %scan3A_32 : i32 to vector<16xi32>
      %lt3A_249 = arith.cmpi slt, %add3A_248, %lt3A : vector<16xi32>
      %gather3A = tpu.vector_load_idx %arg8[%add3A_248] : memref<20016xi32, #tpu.memory_space<vmem>>[vector<16xi32>], vector<16xi32>,
      %shift_right_logical3A = arith.constant 16 : i32
      %shift_right_logical3A_250 = vector.broadcast %shift_right_logical3A : i32 to vector<16xi32>
      %shift_right_logical3A_251 = arith.shrui %gather3A, %shift_right_logical3A_250 : vector<16xi32>
      %and3A_252 = arith.constant 255 : i32
      %and3A_253 = vector.broadcast %and3A_252 : i32 to vector<16xi32>
      %and3A_254 = arith.andi %shift_right_logical3A_251, %and3A_253 : vector<16xi32>
      %iota3A_255 = tpu.iota {dimensions = array<i32: 0>} : vector<16xi32>
      tpu.vector_store_idx %arg11[%iota3A_255, %and3A_254], %broadcast_in_dim3A_167 masked %lt3A_249 {add = true} : memref<16x272xi32, #tpu.memory_space<vmem>>[vector<16xi32>, vector<16xi32>], vector<16xi32>, vector<16xi1>
      %while3A_256 = arith.constant 0 : i32
      scf.yield %while3A_256 : i32
    }
    %while3A_178 = arith.constant 1 : i32
    %while3A_179 = scf.for %while3A_245 = %while3A_175 to %while3A_171 step %while3A_178 iter_args(%while3A_246 = %while3A_177) -> (i32)  : i32 {
      %add3A_247 = vector.broadcast %while3A_245 : i32 to vector<16xi32>
      %add3A_248 = arith.addi %mul3A_158, %add3A_247 : vector<16xi32>
      %lt3A = vector.broadcast %scan3A_32 : i32 to vector<16xi32>
      %lt3A_249 = arith.cmpi slt, %add3A_248, %lt3A : vector<16xi32>
      %gather3A = tpu.vector_load_idx %arg8[%add3A_248] : memref<20016xi32, #tpu.memory_space<vmem>>[vector<16xi32>], vector<16xi32>,
      %shift_right_logical3A = arith.constant 16 : i32
      %shift_right_logical3A_250 = vector.broadcast %shift_right_logical3A : i32 to vector<16xi32>
      %shift_right_logical3A_251 = arith.shrui %gather3A, %shift_right_logical3A_250 : vector<16xi32>
      %and3A_252 = arith.constant 255 : i32
      %and3A_253 = vector.broadcast %and3A_252 : i32 to vector<16xi32>
      %and3A_254 = arith.andi %shift_right_logical3A_251, %and3A_253 : vector<16xi32>
      %iota3A_255 = tpu.iota {dimensions = array<i32: 0>} : vector<16xi32>
      tpu.vector_store_idx %arg11[%iota3A_255, %and3A_254], %broadcast_in_dim3A_167 masked %lt3A_249 {add = true} : memref<16x272xi32, #tpu.memory_space<vmem>>[vector<16xi32>, vector<16xi32>], vector<16xi32>, vector<16xi1>
      %while3A_256 = arith.constant 0 : i32
      scf.yield %while3A_256 : i32
    }
    %scan3A_180 = arith.constant 0 : i32
    %scan3A_181 = arith.constant 0 : i32
    %scan3A_182 = arith.constant 16 : i32
    %scan3A_183 = arith.addi %scan3A_181, %scan3A_182 : i32
    %scan3A_184 = arith.constant 1 : i32
    %scan3A_185 = scf.for %scan3A_245 = %scan3A_181 to %scan3A_183 step %scan3A_184 iter_args(%scan3A_246 = %scan3A_180) -> (i32)  : i32 {
      %scan3A_247 = arith.constant 0 : i32
      %scan3A_248 = arith.constant 16 : i32
      %scan3A_249 = arith.addi %scan3A_247, %scan3A_248 : i32
      %scan3A_250 = arith.constant 1 : i32
      %scan3A_251 = scf.for %scan3A_258 = %scan3A_247 to %scan3A_249 step %scan3A_250 iter_args(%scan3A_259 = %broadcast_in_dim3A_0) -> (vector<16xi32>)  : i32 {
        %mul3A_260 = arith.constant 16 : i32
        %mul3A_261 = arith.muli %scan3A_245, %mul3A_260 : i32
        %get3A_262 = arith.index_cast %scan3A_258 : i32 to index
        %get3A_263 = arith.index_cast %mul3A_261 : i32 to index
        %get3A_264 = tpu.vector_load %arg11[%get3A_262, %get3A_263] {strides = array<i32>} : memref<16x272xi32, #tpu.memory_space<vmem>>, vector<16xi32>,
        %add3A_265 = arith.addi %scan3A_259, %get3A_264 : vector<16xi32>
        scf.yield %add3A_265 : vector<16xi32>
      }
      %scan3A_252 = arith.constant 16 : i32
      %mul3A_253 = arith.constant 16 : i32
      %mul3A_254 = arith.muli %scan3A_245, %mul3A_253 : i32
      %swap3A_255 = arith.index_cast %mul3A_254 : i32 to index
      %swap3A_256 = tpu.vector_load %arg10[%swap3A_255] {strides = array<i32>} : memref<272xi32, #tpu.memory_space<vmem>>, vector<16xi32>,
      tpu.vector_store %arg10[%swap3A_255], %scan3A_251 {strides = array<i32>} : memref<272xi32, #tpu.memory_space<vmem>>, vector<16xi32>,
      %scan3A_257 = arith.constant 0 : i32
      scf.yield %scan3A_257 : i32
    }
    %scan3A_186 = arith.constant 16 : i32
    %scan3A_187 = arith.constant 0 : i32
    %scan3A_188 = arith.constant 0 : i32
    %scan3A_189 = arith.constant 256 : i32
    %scan3A_190 = arith.addi %scan3A_188, %scan3A_189 : i32
    %scan3A_191 = arith.constant 1 : i32
    %scan3A_192 = scf.for %scan3A_245 = %scan3A_188 to %scan3A_190 step %scan3A_191 iter_args(%scan3A_246 = %scan3A_187) -> (i32)  : i32 {
      %get3A_247 = arith.index_cast %scan3A_245 : i32 to index
      %get3A_248 = tpu.vector_load %arg10[%get3A_247] {strides = array<i32>} : memref<272xi32, #tpu.memory_space<vmem>>, vector<16xi32>,
      %slice3A = vector.extract_strided_slice %get3A_248 {offsets = [0], sizes = [1], strides = [1]} : vector<16xi32> to vector<1xi32>
      %squeeze3A = vector.extract %slice3A[0] : i32 from vector<1xi32>
      %broadcast_in_dim3A_249 = vector.broadcast %scan3A_246 : i32 to vector<16xi32>
      %swap3A_250 = arith.index_cast %scan3A_245 : i32 to index
      %swap3A_251 = tpu.vector_load %arg10[%swap3A_250] masked %eq3A_4 {strides = array<i32>} : memref<272xi32, #tpu.memory_space<vmem>>, vector<16xi32>, vector<16xi1>
      tpu.vector_store %arg10[%swap3A_250], %broadcast_in_dim3A_249 masked %eq3A_4 {strides = array<i32>} : memref<272xi32, #tpu.memory_space<vmem>>, vector<16xi32>, vector<16xi1>
      %add3A_252 = arith.addi %scan3A_246, %squeeze3A : i32
      scf.yield %add3A_252 : i32
    }
    %scan3A_193 = arith.constant 256 : i32
    %scan3A_194 = arith.constant 0 : i32
    %scan3A_195 = arith.constant 0 : i32
    %scan3A_196 = arith.constant 16 : i32
    %scan3A_197 = arith.addi %scan3A_195, %scan3A_196 : i32
    %scan3A_198 = arith.constant 1 : i32
    %scan3A_199 = scf.for %scan3A_245 = %scan3A_195 to %scan3A_197 step %scan3A_198 iter_args(%scan3A_246 = %scan3A_194) -> (i32)  : i32 {
      %mul3A_247 = arith.constant 16 : i32
      %mul3A_248 = arith.muli %scan3A_245, %mul3A_247 : i32
      %get3A_249 = arith.index_cast %mul3A_248 : i32 to index
      %get3A_250 = tpu.vector_load %arg10[%get3A_249] {strides = array<i32>} : memref<272xi32, #tpu.memory_space<vmem>>, vector<16xi32>,
      %scan3A_251 = arith.constant 0 : i32
      %scan3A_252 = arith.constant 16 : i32
      %scan3A_253 = arith.addi %scan3A_251, %scan3A_252 : i32
      %scan3A_254 = arith.constant 1 : i32
      %scan3A_255 = scf.for %scan3A_258 = %scan3A_251 to %scan3A_253 step %scan3A_254 iter_args(%scan3A_259 = %get3A_250) -> (vector<16xi32>)  : i32 {
        %mul3A_260 = arith.constant 16 : i32
        %mul3A_261 = arith.muli %scan3A_245, %mul3A_260 : i32
        %swap3A_262 = arith.index_cast %scan3A_258 : i32 to index
        %swap3A_263 = arith.index_cast %mul3A_261 : i32 to index
        %swap3A_264 = tpu.vector_load %arg12[%swap3A_262, %swap3A_263] {strides = array<i32>} : memref<16x272xi32, #tpu.memory_space<vmem>>, vector<16xi32>,
        tpu.vector_store %arg12[%swap3A_262, %swap3A_263], %scan3A_259 {strides = array<i32>} : memref<16x272xi32, #tpu.memory_space<vmem>>, vector<16xi32>,
        %mul3A_265 = arith.constant 16 : i32
        %mul3A_266 = arith.muli %scan3A_245, %mul3A_265 : i32
        %get3A_267 = arith.index_cast %scan3A_258 : i32 to index
        %get3A_268 = arith.index_cast %mul3A_266 : i32 to index
        %get3A_269 = tpu.vector_load %arg11[%get3A_267, %get3A_268] {strides = array<i32>} : memref<16x272xi32, #tpu.memory_space<vmem>>, vector<16xi32>,
        %add3A_270 = arith.addi %scan3A_259, %get3A_269 : vector<16xi32>
        scf.yield %add3A_270 : vector<16xi32>
      }
      %scan3A_256 = arith.constant 16 : i32
      %scan3A_257 = arith.constant 0 : i32
      scf.yield %scan3A_257 : i32
    }
    %scan3A_200 = arith.constant 16 : i32
    %while3A_201 = arith.constant 0 : i32
    %while3A_202 = arith.constant 0 : i32
    %while3A_203 = arith.subi %shift_right_arithmetic3A_155, %while3A_201 : i32
    %while3A_204 = arith.addi %while3A_201, %while3A_203 : i32
    %while3A_205 = arith.constant 1 : i32
    %while3A_206 = arith.divsi %while3A_203, %while3A_205 : i32
    %while3A_207 = arith.muli %while3A_206, %while3A_205 : i32
    %while3A_208 = arith.addi %while3A_201, %while3A_207 : i32
    %while3A_209 = arith.constant 1 : i32
    %while3A_210 = scf.for %while3A_245 = %while3A_201 to %while3A_208 step %while3A_209 iter_args(%while3A_246 = %while3A_202) -> (i32)  : i32 {
      %add3A_247 = vector.broadcast %while3A_245 : i32 to vector<16xi32>
      %add3A_248 = arith.addi %mul3A_158, %add3A_247 : vector<16xi32>
      %lt3A = vector.broadcast %scan3A_32 : i32 to vector<16xi32>
      %lt3A_249 = arith.cmpi slt, %add3A_248, %lt3A : vector<16xi32>
      %gather3A = tpu.vector_load_idx %arg8[%add3A_248] : memref<20016xi32, #tpu.memory_space<vmem>>[vector<16xi32>], vector<16xi32>,
      %gather3A_250 = tpu.vector_load_idx %arg9[%add3A_248] : memref<20016xi32, #tpu.memory_space<vmem>>[vector<16xi32>], vector<16xi32>,
      %shift_right_logical3A = arith.constant 16 : i32
      %shift_right_logical3A_251 = vector.broadcast %shift_right_logical3A : i32 to vector<16xi32>
      %shift_right_logical3A_252 = arith.shrui %gather3A, %shift_right_logical3A_251 : vector<16xi32>
      %and3A_253 = arith.constant 255 : i32
      %and3A_254 = vector.broadcast %and3A_253 : i32 to vector<16xi32>
      %and3A_255 = arith.andi %shift_right_logical3A_252, %and3A_254 : vector<16xi32>
      %iota3A_256 = tpu.iota {dimensions = array<i32: 0>} : vector<16xi32>
      %gather3A_257 = tpu.vector_load_idx %arg12[%iota3A_256, %and3A_255] : memref<16x272xi32, #tpu.memory_space<vmem>>[vector<16xi32>, vector<16xi32>], vector<16xi32>,
      tpu.vector_store_idx %arg6[%gather3A_257], %gather3A masked %lt3A_249 : memref<20016xi32, #tpu.memory_space<vmem>>[vector<16xi32>], vector<16xi32>, vector<16xi1>
      tpu.vector_store_idx %arg7[%gather3A_257], %gather3A_250 masked %lt3A_249 : memref<20016xi32, #tpu.memory_space<vmem>>[vector<16xi32>], vector<16xi32>, vector<16xi1>
      %iota3A_258 = tpu.iota {dimensions = array<i32: 0>} : vector<16xi32>
      tpu.vector_store_idx %arg12[%iota3A_258, %and3A_255], %broadcast_in_dim3A_167 masked %lt3A_249 {add = true} : memref<16x272xi32, #tpu.memory_space<vmem>>[vector<16xi32>, vector<16xi32>], vector<16xi32>, vector<16xi1>
      %while3A_259 = arith.constant 0 : i32
      scf.yield %while3A_259 : i32
    }
    %while3A_211 = arith.constant 1 : i32
    %while3A_212 = scf.for %while3A_245 = %while3A_208 to %while3A_204 step %while3A_211 iter_args(%while3A_246 = %while3A_210) -> (i32)  : i32 {
      %add3A_247 = vector.broadcast %while3A_245 : i32 to vector<16xi32>
      %add3A_248 = arith.addi %mul3A_158, %add3A_247 : vector<16xi32>
      %lt3A = vector.broadcast %scan3A_32 : i32 to vector<16xi32>
      %lt3A_249 = arith.cmpi slt, %add3A_248, %lt3A : vector<16xi32>
      %gather3A = tpu.vector_load_idx %arg8[%add3A_248] : memref<20016xi32, #tpu.memory_space<vmem>>[vector<16xi32>], vector<16xi32>,
      %gather3A_250 = tpu.vector_load_idx %arg9[%add3A_248] : memref<20016xi32, #tpu.memory_space<vmem>>[vector<16xi32>], vector<16xi32>,
      %shift_right_logical3A = arith.constant 16 : i32
      %shift_right_logical3A_251 = vector.broadcast %shift_right_logical3A : i32 to vector<16xi32>
      %shift_right_logical3A_252 = arith.shrui %gather3A, %shift_right_logical3A_251 : vector<16xi32>
      %and3A_253 = arith.constant 255 : i32
      %and3A_254 = vector.broadcast %and3A_253 : i32 to vector<16xi32>
      %and3A_255 = arith.andi %shift_right_logical3A_252, %and3A_254 : vector<16xi32>
      %iota3A_256 = tpu.iota {dimensions = array<i32: 0>} : vector<16xi32>
      %gather3A_257 = tpu.vector_load_idx %arg12[%iota3A_256, %and3A_255] : memref<16x272xi32, #tpu.memory_space<vmem>>[vector<16xi32>, vector<16xi32>], vector<16xi32>,
      tpu.vector_store_idx %arg6[%gather3A_257], %gather3A masked %lt3A_249 : memref<20016xi32, #tpu.memory_space<vmem>>[vector<16xi32>], vector<16xi32>, vector<16xi1>
      tpu.vector_store_idx %arg7[%gather3A_257], %gather3A_250 masked %lt3A_249 : memref<20016xi32, #tpu.memory_space<vmem>>[vector<16xi32>], vector<16xi32>, vector<16xi1>
      %iota3A_258 = tpu.iota {dimensions = array<i32: 0>} : vector<16xi32>
      tpu.vector_store_idx %arg12[%iota3A_258, %and3A_255], %broadcast_in_dim3A_167 masked %lt3A_249 {add = true} : memref<16x272xi32, #tpu.memory_space<vmem>>[vector<16xi32>, vector<16xi32>], vector<16xi32>, vector<16xi1>
      %while3A_259 = arith.constant 0 : i32
      scf.yield %while3A_259 : i32
    }
    %swap3A = arith.index_cast %scan3A_32 : i32 to index
    %swap3A_213 = tpu.vector_load %arg7[%swap3A] {strides = array<i32>} : memref<20016xi32, #tpu.memory_space<vmem>>, vector<16xi32>,
    tpu.vector_store %arg7[%swap3A], %broadcast_in_dim3A_0 {strides = array<i32>} : memref<20016xi32, #tpu.memory_space<vmem>>, vector<16xi32>,
    %iota3A_214 = tpu.iota {dimensions = array<i32: 0>} : vector<16xi32>
    %and3A = arith.constant 3 : i32
    %and3A_215 = vector.broadcast %and3A : i32 to vector<16xi32>
    %and3A_216 = arith.andi %iota3A_214, %and3A_215 : vector<16xi32>
    %add3A_217 = arith.constant 15 : i32
    %add3A_218 = arith.addi %scan3A_32, %add3A_217 : i32
    %shift_right_arithmetic3A_219 = arith.constant 4 : i32
    %shift_right_arithmetic3A_220 = arith.shrsi %add3A_218, %shift_right_arithmetic3A_219 : i32
    %sub3A = arith.constant 0 : i32
    %sub3A_221 = arith.subi %shift_right_arithmetic3A_220, %sub3A : i32
    %sub3A_222 = arith.constant 1 : i32
    %sub3A_223 = arith.constant 1 : i32
    %sub3A_224 = arith.subi %sub3A_222, %sub3A_223 : i32
    %add3A_225 = arith.addi %sub3A_221, %sub3A_224 : i32
    %div3A = arith.constant 1 : i32
    %div3A_226 = arith.divsi %add3A_225, %div3A : i32
    %while3A_227 = arith.constant 1 : i32
    %while3A_228 = arith.constant 0 : i32
    %while3A_229 = arith.constant 0 : i32
    %while3A_230 = arith.subi %div3A_226, %while3A_229 : i32
    %while3A_231 = arith.addi %while3A_229, %while3A_230 : i32
    %while3A_232 = arith.constant 1 : i32
    %while3A_233 = arith.divsi %while3A_230, %while3A_232 : i32
    %while3A_234 = arith.muli %while3A_233, %while3A_232 : i32
    %while3A_235 = arith.addi %while3A_229, %while3A_234 : i32
    %while3A_236 = arith.constant 1 : i32
    scf.for %while3A_245 = %while3A_229 to %while3A_235 step %while3A_236  : i32 {
      %mul3A_246 = arith.muli %while3A_245, %while3A_227 : i32
      %add3A_247 = arith.addi %while3A_228, %mul3A_246 : i32
      %mul3A_248 = arith.constant 16 : i32
      %mul3A_249 = arith.muli %add3A_247, %mul3A_248 : i32
      %get3A_250 = arith.index_cast %mul3A_249 : i32 to index
      %get3A_251 = tpu.vector_load %arg7[%get3A_250] {strides = array<i32>} : memref<20016xi32, #tpu.memory_space<vmem>>, vector<16xi32>,
      %shift_right_logical3A = arith.constant 7 : i32
      %shift_right_logical3A_252 = vector.broadcast %shift_right_logical3A : i32 to vector<16xi32>
      %shift_right_logical3A_253 = arith.shrui %get3A_251, %shift_right_logical3A_252 : vector<16xi32>
      %swap3A_254 = arith.constant 0 : index
      %swap3A_255 = tpu.vector_load %arg16[%swap3A_254] {strides = array<i32>} : memref<16xi32, #tpu.memory_space<vmem>>, vector<16xi32>,
      tpu.vector_store %arg16[%swap3A_254], %shift_right_logical3A_253 {strides = array<i32>} : memref<16xi32, #tpu.memory_space<vmem>>, vector<16xi32>,
      %dma_start3A = arith.constant 0 : i32
      %dma_start3A_256 = arith.constant 0 : i32
      %dma_start3A_257 = tpu.memref_slice %arg4[%dma_start3A, %dma_start3A_256] : memref<20000x128xf32, #tpu.memory_space<hbm>> -> memref<20000x128xf32, #tpu.memory_space<hbm>>
      tpu.enqueue_indirect_dma source(%dma_start3A_257 : memref<20000x128xf32, #tpu.memory_space<hbm>>) target(%arg15 : memref<16x128xf32, #tpu.memory_space<vmem>>) offsets(%arg16 : memref<16xi32, #tpu.memory_space<vmem>>) semaphore(%arg19 : memref<!tpu.dma_semaphore, #tpu.memory_space<semaphore_mem>>)
      %dma_wait3A = arith.constant 0 : i32
      %dma_wait3A_258 = arith.constant 0 : i32
      %dma_wait3A_259 = tpu.memref_slice %arg4[%dma_wait3A, %dma_wait3A_258] : memref<20000x128xf32, #tpu.memory_space<hbm>> -> memref<20000x128xf32, #tpu.memory_space<hbm>>
      tpu.wait_indirect_dma semaphore(%arg19 : memref<!tpu.dma_semaphore, #tpu.memory_space<semaphore_mem>>) src(%dma_wait3A_259 : memref<20000x128xf32, #tpu.memory_space<hbm>>) dst(%arg15 : memref<16x128xf32, #tpu.memory_space<vmem>>)
      %mul3A_260 = arith.constant 16 : i32
      %mul3A_261 = arith.muli %add3A_247, %mul3A_260 : i32
      %sub3A_262 = arith.subi %scan3A_32, %mul3A_261 : i32
      %min3A = arith.constant 16 : i32
      %min3A_263 = arith.minsi %min3A, %sub3A_262 : i32
      %while3A_264 = arith.constant 0 : i32
      %while3A_265 = arith.constant 0 : i32
      %while3A_266 = arith.subi %min3A_263, %while3A_264 : i32
      %while3A_267 = arith.addi %while3A_264, %while3A_266 : i32
      %while3A_268 = arith.constant 1 : i32
      %while3A_269 = arith.divsi %while3A_266, %while3A_268 : i32
      %while3A_270 = arith.muli %while3A_269, %while3A_268 : i32
      %while3A_271 = arith.addi %while3A_264, %while3A_270 : i32
      %while3A_272 = arith.constant 1 : i32
      %while3A_273 = scf.for %while3A_276 = %while3A_264 to %while3A_271 step %while3A_272 iter_args(%while3A_277 = %while3A_265) -> (i32)  : i32 {
        %mul3A_278 = arith.constant 16 : i32
        %mul3A_279 = arith.muli %add3A_247, %mul3A_278 : i32
        %add3A_280 = arith.addi %mul3A_279, %while3A_276 : i32
        %get3A_281 = arith.index_cast %add3A_280 : i32 to index
        %get3A_282 = tpu.vector_load %arg7[%get3A_281] {strides = array<i32>} : memref<20016xi32, #tpu.memory_space<vmem>>, vector<16xi32>,
        %slice3A = vector.extract_strided_slice %get3A_282 {offsets = [0], sizes = [1], strides = [1]} : vector<16xi32> to vector<1xi32>
        %squeeze3A = vector.extract %slice3A[0] : i32 from vector<1xi32>
        %and3A_283 = arith.constant 127 : i32
        %and3A_284 = arith.andi %squeeze3A, %and3A_283 : i32
        %sub3A_285 = arith.constant 1 : i32
        %sub3A_286 = arith.subi %and3A_284, %sub3A_285 : i32
        %shift_right_arithmetic3A_287 = arith.constant 4 : i32
        %shift_right_arithmetic3A_288 = arith.shrsi %sub3A_286, %shift_right_arithmetic3A_287 : i32
        %get3A_289 = arith.index_cast %shift_right_arithmetic3A_288 : i32 to index
        %get3A_290 = memref.load %arg18[%get3A_289] : memref<16xi32, #tpu.memory_space<smem>>
        %lt3A = arith.constant 100 : i32
        %lt3A_291 = arith.cmpi slt, %get3A_290, %lt3A : i32
        %convert_element_type3A = arith.extui %lt3A_291 : i1 to i32
        %cond3A = arith.constant 0 : i32
        %cond3A_292 = arith.cmpi ne, %convert_element_type3A, %cond3A : i32
        scf.if %cond3A_292 {
          %broadcast_in_dim3A_294 = vector.broadcast %while3A_276 : i32 to vector<16xi32>
          %gather3A = tpu.vector_load_idx %arg15[%broadcast_in_dim3A_294, %and3A_216] : memref<16x128xf32, #tpu.memory_space<vmem>>[vector<16xi32>, vector<16xi32>], vector<16xf32>,
          %slice3A_295 = vector.extract_strided_slice %gather3A {offsets = [0], sizes = [1], strides = [1]} : vector<16xf32> to vector<1xf32>
          %squeeze3A_296 = vector.extract %slice3A_295[0] : f32 from vector<1xf32>
          %slice3A_297 = vector.extract_strided_slice %gather3A {offsets = [1], sizes = [1], strides = [1]} : vector<16xf32> to vector<1xf32>
          %squeeze3A_298 = vector.extract %slice3A_297[0] : f32 from vector<1xf32>
          %slice3A_299 = vector.extract_strided_slice %gather3A {offsets = [2], sizes = [1], strides = [1]} : vector<16xf32> to vector<1xf32>
          %squeeze3A_300 = vector.extract %slice3A_299[0] : f32 from vector<1xf32>
          %slice3A_301 = vector.extract_strided_slice %gather3A {offsets = [3], sizes = [1], strides = [1]} : vector<16xf32> to vector<1xf32>
          %squeeze3A_302 = vector.extract %slice3A_301[0] : f32 from vector<1xf32>
          %sub3A_303 = arith.subf %squeeze3A_300, %squeeze3A_296 : f32
          %sub3A_304 = arith.subf %squeeze3A_302, %squeeze3A_298 : f32
          %mul3A_305 = arith.mulf %sub3A_303, %sub3A_304 : f32
          %add3A_306 = arith.constant 15 : i32
          %add3A_307 = arith.addi %get3A_290, %add3A_306 : i32
          %shift_right_arithmetic3A_308 = arith.constant 4 : i32
          %shift_right_arithmetic3A_309 = arith.shrsi %add3A_307, %shift_right_arithmetic3A_308 : i32
          %while3A_310 = arith.constant 0 : i32
          %while3A_311 = arith.constant false
          %while3A_312 = arith.subi %shift_right_arithmetic3A_309, %while3A_310 : i32
          %while3A_313 = arith.addi %while3A_310, %while3A_312 : i32
          %while3A_314 = arith.constant 1 : i32
          %while3A_315 = arith.divsi %while3A_312, %while3A_314 : i32
          %while3A_316 = arith.muli %while3A_315, %while3A_314 : i32
          %while3A_317 = arith.addi %while3A_310, %while3A_316 : i32
          %while3A_318 = arith.constant 1 : i32
          %while3A_319 = scf.for %while3A_326 = %while3A_310 to %while3A_317 step %while3A_318 iter_args(%while3A_327 = %while3A_311) -> (i1)  : i32 {
            %mul3A_328 = arith.constant 112 : i32
            %mul3A_329 = arith.muli %shift_right_arithmetic3A_288, %mul3A_328 : i32
            %mul3A_330 = arith.constant 16 : i32
            %mul3A_331 = arith.muli %while3A_326, %mul3A_330 : i32
            %add3A_332 = arith.addi %mul3A_329, %mul3A_331 : i32
            %get3A_333 = arith.index_cast %add3A_332 : i32 to index
            %get3A_334 = tpu.vector_load %arg13[%get3A_333] {strides = array<i32>} : memref<2256xf32, #tpu.memory_space<vmem>>, vector<16xf32>,
            %add3A_335 = arith.constant 560 : i32
            %add3A_336 = arith.addi %add3A_335, %add3A_332 : i32
            %get3A_337 = arith.index_cast %add3A_336 : i32 to index
            %get3A_338 = tpu.vector_load %arg13[%get3A_337] {strides = array<i32>} : memref<2256xf32, #tpu.memory_space<vmem>>, vector<16xf32>,
            %add3A_339 = arith.constant 1120 : i32
            %add3A_340 = arith.addi %add3A_339, %add3A_332 : i32
            %get3A_341 = arith.index_cast %add3A_340 : i32 to index
            %get3A_342 = tpu.vector_load %arg13[%get3A_341] {strides = array<i32>} : memref<2256xf32, #tpu.memory_space<vmem>>, vector<16xf32>,
            %add3A_343 = arith.constant 1680 : i32
            %add3A_344 = arith.addi %add3A_343, %add3A_332 : i32
            %get3A_345 = arith.index_cast %add3A_344 : i32 to index
            %get3A_346 = tpu.vector_load %arg13[%get3A_345] {strides = array<i32>} : memref<2256xf32, #tpu.memory_space<vmem>>, vector<16xf32>,
            %get3A_347 = arith.index_cast %add3A_332 : i32 to index
            %get3A_348 = tpu.vector_load %arg14[%get3A_347] {strides = array<i32>} : memref<576xf32, #tpu.memory_space<vmem>>, vector<16xf32>,
            %max3A = vector.broadcast %squeeze3A_296 : f32 to vector<16xf32>
            %max3A_349 = arith.maximumf %max3A, %get3A_334 : vector<16xf32>
            %max3A_350 = vector.broadcast %squeeze3A_298 : f32 to vector<16xf32>
            %max3A_351 = arith.maximumf %max3A_350, %get3A_338 : vector<16xf32>
            %min3A_352 = vector.broadcast %squeeze3A_300 : f32 to vector<16xf32>
            %min3A_353 = arith.minimumf %min3A_352, %get3A_342 : vector<16xf32>
            %min3A_354 = vector.broadcast %squeeze3A_302 : f32 to vector<16xf32>
            %min3A_355 = arith.minimumf %min3A_354, %get3A_346 : vector<16xf32>
            %sub3A_356 = arith.subf %min3A_353, %max3A_349 : vector<16xf32>
            %max3A_357 = arith.constant 0.000000e+00 : f32
            %max3A_358 = vector.broadcast %max3A_357 : f32 to vector<16xf32>
            %max3A_359 = arith.maximumf %max3A_358, %sub3A_356 : vector<16xf32>
            %sub3A_360 = arith.subf %min3A_355, %max3A_351 : vector<16xf32>
            %max3A_361 = arith.constant 0.000000e+00 : f32
            %max3A_362 = vector.broadcast %max3A_361 : f32 to vector<16xf32>
            %max3A_363 = arith.maximumf %max3A_362, %sub3A_360 : vector<16xf32>
            %mul3A_364 = arith.mulf %max3A_359, %max3A_363 : vector<16xf32>
            %add3A_365 = vector.broadcast %mul3A_305 : f32 to vector<16xf32>
            %add3A_366 = arith.addf %add3A_365, %get3A_348 : vector<16xf32>
            %sub3A_367 = arith.subf %add3A_366, %mul3A_364 : vector<16xf32>
            %max3A_368 = arith.constant 9.99999996E-13 : f32
            %max3A_369 = vector.broadcast %max3A_368 : f32 to vector<16xf32>
            %max3A_370 = arith.maximumf %sub3A_367, %max3A_369 : vector<16xf32>
            %div3A_371 = arith.divf %mul3A_364, %max3A_370 : vector<16xf32>
            %gt3A = arith.constant 3.000000e-01 : f32
            %gt3A_372 = vector.broadcast %gt3A : f32 to vector<16xf32>
            %gt3A_373 = arith.cmpf ogt, %div3A_371, %gt3A_372 : vector<16xf32>
            %reduce_or3A = arith.constant 1.000000e+00 : f32
            %reduce_or3A_374 = arith.constant 0.000000e+00 : f32
            %reduce_or3A_375 = vector.broadcast %reduce_or3A : f32 to vector<16xf32>
            %reduce_or3A_376 = vector.broadcast %reduce_or3A_374 : f32 to vector<16xf32>
            %reduce_or3A_377 = arith.select %gt3A_373, %reduce_or3A_375, %reduce_or3A_376 : vector<16xi1>, vector<16xf32>
            %reduce_or3A_378 = arith.constant true
            %reduce_or3A_379 = vector.broadcast %reduce_or3A_378 : i1 to vector<16xi1>
            %reduce_or3A_380 = tpu.scan <max>, %reduce_or3A_377 masked %reduce_or3A_379 : vector<16xf32>, vector<16xi1> -> vector<16xf32>
            %reduce_or3A_381 = vector.extract %reduce_or3A_380[15] : f32 from vector<16xf32>
            %reduce_or3A_382 = arith.constant 0.000000e+00 : f32
            %reduce_or3A_383 = arith.cmpf ogt, %reduce_or3A_381, %reduce_or3A_382 : f32
            %or3A = arith.ori %while3A_327, %reduce_or3A_383 : i1
            scf.yield %or3A : i1
          }
          %while3A_320 = arith.constant 1 : i32
          %while3A_321 = scf.for %while3A_326 = %while3A_317 to %while3A_313 step %while3A_320 iter_args(%while3A_327 = %while3A_319) -> (i1)  : i32 {
            %mul3A_328 = arith.constant 112 : i32
            %mul3A_329 = arith.muli %shift_right_arithmetic3A_288, %mul3A_328 : i32
            %mul3A_330 = arith.constant 16 : i32
            %mul3A_331 = arith.muli %while3A_326, %mul3A_330 : i32
            %add3A_332 = arith.addi %mul3A_329, %mul3A_331 : i32
            %get3A_333 = arith.index_cast %add3A_332 : i32 to index
            %get3A_334 = tpu.vector_load %arg13[%get3A_333] {strides = array<i32>} : memref<2256xf32, #tpu.memory_space<vmem>>, vector<16xf32>,
            %add3A_335 = arith.constant 560 : i32
            %add3A_336 = arith.addi %add3A_335, %add3A_332 : i32
            %get3A_337 = arith.index_cast %add3A_336 : i32 to index
            %get3A_338 = tpu.vector_load %arg13[%get3A_337] {strides = array<i32>} : memref<2256xf32, #tpu.memory_space<vmem>>, vector<16xf32>,
            %add3A_339 = arith.constant 1120 : i32
            %add3A_340 = arith.addi %add3A_339, %add3A_332 : i32
            %get3A_341 = arith.index_cast %add3A_340 : i32 to index
            %get3A_342 = tpu.vector_load %arg13[%get3A_341] {strides = array<i32>} : memref<2256xf32, #tpu.memory_space<vmem>>, vector<16xf32>,
            %add3A_343 = arith.constant 1680 : i32
            %add3A_344 = arith.addi %add3A_343, %add3A_332 : i32
            %get3A_345 = arith.index_cast %add3A_344 : i32 to index
            %get3A_346 = tpu.vector_load %arg13[%get3A_345] {strides = array<i32>} : memref<2256xf32, #tpu.memory_space<vmem>>, vector<16xf32>,
            %get3A_347 = arith.index_cast %add3A_332 : i32 to index
            %get3A_348 = tpu.vector_load %arg14[%get3A_347] {strides = array<i32>} : memref<576xf32, #tpu.memory_space<vmem>>, vector<16xf32>,
            %max3A = vector.broadcast %squeeze3A_296 : f32 to vector<16xf32>
            %max3A_349 = arith.maximumf %max3A, %get3A_334 : vector<16xf32>
            %max3A_350 = vector.broadcast %squeeze3A_298 : f32 to vector<16xf32>
            %max3A_351 = arith.maximumf %max3A_350, %get3A_338 : vector<16xf32>
            %min3A_352 = vector.broadcast %squeeze3A_300 : f32 to vector<16xf32>
            %min3A_353 = arith.minimumf %min3A_352, %get3A_342 : vector<16xf32>
            %min3A_354 = vector.broadcast %squeeze3A_302 : f32 to vector<16xf32>
            %min3A_355 = arith.minimumf %min3A_354, %get3A_346 : vector<16xf32>
            %sub3A_356 = arith.subf %min3A_353, %max3A_349 : vector<16xf32>
            %max3A_357 = arith.constant 0.000000e+00 : f32
            %max3A_358 = vector.broadcast %max3A_357 : f32 to vector<16xf32>
            %max3A_359 = arith.maximumf %max3A_358, %sub3A_356 : vector<16xf32>
            %sub3A_360 = arith.subf %min3A_355, %max3A_351 : vector<16xf32>
            %max3A_361 = arith.constant 0.000000e+00 : f32
            %max3A_362 = vector.broadcast %max3A_361 : f32 to vector<16xf32>
            %max3A_363 = arith.maximumf %max3A_362, %sub3A_360 : vector<16xf32>
            %mul3A_364 = arith.mulf %max3A_359, %max3A_363 : vector<16xf32>
            %add3A_365 = vector.broadcast %mul3A_305 : f32 to vector<16xf32>
            %add3A_366 = arith.addf %add3A_365, %get3A_348 : vector<16xf32>
            %sub3A_367 = arith.subf %add3A_366, %mul3A_364 : vector<16xf32>
            %max3A_368 = arith.constant 9.99999996E-13 : f32
            %max3A_369 = vector.broadcast %max3A_368 : f32 to vector<16xf32>
            %max3A_370 = arith.maximumf %sub3A_367, %max3A_369 : vector<16xf32>
            %div3A_371 = arith.divf %mul3A_364, %max3A_370 : vector<16xf32>
            %gt3A = arith.constant 3.000000e-01 : f32
            %gt3A_372 = vector.broadcast %gt3A : f32 to vector<16xf32>
            %gt3A_373 = arith.cmpf ogt, %div3A_371, %gt3A_372 : vector<16xf32>
            %reduce_or3A = arith.constant 1.000000e+00 : f32
            %reduce_or3A_374 = arith.constant 0.000000e+00 : f32
            %reduce_or3A_375 = vector.broadcast %reduce_or3A : f32 to vector<16xf32>
            %reduce_or3A_376 = vector.broadcast %reduce_or3A_374 : f32 to vector<16xf32>
            %reduce_or3A_377 = arith.select %gt3A_373, %reduce_or3A_375, %reduce_or3A_376 : vector<16xi1>, vector<16xf32>
            %reduce_or3A_378 = arith.constant true
            %reduce_or3A_379 = vector.broadcast %reduce_or3A_378 : i1 to vector<16xi1>
            %reduce_or3A_380 = tpu.scan <max>, %reduce_or3A_377 masked %reduce_or3A_379 : vector<16xf32>, vector<16xi1> -> vector<16xf32>
            %reduce_or3A_381 = vector.extract %reduce_or3A_380[15] : f32 from vector<16xf32>
            %reduce_or3A_382 = arith.constant 0.000000e+00 : f32
            %reduce_or3A_383 = arith.cmpf ogt, %reduce_or3A_381, %reduce_or3A_382 : f32
            %or3A = arith.ori %while3A_327, %reduce_or3A_383 : i1
            scf.yield %or3A : i1
          }
          %not3A = arith.constant true
          %not3A_322 = arith.xori %while3A_321, %not3A : i1
          %convert_element_type3A_323 = arith.extui %not3A_322 : i1 to i32
          %cond3A_324 = arith.constant 0 : i32
          %cond3A_325 = arith.cmpi ne, %convert_element_type3A_323, %cond3A_324 : i32
          scf.if %cond3A_325 {
            %mul3A_326 = arith.constant 112 : i32
            %mul3A_327 = arith.muli %shift_right_arithmetic3A_288, %mul3A_326 : i32
            %add3A_328 = arith.addi %mul3A_327, %get3A_290 : i32
            %broadcast_in_dim3A_329 = vector.broadcast %squeeze3A_296 : f32 to vector<16xf32>
            %swap3A_330 = arith.index_cast %add3A_328 : i32 to index
            %swap3A_331 = tpu.vector_load %arg13[%swap3A_330] masked %eq3A_4 {strides = array<i32>} : memref<2256xf32, #tpu.memory_space<vmem>>, vector<16xf32>, vector<16xi1>
            tpu.vector_store %arg13[%swap3A_330], %broadcast_in_dim3A_329 masked %eq3A_4 {strides = array<i32>} : memref<2256xf32, #tpu.memory_space<vmem>>, vector<16xf32>, vector<16xi1>
            %add3A_332 = arith.constant 560 : i32
            %add3A_333 = arith.addi %add3A_332, %add3A_328 : i32
            %broadcast_in_dim3A_334 = vector.broadcast %squeeze3A_298 : f32 to vector<16xf32>
            %swap3A_335 = arith.index_cast %add3A_333 : i32 to index
            %swap3A_336 = tpu.vector_load %arg13[%swap3A_335] masked %eq3A_4 {strides = array<i32>} : memref<2256xf32, #tpu.memory_space<vmem>>, vector<16xf32>, vector<16xi1>
            tpu.vector_store %arg13[%swap3A_335], %broadcast_in_dim3A_334 masked %eq3A_4 {strides = array<i32>} : memref<2256xf32, #tpu.memory_space<vmem>>, vector<16xf32>, vector<16xi1>
            %add3A_337 = arith.constant 1120 : i32
            %add3A_338 = arith.addi %add3A_337, %add3A_328 : i32
            %broadcast_in_dim3A_339 = vector.broadcast %squeeze3A_300 : f32 to vector<16xf32>
            %swap3A_340 = arith.index_cast %add3A_338 : i32 to index
            %swap3A_341 = tpu.vector_load %arg13[%swap3A_340] masked %eq3A_4 {strides = array<i32>} : memref<2256xf32, #tpu.memory_space<vmem>>, vector<16xf32>, vector<16xi1>
            tpu.vector_store %arg13[%swap3A_340], %broadcast_in_dim3A_339 masked %eq3A_4 {strides = array<i32>} : memref<2256xf32, #tpu.memory_space<vmem>>, vector<16xf32>, vector<16xi1>
            %add3A_342 = arith.constant 1680 : i32
            %add3A_343 = arith.addi %add3A_342, %add3A_328 : i32
            %broadcast_in_dim3A_344 = vector.broadcast %squeeze3A_302 : f32 to vector<16xf32>
            %swap3A_345 = arith.index_cast %add3A_343 : i32 to index
            %swap3A_346 = tpu.vector_load %arg13[%swap3A_345] masked %eq3A_4 {strides = array<i32>} : memref<2256xf32, #tpu.memory_space<vmem>>, vector<16xf32>, vector<16xi1>
            tpu.vector_store %arg13[%swap3A_345], %broadcast_in_dim3A_344 masked %eq3A_4 {strides = array<i32>} : memref<2256xf32, #tpu.memory_space<vmem>>, vector<16xf32>, vector<16xi1>
            %broadcast_in_dim3A_347 = vector.broadcast %mul3A_305 : f32 to vector<16xf32>
            %swap3A_348 = arith.index_cast %add3A_328 : i32 to index
            %swap3A_349 = tpu.vector_load %arg14[%swap3A_348] masked %eq3A_4 {strides = array<i32>} : memref<576xf32, #tpu.memory_space<vmem>>, vector<16xf32>, vector<16xi1>
            tpu.vector_store %arg14[%swap3A_348], %broadcast_in_dim3A_347 masked %eq3A_4 {strides = array<i32>} : memref<576xf32, #tpu.memory_space<vmem>>, vector<16xf32>, vector<16xi1>
            %add3A_350 = arith.constant 1 : i32
            %add3A_351 = arith.addi %get3A_290, %add3A_350 : i32
            %swap3A_352 = arith.index_cast %shift_right_arithmetic3A_288 : i32 to index
            %swap3A_353 = memref.load %arg18[%swap3A_352] : memref<16xi32, #tpu.memory_space<smem>>
            memref.store %add3A_351, %arg18[%swap3A_352] : memref<16xi32, #tpu.memory_space<smem>>
            %get3A_354 = arith.constant 6 : i32
            %get3A_355 = arith.index_cast %get3A_354 : i32 to index
            %get3A_356 = memref.load %arg18[%get3A_355] : memref<16xi32, #tpu.memory_space<smem>>
            %add3A_357 = arith.constant 8 : i32
            %add3A_358 = arith.addi %add3A_357, %get3A_356 : i32
            %get3A_359 = arith.index_cast %add3A_280 : i32 to index
            %get3A_360 = tpu.vector_load %arg6[%get3A_359] {strides = array<i32>} : memref<20016xi32, #tpu.memory_space<vmem>>, vector<16xi32>,
            %slice3A_361 = vector.extract_strided_slice %get3A_360 {offsets = [0], sizes = [1], strides = [1]} : vector<16xi32> to vector<1xi32>
            %squeeze3A_362 = vector.extract %slice3A_361[0] : i32 from vector<1xi32>
            %broadcast_in_dim3A_363 = vector.broadcast %squeeze3A_362 : i32 to vector<16xi32>
            %swap3A_364 = arith.index_cast %add3A_358 : i32 to index
            %swap3A_365 = tpu.vector_load %arg17[%swap3A_364] masked %eq3A_4 {strides = array<i32>} : memref<1168xi32, #tpu.memory_space<vmem>>, vector<16xi32>, vector<16xi1>
            tpu.vector_store %arg17[%swap3A_364], %broadcast_in_dim3A_363 masked %eq3A_4 {strides = array<i32>} : memref<1168xi32, #tpu.memory_space<vmem>>, vector<16xi32>, vector<16xi1>
            %add3A_366 = arith.constant 584 : i32
            %add3A_367 = arith.addi %add3A_366, %get3A_356 : i32
            %broadcast_in_dim3A_368 = vector.broadcast %squeeze3A : i32 to vector<16xi32>
            %swap3A_369 = arith.index_cast %add3A_367 : i32 to index
            %swap3A_370 = tpu.vector_load %arg17[%swap3A_369] masked %eq3A_4 {strides = array<i32>} : memref<1168xi32, #tpu.memory_space<vmem>>, vector<16xi32>, vector<16xi1>
            tpu.vector_store %arg17[%swap3A_369], %broadcast_in_dim3A_368 masked %eq3A_4 {strides = array<i32>} : memref<1168xi32, #tpu.memory_space<vmem>>, vector<16xi32>, vector<16xi1>
            %add3A_371 = arith.constant 1 : i32
            %add3A_372 = arith.addi %get3A_356, %add3A_371 : i32
            %swap3A_373 = arith.constant 6 : i32
            %swap3A_374 = arith.index_cast %swap3A_373 : i32 to index
            %swap3A_375 = memref.load %arg18[%swap3A_374] : memref<16xi32, #tpu.memory_space<smem>>
            memref.store %add3A_372, %arg18[%swap3A_374] : memref<16xi32, #tpu.memory_space<smem>>
          } else {
          }
        } else {
        }
        %while3A_293 = arith.constant 0 : i32
        scf.yield %while3A_293 : i32
      }
      %while3A_274 = arith.constant 1 : i32
      %while3A_275 = scf.for %while3A_276 = %while3A_271 to %while3A_267 step %while3A_274 iter_args(%while3A_277 = %while3A_273) -> (i32)  : i32 {
        %mul3A_278 = arith.constant 16 : i32
        %mul3A_279 = arith.muli %add3A_247, %mul3A_278 : i32
        %add3A_280 = arith.addi %mul3A_279, %while3A_276 : i32
        %get3A_281 = arith.index_cast %add3A_280 : i32 to index
        %get3A_282 = tpu.vector_load %arg7[%get3A_281] {strides = array<i32>} : memref<20016xi32, #tpu.memory_space<vmem>>, vector<16xi32>,
        %slice3A = vector.extract_strided_slice %get3A_282 {offsets = [0], sizes = [1], strides = [1]} : vector<16xi32> to vector<1xi32>
        %squeeze3A = vector.extract %slice3A[0] : i32 from vector<1xi32>
        %and3A_283 = arith.constant 127 : i32
        %and3A_284 = arith.andi %squeeze3A, %and3A_283 : i32
        %sub3A_285 = arith.constant 1 : i32
        %sub3A_286 = arith.subi %and3A_284, %sub3A_285 : i32
        %shift_right_arithmetic3A_287 = arith.constant 4 : i32
        %shift_right_arithmetic3A_288 = arith.shrsi %sub3A_286, %shift_right_arithmetic3A_287 : i32
        %get3A_289 = arith.index_cast %shift_right_arithmetic3A_288 : i32 to index
        %get3A_290 = memref.load %arg18[%get3A_289] : memref<16xi32, #tpu.memory_space<smem>>
        %lt3A = arith.constant 100 : i32
        %lt3A_291 = arith.cmpi slt, %get3A_290, %lt3A : i32
        %convert_element_type3A = arith.extui %lt3A_291 : i1 to i32
        %cond3A = arith.constant 0 : i32
        %cond3A_292 = arith.cmpi ne, %convert_element_type3A, %cond3A : i32
        scf.if %cond3A_292 {
          %broadcast_in_dim3A_294 = vector.broadcast %while3A_276 : i32 to vector<16xi32>
          %gather3A = tpu.vector_load_idx %arg15[%broadcast_in_dim3A_294, %and3A_216] : memref<16x128xf32, #tpu.memory_space<vmem>>[vector<16xi32>, vector<16xi32>], vector<16xf32>,
          %slice3A_295 = vector.extract_strided_slice %gather3A {offsets = [0], sizes = [1], strides = [1]} : vector<16xf32> to vector<1xf32>
          %squeeze3A_296 = vector.extract %slice3A_295[0] : f32 from vector<1xf32>
          %slice3A_297 = vector.extract_strided_slice %gather3A {offsets = [1], sizes = [1], strides = [1]} : vector<16xf32> to vector<1xf32>
          %squeeze3A_298 = vector.extract %slice3A_297[0] : f32 from vector<1xf32>
          %slice3A_299 = vector.extract_strided_slice %gather3A {offsets = [2], sizes = [1], strides = [1]} : vector<16xf32> to vector<1xf32>
          %squeeze3A_300 = vector.extract %slice3A_299[0] : f32 from vector<1xf32>
          %slice3A_301 = vector.extract_strided_slice %gather3A {offsets = [3], sizes = [1], strides = [1]} : vector<16xf32> to vector<1xf32>
          %squeeze3A_302 = vector.extract %slice3A_301[0] : f32 from vector<1xf32>
          %sub3A_303 = arith.subf %squeeze3A_300, %squeeze3A_296 : f32
          %sub3A_304 = arith.subf %squeeze3A_302, %squeeze3A_298 : f32
          %mul3A_305 = arith.mulf %sub3A_303, %sub3A_304 : f32
          %add3A_306 = arith.constant 15 : i32
          %add3A_307 = arith.addi %get3A_290, %add3A_306 : i32
          %shift_right_arithmetic3A_308 = arith.constant 4 : i32
          %shift_right_arithmetic3A_309 = arith.shrsi %add3A_307, %shift_right_arithmetic3A_308 : i32
          %while3A_310 = arith.constant 0 : i32
          %while3A_311 = arith.constant false
          %while3A_312 = arith.subi %shift_right_arithmetic3A_309, %while3A_310 : i32
          %while3A_313 = arith.addi %while3A_310, %while3A_312 : i32
          %while3A_314 = arith.constant 1 : i32
          %while3A_315 = arith.divsi %while3A_312, %while3A_314 : i32
          %while3A_316 = arith.muli %while3A_315, %while3A_314 : i32
          %while3A_317 = arith.addi %while3A_310, %while3A_316 : i32
          %while3A_318 = arith.constant 1 : i32
          %while3A_319 = scf.for %while3A_326 = %while3A_310 to %while3A_317 step %while3A_318 iter_args(%while3A_327 = %while3A_311) -> (i1)  : i32 {
            %mul3A_328 = arith.constant 112 : i32
            %mul3A_329 = arith.muli %shift_right_arithmetic3A_288, %mul3A_328 : i32
            %mul3A_330 = arith.constant 16 : i32
            %mul3A_331 = arith.muli %while3A_326, %mul3A_330 : i32
            %add3A_332 = arith.addi %mul3A_329, %mul3A_331 : i32
            %get3A_333 = arith.index_cast %add3A_332 : i32 to index
            %get3A_334 = tpu.vector_load %arg13[%get3A_333] {strides = array<i32>} : memref<2256xf32, #tpu.memory_space<vmem>>, vector<16xf32>,
            %add3A_335 = arith.constant 560 : i32
            %add3A_336 = arith.addi %add3A_335, %add3A_332 : i32
            %get3A_337 = arith.index_cast %add3A_336 : i32 to index
            %get3A_338 = tpu.vector_load %arg13[%get3A_337] {strides = array<i32>} : memref<2256xf32, #tpu.memory_space<vmem>>, vector<16xf32>,
            %add3A_339 = arith.constant 1120 : i32
            %add3A_340 = arith.addi %add3A_339, %add3A_332 : i32
            %get3A_341 = arith.index_cast %add3A_340 : i32 to index
            %get3A_342 = tpu.vector_load %arg13[%get3A_341] {strides = array<i32>} : memref<2256xf32, #tpu.memory_space<vmem>>, vector<16xf32>,
            %add3A_343 = arith.constant 1680 : i32
            %add3A_344 = arith.addi %add3A_343, %add3A_332 : i32
            %get3A_345 = arith.index_cast %add3A_344 : i32 to index
            %get3A_346 = tpu.vector_load %arg13[%get3A_345] {strides = array<i32>} : memref<2256xf32, #tpu.memory_space<vmem>>, vector<16xf32>,
            %get3A_347 = arith.index_cast %add3A_332 : i32 to index
            %get3A_348 = tpu.vector_load %arg14[%get3A_347] {strides = array<i32>} : memref<576xf32, #tpu.memory_space<vmem>>, vector<16xf32>,
            %max3A = vector.broadcast %squeeze3A_296 : f32 to vector<16xf32>
            %max3A_349 = arith.maximumf %max3A, %get3A_334 : vector<16xf32>
            %max3A_350 = vector.broadcast %squeeze3A_298 : f32 to vector<16xf32>
            %max3A_351 = arith.maximumf %max3A_350, %get3A_338 : vector<16xf32>
            %min3A_352 = vector.broadcast %squeeze3A_300 : f32 to vector<16xf32>
            %min3A_353 = arith.minimumf %min3A_352, %get3A_342 : vector<16xf32>
            %min3A_354 = vector.broadcast %squeeze3A_302 : f32 to vector<16xf32>
            %min3A_355 = arith.minimumf %min3A_354, %get3A_346 : vector<16xf32>
            %sub3A_356 = arith.subf %min3A_353, %max3A_349 : vector<16xf32>
            %max3A_357 = arith.constant 0.000000e+00 : f32
            %max3A_358 = vector.broadcast %max3A_357 : f32 to vector<16xf32>
            %max3A_359 = arith.maximumf %max3A_358, %sub3A_356 : vector<16xf32>
            %sub3A_360 = arith.subf %min3A_355, %max3A_351 : vector<16xf32>
            %max3A_361 = arith.constant 0.000000e+00 : f32
            %max3A_362 = vector.broadcast %max3A_361 : f32 to vector<16xf32>
            %max3A_363 = arith.maximumf %max3A_362, %sub3A_360 : vector<16xf32>
            %mul3A_364 = arith.mulf %max3A_359, %max3A_363 : vector<16xf32>
            %add3A_365 = vector.broadcast %mul3A_305 : f32 to vector<16xf32>
            %add3A_366 = arith.addf %add3A_365, %get3A_348 : vector<16xf32>
            %sub3A_367 = arith.subf %add3A_366, %mul3A_364 : vector<16xf32>
            %max3A_368 = arith.constant 9.99999996E-13 : f32
            %max3A_369 = vector.broadcast %max3A_368 : f32 to vector<16xf32>
            %max3A_370 = arith.maximumf %sub3A_367, %max3A_369 : vector<16xf32>
            %div3A_371 = arith.divf %mul3A_364, %max3A_370 : vector<16xf32>
            %gt3A = arith.constant 3.000000e-01 : f32
            %gt3A_372 = vector.broadcast %gt3A : f32 to vector<16xf32>
            %gt3A_373 = arith.cmpf ogt, %div3A_371, %gt3A_372 : vector<16xf32>
            %reduce_or3A = arith.constant 1.000000e+00 : f32
            %reduce_or3A_374 = arith.constant 0.000000e+00 : f32
            %reduce_or3A_375 = vector.broadcast %reduce_or3A : f32 to vector<16xf32>
            %reduce_or3A_376 = vector.broadcast %reduce_or3A_374 : f32 to vector<16xf32>
            %reduce_or3A_377 = arith.select %gt3A_373, %reduce_or3A_375, %reduce_or3A_376 : vector<16xi1>, vector<16xf32>
            %reduce_or3A_378 = arith.constant true
            %reduce_or3A_379 = vector.broadcast %reduce_or3A_378 : i1 to vector<16xi1>
            %reduce_or3A_380 = tpu.scan <max>, %reduce_or3A_377 masked %reduce_or3A_379 : vector<16xf32>, vector<16xi1> -> vector<16xf32>
            %reduce_or3A_381 = vector.extract %reduce_or3A_380[15] : f32 from vector<16xf32>
            %reduce_or3A_382 = arith.constant 0.000000e+00 : f32
            %reduce_or3A_383 = arith.cmpf ogt, %reduce_or3A_381, %reduce_or3A_382 : f32
            %or3A = arith.ori %while3A_327, %reduce_or3A_383 : i1
            scf.yield %or3A : i1
          }
          %while3A_320 = arith.constant 1 : i32
          %while3A_321 = scf.for %while3A_326 = %while3A_317 to %while3A_313 step %while3A_320 iter_args(%while3A_327 = %while3A_319) -> (i1)  : i32 {
            %mul3A_328 = arith.constant 112 : i32
            %mul3A_329 = arith.muli %shift_right_arithmetic3A_288, %mul3A_328 : i32
            %mul3A_330 = arith.constant 16 : i32
            %mul3A_331 = arith.muli %while3A_326, %mul3A_330 : i32
            %add3A_332 = arith.addi %mul3A_329, %mul3A_331 : i32
            %get3A_333 = arith.index_cast %add3A_332 : i32 to index
            %get3A_334 = tpu.vector_load %arg13[%get3A_333] {strides = array<i32>} : memref<2256xf32, #tpu.memory_space<vmem>>, vector<16xf32>,
            %add3A_335 = arith.constant 560 : i32
            %add3A_336 = arith.addi %add3A_335, %add3A_332 : i32
            %get3A_337 = arith.index_cast %add3A_336 : i32 to index
            %get3A_338 = tpu.vector_load %arg13[%get3A_337] {strides = array<i32>} : memref<2256xf32, #tpu.memory_space<vmem>>, vector<16xf32>,
            %add3A_339 = arith.constant 1120 : i32
            %add3A_340 = arith.addi %add3A_339, %add3A_332 : i32
            %get3A_341 = arith.index_cast %add3A_340 : i32 to index
            %get3A_342 = tpu.vector_load %arg13[%get3A_341] {strides = array<i32>} : memref<2256xf32, #tpu.memory_space<vmem>>, vector<16xf32>,
            %add3A_343 = arith.constant 1680 : i32
            %add3A_344 = arith.addi %add3A_343, %add3A_332 : i32
            %get3A_345 = arith.index_cast %add3A_344 : i32 to index
            %get3A_346 = tpu.vector_load %arg13[%get3A_345] {strides = array<i32>} : memref<2256xf32, #tpu.memory_space<vmem>>, vector<16xf32>,
            %get3A_347 = arith.index_cast %add3A_332 : i32 to index
            %get3A_348 = tpu.vector_load %arg14[%get3A_347] {strides = array<i32>} : memref<576xf32, #tpu.memory_space<vmem>>, vector<16xf32>,
            %max3A = vector.broadcast %squeeze3A_296 : f32 to vector<16xf32>
            %max3A_349 = arith.maximumf %max3A, %get3A_334 : vector<16xf32>
            %max3A_350 = vector.broadcast %squeeze3A_298 : f32 to vector<16xf32>
            %max3A_351 = arith.maximumf %max3A_350, %get3A_338 : vector<16xf32>
            %min3A_352 = vector.broadcast %squeeze3A_300 : f32 to vector<16xf32>
            %min3A_353 = arith.minimumf %min3A_352, %get3A_342 : vector<16xf32>
            %min3A_354 = vector.broadcast %squeeze3A_302 : f32 to vector<16xf32>
            %min3A_355 = arith.minimumf %min3A_354, %get3A_346 : vector<16xf32>
            %sub3A_356 = arith.subf %min3A_353, %max3A_349 : vector<16xf32>
            %max3A_357 = arith.constant 0.000000e+00 : f32
            %max3A_358 = vector.broadcast %max3A_357 : f32 to vector<16xf32>
            %max3A_359 = arith.maximumf %max3A_358, %sub3A_356 : vector<16xf32>
            %sub3A_360 = arith.subf %min3A_355, %max3A_351 : vector<16xf32>
            %max3A_361 = arith.constant 0.000000e+00 : f32
            %max3A_362 = vector.broadcast %max3A_361 : f32 to vector<16xf32>
            %max3A_363 = arith.maximumf %max3A_362, %sub3A_360 : vector<16xf32>
            %mul3A_364 = arith.mulf %max3A_359, %max3A_363 : vector<16xf32>
            %add3A_365 = vector.broadcast %mul3A_305 : f32 to vector<16xf32>
            %add3A_366 = arith.addf %add3A_365, %get3A_348 : vector<16xf32>
            %sub3A_367 = arith.subf %add3A_366, %mul3A_364 : vector<16xf32>
            %max3A_368 = arith.constant 9.99999996E-13 : f32
            %max3A_369 = vector.broadcast %max3A_368 : f32 to vector<16xf32>
            %max3A_370 = arith.maximumf %sub3A_367, %max3A_369 : vector<16xf32>
            %div3A_371 = arith.divf %mul3A_364, %max3A_370 : vector<16xf32>
            %gt3A = arith.constant 3.000000e-01 : f32
            %gt3A_372 = vector.broadcast %gt3A : f32 to vector<16xf32>
            %gt3A_373 = arith.cmpf ogt, %div3A_371, %gt3A_372 : vector<16xf32>
            %reduce_or3A = arith.constant 1.000000e+00 : f32
            %reduce_or3A_374 = arith.constant 0.000000e+00 : f32
            %reduce_or3A_375 = vector.broadcast %reduce_or3A : f32 to vector<16xf32>
            %reduce_or3A_376 = vector.broadcast %reduce_or3A_374 : f32 to vector<16xf32>
            %reduce_or3A_377 = arith.select %gt3A_373, %reduce_or3A_375, %reduce_or3A_376 : vector<16xi1>, vector<16xf32>
            %reduce_or3A_378 = arith.constant true
            %reduce_or3A_379 = vector.broadcast %reduce_or3A_378 : i1 to vector<16xi1>
            %reduce_or3A_380 = tpu.scan <max>, %reduce_or3A_377 masked %reduce_or3A_379 : vector<16xf32>, vector<16xi1> -> vector<16xf32>
            %reduce_or3A_381 = vector.extract %reduce_or3A_380[15] : f32 from vector<16xf32>
            %reduce_or3A_382 = arith.constant 0.000000e+00 : f32
            %reduce_or3A_383 = arith.cmpf ogt, %reduce_or3A_381, %reduce_or3A_382 : f32
            %or3A = arith.ori %while3A_327, %reduce_or3A_383 : i1
            scf.yield %or3A : i1
          }
          %not3A = arith.constant true
          %not3A_322 = arith.xori %while3A_321, %not3A : i1
          %convert_element_type3A_323 = arith.extui %not3A_322 : i1 to i32
          %cond3A_324 = arith.constant 0 : i32
          %cond3A_325 = arith.cmpi ne, %convert_element_type3A_323, %cond3A_324 : i32
          scf.if %cond3A_325 {
            %mul3A_326 = arith.constant 112 : i32
            %mul3A_327 = arith.muli %shift_right_arithmetic3A_288, %mul3A_326 : i32
            %add3A_328 = arith.addi %mul3A_327, %get3A_290 : i32
            %broadcast_in_dim3A_329 = vector.broadcast %squeeze3A_296 : f32 to vector<16xf32>
            %swap3A_330 = arith.index_cast %add3A_328 : i32 to index
            %swap3A_331 = tpu.vector_load %arg13[%swap3A_330] masked %eq3A_4 {strides = array<i32>} : memref<2256xf32, #tpu.memory_space<vmem>>, vector<16xf32>, vector<16xi1>
            tpu.vector_store %arg13[%swap3A_330], %broadcast_in_dim3A_329 masked %eq3A_4 {strides = array<i32>} : memref<2256xf32, #tpu.memory_space<vmem>>, vector<16xf32>, vector<16xi1>
            %add3A_332 = arith.constant 560 : i32
            %add3A_333 = arith.addi %add3A_332, %add3A_328 : i32
            %broadcast_in_dim3A_334 = vector.broadcast %squeeze3A_298 : f32 to vector<16xf32>
            %swap3A_335 = arith.index_cast %add3A_333 : i32 to index
            %swap3A_336 = tpu.vector_load %arg13[%swap3A_335] masked %eq3A_4 {strides = array<i32>} : memref<2256xf32, #tpu.memory_space<vmem>>, vector<16xf32>, vector<16xi1>
            tpu.vector_store %arg13[%swap3A_335], %broadcast_in_dim3A_334 masked %eq3A_4 {strides = array<i32>} : memref<2256xf32, #tpu.memory_space<vmem>>, vector<16xf32>, vector<16xi1>
            %add3A_337 = arith.constant 1120 : i32
            %add3A_338 = arith.addi %add3A_337, %add3A_328 : i32
            %broadcast_in_dim3A_339 = vector.broadcast %squeeze3A_300 : f32 to vector<16xf32>
            %swap3A_340 = arith.index_cast %add3A_338 : i32 to index
            %swap3A_341 = tpu.vector_load %arg13[%swap3A_340] masked %eq3A_4 {strides = array<i32>} : memref<2256xf32, #tpu.memory_space<vmem>>, vector<16xf32>, vector<16xi1>
            tpu.vector_store %arg13[%swap3A_340], %broadcast_in_dim3A_339 masked %eq3A_4 {strides = array<i32>} : memref<2256xf32, #tpu.memory_space<vmem>>, vector<16xf32>, vector<16xi1>
            %add3A_342 = arith.constant 1680 : i32
            %add3A_343 = arith.addi %add3A_342, %add3A_328 : i32
            %broadcast_in_dim3A_344 = vector.broadcast %squeeze3A_302 : f32 to vector<16xf32>
            %swap3A_345 = arith.index_cast %add3A_343 : i32 to index
            %swap3A_346 = tpu.vector_load %arg13[%swap3A_345] masked %eq3A_4 {strides = array<i32>} : memref<2256xf32, #tpu.memory_space<vmem>>, vector<16xf32>, vector<16xi1>
            tpu.vector_store %arg13[%swap3A_345], %broadcast_in_dim3A_344 masked %eq3A_4 {strides = array<i32>} : memref<2256xf32, #tpu.memory_space<vmem>>, vector<16xf32>, vector<16xi1>
            %broadcast_in_dim3A_347 = vector.broadcast %mul3A_305 : f32 to vector<16xf32>
            %swap3A_348 = arith.index_cast %add3A_328 : i32 to index
            %swap3A_349 = tpu.vector_load %arg14[%swap3A_348] masked %eq3A_4 {strides = array<i32>} : memref<576xf32, #tpu.memory_space<vmem>>, vector<16xf32>, vector<16xi1>
            tpu.vector_store %arg14[%swap3A_348], %broadcast_in_dim3A_347 masked %eq3A_4 {strides = array<i32>} : memref<576xf32, #tpu.memory_space<vmem>>, vector<16xf32>, vector<16xi1>
            %add3A_350 = arith.constant 1 : i32
            %add3A_351 = arith.addi %get3A_290, %add3A_350 : i32
            %swap3A_352 = arith.index_cast %shift_right_arithmetic3A_288 : i32 to index
            %swap3A_353 = memref.load %arg18[%swap3A_352] : memref<16xi32, #tpu.memory_space<smem>>
            memref.store %add3A_351, %arg18[%swap3A_352] : memref<16xi32, #tpu.memory_space<smem>>
            %get3A_354 = arith.constant 6 : i32
            %get3A_355 = arith.index_cast %get3A_354 : i32 to index
            %get3A_356 = memref.load %arg18[%get3A_355] : memref<16xi32, #tpu.memory_space<smem>>
            %add3A_357 = arith.constant 8 : i32
            %add3A_358 = arith.addi %add3A_357, %get3A_356 : i32
            %get3A_359 = arith.index_cast %add3A_280 : i32 to index
            %get3A_360 = tpu.vector_load %arg6[%get3A_359] {strides = array<i32>} : memref<20016xi32, #tpu.memory_space<vmem>>, vector<16xi32>,
            %slice3A_361 = vector.extract_strided_slice %get3A_360 {offsets = [0], sizes = [1], strides = [1]} : vector<16xi32> to vector<1xi32>
            %squeeze3A_362 = vector.extract %slice3A_361[0] : i32 from vector<1xi32>
            %broadcast_in_dim3A_363 = vector.broadcast %squeeze3A_362 : i32 to vector<16xi32>
            %swap3A_364 = arith.index_cast %add3A_358 : i32 to index
            %swap3A_365 = tpu.vector_load %arg17[%swap3A_364] masked %eq3A_4 {strides = array<i32>} : memref<1168xi32, #tpu.memory_space<vmem>>, vector<16xi32>, vector<16xi1>
            tpu.vector_store %arg17[%swap3A_364], %broadcast_in_dim3A_363 masked %eq3A_4 {strides = array<i32>} : memref<1168xi32, #tpu.memory_space<vmem>>, vector<16xi32>, vector<16xi1>
            %add3A_366 = arith.constant 584 : i32
            %add3A_367 = arith.addi %add3A_366, %get3A_356 : i32
            %broadcast_in_dim3A_368 = vector.broadcast %squeeze3A : i32 to vector<16xi32>
            %swap3A_369 = arith.index_cast %add3A_367 : i32 to index
            %swap3A_370 = tpu.vector_load %arg17[%swap3A_369] masked %eq3A_4 {strides = array<i32>} : memref<1168xi32, #tpu.memory_space<vmem>>, vector<16xi32>, vector<16xi1>
            tpu.vector_store %arg17[%swap3A_369], %broadcast_in_dim3A_368 masked %eq3A_4 {strides = array<i32>} : memref<1168xi32, #tpu.memory_space<vmem>>, vector<16xi32>, vector<16xi1>
            %add3A_371 = arith.constant 1 : i32
            %add3A_372 = arith.addi %get3A_356, %add3A_371 : i32
            %swap3A_373 = arith.constant 6 : i32
            %swap3A_374 = arith.index_cast %swap3A_373 : i32 to index
            %swap3A_375 = memref.load %arg18[%swap3A_374] : memref<16xi32, #tpu.memory_space<smem>>
            memref.store %add3A_372, %arg18[%swap3A_374] : memref<16xi32, #tpu.memory_space<smem>>
          } else {
          }
        } else {
        }
        %while3A_293 = arith.constant 0 : i32
        scf.yield %while3A_293 : i32
      }
    }
    %while3A_237 = arith.constant 1 : i32
    scf.for %while3A_245 = %while3A_235 to %while3A_231 step %while3A_237  : i32 {
      %mul3A_246 = arith.muli %while3A_245, %while3A_227 : i32
      %add3A_247 = arith.addi %while3A_228, %mul3A_246 : i32
      %mul3A_248 = arith.constant 16 : i32
      %mul3A_249 = arith.muli %add3A_247, %mul3A_248 : i32
      %get3A_250 = arith.index_cast %mul3A_249 : i32 to index
      %get3A_251 = tpu.vector_load %arg7[%get3A_250] {strides = array<i32>} : memref<20016xi32, #tpu.memory_space<vmem>>, vector<16xi32>,
      %shift_right_logical3A = arith.constant 7 : i32
      %shift_right_logical3A_252 = vector.broadcast %shift_right_logical3A : i32 to vector<16xi32>
      %shift_right_logical3A_253 = arith.shrui %get3A_251, %shift_right_logical3A_252 : vector<16xi32>
      %swap3A_254 = arith.constant 0 : index
      %swap3A_255 = tpu.vector_load %arg16[%swap3A_254] {strides = array<i32>} : memref<16xi32, #tpu.memory_space<vmem>>, vector<16xi32>,
      tpu.vector_store %arg16[%swap3A_254], %shift_right_logical3A_253 {strides = array<i32>} : memref<16xi32, #tpu.memory_space<vmem>>, vector<16xi32>,
      %dma_start3A = arith.constant 0 : i32
      %dma_start3A_256 = arith.constant 0 : i32
      %dma_start3A_257 = tpu.memref_slice %arg4[%dma_start3A, %dma_start3A_256] : memref<20000x128xf32, #tpu.memory_space<hbm>> -> memref<20000x128xf32, #tpu.memory_space<hbm>>
      tpu.enqueue_indirect_dma source(%dma_start3A_257 : memref<20000x128xf32, #tpu.memory_space<hbm>>) target(%arg15 : memref<16x128xf32, #tpu.memory_space<vmem>>) offsets(%arg16 : memref<16xi32, #tpu.memory_space<vmem>>) semaphore(%arg19 : memref<!tpu.dma_semaphore, #tpu.memory_space<semaphore_mem>>)
      %dma_wait3A = arith.constant 0 : i32
      %dma_wait3A_258 = arith.constant 0 : i32
      %dma_wait3A_259 = tpu.memref_slice %arg4[%dma_wait3A, %dma_wait3A_258] : memref<20000x128xf32, #tpu.memory_space<hbm>> -> memref<20000x128xf32, #tpu.memory_space<hbm>>
      tpu.wait_indirect_dma semaphore(%arg19 : memref<!tpu.dma_semaphore, #tpu.memory_space<semaphore_mem>>) src(%dma_wait3A_259 : memref<20000x128xf32, #tpu.memory_space<hbm>>) dst(%arg15 : memref<16x128xf32, #tpu.memory_space<vmem>>)
      %mul3A_260 = arith.constant 16 : i32
      %mul3A_261 = arith.muli %add3A_247, %mul3A_260 : i32
      %sub3A_262 = arith.subi %scan3A_32, %mul3A_261 : i32
      %min3A = arith.constant 16 : i32
      %min3A_263 = arith.minsi %min3A, %sub3A_262 : i32
      %while3A_264 = arith.constant 0 : i32
      %while3A_265 = arith.constant 0 : i32
      %while3A_266 = arith.subi %min3A_263, %while3A_264 : i32
      %while3A_267 = arith.addi %while3A_264, %while3A_266 : i32
      %while3A_268 = arith.constant 1 : i32
      %while3A_269 = arith.divsi %while3A_266, %while3A_268 : i32
      %while3A_270 = arith.muli %while3A_269, %while3A_268 : i32
      %while3A_271 = arith.addi %while3A_264, %while3A_270 : i32
      %while3A_272 = arith.constant 1 : i32
      %while3A_273 = scf.for %while3A_276 = %while3A_264 to %while3A_271 step %while3A_272 iter_args(%while3A_277 = %while3A_265) -> (i32)  : i32 {
        %mul3A_278 = arith.constant 16 : i32
        %mul3A_279 = arith.muli %add3A_247, %mul3A_278 : i32
        %add3A_280 = arith.addi %mul3A_279, %while3A_276 : i32
        %get3A_281 = arith.index_cast %add3A_280 : i32 to index
        %get3A_282 = tpu.vector_load %arg7[%get3A_281] {strides = array<i32>} : memref<20016xi32, #tpu.memory_space<vmem>>, vector<16xi32>,
        %slice3A = vector.extract_strided_slice %get3A_282 {offsets = [0], sizes = [1], strides = [1]} : vector<16xi32> to vector<1xi32>
        %squeeze3A = vector.extract %slice3A[0] : i32 from vector<1xi32>
        %and3A_283 = arith.constant 127 : i32
        %and3A_284 = arith.andi %squeeze3A, %and3A_283 : i32
        %sub3A_285 = arith.constant 1 : i32
        %sub3A_286 = arith.subi %and3A_284, %sub3A_285 : i32
        %shift_right_arithmetic3A_287 = arith.constant 4 : i32
        %shift_right_arithmetic3A_288 = arith.shrsi %sub3A_286, %shift_right_arithmetic3A_287 : i32
        %get3A_289 = arith.index_cast %shift_right_arithmetic3A_288 : i32 to index
        %get3A_290 = memref.load %arg18[%get3A_289] : memref<16xi32, #tpu.memory_space<smem>>
        %lt3A = arith.constant 100 : i32
        %lt3A_291 = arith.cmpi slt, %get3A_290, %lt3A : i32
        %convert_element_type3A = arith.extui %lt3A_291 : i1 to i32
        %cond3A = arith.constant 0 : i32
        %cond3A_292 = arith.cmpi ne, %convert_element_type3A, %cond3A : i32
        scf.if %cond3A_292 {
          %broadcast_in_dim3A_294 = vector.broadcast %while3A_276 : i32 to vector<16xi32>
          %gather3A = tpu.vector_load_idx %arg15[%broadcast_in_dim3A_294, %and3A_216] : memref<16x128xf32, #tpu.memory_space<vmem>>[vector<16xi32>, vector<16xi32>], vector<16xf32>,
          %slice3A_295 = vector.extract_strided_slice %gather3A {offsets = [0], sizes = [1], strides = [1]} : vector<16xf32> to vector<1xf32>
          %squeeze3A_296 = vector.extract %slice3A_295[0] : f32 from vector<1xf32>
          %slice3A_297 = vector.extract_strided_slice %gather3A {offsets = [1], sizes = [1], strides = [1]} : vector<16xf32> to vector<1xf32>
          %squeeze3A_298 = vector.extract %slice3A_297[0] : f32 from vector<1xf32>
          %slice3A_299 = vector.extract_strided_slice %gather3A {offsets = [2], sizes = [1], strides = [1]} : vector<16xf32> to vector<1xf32>
          %squeeze3A_300 = vector.extract %slice3A_299[0] : f32 from vector<1xf32>
          %slice3A_301 = vector.extract_strided_slice %gather3A {offsets = [3], sizes = [1], strides = [1]} : vector<16xf32> to vector<1xf32>
          %squeeze3A_302 = vector.extract %slice3A_301[0] : f32 from vector<1xf32>
          %sub3A_303 = arith.subf %squeeze3A_300, %squeeze3A_296 : f32
          %sub3A_304 = arith.subf %squeeze3A_302, %squeeze3A_298 : f32
          %mul3A_305 = arith.mulf %sub3A_303, %sub3A_304 : f32
          %add3A_306 = arith.constant 15 : i32
          %add3A_307 = arith.addi %get3A_290, %add3A_306 : i32
          %shift_right_arithmetic3A_308 = arith.constant 4 : i32
          %shift_right_arithmetic3A_309 = arith.shrsi %add3A_307, %shift_right_arithmetic3A_308 : i32
          %while3A_310 = arith.constant 0 : i32
          %while3A_311 = arith.constant false
          %while3A_312 = arith.subi %shift_right_arithmetic3A_309, %while3A_310 : i32
          %while3A_313 = arith.addi %while3A_310, %while3A_312 : i32
          %while3A_314 = arith.constant 1 : i32
          %while3A_315 = arith.divsi %while3A_312, %while3A_314 : i32
          %while3A_316 = arith.muli %while3A_315, %while3A_314 : i32
          %while3A_317 = arith.addi %while3A_310, %while3A_316 : i32
          %while3A_318 = arith.constant 1 : i32
          %while3A_319 = scf.for %while3A_326 = %while3A_310 to %while3A_317 step %while3A_318 iter_args(%while3A_327 = %while3A_311) -> (i1)  : i32 {
            %mul3A_328 = arith.constant 112 : i32
            %mul3A_329 = arith.muli %shift_right_arithmetic3A_288, %mul3A_328 : i32
            %mul3A_330 = arith.constant 16 : i32
            %mul3A_331 = arith.muli %while3A_326, %mul3A_330 : i32
            %add3A_332 = arith.addi %mul3A_329, %mul3A_331 : i32
            %get3A_333 = arith.index_cast %add3A_332 : i32 to index
            %get3A_334 = tpu.vector_load %arg13[%get3A_333] {strides = array<i32>} : memref<2256xf32, #tpu.memory_space<vmem>>, vector<16xf32>,
            %add3A_335 = arith.constant 560 : i32
            %add3A_336 = arith.addi %add3A_335, %add3A_332 : i32
            %get3A_337 = arith.index_cast %add3A_336 : i32 to index
            %get3A_338 = tpu.vector_load %arg13[%get3A_337] {strides = array<i32>} : memref<2256xf32, #tpu.memory_space<vmem>>, vector<16xf32>,
            %add3A_339 = arith.constant 1120 : i32
            %add3A_340 = arith.addi %add3A_339, %add3A_332 : i32
            %get3A_341 = arith.index_cast %add3A_340 : i32 to index
            %get3A_342 = tpu.vector_load %arg13[%get3A_341] {strides = array<i32>} : memref<2256xf32, #tpu.memory_space<vmem>>, vector<16xf32>,
            %add3A_343 = arith.constant 1680 : i32
            %add3A_344 = arith.addi %add3A_343, %add3A_332 : i32
            %get3A_345 = arith.index_cast %add3A_344 : i32 to index
            %get3A_346 = tpu.vector_load %arg13[%get3A_345] {strides = array<i32>} : memref<2256xf32, #tpu.memory_space<vmem>>, vector<16xf32>,
            %get3A_347 = arith.index_cast %add3A_332 : i32 to index
            %get3A_348 = tpu.vector_load %arg14[%get3A_347] {strides = array<i32>} : memref<576xf32, #tpu.memory_space<vmem>>, vector<16xf32>,
            %max3A = vector.broadcast %squeeze3A_296 : f32 to vector<16xf32>
            %max3A_349 = arith.maximumf %max3A, %get3A_334 : vector<16xf32>
            %max3A_350 = vector.broadcast %squeeze3A_298 : f32 to vector<16xf32>
            %max3A_351 = arith.maximumf %max3A_350, %get3A_338 : vector<16xf32>
            %min3A_352 = vector.broadcast %squeeze3A_300 : f32 to vector<16xf32>
            %min3A_353 = arith.minimumf %min3A_352, %get3A_342 : vector<16xf32>
            %min3A_354 = vector.broadcast %squeeze3A_302 : f32 to vector<16xf32>
            %min3A_355 = arith.minimumf %min3A_354, %get3A_346 : vector<16xf32>
            %sub3A_356 = arith.subf %min3A_353, %max3A_349 : vector<16xf32>
            %max3A_357 = arith.constant 0.000000e+00 : f32
            %max3A_358 = vector.broadcast %max3A_357 : f32 to vector<16xf32>
            %max3A_359 = arith.maximumf %max3A_358, %sub3A_356 : vector<16xf32>
            %sub3A_360 = arith.subf %min3A_355, %max3A_351 : vector<16xf32>
            %max3A_361 = arith.constant 0.000000e+00 : f32
            %max3A_362 = vector.broadcast %max3A_361 : f32 to vector<16xf32>
            %max3A_363 = arith.maximumf %max3A_362, %sub3A_360 : vector<16xf32>
            %mul3A_364 = arith.mulf %max3A_359, %max3A_363 : vector<16xf32>
            %add3A_365 = vector.broadcast %mul3A_305 : f32 to vector<16xf32>
            %add3A_366 = arith.addf %add3A_365, %get3A_348 : vector<16xf32>
            %sub3A_367 = arith.subf %add3A_366, %mul3A_364 : vector<16xf32>
            %max3A_368 = arith.constant 9.99999996E-13 : f32
            %max3A_369 = vector.broadcast %max3A_368 : f32 to vector<16xf32>
            %max3A_370 = arith.maximumf %sub3A_367, %max3A_369 : vector<16xf32>
            %div3A_371 = arith.divf %mul3A_364, %max3A_370 : vector<16xf32>
            %gt3A = arith.constant 3.000000e-01 : f32
            %gt3A_372 = vector.broadcast %gt3A : f32 to vector<16xf32>
            %gt3A_373 = arith.cmpf ogt, %div3A_371, %gt3A_372 : vector<16xf32>
            %reduce_or3A = arith.constant 1.000000e+00 : f32
            %reduce_or3A_374 = arith.constant 0.000000e+00 : f32
            %reduce_or3A_375 = vector.broadcast %reduce_or3A : f32 to vector<16xf32>
            %reduce_or3A_376 = vector.broadcast %reduce_or3A_374 : f32 to vector<16xf32>
            %reduce_or3A_377 = arith.select %gt3A_373, %reduce_or3A_375, %reduce_or3A_376 : vector<16xi1>, vector<16xf32>
            %reduce_or3A_378 = arith.constant true
            %reduce_or3A_379 = vector.broadcast %reduce_or3A_378 : i1 to vector<16xi1>
            %reduce_or3A_380 = tpu.scan <max>, %reduce_or3A_377 masked %reduce_or3A_379 : vector<16xf32>, vector<16xi1> -> vector<16xf32>
            %reduce_or3A_381 = vector.extract %reduce_or3A_380[15] : f32 from vector<16xf32>
            %reduce_or3A_382 = arith.constant 0.000000e+00 : f32
            %reduce_or3A_383 = arith.cmpf ogt, %reduce_or3A_381, %reduce_or3A_382 : f32
            %or3A = arith.ori %while3A_327, %reduce_or3A_383 : i1
            scf.yield %or3A : i1
          }
          %while3A_320 = arith.constant 1 : i32
          %while3A_321 = scf.for %while3A_326 = %while3A_317 to %while3A_313 step %while3A_320 iter_args(%while3A_327 = %while3A_319) -> (i1)  : i32 {
            %mul3A_328 = arith.constant 112 : i32
            %mul3A_329 = arith.muli %shift_right_arithmetic3A_288, %mul3A_328 : i32
            %mul3A_330 = arith.constant 16 : i32
            %mul3A_331 = arith.muli %while3A_326, %mul3A_330 : i32
            %add3A_332 = arith.addi %mul3A_329, %mul3A_331 : i32
            %get3A_333 = arith.index_cast %add3A_332 : i32 to index
            %get3A_334 = tpu.vector_load %arg13[%get3A_333] {strides = array<i32>} : memref<2256xf32, #tpu.memory_space<vmem>>, vector<16xf32>,
            %add3A_335 = arith.constant 560 : i32
            %add3A_336 = arith.addi %add3A_335, %add3A_332 : i32
            %get3A_337 = arith.index_cast %add3A_336 : i32 to index
            %get3A_338 = tpu.vector_load %arg13[%get3A_337] {strides = array<i32>} : memref<2256xf32, #tpu.memory_space<vmem>>, vector<16xf32>,
            %add3A_339 = arith.constant 1120 : i32
            %add3A_340 = arith.addi %add3A_339, %add3A_332 : i32
            %get3A_341 = arith.index_cast %add3A_340 : i32 to index
            %get3A_342 = tpu.vector_load %arg13[%get3A_341] {strides = array<i32>} : memref<2256xf32, #tpu.memory_space<vmem>>, vector<16xf32>,
            %add3A_343 = arith.constant 1680 : i32
            %add3A_344 = arith.addi %add3A_343, %add3A_332 : i32
            %get3A_345 = arith.index_cast %add3A_344 : i32 to index
            %get3A_346 = tpu.vector_load %arg13[%get3A_345] {strides = array<i32>} : memref<2256xf32, #tpu.memory_space<vmem>>, vector<16xf32>,
            %get3A_347 = arith.index_cast %add3A_332 : i32 to index
            %get3A_348 = tpu.vector_load %arg14[%get3A_347] {strides = array<i32>} : memref<576xf32, #tpu.memory_space<vmem>>, vector<16xf32>,
            %max3A = vector.broadcast %squeeze3A_296 : f32 to vector<16xf32>
            %max3A_349 = arith.maximumf %max3A, %get3A_334 : vector<16xf32>
            %max3A_350 = vector.broadcast %squeeze3A_298 : f32 to vector<16xf32>
            %max3A_351 = arith.maximumf %max3A_350, %get3A_338 : vector<16xf32>
            %min3A_352 = vector.broadcast %squeeze3A_300 : f32 to vector<16xf32>
            %min3A_353 = arith.minimumf %min3A_352, %get3A_342 : vector<16xf32>
            %min3A_354 = vector.broadcast %squeeze3A_302 : f32 to vector<16xf32>
            %min3A_355 = arith.minimumf %min3A_354, %get3A_346 : vector<16xf32>
            %sub3A_356 = arith.subf %min3A_353, %max3A_349 : vector<16xf32>
            %max3A_357 = arith.constant 0.000000e+00 : f32
            %max3A_358 = vector.broadcast %max3A_357 : f32 to vector<16xf32>
            %max3A_359 = arith.maximumf %max3A_358, %sub3A_356 : vector<16xf32>
            %sub3A_360 = arith.subf %min3A_355, %max3A_351 : vector<16xf32>
            %max3A_361 = arith.constant 0.000000e+00 : f32
            %max3A_362 = vector.broadcast %max3A_361 : f32 to vector<16xf32>
            %max3A_363 = arith.maximumf %max3A_362, %sub3A_360 : vector<16xf32>
            %mul3A_364 = arith.mulf %max3A_359, %max3A_363 : vector<16xf32>
            %add3A_365 = vector.broadcast %mul3A_305 : f32 to vector<16xf32>
            %add3A_366 = arith.addf %add3A_365, %get3A_348 : vector<16xf32>
            %sub3A_367 = arith.subf %add3A_366, %mul3A_364 : vector<16xf32>
            %max3A_368 = arith.constant 9.99999996E-13 : f32
            %max3A_369 = vector.broadcast %max3A_368 : f32 to vector<16xf32>
            %max3A_370 = arith.maximumf %sub3A_367, %max3A_369 : vector<16xf32>
            %div3A_371 = arith.divf %mul3A_364, %max3A_370 : vector<16xf32>
            %gt3A = arith.constant 3.000000e-01 : f32
            %gt3A_372 = vector.broadcast %gt3A : f32 to vector<16xf32>
            %gt3A_373 = arith.cmpf ogt, %div3A_371, %gt3A_372 : vector<16xf32>
            %reduce_or3A = arith.constant 1.000000e+00 : f32
            %reduce_or3A_374 = arith.constant 0.000000e+00 : f32
            %reduce_or3A_375 = vector.broadcast %reduce_or3A : f32 to vector<16xf32>
            %reduce_or3A_376 = vector.broadcast %reduce_or3A_374 : f32 to vector<16xf32>
            %reduce_or3A_377 = arith.select %gt3A_373, %reduce_or3A_375, %reduce_or3A_376 : vector<16xi1>, vector<16xf32>
            %reduce_or3A_378 = arith.constant true
            %reduce_or3A_379 = vector.broadcast %reduce_or3A_378 : i1 to vector<16xi1>
            %reduce_or3A_380 = tpu.scan <max>, %reduce_or3A_377 masked %reduce_or3A_379 : vector<16xf32>, vector<16xi1> -> vector<16xf32>
            %reduce_or3A_381 = vector.extract %reduce_or3A_380[15] : f32 from vector<16xf32>
            %reduce_or3A_382 = arith.constant 0.000000e+00 : f32
            %reduce_or3A_383 = arith.cmpf ogt, %reduce_or3A_381, %reduce_or3A_382 : f32
            %or3A = arith.ori %while3A_327, %reduce_or3A_383 : i1
            scf.yield %or3A : i1
          }
          %not3A = arith.constant true
          %not3A_322 = arith.xori %while3A_321, %not3A : i1
          %convert_element_type3A_323 = arith.extui %not3A_322 : i1 to i32
          %cond3A_324 = arith.constant 0 : i32
          %cond3A_325 = arith.cmpi ne, %convert_element_type3A_323, %cond3A_324 : i32
          scf.if %cond3A_325 {
            %mul3A_326 = arith.constant 112 : i32
            %mul3A_327 = arith.muli %shift_right_arithmetic3A_288, %mul3A_326 : i32
            %add3A_328 = arith.addi %mul3A_327, %get3A_290 : i32
            %broadcast_in_dim3A_329 = vector.broadcast %squeeze3A_296 : f32 to vector<16xf32>
            %swap3A_330 = arith.index_cast %add3A_328 : i32 to index
            %swap3A_331 = tpu.vector_load %arg13[%swap3A_330] masked %eq3A_4 {strides = array<i32>} : memref<2256xf32, #tpu.memory_space<vmem>>, vector<16xf32>, vector<16xi1>
            tpu.vector_store %arg13[%swap3A_330], %broadcast_in_dim3A_329 masked %eq3A_4 {strides = array<i32>} : memref<2256xf32, #tpu.memory_space<vmem>>, vector<16xf32>, vector<16xi1>
            %add3A_332 = arith.constant 560 : i32
            %add3A_333 = arith.addi %add3A_332, %add3A_328 : i32
            %broadcast_in_dim3A_334 = vector.broadcast %squeeze3A_298 : f32 to vector<16xf32>
            %swap3A_335 = arith.index_cast %add3A_333 : i32 to index
            %swap3A_336 = tpu.vector_load %arg13[%swap3A_335] masked %eq3A_4 {strides = array<i32>} : memref<2256xf32, #tpu.memory_space<vmem>>, vector<16xf32>, vector<16xi1>
            tpu.vector_store %arg13[%swap3A_335], %broadcast_in_dim3A_334 masked %eq3A_4 {strides = array<i32>} : memref<2256xf32, #tpu.memory_space<vmem>>, vector<16xf32>, vector<16xi1>
            %add3A_337 = arith.constant 1120 : i32
            %add3A_338 = arith.addi %add3A_337, %add3A_328 : i32
            %broadcast_in_dim3A_339 = vector.broadcast %squeeze3A_300 : f32 to vector<16xf32>
            %swap3A_340 = arith.index_cast %add3A_338 : i32 to index
            %swap3A_341 = tpu.vector_load %arg13[%swap3A_340] masked %eq3A_4 {strides = array<i32>} : memref<2256xf32, #tpu.memory_space<vmem>>, vector<16xf32>, vector<16xi1>
            tpu.vector_store %arg13[%swap3A_340], %broadcast_in_dim3A_339 masked %eq3A_4 {strides = array<i32>} : memref<2256xf32, #tpu.memory_space<vmem>>, vector<16xf32>, vector<16xi1>
            %add3A_342 = arith.constant 1680 : i32
            %add3A_343 = arith.addi %add3A_342, %add3A_328 : i32
            %broadcast_in_dim3A_344 = vector.broadcast %squeeze3A_302 : f32 to vector<16xf32>
            %swap3A_345 = arith.index_cast %add3A_343 : i32 to index
            %swap3A_346 = tpu.vector_load %arg13[%swap3A_345] masked %eq3A_4 {strides = array<i32>} : memref<2256xf32, #tpu.memory_space<vmem>>, vector<16xf32>, vector<16xi1>
            tpu.vector_store %arg13[%swap3A_345], %broadcast_in_dim3A_344 masked %eq3A_4 {strides = array<i32>} : memref<2256xf32, #tpu.memory_space<vmem>>, vector<16xf32>, vector<16xi1>
            %broadcast_in_dim3A_347 = vector.broadcast %mul3A_305 : f32 to vector<16xf32>
            %swap3A_348 = arith.index_cast %add3A_328 : i32 to index
            %swap3A_349 = tpu.vector_load %arg14[%swap3A_348] masked %eq3A_4 {strides = array<i32>} : memref<576xf32, #tpu.memory_space<vmem>>, vector<16xf32>, vector<16xi1>
            tpu.vector_store %arg14[%swap3A_348], %broadcast_in_dim3A_347 masked %eq3A_4 {strides = array<i32>} : memref<576xf32, #tpu.memory_space<vmem>>, vector<16xf32>, vector<16xi1>
            %add3A_350 = arith.constant 1 : i32
            %add3A_351 = arith.addi %get3A_290, %add3A_350 : i32
            %swap3A_352 = arith.index_cast %shift_right_arithmetic3A_288 : i32 to index
            %swap3A_353 = memref.load %arg18[%swap3A_352] : memref<16xi32, #tpu.memory_space<smem>>
            memref.store %add3A_351, %arg18[%swap3A_352] : memref<16xi32, #tpu.memory_space<smem>>
            %get3A_354 = arith.constant 6 : i32
            %get3A_355 = arith.index_cast %get3A_354 : i32 to index
            %get3A_356 = memref.load %arg18[%get3A_355] : memref<16xi32, #tpu.memory_space<smem>>
            %add3A_357 = arith.constant 8 : i32
            %add3A_358 = arith.addi %add3A_357, %get3A_356 : i32
            %get3A_359 = arith.index_cast %add3A_280 : i32 to index
            %get3A_360 = tpu.vector_load %arg6[%get3A_359] {strides = array<i32>} : memref<20016xi32, #tpu.memory_space<vmem>>, vector<16xi32>,
            %slice3A_361 = vector.extract_strided_slice %get3A_360 {offsets = [0], sizes = [1], strides = [1]} : vector<16xi32> to vector<1xi32>
            %squeeze3A_362 = vector.extract %slice3A_361[0] : i32 from vector<1xi32>
            %broadcast_in_dim3A_363 = vector.broadcast %squeeze3A_362 : i32 to vector<16xi32>
            %swap3A_364 = arith.index_cast %add3A_358 : i32 to index
            %swap3A_365 = tpu.vector_load %arg17[%swap3A_364] masked %eq3A_4 {strides = array<i32>} : memref<1168xi32, #tpu.memory_space<vmem>>, vector<16xi32>, vector<16xi1>
            tpu.vector_store %arg17[%swap3A_364], %broadcast_in_dim3A_363 masked %eq3A_4 {strides = array<i32>} : memref<1168xi32, #tpu.memory_space<vmem>>, vector<16xi32>, vector<16xi1>
            %add3A_366 = arith.constant 584 : i32
            %add3A_367 = arith.addi %add3A_366, %get3A_356 : i32
            %broadcast_in_dim3A_368 = vector.broadcast %squeeze3A : i32 to vector<16xi32>
            %swap3A_369 = arith.index_cast %add3A_367 : i32 to index
            %swap3A_370 = tpu.vector_load %arg17[%swap3A_369] masked %eq3A_4 {strides = array<i32>} : memref<1168xi32, #tpu.memory_space<vmem>>, vector<16xi32>, vector<16xi1>
            tpu.vector_store %arg17[%swap3A_369], %broadcast_in_dim3A_368 masked %eq3A_4 {strides = array<i32>} : memref<1168xi32, #tpu.memory_space<vmem>>, vector<16xi32>, vector<16xi1>
            %add3A_371 = arith.constant 1 : i32
            %add3A_372 = arith.addi %get3A_356, %add3A_371 : i32
            %swap3A_373 = arith.constant 6 : i32
            %swap3A_374 = arith.index_cast %swap3A_373 : i32 to index
            %swap3A_375 = memref.load %arg18[%swap3A_374] : memref<16xi32, #tpu.memory_space<smem>>
            memref.store %add3A_372, %arg18[%swap3A_374] : memref<16xi32, #tpu.memory_space<smem>>
          } else {
          }
        } else {
        }
        %while3A_293 = arith.constant 0 : i32
        scf.yield %while3A_293 : i32
      }
      %while3A_274 = arith.constant 1 : i32
      %while3A_275 = scf.for %while3A_276 = %while3A_271 to %while3A_267 step %while3A_274 iter_args(%while3A_277 = %while3A_273) -> (i32)  : i32 {
        %mul3A_278 = arith.constant 16 : i32
        %mul3A_279 = arith.muli %add3A_247, %mul3A_278 : i32
        %add3A_280 = arith.addi %mul3A_279, %while3A_276 : i32
        %get3A_281 = arith.index_cast %add3A_280 : i32 to index
        %get3A_282 = tpu.vector_load %arg7[%get3A_281] {strides = array<i32>} : memref<20016xi32, #tpu.memory_space<vmem>>, vector<16xi32>,
        %slice3A = vector.extract_strided_slice %get3A_282 {offsets = [0], sizes = [1], strides = [1]} : vector<16xi32> to vector<1xi32>
        %squeeze3A = vector.extract %slice3A[0] : i32 from vector<1xi32>
        %and3A_283 = arith.constant 127 : i32
        %and3A_284 = arith.andi %squeeze3A, %and3A_283 : i32
        %sub3A_285 = arith.constant 1 : i32
        %sub3A_286 = arith.subi %and3A_284, %sub3A_285 : i32
        %shift_right_arithmetic3A_287 = arith.constant 4 : i32
        %shift_right_arithmetic3A_288 = arith.shrsi %sub3A_286, %shift_right_arithmetic3A_287 : i32
        %get3A_289 = arith.index_cast %shift_right_arithmetic3A_288 : i32 to index
        %get3A_290 = memref.load %arg18[%get3A_289] : memref<16xi32, #tpu.memory_space<smem>>
        %lt3A = arith.constant 100 : i32
        %lt3A_291 = arith.cmpi slt, %get3A_290, %lt3A : i32
        %convert_element_type3A = arith.extui %lt3A_291 : i1 to i32
        %cond3A = arith.constant 0 : i32
        %cond3A_292 = arith.cmpi ne, %convert_element_type3A, %cond3A : i32
        scf.if %cond3A_292 {
          %broadcast_in_dim3A_294 = vector.broadcast %while3A_276 : i32 to vector<16xi32>
          %gather3A = tpu.vector_load_idx %arg15[%broadcast_in_dim3A_294, %and3A_216] : memref<16x128xf32, #tpu.memory_space<vmem>>[vector<16xi32>, vector<16xi32>], vector<16xf32>,
          %slice3A_295 = vector.extract_strided_slice %gather3A {offsets = [0], sizes = [1], strides = [1]} : vector<16xf32> to vector<1xf32>
          %squeeze3A_296 = vector.extract %slice3A_295[0] : f32 from vector<1xf32>
          %slice3A_297 = vector.extract_strided_slice %gather3A {offsets = [1], sizes = [1], strides = [1]} : vector<16xf32> to vector<1xf32>
          %squeeze3A_298 = vector.extract %slice3A_297[0] : f32 from vector<1xf32>
          %slice3A_299 = vector.extract_strided_slice %gather3A {offsets = [2], sizes = [1], strides = [1]} : vector<16xf32> to vector<1xf32>
          %squeeze3A_300 = vector.extract %slice3A_299[0] : f32 from vector<1xf32>
          %slice3A_301 = vector.extract_strided_slice %gather3A {offsets = [3], sizes = [1], strides = [1]} : vector<16xf32> to vector<1xf32>
          %squeeze3A_302 = vector.extract %slice3A_301[0] : f32 from vector<1xf32>
          %sub3A_303 = arith.subf %squeeze3A_300, %squeeze3A_296 : f32
          %sub3A_304 = arith.subf %squeeze3A_302, %squeeze3A_298 : f32
          %mul3A_305 = arith.mulf %sub3A_303, %sub3A_304 : f32
          %add3A_306 = arith.constant 15 : i32
          %add3A_307 = arith.addi %get3A_290, %add3A_306 : i32
          %shift_right_arithmetic3A_308 = arith.constant 4 : i32
          %shift_right_arithmetic3A_309 = arith.shrsi %add3A_307, %shift_right_arithmetic3A_308 : i32
          %while3A_310 = arith.constant 0 : i32
          %while3A_311 = arith.constant false
          %while3A_312 = arith.subi %shift_right_arithmetic3A_309, %while3A_310 : i32
          %while3A_313 = arith.addi %while3A_310, %while3A_312 : i32
          %while3A_314 = arith.constant 1 : i32
          %while3A_315 = arith.divsi %while3A_312, %while3A_314 : i32
          %while3A_316 = arith.muli %while3A_315, %while3A_314 : i32
          %while3A_317 = arith.addi %while3A_310, %while3A_316 : i32
          %while3A_318 = arith.constant 1 : i32
          %while3A_319 = scf.for %while3A_326 = %while3A_310 to %while3A_317 step %while3A_318 iter_args(%while3A_327 = %while3A_311) -> (i1)  : i32 {
            %mul3A_328 = arith.constant 112 : i32
            %mul3A_329 = arith.muli %shift_right_arithmetic3A_288, %mul3A_328 : i32
            %mul3A_330 = arith.constant 16 : i32
            %mul3A_331 = arith.muli %while3A_326, %mul3A_330 : i32
            %add3A_332 = arith.addi %mul3A_329, %mul3A_331 : i32
            %get3A_333 = arith.index_cast %add3A_332 : i32 to index
            %get3A_334 = tpu.vector_load %arg13[%get3A_333] {strides = array<i32>} : memref<2256xf32, #tpu.memory_space<vmem>>, vector<16xf32>,
            %add3A_335 = arith.constant 560 : i32
            %add3A_336 = arith.addi %add3A_335, %add3A_332 : i32
            %get3A_337 = arith.index_cast %add3A_336 : i32 to index
            %get3A_338 = tpu.vector_load %arg13[%get3A_337] {strides = array<i32>} : memref<2256xf32, #tpu.memory_space<vmem>>, vector<16xf32>,
            %add3A_339 = arith.constant 1120 : i32
            %add3A_340 = arith.addi %add3A_339, %add3A_332 : i32
            %get3A_341 = arith.index_cast %add3A_340 : i32 to index
            %get3A_342 = tpu.vector_load %arg13[%get3A_341] {strides = array<i32>} : memref<2256xf32, #tpu.memory_space<vmem>>, vector<16xf32>,
            %add3A_343 = arith.constant 1680 : i32
            %add3A_344 = arith.addi %add3A_343, %add3A_332 : i32
            %get3A_345 = arith.index_cast %add3A_344 : i32 to index
            %get3A_346 = tpu.vector_load %arg13[%get3A_345] {strides = array<i32>} : memref<2256xf32, #tpu.memory_space<vmem>>, vector<16xf32>,
            %get3A_347 = arith.index_cast %add3A_332 : i32 to index
            %get3A_348 = tpu.vector_load %arg14[%get3A_347] {strides = array<i32>} : memref<576xf32, #tpu.memory_space<vmem>>, vector<16xf32>,
            %max3A = vector.broadcast %squeeze3A_296 : f32 to vector<16xf32>
            %max3A_349 = arith.maximumf %max3A, %get3A_334 : vector<16xf32>
            %max3A_350 = vector.broadcast %squeeze3A_298 : f32 to vector<16xf32>
            %max3A_351 = arith.maximumf %max3A_350, %get3A_338 : vector<16xf32>
            %min3A_352 = vector.broadcast %squeeze3A_300 : f32 to vector<16xf32>
            %min3A_353 = arith.minimumf %min3A_352, %get3A_342 : vector<16xf32>
            %min3A_354 = vector.broadcast %squeeze3A_302 : f32 to vector<16xf32>
            %min3A_355 = arith.minimumf %min3A_354, %get3A_346 : vector<16xf32>
            %sub3A_356 = arith.subf %min3A_353, %max3A_349 : vector<16xf32>
            %max3A_357 = arith.constant 0.000000e+00 : f32
            %max3A_358 = vector.broadcast %max3A_357 : f32 to vector<16xf32>
            %max3A_359 = arith.maximumf %max3A_358, %sub3A_356 : vector<16xf32>
            %sub3A_360 = arith.subf %min3A_355, %max3A_351 : vector<16xf32>
            %max3A_361 = arith.constant 0.000000e+00 : f32
            %max3A_362 = vector.broadcast %max3A_361 : f32 to vector<16xf32>
            %max3A_363 = arith.maximumf %max3A_362, %sub3A_360 : vector<16xf32>
            %mul3A_364 = arith.mulf %max3A_359, %max3A_363 : vector<16xf32>
            %add3A_365 = vector.broadcast %mul3A_305 : f32 to vector<16xf32>
            %add3A_366 = arith.addf %add3A_365, %get3A_348 : vector<16xf32>
            %sub3A_367 = arith.subf %add3A_366, %mul3A_364 : vector<16xf32>
            %max3A_368 = arith.constant 9.99999996E-13 : f32
            %max3A_369 = vector.broadcast %max3A_368 : f32 to vector<16xf32>
            %max3A_370 = arith.maximumf %sub3A_367, %max3A_369 : vector<16xf32>
            %div3A_371 = arith.divf %mul3A_364, %max3A_370 : vector<16xf32>
            %gt3A = arith.constant 3.000000e-01 : f32
            %gt3A_372 = vector.broadcast %gt3A : f32 to vector<16xf32>
            %gt3A_373 = arith.cmpf ogt, %div3A_371, %gt3A_372 : vector<16xf32>
            %reduce_or3A = arith.constant 1.000000e+00 : f32
            %reduce_or3A_374 = arith.constant 0.000000e+00 : f32
            %reduce_or3A_375 = vector.broadcast %reduce_or3A : f32 to vector<16xf32>
            %reduce_or3A_376 = vector.broadcast %reduce_or3A_374 : f32 to vector<16xf32>
            %reduce_or3A_377 = arith.select %gt3A_373, %reduce_or3A_375, %reduce_or3A_376 : vector<16xi1>, vector<16xf32>
            %reduce_or3A_378 = arith.constant true
            %reduce_or3A_379 = vector.broadcast %reduce_or3A_378 : i1 to vector<16xi1>
            %reduce_or3A_380 = tpu.scan <max>, %reduce_or3A_377 masked %reduce_or3A_379 : vector<16xf32>, vector<16xi1> -> vector<16xf32>
            %reduce_or3A_381 = vector.extract %reduce_or3A_380[15] : f32 from vector<16xf32>
            %reduce_or3A_382 = arith.constant 0.000000e+00 : f32
            %reduce_or3A_383 = arith.cmpf ogt, %reduce_or3A_381, %reduce_or3A_382 : f32
            %or3A = arith.ori %while3A_327, %reduce_or3A_383 : i1
            scf.yield %or3A : i1
          }
          %while3A_320 = arith.constant 1 : i32
          %while3A_321 = scf.for %while3A_326 = %while3A_317 to %while3A_313 step %while3A_320 iter_args(%while3A_327 = %while3A_319) -> (i1)  : i32 {
            %mul3A_328 = arith.constant 112 : i32
            %mul3A_329 = arith.muli %shift_right_arithmetic3A_288, %mul3A_328 : i32
            %mul3A_330 = arith.constant 16 : i32
            %mul3A_331 = arith.muli %while3A_326, %mul3A_330 : i32
            %add3A_332 = arith.addi %mul3A_329, %mul3A_331 : i32
            %get3A_333 = arith.index_cast %add3A_332 : i32 to index
            %get3A_334 = tpu.vector_load %arg13[%get3A_333] {strides = array<i32>} : memref<2256xf32, #tpu.memory_space<vmem>>, vector<16xf32>,
            %add3A_335 = arith.constant 560 : i32
            %add3A_336 = arith.addi %add3A_335, %add3A_332 : i32
            %get3A_337 = arith.index_cast %add3A_336 : i32 to index
            %get3A_338 = tpu.vector_load %arg13[%get3A_337] {strides = array<i32>} : memref<2256xf32, #tpu.memory_space<vmem>>, vector<16xf32>,
            %add3A_339 = arith.constant 1120 : i32
            %add3A_340 = arith.addi %add3A_339, %add3A_332 : i32
            %get3A_341 = arith.index_cast %add3A_340 : i32 to index
            %get3A_342 = tpu.vector_load %arg13[%get3A_341] {strides = array<i32>} : memref<2256xf32, #tpu.memory_space<vmem>>, vector<16xf32>,
            %add3A_343 = arith.constant 1680 : i32
            %add3A_344 = arith.addi %add3A_343, %add3A_332 : i32
            %get3A_345 = arith.index_cast %add3A_344 : i32 to index
            %get3A_346 = tpu.vector_load %arg13[%get3A_345] {strides = array<i32>} : memref<2256xf32, #tpu.memory_space<vmem>>, vector<16xf32>,
            %get3A_347 = arith.index_cast %add3A_332 : i32 to index
            %get3A_348 = tpu.vector_load %arg14[%get3A_347] {strides = array<i32>} : memref<576xf32, #tpu.memory_space<vmem>>, vector<16xf32>,
            %max3A = vector.broadcast %squeeze3A_296 : f32 to vector<16xf32>
            %max3A_349 = arith.maximumf %max3A, %get3A_334 : vector<16xf32>
            %max3A_350 = vector.broadcast %squeeze3A_298 : f32 to vector<16xf32>
            %max3A_351 = arith.maximumf %max3A_350, %get3A_338 : vector<16xf32>
            %min3A_352 = vector.broadcast %squeeze3A_300 : f32 to vector<16xf32>
            %min3A_353 = arith.minimumf %min3A_352, %get3A_342 : vector<16xf32>
            %min3A_354 = vector.broadcast %squeeze3A_302 : f32 to vector<16xf32>
            %min3A_355 = arith.minimumf %min3A_354, %get3A_346 : vector<16xf32>
            %sub3A_356 = arith.subf %min3A_353, %max3A_349 : vector<16xf32>
            %max3A_357 = arith.constant 0.000000e+00 : f32
            %max3A_358 = vector.broadcast %max3A_357 : f32 to vector<16xf32>
            %max3A_359 = arith.maximumf %max3A_358, %sub3A_356 : vector<16xf32>
            %sub3A_360 = arith.subf %min3A_355, %max3A_351 : vector<16xf32>
            %max3A_361 = arith.constant 0.000000e+00 : f32
            %max3A_362 = vector.broadcast %max3A_361 : f32 to vector<16xf32>
            %max3A_363 = arith.maximumf %max3A_362, %sub3A_360 : vector<16xf32>
            %mul3A_364 = arith.mulf %max3A_359, %max3A_363 : vector<16xf32>
            %add3A_365 = vector.broadcast %mul3A_305 : f32 to vector<16xf32>
            %add3A_366 = arith.addf %add3A_365, %get3A_348 : vector<16xf32>
            %sub3A_367 = arith.subf %add3A_366, %mul3A_364 : vector<16xf32>
            %max3A_368 = arith.constant 9.99999996E-13 : f32
            %max3A_369 = vector.broadcast %max3A_368 : f32 to vector<16xf32>
            %max3A_370 = arith.maximumf %sub3A_367, %max3A_369 : vector<16xf32>
            %div3A_371 = arith.divf %mul3A_364, %max3A_370 : vector<16xf32>
            %gt3A = arith.constant 3.000000e-01 : f32
            %gt3A_372 = vector.broadcast %gt3A : f32 to vector<16xf32>
            %gt3A_373 = arith.cmpf ogt, %div3A_371, %gt3A_372 : vector<16xf32>
            %reduce_or3A = arith.constant 1.000000e+00 : f32
            %reduce_or3A_374 = arith.constant 0.000000e+00 : f32
            %reduce_or3A_375 = vector.broadcast %reduce_or3A : f32 to vector<16xf32>
            %reduce_or3A_376 = vector.broadcast %reduce_or3A_374 : f32 to vector<16xf32>
            %reduce_or3A_377 = arith.select %gt3A_373, %reduce_or3A_375, %reduce_or3A_376 : vector<16xi1>, vector<16xf32>
            %reduce_or3A_378 = arith.constant true
            %reduce_or3A_379 = vector.broadcast %reduce_or3A_378 : i1 to vector<16xi1>
            %reduce_or3A_380 = tpu.scan <max>, %reduce_or3A_377 masked %reduce_or3A_379 : vector<16xf32>, vector<16xi1> -> vector<16xf32>
            %reduce_or3A_381 = vector.extract %reduce_or3A_380[15] : f32 from vector<16xf32>
            %reduce_or3A_382 = arith.constant 0.000000e+00 : f32
            %reduce_or3A_383 = arith.cmpf ogt, %reduce_or3A_381, %reduce_or3A_382 : f32
            %or3A = arith.ori %while3A_327, %reduce_or3A_383 : i1
            scf.yield %or3A : i1
          }
          %not3A = arith.constant true
          %not3A_322 = arith.xori %while3A_321, %not3A : i1
          %convert_element_type3A_323 = arith.extui %not3A_322 : i1 to i32
          %cond3A_324 = arith.constant 0 : i32
          %cond3A_325 = arith.cmpi ne, %convert_element_type3A_323, %cond3A_324 : i32
          scf.if %cond3A_325 {
            %mul3A_326 = arith.constant 112 : i32
            %mul3A_327 = arith.muli %shift_right_arithmetic3A_288, %mul3A_326 : i32
            %add3A_328 = arith.addi %mul3A_327, %get3A_290 : i32
            %broadcast_in_dim3A_329 = vector.broadcast %squeeze3A_296 : f32 to vector<16xf32>
            %swap3A_330 = arith.index_cast %add3A_328 : i32 to index
            %swap3A_331 = tpu.vector_load %arg13[%swap3A_330] masked %eq3A_4 {strides = array<i32>} : memref<2256xf32, #tpu.memory_space<vmem>>, vector<16xf32>, vector<16xi1>
            tpu.vector_store %arg13[%swap3A_330], %broadcast_in_dim3A_329 masked %eq3A_4 {strides = array<i32>} : memref<2256xf32, #tpu.memory_space<vmem>>, vector<16xf32>, vector<16xi1>
            %add3A_332 = arith.constant 560 : i32
            %add3A_333 = arith.addi %add3A_332, %add3A_328 : i32
            %broadcast_in_dim3A_334 = vector.broadcast %squeeze3A_298 : f32 to vector<16xf32>
            %swap3A_335 = arith.index_cast %add3A_333 : i32 to index
            %swap3A_336 = tpu.vector_load %arg13[%swap3A_335] masked %eq3A_4 {strides = array<i32>} : memref<2256xf32, #tpu.memory_space<vmem>>, vector<16xf32>, vector<16xi1>
            tpu.vector_store %arg13[%swap3A_335], %broadcast_in_dim3A_334 masked %eq3A_4 {strides = array<i32>} : memref<2256xf32, #tpu.memory_space<vmem>>, vector<16xf32>, vector<16xi1>
            %add3A_337 = arith.constant 1120 : i32
            %add3A_338 = arith.addi %add3A_337, %add3A_328 : i32
            %broadcast_in_dim3A_339 = vector.broadcast %squeeze3A_300 : f32 to vector<16xf32>
            %swap3A_340 = arith.index_cast %add3A_338 : i32 to index
            %swap3A_341 = tpu.vector_load %arg13[%swap3A_340] masked %eq3A_4 {strides = array<i32>} : memref<2256xf32, #tpu.memory_space<vmem>>, vector<16xf32>, vector<16xi1>
            tpu.vector_store %arg13[%swap3A_340], %broadcast_in_dim3A_339 masked %eq3A_4 {strides = array<i32>} : memref<2256xf32, #tpu.memory_space<vmem>>, vector<16xf32>, vector<16xi1>
            %add3A_342 = arith.constant 1680 : i32
            %add3A_343 = arith.addi %add3A_342, %add3A_328 : i32
            %broadcast_in_dim3A_344 = vector.broadcast %squeeze3A_302 : f32 to vector<16xf32>
            %swap3A_345 = arith.index_cast %add3A_343 : i32 to index
            %swap3A_346 = tpu.vector_load %arg13[%swap3A_345] masked %eq3A_4 {strides = array<i32>} : memref<2256xf32, #tpu.memory_space<vmem>>, vector<16xf32>, vector<16xi1>
            tpu.vector_store %arg13[%swap3A_345], %broadcast_in_dim3A_344 masked %eq3A_4 {strides = array<i32>} : memref<2256xf32, #tpu.memory_space<vmem>>, vector<16xf32>, vector<16xi1>
            %broadcast_in_dim3A_347 = vector.broadcast %mul3A_305 : f32 to vector<16xf32>
            %swap3A_348 = arith.index_cast %add3A_328 : i32 to index
            %swap3A_349 = tpu.vector_load %arg14[%swap3A_348] masked %eq3A_4 {strides = array<i32>} : memref<576xf32, #tpu.memory_space<vmem>>, vector<16xf32>, vector<16xi1>
            tpu.vector_store %arg14[%swap3A_348], %broadcast_in_dim3A_347 masked %eq3A_4 {strides = array<i32>} : memref<576xf32, #tpu.memory_space<vmem>>, vector<16xf32>, vector<16xi1>
            %add3A_350 = arith.constant 1 : i32
            %add3A_351 = arith.addi %get3A_290, %add3A_350 : i32
            %swap3A_352 = arith.index_cast %shift_right_arithmetic3A_288 : i32 to index
            %swap3A_353 = memref.load %arg18[%swap3A_352] : memref<16xi32, #tpu.memory_space<smem>>
            memref.store %add3A_351, %arg18[%swap3A_352] : memref<16xi32, #tpu.memory_space<smem>>
            %get3A_354 = arith.constant 6 : i32
            %get3A_355 = arith.index_cast %get3A_354 : i32 to index
            %get3A_356 = memref.load %arg18[%get3A_355] : memref<16xi32, #tpu.memory_space<smem>>
            %add3A_357 = arith.constant 8 : i32
            %add3A_358 = arith.addi %add3A_357, %get3A_356 : i32
            %get3A_359 = arith.index_cast %add3A_280 : i32 to index
            %get3A_360 = tpu.vector_load %arg6[%get3A_359] {strides = array<i32>} : memref<20016xi32, #tpu.memory_space<vmem>>, vector<16xi32>,
            %slice3A_361 = vector.extract_strided_slice %get3A_360 {offsets = [0], sizes = [1], strides = [1]} : vector<16xi32> to vector<1xi32>
            %squeeze3A_362 = vector.extract %slice3A_361[0] : i32 from vector<1xi32>
            %broadcast_in_dim3A_363 = vector.broadcast %squeeze3A_362 : i32 to vector<16xi32>
            %swap3A_364 = arith.index_cast %add3A_358 : i32 to index
            %swap3A_365 = tpu.vector_load %arg17[%swap3A_364] masked %eq3A_4 {strides = array<i32>} : memref<1168xi32, #tpu.memory_space<vmem>>, vector<16xi32>, vector<16xi1>
            tpu.vector_store %arg17[%swap3A_364], %broadcast_in_dim3A_363 masked %eq3A_4 {strides = array<i32>} : memref<1168xi32, #tpu.memory_space<vmem>>, vector<16xi32>, vector<16xi1>
            %add3A_366 = arith.constant 584 : i32
            %add3A_367 = arith.addi %add3A_366, %get3A_356 : i32
            %broadcast_in_dim3A_368 = vector.broadcast %squeeze3A : i32 to vector<16xi32>
            %swap3A_369 = arith.index_cast %add3A_367 : i32 to index
            %swap3A_370 = tpu.vector_load %arg17[%swap3A_369] masked %eq3A_4 {strides = array<i32>} : memref<1168xi32, #tpu.memory_space<vmem>>, vector<16xi32>, vector<16xi1>
            tpu.vector_store %arg17[%swap3A_369], %broadcast_in_dim3A_368 masked %eq3A_4 {strides = array<i32>} : memref<1168xi32, #tpu.memory_space<vmem>>, vector<16xi32>, vector<16xi1>
            %add3A_371 = arith.constant 1 : i32
            %add3A_372 = arith.addi %get3A_356, %add3A_371 : i32
            %swap3A_373 = arith.constant 6 : i32
            %swap3A_374 = arith.index_cast %swap3A_373 : i32 to index
            %swap3A_375 = memref.load %arg18[%swap3A_374] : memref<16xi32, #tpu.memory_space<smem>>
            memref.store %add3A_372, %arg18[%swap3A_374] : memref<16xi32, #tpu.memory_space<smem>>
          } else {
          }
        } else {
        }
        %while3A_293 = arith.constant 0 : i32
        scf.yield %while3A_293 : i32
      }
    }
    %get3A = arith.constant 6 : i32
    %get3A_238 = arith.index_cast %get3A : i32 to index
    %get3A_239 = memref.load %arg18[%get3A_238] : memref<16xi32, #tpu.memory_space<smem>>
    %broadcast_in_dim3A_240 = vector.broadcast %get3A_239 : i32 to vector<16xi32>
    %swap3A_241 = arith.constant 0 : index
    %swap3A_242 = tpu.vector_load %arg17[%swap3A_241] masked %eq3A_4 {strides = array<i32>} : memref<1168xi32, #tpu.memory_space<vmem>>, vector<16xi32>, vector<16xi1>
    tpu.vector_store %arg17[%swap3A_241], %broadcast_in_dim3A_240 masked %eq3A_4 {strides = array<i32>} : memref<1168xi32, #tpu.memory_space<vmem>>, vector<16xi32>, vector<16xi1>
    %mul3A_243 = arith.constant 1152 : i32
    %mul3A_244 = arith.muli %arg1, %mul3A_243 : i32
    "tpu.region"() ({
      %run_scoped3A = tpu.sem_alloc : memref<!tpu.dma_semaphore, #tpu.memory_space<semaphore_mem>>
      %dma_start3A = arith.constant 0 : i32
      %dma_start3A_245 = tpu.memref_slice %arg17[%dma_start3A] : memref<1168xi32, #tpu.memory_space<vmem>> -> memref<1152xi32, #tpu.memory_space<vmem>>
      %dma_start3A_246 = tpu.memref_slice %arg5[%mul3A_244] : memref<18432xi32, #tpu.memory_space<hbm>> -> memref<1152xi32, #tpu.memory_space<hbm>>
      %dma_start3A_247 = tpu.memref_slice %arg5[%mul3A_244] : memref<18432xi32, #tpu.memory_space<hbm>> -> memref<1152xi32, #tpu.memory_space<hbm>>
      %dma_start3A_248 = arith.constant 0 : i32
      %dma_start3A_249 = tpu.memref_slice %arg17[%dma_start3A_248] : memref<1168xi32, #tpu.memory_space<vmem>> -> memref<1152xi32, #tpu.memory_space<vmem>>
      tpu.enqueue_dma source(%dma_start3A_249 : memref<1152xi32, #tpu.memory_space<vmem>>) target(%dma_start3A_247 : memref<1152xi32, #tpu.memory_space<hbm>>) target_semaphore(%run_scoped3A : memref<!tpu.dma_semaphore, #tpu.memory_space<semaphore_mem>>)
      %dma_wait3A = arith.constant 0 : i32
      %dma_wait3A_250 = tpu.memref_slice %arg17[%dma_wait3A] : memref<1168xi32, #tpu.memory_space<vmem>> -> memref<1152xi32, #tpu.memory_space<vmem>>
      %dma_wait3A_251 = tpu.memref_slice %arg5[%mul3A_244] : memref<18432xi32, #tpu.memory_space<hbm>> -> memref<1152xi32, #tpu.memory_space<hbm>>
      %dma_wait3A_252 = tpu.memref_slice %arg5[%mul3A_244] : memref<18432xi32, #tpu.memory_space<hbm>> -> memref<1152xi32, #tpu.memory_space<hbm>>
      %dma_wait3A_253 = arith.constant 0 : i32
      %dma_wait3A_254 = tpu.memref_slice %arg17[%dma_wait3A_253] : memref<1168xi32, #tpu.memory_space<vmem>> -> memref<1152xi32, #tpu.memory_space<vmem>>
      tpu.wait_dma2 semaphore(%run_scoped3A : memref<!tpu.dma_semaphore, #tpu.memory_space<semaphore_mem>>) src(%dma_wait3A_254 : memref<1152xi32, #tpu.memory_space<vmem>>) dst(%dma_wait3A_252 : memref<1152xi32, #tpu.memory_space<hbm>>)
      tpu.yield
    }) : () -> ()
    return
  }
}

#map = affine_map<(d0, d1) -> (0)>
#map1 = affine_map<(d0, d1) -> (0, 0)>
module attributes {stable_mosaic.version = 14 : i64} {
  func.func @_sc_merge_body(%arg0: i32, %arg1: i32, %arg2: memref<18432xi32, #tpu.memory_space<hbm>>, %arg3: memref<20000x128xf32, #tpu.memory_space<hbm>>, %arg4: memref<600xf32, #tpu.memory_space<hbm>>, %arg5: memref<18448xi32, #tpu.memory_space<vmem>>, %arg6: memref<32xi32, #tpu.memory_space<vmem>>, %arg7: memref<32xi32, #tpu.memory_space<vmem>>, %arg8: memref<128xi32, #tpu.memory_space<vmem>>, %arg9: memref<128xi32, #tpu.memory_space<vmem>>, %arg10: memref<128xi32, #tpu.memory_space<vmem>>, %arg11: memref<128x128xf32, #tpu.memory_space<vmem>>, %arg12: memref<624xf32, #tpu.memory_space<vmem>>, %arg13: memref<16xi32, #tpu.memory_space<smem>>, %arg14: memref<16xi32, #tpu.memory_space<smem>>, %arg15: memref<!tpu.dma_semaphore, #tpu.memory_space<semaphore_mem>>) attributes {dimension_semantics = [#tpu.dimension_semantics<core_parallel>, #tpu.dimension_semantics<subcore_parallel>], iteration_bounds = array<i64: 1, 16>, scalar_prefetch = 0 : i64, scratch_operands = 11 : i64, tpu.core_type = #tpu.core_type<sc_vector_subcore>, window_params = [{transform_indices = #map}, {transform_indices = #map1}, {transform_indices = #map}]} {
    %broadcast_in_dim3A = arith.constant 0.000000e+00 : f32
    %broadcast_in_dim3A_0 = vector.broadcast %broadcast_in_dim3A : f32 to vector<16xf32>
    %iota3A = tpu.iota {dimensions = array<i32: 0>} : vector<16xi32>
    %eq3A = arith.constant 0 : i32
    %eq3A_1 = vector.broadcast %eq3A : i32 to vector<16xi32>
    %eq3A_2 = arith.cmpi eq, %iota3A, %eq3A_1 : vector<16xi32>
    %scan3A = arith.constant 0 : i32
    %scan3A_3 = arith.constant 0 : i32
    %scan3A_4 = arith.constant 16 : i32
    %scan3A_5 = arith.addi %scan3A_3, %scan3A_4 : i32
    %scan3A_6 = arith.constant 1 : i32
    %scan3A_7 = scf.for %scan3A_19 = %scan3A_3 to %scan3A_5 step %scan3A_6 iter_args(%scan3A_20 = %scan3A) -> (i32)  : i32 {
      %swap3A = arith.constant 0 : i32
      %swap3A_21 = arith.index_cast %scan3A_19 : i32 to index
      %swap3A_22 = memref.load %arg14[%swap3A_21] : memref<16xi32, #tpu.memory_space<smem>>
      memref.store %swap3A, %arg14[%swap3A_21] : memref<16xi32, #tpu.memory_space<smem>>
      %swap3A_23 = arith.constant 0 : i32
      %swap3A_24 = arith.index_cast %scan3A_19 : i32 to index
      %swap3A_25 = memref.load %arg13[%swap3A_24] : memref<16xi32, #tpu.memory_space<smem>>
      memref.store %swap3A_23, %arg13[%swap3A_24] : memref<16xi32, #tpu.memory_space<smem>>
      %scan3A_26 = arith.constant 0 : i32
      scf.yield %scan3A_26 : i32
    }
    %scan3A_8 = arith.constant 16 : i32
    %scan3A_9 = arith.constant 0 : i32
    %scan3A_10 = arith.constant 0 : i32
    %scan3A_11 = arith.constant 39 : i32
    %scan3A_12 = arith.addi %scan3A_10, %scan3A_11 : i32
    %scan3A_13 = arith.constant 1 : i32
    %scan3A_14 = scf.for %scan3A_19 = %scan3A_10 to %scan3A_12 step %scan3A_13 iter_args(%scan3A_20 = %scan3A_9) -> (i32)  : i32 {
      %mul3A = arith.constant 16 : i32
      %mul3A_21 = arith.muli %scan3A_19, %mul3A : i32
      %swap3A = arith.index_cast %mul3A_21 : i32 to index
      %swap3A_22 = tpu.vector_load %arg12[%swap3A] {strides = array<i32>} : memref<624xf32, #tpu.memory_space<vmem>>, vector<16xf32>,
      tpu.vector_store %arg12[%swap3A], %broadcast_in_dim3A_0 {strides = array<i32>} : memref<624xf32, #tpu.memory_space<vmem>>, vector<16xf32>,
      %scan3A_23 = arith.constant 0 : i32
      scf.yield %scan3A_23 : i32
    }
    %scan3A_15 = arith.constant 39 : i32
    %eq3A_16 = arith.constant 0 : i32
    %eq3A_17 = arith.cmpi eq, %arg1, %eq3A_16 : i32
    %convert_element_type3A = arith.extui %eq3A_17 : i1 to i32
    %cond3A = arith.constant 0 : i32
    %cond3A_18 = arith.cmpi ne, %convert_element_type3A, %cond3A : i32
    scf.if %cond3A_18 {
      "tpu.region"() ({
        %run_scoped3A = tpu.sem_alloc : memref<!tpu.dma_semaphore, #tpu.memory_space<semaphore_mem>>
        %dma_start3A_75 = arith.constant 0 : i32
        %dma_start3A_76 = tpu.memref_slice %arg5[%dma_start3A_75] : memref<18448xi32, #tpu.memory_space<vmem>> -> memref<18432xi32, #tpu.memory_space<vmem>>
        %dma_start3A_77 = arith.constant 0 : i32
        %dma_start3A_78 = tpu.memref_slice %arg5[%dma_start3A_77] : memref<18448xi32, #tpu.memory_space<vmem>> -> memref<18432xi32, #tpu.memory_space<vmem>>
        tpu.enqueue_dma source(%arg2 : memref<18432xi32, #tpu.memory_space<hbm>>) target(%dma_start3A_78 : memref<18432xi32, #tpu.memory_space<vmem>>) target_semaphore(%run_scoped3A : memref<!tpu.dma_semaphore, #tpu.memory_space<semaphore_mem>>)
        %dma_wait3A_79 = arith.constant 0 : i32
        %dma_wait3A_80 = tpu.memref_slice %arg5[%dma_wait3A_79] : memref<18448xi32, #tpu.memory_space<vmem>> -> memref<18432xi32, #tpu.memory_space<vmem>>
        %dma_wait3A_81 = arith.constant 0 : i32
        %dma_wait3A_82 = tpu.memref_slice %arg5[%dma_wait3A_81] : memref<18448xi32, #tpu.memory_space<vmem>> -> memref<18432xi32, #tpu.memory_space<vmem>>
        tpu.wait_dma2 semaphore(%run_scoped3A : memref<!tpu.dma_semaphore, #tpu.memory_space<semaphore_mem>>) src(%arg2 : memref<18432xi32, #tpu.memory_space<hbm>>) dst(%dma_wait3A_82 : memref<18432xi32, #tpu.memory_space<vmem>>)
        tpu.yield
      }) : () -> ()
      %scan3A_19 = arith.constant 0 : i32
      %scan3A_20 = arith.constant 0 : i32
      %scan3A_21 = arith.constant 16 : i32
      %scan3A_22 = arith.addi %scan3A_20, %scan3A_21 : i32
      %scan3A_23 = arith.constant 1 : i32
      %scan3A_24 = scf.for %scan3A_75 = %scan3A_20 to %scan3A_22 step %scan3A_23 iter_args(%scan3A_76 = %scan3A_19) -> (i32)  : i32 {
        %mul3A = arith.constant 1152 : i32
        %mul3A_77 = arith.muli %scan3A_75, %mul3A : i32
        %get3A_78 = arith.index_cast %mul3A_77 : i32 to index
        %get3A_79 = tpu.vector_load %arg5[%get3A_78] {strides = array<i32>} : memref<18448xi32, #tpu.memory_space<vmem>>, vector<16xi32>,
        %slice3A = vector.extract_strided_slice %get3A_79 {offsets = [0], sizes = [1], strides = [1]} : vector<16xi32> to vector<1xi32>
        %squeeze3A = vector.extract %slice3A[0] : i32 from vector<1xi32>
        %gt3A = arith.constant 0 : i32
        %gt3A_80 = arith.cmpi sgt, %squeeze3A, %gt3A : i32
        %broadcast_in_dim3A_81 = vector.broadcast %gt3A_80 : i1 to vector<16xi1>
        %mul3A_82 = arith.constant 1152 : i32
        %mul3A_83 = arith.muli %scan3A_75, %mul3A_82 : i32
        %add3A = arith.constant 8 : i32
        %add3A_84 = arith.addi %mul3A_83, %add3A : i32
        %get3A_85 = arith.index_cast %add3A_84 : i32 to index
        %get3A_86 = tpu.vector_load %arg5[%get3A_85] {strides = array<i32>} : memref<18448xi32, #tpu.memory_space<vmem>>, vector<16xi32>,
        %slice3A_87 = vector.extract_strided_slice %get3A_86 {offsets = [0], sizes = [1], strides = [1]} : vector<16xi32> to vector<1xi32>
        %squeeze3A_88 = vector.extract %slice3A_87[0] : i32 from vector<1xi32>
        %broadcast_in_dim3A_89 = vector.broadcast %squeeze3A_88 : i32 to vector<16xi32>
        %broadcast_in_dim3A_90 = arith.constant 2147483647 : i32
        %broadcast_in_dim3A_91 = vector.broadcast %broadcast_in_dim3A_90 : i32 to vector<16xi32>
        %select_n3A = arith.select %broadcast_in_dim3A_81, %broadcast_in_dim3A_89, %broadcast_in_dim3A_91 : vector<16xi1>, vector<16xi32>
        %mul3A_92 = arith.constant 1152 : i32
        %mul3A_93 = arith.muli %scan3A_75, %mul3A_92 : i32
        %add3A_94 = arith.constant 584 : i32
        %add3A_95 = arith.addi %mul3A_93, %add3A_94 : i32
        %get3A_96 = arith.index_cast %add3A_95 : i32 to index
        %get3A_97 = tpu.vector_load %arg5[%get3A_96] {strides = array<i32>} : memref<18448xi32, #tpu.memory_space<vmem>>, vector<16xi32>,
        %slice3A_98 = vector.extract_strided_slice %get3A_97 {offsets = [0], sizes = [1], strides = [1]} : vector<16xi32> to vector<1xi32>
        %squeeze3A_99 = vector.extract %slice3A_98[0] : i32 from vector<1xi32>
        %broadcast_in_dim3A_100 = vector.broadcast %squeeze3A_99 : i32 to vector<16xi32>
        %broadcast_in_dim3A_101 = arith.constant 1073741824 : i32
        %broadcast_in_dim3A_102 = vector.broadcast %broadcast_in_dim3A_101 : i32 to vector<16xi32>
        %select_n3A_103 = arith.select %broadcast_in_dim3A_81, %broadcast_in_dim3A_100, %broadcast_in_dim3A_102 : vector<16xi1>, vector<16xi32>
        %swap3A = arith.index_cast %scan3A_75 : i32 to index
        %swap3A_104 = tpu.vector_load %arg6[%swap3A] masked %eq3A_2 {strides = array<i32>} : memref<32xi32, #tpu.memory_space<vmem>>, vector<16xi32>, vector<16xi1>
        tpu.vector_store %arg6[%swap3A], %select_n3A masked %eq3A_2 {strides = array<i32>} : memref<32xi32, #tpu.memory_space<vmem>>, vector<16xi32>, vector<16xi1>
        %swap3A_105 = arith.index_cast %scan3A_75 : i32 to index
        %swap3A_106 = tpu.vector_load %arg7[%swap3A_105] masked %eq3A_2 {strides = array<i32>} : memref<32xi32, #tpu.memory_space<vmem>>, vector<16xi32>, vector<16xi1>
        tpu.vector_store %arg7[%swap3A_105], %select_n3A_103 masked %eq3A_2 {strides = array<i32>} : memref<32xi32, #tpu.memory_space<vmem>>, vector<16xi32>, vector<16xi1>
        %scan3A_107 = arith.constant 0 : i32
        scf.yield %scan3A_107 : i32
      }
      %scan3A_25 = arith.constant 16 : i32
      %scan3A_26 = arith.constant 0 : i32
      %scan3A_27 = arith.constant 0 : i32
      %scan3A_28 = arith.constant 8 : i32
      %scan3A_29 = arith.addi %scan3A_27, %scan3A_28 : i32
      %scan3A_30 = arith.constant 1 : i32
      %scan3A_31 = scf.for %scan3A_75 = %scan3A_27 to %scan3A_29 step %scan3A_30 iter_args(%scan3A_76 = %scan3A_26) -> (i32)  : i32 {
        %mul3A = arith.constant 16 : i32
        %mul3A_77 = arith.muli %scan3A_75, %mul3A : i32
        %iota3A_78 = tpu.iota {dimensions = array<i32: 0>} : vector<16xi32>
        %add3A = vector.broadcast %mul3A_77 : i32 to vector<16xi32>
        %add3A_79 = arith.addi %add3A, %iota3A_78 : vector<16xi32>
        %mul3A_80 = arith.constant 16 : i32
        %mul3A_81 = arith.muli %scan3A_75, %mul3A_80 : i32
        %swap3A = arith.index_cast %mul3A_81 : i32 to index
        %swap3A_82 = tpu.vector_load %arg8[%swap3A] {strides = array<i32>} : memref<128xi32, #tpu.memory_space<vmem>>, vector<16xi32>,
        tpu.vector_store %arg8[%swap3A], %add3A_79 {strides = array<i32>} : memref<128xi32, #tpu.memory_space<vmem>>, vector<16xi32>,
        %scan3A_83 = arith.constant 0 : i32
        scf.yield %scan3A_83 : i32
      }
      %scan3A_32 = arith.constant 8 : i32
      %scan3A_33 = arith.constant 0 : i32
      %scan3A_34 = arith.constant 0 : i32
      %scan3A_35 = arith.constant 100 : i32
      %scan3A_36 = arith.addi %scan3A_34, %scan3A_35 : i32
      %scan3A_37 = arith.constant 1 : i32
      %scan3A_38 = scf.for %scan3A_75 = %scan3A_34 to %scan3A_36 step %scan3A_37 iter_args(%scan3A_76 = %scan3A_33) -> (i32)  : i32 {
        %get3A_77 = arith.constant 0 : index
        %get3A_78 = tpu.vector_load %arg6[%get3A_77] {strides = array<i32>} : memref<32xi32, #tpu.memory_space<vmem>>, vector<16xi32>,
        %reduce_min3A = arith.constant true
        %reduce_min3A_79 = vector.broadcast %reduce_min3A : i1 to vector<16xi1>
        %reduce_min3A_80 = arith.constant -2147483648 : i32
        %reduce_min3A_81 = vector.broadcast %reduce_min3A_80 : i32 to vector<16xi32>
        %reduce_min3A_82 = arith.xori %get3A_78, %reduce_min3A_81 : vector<16xi32>
        %reduce_min3A_83 = tpu.scan <min>, %reduce_min3A_82 masked %reduce_min3A_79 : vector<16xi32>, vector<16xi1> -> vector<16xi32>
        %reduce_min3A_84 = arith.xori %reduce_min3A_83, %reduce_min3A_81 : vector<16xi32>
        %reduce_min3A_85 = vector.extract %reduce_min3A_84[15] : i32 from vector<16xi32>
        %ne3A = arith.constant 2147483647 : i32
        %ne3A_86 = arith.cmpi ne, %reduce_min3A_85, %ne3A : i32
        %convert_element_type3A_87 = arith.extui %ne3A_86 : i1 to i32
        %cond3A_88 = arith.constant 0 : i32
        %cond3A_89 = arith.cmpi ne, %convert_element_type3A_87, %cond3A_88 : i32
        scf.if %cond3A_89 {
          %get3A_91 = arith.constant 0 : index
          %get3A_92 = tpu.vector_load %arg7[%get3A_91] {strides = array<i32>} : memref<32xi32, #tpu.memory_space<vmem>>, vector<16xi32>,
          %eq3A_93 = vector.broadcast %reduce_min3A_85 : i32 to vector<16xi32>
          %eq3A_94 = arith.cmpi eq, %get3A_78, %eq3A_93 : vector<16xi32>
          %broadcast_in_dim3A_95 = arith.constant 1073741824 : i32
          %broadcast_in_dim3A_96 = vector.broadcast %broadcast_in_dim3A_95 : i32 to vector<16xi32>
          %select_n3A = arith.select %eq3A_94, %get3A_92, %broadcast_in_dim3A_96 : vector<16xi1>, vector<16xi32>
          %reduce_min3A_97 = arith.constant true
          %reduce_min3A_98 = vector.broadcast %reduce_min3A_97 : i1 to vector<16xi1>
          %reduce_min3A_99 = arith.constant -2147483648 : i32
          %reduce_min3A_100 = vector.broadcast %reduce_min3A_99 : i32 to vector<16xi32>
          %reduce_min3A_101 = arith.xori %select_n3A, %reduce_min3A_100 : vector<16xi32>
          %reduce_min3A_102 = tpu.scan <min>, %reduce_min3A_101 masked %reduce_min3A_98 : vector<16xi32>, vector<16xi1> -> vector<16xi32>
          %reduce_min3A_103 = arith.xori %reduce_min3A_102, %reduce_min3A_100 : vector<16xi32>
          %reduce_min3A_104 = vector.extract %reduce_min3A_103[15] : i32 from vector<16xi32>
          %eq3A_105 = vector.broadcast %reduce_min3A_104 : i32 to vector<16xi32>
          %eq3A_106 = arith.cmpi eq, %select_n3A, %eq3A_105 : vector<16xi32>
          %all_reduce_ffs3A = tpu.all_reduce %eq3A_106 {dim = 0 : i64, kind = #tpu.reduction_kind<find_first_set>} : vector<16xi1> -> vector<16xi32>
          %slice3A = vector.extract_strided_slice %all_reduce_ffs3A {offsets = [0], sizes = [1], strides = [1]} : vector<16xi32> to vector<1xi32>
          %squeeze3A = vector.extract %slice3A[0] : i32 from vector<1xi32>
          %shift_right_logical3A = arith.constant 7 : i32
          %shift_right_logical3A_107 = arith.shrui %reduce_min3A_104, %shift_right_logical3A : i32
          %and3A_108 = arith.constant 127 : i32
          %and3A_109 = arith.andi %reduce_min3A_104, %and3A_108 : i32
          %broadcast_in_dim3A_110 = vector.broadcast %shift_right_logical3A_107 : i32 to vector<16xi32>
          %swap3A = arith.index_cast %scan3A_75 : i32 to index
          %swap3A_111 = tpu.vector_load %arg8[%swap3A] masked %eq3A_2 {strides = array<i32>} : memref<128xi32, #tpu.memory_space<vmem>>, vector<16xi32>, vector<16xi1>
          tpu.vector_store %arg8[%swap3A], %broadcast_in_dim3A_110 masked %eq3A_2 {strides = array<i32>} : memref<128xi32, #tpu.memory_space<vmem>>, vector<16xi32>, vector<16xi1>
          %xor3A = arith.constant -1 : i32
          %xor3A_112 = arith.xori %reduce_min3A_85, %xor3A : i32
          %broadcast_in_dim3A_113 = vector.broadcast %xor3A_112 : i32 to vector<16xi32>
          %swap3A_114 = arith.index_cast %scan3A_75 : i32 to index
          %swap3A_115 = tpu.vector_load %arg9[%swap3A_114] masked %eq3A_2 {strides = array<i32>} : memref<128xi32, #tpu.memory_space<vmem>>, vector<16xi32>, vector<16xi1>
          tpu.vector_store %arg9[%swap3A_114], %broadcast_in_dim3A_113 masked %eq3A_2 {strides = array<i32>} : memref<128xi32, #tpu.memory_space<vmem>>, vector<16xi32>, vector<16xi1>
          %broadcast_in_dim3A_116 = vector.broadcast %and3A_109 : i32 to vector<16xi32>
          %swap3A_117 = arith.index_cast %scan3A_75 : i32 to index
          %swap3A_118 = tpu.vector_load %arg10[%swap3A_117] masked %eq3A_2 {strides = array<i32>} : memref<128xi32, #tpu.memory_space<vmem>>, vector<16xi32>, vector<16xi1>
          tpu.vector_store %arg10[%swap3A_117], %broadcast_in_dim3A_116 masked %eq3A_2 {strides = array<i32>} : memref<128xi32, #tpu.memory_space<vmem>>, vector<16xi32>, vector<16xi1>
          %add3A = arith.constant 1 : i32
          %add3A_119 = arith.addi %scan3A_75, %add3A : i32
          %swap3A_120 = arith.constant 7 : i32
          %swap3A_121 = arith.index_cast %swap3A_120 : i32 to index
          %swap3A_122 = memref.load %arg13[%swap3A_121] : memref<16xi32, #tpu.memory_space<smem>>
          memref.store %add3A_119, %arg13[%swap3A_121] : memref<16xi32, #tpu.memory_space<smem>>
          %get3A_123 = arith.index_cast %squeeze3A : i32 to index
          %get3A_124 = memref.load %arg14[%get3A_123] : memref<16xi32, #tpu.memory_space<smem>>
          %add3A_125 = arith.constant 1 : i32
          %add3A_126 = arith.addi %get3A_124, %add3A_125 : i32
          %swap3A_127 = arith.index_cast %squeeze3A : i32 to index
          %swap3A_128 = memref.load %arg14[%swap3A_127] : memref<16xi32, #tpu.memory_space<smem>>
          memref.store %add3A_126, %arg14[%swap3A_127] : memref<16xi32, #tpu.memory_space<smem>>
          %mul3A = arith.constant 1152 : i32
          %mul3A_129 = arith.muli %squeeze3A, %mul3A : i32
          %get3A_130 = arith.index_cast %mul3A_129 : i32 to index
          %get3A_131 = tpu.vector_load %arg5[%get3A_130] {strides = array<i32>} : memref<18448xi32, #tpu.memory_space<vmem>>, vector<16xi32>,
          %slice3A_132 = vector.extract_strided_slice %get3A_131 {offsets = [0], sizes = [1], strides = [1]} : vector<16xi32> to vector<1xi32>
          %squeeze3A_133 = vector.extract %slice3A_132[0] : i32 from vector<1xi32>
          %mul3A_134 = arith.constant 1152 : i32
          %mul3A_135 = arith.muli %squeeze3A, %mul3A_134 : i32
          %add3A_136 = arith.constant 8 : i32
          %add3A_137 = arith.addi %mul3A_135, %add3A_136 : i32
          %add3A_138 = arith.addi %add3A_137, %add3A_126 : i32
          %get3A_139 = arith.index_cast %add3A_138 : i32 to index
          %get3A_140 = tpu.vector_load %arg5[%get3A_139] {strides = array<i32>} : memref<18448xi32, #tpu.memory_space<vmem>>, vector<16xi32>,
          %slice3A_141 = vector.extract_strided_slice %get3A_140 {offsets = [0], sizes = [1], strides = [1]} : vector<16xi32> to vector<1xi32>
          %squeeze3A_142 = vector.extract %slice3A_141[0] : i32 from vector<1xi32>
          %mul3A_143 = arith.constant 1152 : i32
          %mul3A_144 = arith.muli %squeeze3A, %mul3A_143 : i32
          %add3A_145 = arith.constant 584 : i32
          %add3A_146 = arith.addi %mul3A_144, %add3A_145 : i32
          %add3A_147 = arith.addi %add3A_146, %add3A_126 : i32
          %get3A_148 = arith.index_cast %add3A_147 : i32 to index
          %get3A_149 = tpu.vector_load %arg5[%get3A_148] {strides = array<i32>} : memref<18448xi32, #tpu.memory_space<vmem>>, vector<16xi32>,
          %slice3A_150 = vector.extract_strided_slice %get3A_149 {offsets = [0], sizes = [1], strides = [1]} : vector<16xi32> to vector<1xi32>
          %squeeze3A_151 = vector.extract %slice3A_150[0] : i32 from vector<1xi32>
          %lt3A = arith.cmpi slt, %add3A_126, %squeeze3A_133 : i32
          %broadcast_in_dim3A_152 = vector.broadcast %lt3A : i1 to vector<16xi1>
          %broadcast_in_dim3A_153 = vector.broadcast %squeeze3A_142 : i32 to vector<16xi32>
          %broadcast_in_dim3A_154 = arith.constant 2147483647 : i32
          %broadcast_in_dim3A_155 = vector.broadcast %broadcast_in_dim3A_154 : i32 to vector<16xi32>
          %select_n3A_156 = arith.select %broadcast_in_dim3A_152, %broadcast_in_dim3A_153, %broadcast_in_dim3A_155 : vector<16xi1>, vector<16xi32>
          %broadcast_in_dim3A_157 = vector.broadcast %squeeze3A_151 : i32 to vector<16xi32>
          %broadcast_in_dim3A_158 = arith.constant 1073741824 : i32
          %broadcast_in_dim3A_159 = vector.broadcast %broadcast_in_dim3A_158 : i32 to vector<16xi32>
          %select_n3A_160 = arith.select %broadcast_in_dim3A_152, %broadcast_in_dim3A_157, %broadcast_in_dim3A_159 : vector<16xi1>, vector<16xi32>
          %swap3A_161 = arith.index_cast %squeeze3A : i32 to index
          %swap3A_162 = tpu.vector_load %arg6[%swap3A_161] masked %eq3A_2 {strides = array<i32>} : memref<32xi32, #tpu.memory_space<vmem>>, vector<16xi32>, vector<16xi1>
          tpu.vector_store %arg6[%swap3A_161], %select_n3A_156 masked %eq3A_2 {strides = array<i32>} : memref<32xi32, #tpu.memory_space<vmem>>, vector<16xi32>, vector<16xi1>
          %swap3A_163 = arith.index_cast %squeeze3A : i32 to index
          %swap3A_164 = tpu.vector_load %arg7[%swap3A_163] masked %eq3A_2 {strides = array<i32>} : memref<32xi32, #tpu.memory_space<vmem>>, vector<16xi32>, vector<16xi1>
          tpu.vector_store %arg7[%swap3A_163], %select_n3A_160 masked %eq3A_2 {strides = array<i32>} : memref<32xi32, #tpu.memory_space<vmem>>, vector<16xi32>, vector<16xi1>
        } else {
        }
        %scan3A_90 = arith.constant 0 : i32
        scf.yield %scan3A_90 : i32
      }
      %scan3A_39 = arith.constant 100 : i32
      %get3A = arith.constant 7 : i32
      %get3A_40 = arith.index_cast %get3A : i32 to index
      %get3A_41 = memref.load %arg13[%get3A_40] : memref<16xi32, #tpu.memory_space<smem>>
      %while3A = arith.constant 0 : i32
      %while3A_42 = arith.constant 0 : i32
      %while3A_43 = arith.subi %get3A_41, %while3A : i32
      %while3A_44 = arith.addi %while3A, %while3A_43 : i32
      %while3A_45 = arith.constant 1 : i32
      %while3A_46 = arith.divsi %while3A_43, %while3A_45 : i32
      %while3A_47 = arith.muli %while3A_46, %while3A_45 : i32
      %while3A_48 = arith.addi %while3A, %while3A_47 : i32
      %while3A_49 = arith.constant 1 : i32
      %while3A_50 = scf.for %while3A_75 = %while3A to %while3A_48 step %while3A_49 iter_args(%while3A_76 = %while3A_42) -> (i32)  : i32 {
        %get3A_77 = arith.index_cast %while3A_75 : i32 to index
        %get3A_78 = tpu.vector_load %arg10[%get3A_77] {strides = array<i32>} : memref<128xi32, #tpu.memory_space<vmem>>, vector<16xi32>,
        %convert_element_type3A_79 = arith.sitofp %get3A_78 : vector<16xi32> to vector<16xf32>
        %mul3A = arith.constant 6 : i32
        %mul3A_80 = arith.muli %while3A_75, %mul3A : i32
        %add3A = arith.constant 4 : i32
        %add3A_81 = arith.addi %mul3A_80, %add3A : i32
        %swap3A = arith.index_cast %add3A_81 : i32 to index
        %swap3A_82 = tpu.vector_load %arg12[%swap3A] masked %eq3A_2 {strides = array<i32>} : memref<624xf32, #tpu.memory_space<vmem>>, vector<16xf32>, vector<16xi1>
        tpu.vector_store %arg12[%swap3A], %convert_element_type3A_79 masked %eq3A_2 {strides = array<i32>} : memref<624xf32, #tpu.memory_space<vmem>>, vector<16xf32>, vector<16xi1>
        %get3A_83 = arith.index_cast %while3A_75 : i32 to index
        %get3A_84 = tpu.vector_load %arg9[%get3A_83] {strides = array<i32>} : memref<128xi32, #tpu.memory_space<vmem>>, vector<16xi32>,
        %bitcast3A = vector.bitcast %get3A_84 : vector<16xi32> to vector<16xf32>
        %mul3A_85 = arith.constant 6 : i32
        %mul3A_86 = arith.muli %while3A_75, %mul3A_85 : i32
        %add3A_87 = arith.constant 5 : i32
        %add3A_88 = arith.addi %mul3A_86, %add3A_87 : i32
        %swap3A_89 = arith.index_cast %add3A_88 : i32 to index
        %swap3A_90 = tpu.vector_load %arg12[%swap3A_89] masked %eq3A_2 {strides = array<i32>} : memref<624xf32, #tpu.memory_space<vmem>>, vector<16xf32>, vector<16xi1>
        tpu.vector_store %arg12[%swap3A_89], %bitcast3A masked %eq3A_2 {strides = array<i32>} : memref<624xf32, #tpu.memory_space<vmem>>, vector<16xf32>, vector<16xi1>
        %while3A_91 = arith.constant 0 : i32
        scf.yield %while3A_91 : i32
      }
      %while3A_51 = arith.constant 1 : i32
      %while3A_52 = scf.for %while3A_75 = %while3A_48 to %while3A_44 step %while3A_51 iter_args(%while3A_76 = %while3A_50) -> (i32)  : i32 {
        %get3A_77 = arith.index_cast %while3A_75 : i32 to index
        %get3A_78 = tpu.vector_load %arg10[%get3A_77] {strides = array<i32>} : memref<128xi32, #tpu.memory_space<vmem>>, vector<16xi32>,
        %convert_element_type3A_79 = arith.sitofp %get3A_78 : vector<16xi32> to vector<16xf32>
        %mul3A = arith.constant 6 : i32
        %mul3A_80 = arith.muli %while3A_75, %mul3A : i32
        %add3A = arith.constant 4 : i32
        %add3A_81 = arith.addi %mul3A_80, %add3A : i32
        %swap3A = arith.index_cast %add3A_81 : i32 to index
        %swap3A_82 = tpu.vector_load %arg12[%swap3A] masked %eq3A_2 {strides = array<i32>} : memref<624xf32, #tpu.memory_space<vmem>>, vector<16xf32>, vector<16xi1>
        tpu.vector_store %arg12[%swap3A], %convert_element_type3A_79 masked %eq3A_2 {strides = array<i32>} : memref<624xf32, #tpu.memory_space<vmem>>, vector<16xf32>, vector<16xi1>
        %get3A_83 = arith.index_cast %while3A_75 : i32 to index
        %get3A_84 = tpu.vector_load %arg9[%get3A_83] {strides = array<i32>} : memref<128xi32, #tpu.memory_space<vmem>>, vector<16xi32>,
        %bitcast3A = vector.bitcast %get3A_84 : vector<16xi32> to vector<16xf32>
        %mul3A_85 = arith.constant 6 : i32
        %mul3A_86 = arith.muli %while3A_75, %mul3A_85 : i32
        %add3A_87 = arith.constant 5 : i32
        %add3A_88 = arith.addi %mul3A_86, %add3A_87 : i32
        %swap3A_89 = arith.index_cast %add3A_88 : i32 to index
        %swap3A_90 = tpu.vector_load %arg12[%swap3A_89] masked %eq3A_2 {strides = array<i32>} : memref<624xf32, #tpu.memory_space<vmem>>, vector<16xf32>, vector<16xi1>
        tpu.vector_store %arg12[%swap3A_89], %bitcast3A masked %eq3A_2 {strides = array<i32>} : memref<624xf32, #tpu.memory_space<vmem>>, vector<16xf32>, vector<16xi1>
        %while3A_91 = arith.constant 0 : i32
        scf.yield %while3A_91 : i32
      }
      %dma_start3A = arith.constant 0 : i32
      %dma_start3A_53 = arith.constant 0 : i32
      %dma_start3A_54 = tpu.memref_slice %arg3[%dma_start3A, %dma_start3A_53] : memref<20000x128xf32, #tpu.memory_space<hbm>> -> memref<20000x128xf32, #tpu.memory_space<hbm>>
      tpu.enqueue_indirect_dma source(%dma_start3A_54 : memref<20000x128xf32, #tpu.memory_space<hbm>>) target(%arg11 : memref<128x128xf32, #tpu.memory_space<vmem>>) offsets(%arg8 : memref<128xi32, #tpu.memory_space<vmem>>) semaphore(%arg15 : memref<!tpu.dma_semaphore, #tpu.memory_space<semaphore_mem>>)
      %dma_wait3A = arith.constant 0 : i32
      %dma_wait3A_55 = arith.constant 0 : i32
      %dma_wait3A_56 = tpu.memref_slice %arg3[%dma_wait3A, %dma_wait3A_55] : memref<20000x128xf32, #tpu.memory_space<hbm>> -> memref<20000x128xf32, #tpu.memory_space<hbm>>
      tpu.wait_indirect_dma semaphore(%arg15 : memref<!tpu.dma_semaphore, #tpu.memory_space<semaphore_mem>>) src(%dma_wait3A_56 : memref<20000x128xf32, #tpu.memory_space<hbm>>) dst(%arg11 : memref<128x128xf32, #tpu.memory_space<vmem>>)
      %iota3A_57 = tpu.iota {dimensions = array<i32: 0>} : vector<16xi32>
      %and3A = arith.constant 3 : i32
      %and3A_58 = vector.broadcast %and3A : i32 to vector<16xi32>
      %and3A_59 = arith.andi %iota3A_57, %and3A_58 : vector<16xi32>
      %get3A_60 = arith.constant 7 : i32
      %get3A_61 = arith.index_cast %get3A_60 : i32 to index
      %get3A_62 = memref.load %arg13[%get3A_61] : memref<16xi32, #tpu.memory_space<smem>>
      %while3A_63 = arith.constant 0 : i32
      %while3A_64 = arith.constant 0 : i32
      %while3A_65 = arith.subi %get3A_62, %while3A_63 : i32
      %while3A_66 = arith.addi %while3A_63, %while3A_65 : i32
      %while3A_67 = arith.constant 1 : i32
      %while3A_68 = arith.divsi %while3A_65, %while3A_67 : i32
      %while3A_69 = arith.muli %while3A_68, %while3A_67 : i32
      %while3A_70 = arith.addi %while3A_63, %while3A_69 : i32
      %while3A_71 = arith.constant 1 : i32
      %while3A_72 = scf.for %while3A_75 = %while3A_63 to %while3A_70 step %while3A_71 iter_args(%while3A_76 = %while3A_64) -> (i32)  : i32 {
        %broadcast_in_dim3A_77 = vector.broadcast %while3A_75 : i32 to vector<16xi32>
        %gather3A = tpu.vector_load_idx %arg11[%broadcast_in_dim3A_77, %and3A_59] : memref<128x128xf32, #tpu.memory_space<vmem>>[vector<16xi32>, vector<16xi32>], vector<16xf32>,
        %mul3A = arith.constant 6 : i32
        %mul3A_78 = arith.muli %while3A_75, %mul3A : i32
        %add3A = arith.constant 0 : i32
        %add3A_79 = arith.addi %mul3A_78, %add3A : i32
        %slice3A = vector.extract_strided_slice %gather3A {offsets = [0], sizes = [1], strides = [1]} : vector<16xf32> to vector<1xf32>
        %squeeze3A = vector.extract %slice3A[0] : f32 from vector<1xf32>
        %broadcast_in_dim3A_80 = vector.broadcast %squeeze3A : f32 to vector<16xf32>
        %swap3A = arith.index_cast %add3A_79 : i32 to index
        %swap3A_81 = tpu.vector_load %arg12[%swap3A] masked %eq3A_2 {strides = array<i32>} : memref<624xf32, #tpu.memory_space<vmem>>, vector<16xf32>, vector<16xi1>
        tpu.vector_store %arg12[%swap3A], %broadcast_in_dim3A_80 masked %eq3A_2 {strides = array<i32>} : memref<624xf32, #tpu.memory_space<vmem>>, vector<16xf32>, vector<16xi1>
        %mul3A_82 = arith.constant 6 : i32
        %mul3A_83 = arith.muli %while3A_75, %mul3A_82 : i32
        %add3A_84 = arith.constant 1 : i32
        %add3A_85 = arith.addi %mul3A_83, %add3A_84 : i32
        %slice3A_86 = vector.extract_strided_slice %gather3A {offsets = [1], sizes = [1], strides = [1]} : vector<16xf32> to vector<1xf32>
        %squeeze3A_87 = vector.extract %slice3A_86[0] : f32 from vector<1xf32>
        %broadcast_in_dim3A_88 = vector.broadcast %squeeze3A_87 : f32 to vector<16xf32>
        %swap3A_89 = arith.index_cast %add3A_85 : i32 to index
        %swap3A_90 = tpu.vector_load %arg12[%swap3A_89] masked %eq3A_2 {strides = array<i32>} : memref<624xf32, #tpu.memory_space<vmem>>, vector<16xf32>, vector<16xi1>
        tpu.vector_store %arg12[%swap3A_89], %broadcast_in_dim3A_88 masked %eq3A_2 {strides = array<i32>} : memref<624xf32, #tpu.memory_space<vmem>>, vector<16xf32>, vector<16xi1>
        %mul3A_91 = arith.constant 6 : i32
        %mul3A_92 = arith.muli %while3A_75, %mul3A_91 : i32
        %add3A_93 = arith.constant 2 : i32
        %add3A_94 = arith.addi %mul3A_92, %add3A_93 : i32
        %slice3A_95 = vector.extract_strided_slice %gather3A {offsets = [2], sizes = [1], strides = [1]} : vector<16xf32> to vector<1xf32>
        %squeeze3A_96 = vector.extract %slice3A_95[0] : f32 from vector<1xf32>
        %broadcast_in_dim3A_97 = vector.broadcast %squeeze3A_96 : f32 to vector<16xf32>
        %swap3A_98 = arith.index_cast %add3A_94 : i32 to index
        %swap3A_99 = tpu.vector_load %arg12[%swap3A_98] masked %eq3A_2 {strides = array<i32>} : memref<624xf32, #tpu.memory_space<vmem>>, vector<16xf32>, vector<16xi1>
        tpu.vector_store %arg12[%swap3A_98], %broadcast_in_dim3A_97 masked %eq3A_2 {strides = array<i32>} : memref<624xf32, #tpu.memory_space<vmem>>, vector<16xf32>, vector<16xi1>
        %mul3A_100 = arith.constant 6 : i32
        %mul3A_101 = arith.muli %while3A_75, %mul3A_100 : i32
        %add3A_102 = arith.constant 3 : i32
        %add3A_103 = arith.addi %mul3A_101, %add3A_102 : i32
        %slice3A_104 = vector.extract_strided_slice %gather3A {offsets = [3], sizes = [1], strides = [1]} : vector<16xf32> to vector<1xf32>
        %squeeze3A_105 = vector.extract %slice3A_104[0] : f32 from vector<1xf32>
        %broadcast_in_dim3A_106 = vector.broadcast %squeeze3A_105 : f32 to vector<16xf32>
        %swap3A_107 = arith.index_cast %add3A_103 : i32 to index
        %swap3A_108 = tpu.vector_load %arg12[%swap3A_107] masked %eq3A_2 {strides = array<i32>} : memref<624xf32, #tpu.memory_space<vmem>>, vector<16xf32>, vector<16xi1>
        tpu.vector_store %arg12[%swap3A_107], %broadcast_in_dim3A_106 masked %eq3A_2 {strides = array<i32>} : memref<624xf32, #tpu.memory_space<vmem>>, vector<16xf32>, vector<16xi1>
        %while3A_109 = arith.constant 0 : i32
        scf.yield %while3A_109 : i32
      }
      %while3A_73 = arith.constant 1 : i32
      %while3A_74 = scf.for %while3A_75 = %while3A_70 to %while3A_66 step %while3A_73 iter_args(%while3A_76 = %while3A_72) -> (i32)  : i32 {
        %broadcast_in_dim3A_77 = vector.broadcast %while3A_75 : i32 to vector<16xi32>
        %gather3A = tpu.vector_load_idx %arg11[%broadcast_in_dim3A_77, %and3A_59] : memref<128x128xf32, #tpu.memory_space<vmem>>[vector<16xi32>, vector<16xi32>], vector<16xf32>,
        %mul3A = arith.constant 6 : i32
        %mul3A_78 = arith.muli %while3A_75, %mul3A : i32
        %add3A = arith.constant 0 : i32
        %add3A_79 = arith.addi %mul3A_78, %add3A : i32
        %slice3A = vector.extract_strided_slice %gather3A {offsets = [0], sizes = [1], strides = [1]} : vector<16xf32> to vector<1xf32>
        %squeeze3A = vector.extract %slice3A[0] : f32 from vector<1xf32>
        %broadcast_in_dim3A_80 = vector.broadcast %squeeze3A : f32 to vector<16xf32>
        %swap3A = arith.index_cast %add3A_79 : i32 to index
        %swap3A_81 = tpu.vector_load %arg12[%swap3A] masked %eq3A_2 {strides = array<i32>} : memref<624xf32, #tpu.memory_space<vmem>>, vector<16xf32>, vector<16xi1>
        tpu.vector_store %arg12[%swap3A], %broadcast_in_dim3A_80 masked %eq3A_2 {strides = array<i32>} : memref<624xf32, #tpu.memory_space<vmem>>, vector<16xf32>, vector<16xi1>
        %mul3A_82 = arith.constant 6 : i32
        %mul3A_83 = arith.muli %while3A_75, %mul3A_82 : i32
        %add3A_84 = arith.constant 1 : i32
        %add3A_85 = arith.addi %mul3A_83, %add3A_84 : i32
        %slice3A_86 = vector.extract_strided_slice %gather3A {offsets = [1], sizes = [1], strides = [1]} : vector<16xf32> to vector<1xf32>
        %squeeze3A_87 = vector.extract %slice3A_86[0] : f32 from vector<1xf32>
        %broadcast_in_dim3A_88 = vector.broadcast %squeeze3A_87 : f32 to vector<16xf32>
        %swap3A_89 = arith.index_cast %add3A_85 : i32 to index
        %swap3A_90 = tpu.vector_load %arg12[%swap3A_89] masked %eq3A_2 {strides = array<i32>} : memref<624xf32, #tpu.memory_space<vmem>>, vector<16xf32>, vector<16xi1>
        tpu.vector_store %arg12[%swap3A_89], %broadcast_in_dim3A_88 masked %eq3A_2 {strides = array<i32>} : memref<624xf32, #tpu.memory_space<vmem>>, vector<16xf32>, vector<16xi1>
        %mul3A_91 = arith.constant 6 : i32
        %mul3A_92 = arith.muli %while3A_75, %mul3A_91 : i32
        %add3A_93 = arith.constant 2 : i32
        %add3A_94 = arith.addi %mul3A_92, %add3A_93 : i32
        %slice3A_95 = vector.extract_strided_slice %gather3A {offsets = [2], sizes = [1], strides = [1]} : vector<16xf32> to vector<1xf32>
        %squeeze3A_96 = vector.extract %slice3A_95[0] : f32 from vector<1xf32>
        %broadcast_in_dim3A_97 = vector.broadcast %squeeze3A_96 : f32 to vector<16xf32>
        %swap3A_98 = arith.index_cast %add3A_94 : i32 to index
        %swap3A_99 = tpu.vector_load %arg12[%swap3A_98] masked %eq3A_2 {strides = array<i32>} : memref<624xf32, #tpu.memory_space<vmem>>, vector<16xf32>, vector<16xi1>
        tpu.vector_store %arg12[%swap3A_98], %broadcast_in_dim3A_97 masked %eq3A_2 {strides = array<i32>} : memref<624xf32, #tpu.memory_space<vmem>>, vector<16xf32>, vector<16xi1>
        %mul3A_100 = arith.constant 6 : i32
        %mul3A_101 = arith.muli %while3A_75, %mul3A_100 : i32
        %add3A_102 = arith.constant 3 : i32
        %add3A_103 = arith.addi %mul3A_101, %add3A_102 : i32
        %slice3A_104 = vector.extract_strided_slice %gather3A {offsets = [3], sizes = [1], strides = [1]} : vector<16xf32> to vector<1xf32>
        %squeeze3A_105 = vector.extract %slice3A_104[0] : f32 from vector<1xf32>
        %broadcast_in_dim3A_106 = vector.broadcast %squeeze3A_105 : f32 to vector<16xf32>
        %swap3A_107 = arith.index_cast %add3A_103 : i32 to index
        %swap3A_108 = tpu.vector_load %arg12[%swap3A_107] masked %eq3A_2 {strides = array<i32>} : memref<624xf32, #tpu.memory_space<vmem>>, vector<16xf32>, vector<16xi1>
        tpu.vector_store %arg12[%swap3A_107], %broadcast_in_dim3A_106 masked %eq3A_2 {strides = array<i32>} : memref<624xf32, #tpu.memory_space<vmem>>, vector<16xf32>, vector<16xi1>
        %while3A_109 = arith.constant 0 : i32
        scf.yield %while3A_109 : i32
      }
      "tpu.region"() ({
        %run_scoped3A = tpu.sem_alloc : memref<!tpu.dma_semaphore, #tpu.memory_space<semaphore_mem>>
        %dma_start3A_75 = arith.constant 0 : i32
        %dma_start3A_76 = tpu.memref_slice %arg12[%dma_start3A_75] : memref<624xf32, #tpu.memory_space<vmem>> -> memref<600xf32, #tpu.memory_space<vmem>>
        %dma_start3A_77 = arith.constant 0 : i32
        %dma_start3A_78 = tpu.memref_slice %arg12[%dma_start3A_77] : memref<624xf32, #tpu.memory_space<vmem>> -> memref<600xf32, #tpu.memory_space<vmem>>
        tpu.enqueue_dma source(%dma_start3A_78 : memref<600xf32, #tpu.memory_space<vmem>>) target(%arg4 : memref<600xf32, #tpu.memory_space<hbm>>) target_semaphore(%run_scoped3A : memref<!tpu.dma_semaphore, #tpu.memory_space<semaphore_mem>>)
        %dma_wait3A_79 = arith.constant 0 : i32
        %dma_wait3A_80 = tpu.memref_slice %arg12[%dma_wait3A_79] : memref<624xf32, #tpu.memory_space<vmem>> -> memref<600xf32, #tpu.memory_space<vmem>>
        %dma_wait3A_81 = arith.constant 0 : i32
        %dma_wait3A_82 = tpu.memref_slice %arg12[%dma_wait3A_81] : memref<624xf32, #tpu.memory_space<vmem>> -> memref<600xf32, #tpu.memory_space<vmem>>
        tpu.wait_dma2 semaphore(%run_scoped3A : memref<!tpu.dma_semaphore, #tpu.memory_space<semaphore_mem>>) src(%dma_wait3A_82 : memref<600xf32, #tpu.memory_space<vmem>>) dst(%arg4 : memref<600xf32, #tpu.memory_space<hbm>>)
        tpu.yield
      }) : () -> ()
    } else {
    }
    return
  }
}

module attributes {stable_mosaic.version = 14 : i64} {
  func.func @_prep_body(%arg0: i32, %arg1: memref<2000x4xf32, #tpu.memory_space<vmem>>, %arg2: memref<2000x81xf32, #tpu.memory_space<vmem>>, %arg3: memref<2000x324xf32, #tpu.memory_space<vmem>>, %arg4: memref<2000x128xf32, #tpu.memory_space<vmem>>, %arg5: memref<2000x1xi32, #tpu.memory_space<vmem>>, %arg6: memref<2000x1xi32, #tpu.memory_space<vmem>>) attributes {dimension_semantics = [#tpu.dimension_semantics<arbitrary>], iteration_bounds = array<i64: 10>, scalar_prefetch = 0 : i64, scratch_operands = 0 : i64, tpu.core_type = #tpu.core_type<tc>, window_params = [{transform_indices = @transform_0, window_bounds = array<i64: 2000, 4>}, {transform_indices = @transform_1, window_bounds = array<i64: 2000, 81>}, {transform_indices = @transform_2, window_bounds = array<i64: 2000, 324>}, {transform_indices = @transform_3, window_bounds = array<i64: 2000, 128>}, {transform_indices = @transform_4, window_bounds = array<i64: 2000, 1>}, {transform_indices = @transform_5, window_bounds = array<i64: 2000, 1>}]} {
    %get3A = arith.constant 0 : index
    %get3A_0 = arith.constant 0 : index
    %get3A_1 = vector.load %arg2[%get3A, %get3A_0] : memref<2000x81xf32, #tpu.memory_space<vmem>>, vector<2000x81xf32>
    %reduce_max3A = arith.constant dense<0xFF800000> : vector<2000xf32>
    %reduce_max3A_2 = vector.multi_reduction <maximumf>, %get3A_1, %reduce_max3A [1] : vector<2000x81xf32> to vector<2000xf32>
    %broadcast_in_dim3A = vector.shape_cast %reduce_max3A_2 : vector<2000xf32> to vector<2000x1xf32>
    %iota3A = tpu.iota {dimensions = array<i32: 1>} : vector<2000x81xi32>
    %eq3A = vector.broadcast %broadcast_in_dim3A : vector<2000x1xf32> to vector<2000x81xf32>
    %eq3A_3 = arith.cmpf oeq, %get3A_1, %eq3A : vector<2000x81xf32>
    %jit3A = arith.constant 81 : i32
    %broadcast_in_dim3A_4 = vector.broadcast %jit3A : i32 to vector<2000x81xi32>
    %select_n3A = arith.select %eq3A_3, %iota3A, %broadcast_in_dim3A_4 : vector<2000x81xi1>, vector<2000x81xi32>
    %reduce_min3A = arith.constant dense<2147483647> : vector<2000xi32>
    %reduce_min3A_5 = vector.multi_reduction <minsi>, %select_n3A, %reduce_min3A [1] : vector<2000x81xi32> to vector<2000xi32>
    %squeeze3A = vector.shape_cast %broadcast_in_dim3A : vector<2000x1xf32> to vector<2000xf32>
    %get3A_6 = arith.constant 0 : index
    %get3A_7 = arith.constant 0 : index
    %get3A_8 = vector.load %arg3[%get3A_6, %get3A_7] : memref<2000x324xf32, #tpu.memory_space<vmem>>, vector<2000x324xf32>
    %iota3A_9 = tpu.iota {dimensions = array<i32: 1>} : vector<2000x324xi32>
    %shift_right_arithmetic3A = arith.constant 2 : i32
    %shift_right_arithmetic3A_10 = vector.broadcast %shift_right_arithmetic3A : i32 to vector<2000x324xi32>
    %shift_right_arithmetic3A_11 = arith.shrsi %iota3A_9, %shift_right_arithmetic3A_10 : vector<2000x324xi32>
    %broadcast_in_dim3A_12 = vector.shape_cast %reduce_min3A_5 : vector<2000xi32> to vector<2000x1xi32>
    %eq3A_13 = vector.broadcast %broadcast_in_dim3A_12 : vector<2000x1xi32> to vector<2000x324xi32>
    %eq3A_14 = arith.cmpi eq, %shift_right_arithmetic3A_11, %eq3A_13 : vector<2000x324xi32>
    %and3A = arith.constant 3 : i32
    %and3A_15 = vector.broadcast %and3A : i32 to vector<2000x324xi32>
    %and3A_16 = arith.andi %iota3A_9, %and3A_15 : vector<2000x324xi32>
    %eq3A_17 = arith.constant 0 : i32
    %eq3A_18 = vector.broadcast %eq3A_17 : i32 to vector<2000x324xi32>
    %eq3A_19 = arith.cmpi eq, %and3A_16, %eq3A_18 : vector<2000x324xi32>
    %and3A_20 = arith.andi %eq3A_14, %eq3A_19 : vector<2000x324xi1>
    %jit3A_21 = arith.constant 0.000000e+00 : f32
    %broadcast_in_dim3A_22 = vector.broadcast %jit3A_21 : f32 to vector<2000x324xf32>
    %select_n3A_23 = arith.select %and3A_20, %get3A_8, %broadcast_in_dim3A_22 : vector<2000x324xi1>, vector<2000x324xf32>
    %reduce_sum3A = arith.constant dense<0.000000e+00> : vector<2000xf32>
    %reduce_sum3A_24 = vector.multi_reduction <add>, %select_n3A_23, %reduce_sum3A [1] : vector<2000x324xf32> to vector<2000xf32>
    %mul3A = arith.constant 1.000000e-01 : f32
    %mul3A_25 = vector.broadcast %mul3A : f32 to vector<2000xf32>
    %mul3A_26 = arith.mulf %reduce_sum3A_24, %mul3A_25 : vector<2000xf32>
    %eq3A_27 = arith.constant 1 : i32
    %eq3A_28 = vector.broadcast %eq3A_27 : i32 to vector<2000x324xi32>
    %eq3A_29 = arith.cmpi eq, %and3A_16, %eq3A_28 : vector<2000x324xi32>
    %and3A_30 = arith.andi %eq3A_14, %eq3A_29 : vector<2000x324xi1>
    %jit3A_31 = arith.constant 0.000000e+00 : f32
    %broadcast_in_dim3A_32 = vector.broadcast %jit3A_31 : f32 to vector<2000x324xf32>
    %select_n3A_33 = arith.select %and3A_30, %get3A_8, %broadcast_in_dim3A_32 : vector<2000x324xi1>, vector<2000x324xf32>
    %reduce_sum3A_34 = arith.constant dense<0.000000e+00> : vector<2000xf32>
    %reduce_sum3A_35 = vector.multi_reduction <add>, %select_n3A_33, %reduce_sum3A_34 [1] : vector<2000x324xf32> to vector<2000xf32>
    %mul3A_36 = arith.constant 1.000000e-01 : f32
    %mul3A_37 = vector.broadcast %mul3A_36 : f32 to vector<2000xf32>
    %mul3A_38 = arith.mulf %reduce_sum3A_35, %mul3A_37 : vector<2000xf32>
    %eq3A_39 = arith.constant 2 : i32
    %eq3A_40 = vector.broadcast %eq3A_39 : i32 to vector<2000x324xi32>
    %eq3A_41 = arith.cmpi eq, %and3A_16, %eq3A_40 : vector<2000x324xi32>
    %and3A_42 = arith.andi %eq3A_14, %eq3A_41 : vector<2000x324xi1>
    %jit3A_43 = arith.constant 0.000000e+00 : f32
    %broadcast_in_dim3A_44 = vector.broadcast %jit3A_43 : f32 to vector<2000x324xf32>
    %select_n3A_45 = arith.select %and3A_42, %get3A_8, %broadcast_in_dim3A_44 : vector<2000x324xi1>, vector<2000x324xf32>
    %reduce_sum3A_46 = arith.constant dense<0.000000e+00> : vector<2000xf32>
    %reduce_sum3A_47 = vector.multi_reduction <add>, %select_n3A_45, %reduce_sum3A_46 [1] : vector<2000x324xf32> to vector<2000xf32>
    %mul3A_48 = arith.constant 2.000000e-01 : f32
    %mul3A_49 = vector.broadcast %mul3A_48 : f32 to vector<2000xf32>
    %mul3A_50 = arith.mulf %reduce_sum3A_47, %mul3A_49 : vector<2000xf32>
    %eq3A_51 = arith.constant 3 : i32
    %eq3A_52 = vector.broadcast %eq3A_51 : i32 to vector<2000x324xi32>
    %eq3A_53 = arith.cmpi eq, %and3A_16, %eq3A_52 : vector<2000x324xi32>
    %and3A_54 = arith.andi %eq3A_14, %eq3A_53 : vector<2000x324xi1>
    %jit3A_55 = arith.constant 0.000000e+00 : f32
    %broadcast_in_dim3A_56 = vector.broadcast %jit3A_55 : f32 to vector<2000x324xf32>
    %select_n3A_57 = arith.select %and3A_54, %get3A_8, %broadcast_in_dim3A_56 : vector<2000x324xi1>, vector<2000x324xf32>
    %reduce_sum3A_58 = arith.constant dense<0.000000e+00> : vector<2000xf32>
    %reduce_sum3A_59 = vector.multi_reduction <add>, %select_n3A_57, %reduce_sum3A_58 [1] : vector<2000x324xf32> to vector<2000xf32>
    %mul3A_60 = arith.constant 2.000000e-01 : f32
    %mul3A_61 = vector.broadcast %mul3A_60 : f32 to vector<2000xf32>
    %mul3A_62 = arith.mulf %reduce_sum3A_59, %mul3A_61 : vector<2000xf32>
    %get3A_63 = arith.constant 0 : index
    %get3A_64 = arith.constant 0 : index
    %get3A_65 = vector.load %arg1[%get3A_63, %get3A_64] : memref<2000x4xf32, #tpu.memory_space<vmem>>, vector<2000x4xf32>
    %slice3A = vector.extract_strided_slice %get3A_65 {offsets = [0, 2], sizes = [2000, 1], strides = [1, 1]} : vector<2000x4xf32> to vector<2000x1xf32>
    %squeeze3A_66 = vector.shape_cast %slice3A : vector<2000x1xf32> to vector<2000xf32>
    %slice3A_67 = vector.extract_strided_slice %get3A_65 {offsets = [0, 0], sizes = [2000, 1], strides = [1, 1]} : vector<2000x4xf32> to vector<2000x1xf32>
    %squeeze3A_68 = vector.shape_cast %slice3A_67 : vector<2000x1xf32> to vector<2000xf32>
    %sub3A = arith.subf %squeeze3A_66, %squeeze3A_68 : vector<2000xf32>
    %slice3A_69 = vector.extract_strided_slice %get3A_65 {offsets = [0, 3], sizes = [2000, 1], strides = [1, 1]} : vector<2000x4xf32> to vector<2000x1xf32>
    %squeeze3A_70 = vector.shape_cast %slice3A_69 : vector<2000x1xf32> to vector<2000xf32>
    %slice3A_71 = vector.extract_strided_slice %get3A_65 {offsets = [0, 1], sizes = [2000, 1], strides = [1, 1]} : vector<2000x4xf32> to vector<2000x1xf32>
    %squeeze3A_72 = vector.shape_cast %slice3A_71 : vector<2000x1xf32> to vector<2000xf32>
    %sub3A_73 = arith.subf %squeeze3A_70, %squeeze3A_72 : vector<2000xf32>
    %slice3A_74 = vector.extract_strided_slice %get3A_65 {offsets = [0, 0], sizes = [2000, 1], strides = [1, 1]} : vector<2000x4xf32> to vector<2000x1xf32>
    %squeeze3A_75 = vector.shape_cast %slice3A_74 : vector<2000x1xf32> to vector<2000xf32>
    %mul3A_76 = arith.constant 5.000000e-01 : f32
    %mul3A_77 = vector.broadcast %mul3A_76 : f32 to vector<2000xf32>
    %mul3A_78 = arith.mulf %mul3A_77, %sub3A : vector<2000xf32>
    %add3A = arith.addf %squeeze3A_75, %mul3A_78 : vector<2000xf32>
    %mul3A_79 = arith.mulf %mul3A_26, %sub3A : vector<2000xf32>
    %add3A_80 = arith.addf %add3A, %mul3A_79 : vector<2000xf32>
    %slice3A_81 = vector.extract_strided_slice %get3A_65 {offsets = [0, 1], sizes = [2000, 1], strides = [1, 1]} : vector<2000x4xf32> to vector<2000x1xf32>
    %squeeze3A_82 = vector.shape_cast %slice3A_81 : vector<2000x1xf32> to vector<2000xf32>
    %mul3A_83 = arith.constant 5.000000e-01 : f32
    %mul3A_84 = vector.broadcast %mul3A_83 : f32 to vector<2000xf32>
    %mul3A_85 = arith.mulf %mul3A_84, %sub3A_73 : vector<2000xf32>
    %add3A_86 = arith.addf %squeeze3A_82, %mul3A_85 : vector<2000xf32>
    %mul3A_87 = arith.mulf %mul3A_38, %sub3A_73 : vector<2000xf32>
    %add3A_88 = arith.addf %add3A_86, %mul3A_87 : vector<2000xf32>
    %exp3A = math.exp %mul3A_50 : vector<2000xf32>
    %mul3A_89 = arith.mulf %sub3A, %exp3A : vector<2000xf32>
    %exp3A_90 = math.exp %mul3A_62 : vector<2000xf32>
    %mul3A_91 = arith.mulf %sub3A_73, %exp3A_90 : vector<2000xf32>
    %mul3A_92 = arith.constant 5.000000e-01 : f32
    %mul3A_93 = vector.broadcast %mul3A_92 : f32 to vector<2000xf32>
    %mul3A_94 = arith.mulf %mul3A_93, %mul3A_89 : vector<2000xf32>
    %sub3A_95 = arith.subf %add3A_80, %mul3A_94 : vector<2000xf32>
    %mul3A_96 = arith.constant 5.000000e-01 : f32
    %mul3A_97 = vector.broadcast %mul3A_96 : f32 to vector<2000xf32>
    %mul3A_98 = arith.mulf %mul3A_97, %mul3A_91 : vector<2000xf32>
    %sub3A_99 = arith.subf %add3A_88, %mul3A_98 : vector<2000xf32>
    %add3A_100 = arith.addf %sub3A_95, %mul3A_89 : vector<2000xf32>
    %add3A_101 = arith.addf %sub3A_99, %mul3A_91 : vector<2000xf32>
    %jit3A_102 = arith.constant 0.000000e+00 : f32
    %jit3A_103 = arith.constant 1.000000e+00 : f32
    %max3A = vector.broadcast %jit3A_102 : f32 to vector<2000xf32>
    %max3A_104 = arith.maximumf %max3A, %sub3A_95 : vector<2000xf32>
    %min3A = vector.broadcast %jit3A_103 : f32 to vector<2000xf32>
    %min3A_105 = arith.minimumf %min3A, %max3A_104 : vector<2000xf32>
    %jit3A_106 = arith.constant 0.000000e+00 : f32
    %jit3A_107 = arith.constant 1.000000e+00 : f32
    %max3A_108 = vector.broadcast %jit3A_106 : f32 to vector<2000xf32>
    %max3A_109 = arith.maximumf %max3A_108, %sub3A_99 : vector<2000xf32>
    %min3A_110 = vector.broadcast %jit3A_107 : f32 to vector<2000xf32>
    %min3A_111 = arith.minimumf %min3A_110, %max3A_109 : vector<2000xf32>
    %jit3A_112 = arith.constant 0.000000e+00 : f32
    %jit3A_113 = arith.constant 1.000000e+00 : f32
    %max3A_114 = vector.broadcast %jit3A_112 : f32 to vector<2000xf32>
    %max3A_115 = arith.maximumf %max3A_114, %add3A_100 : vector<2000xf32>
    %min3A_116 = vector.broadcast %jit3A_113 : f32 to vector<2000xf32>
    %min3A_117 = arith.minimumf %min3A_116, %max3A_115 : vector<2000xf32>
    %jit3A_118 = arith.constant 0.000000e+00 : f32
    %jit3A_119 = arith.constant 1.000000e+00 : f32
    %max3A_120 = vector.broadcast %jit3A_118 : f32 to vector<2000xf32>
    %max3A_121 = arith.maximumf %max3A_120, %add3A_101 : vector<2000xf32>
    %min3A_122 = vector.broadcast %jit3A_119 : f32 to vector<2000xf32>
    %min3A_123 = arith.minimumf %min3A_122, %max3A_121 : vector<2000xf32>
    %broadcast_in_dim3A_124 = vector.shape_cast %min3A_105 : vector<2000xf32> to vector<2000x1xf32>
    %broadcast_in_dim3A_125 = vector.shape_cast %min3A_111 : vector<2000xf32> to vector<2000x1xf32>
    %broadcast_in_dim3A_126 = vector.shape_cast %min3A_117 : vector<2000xf32> to vector<2000x1xf32>
    %broadcast_in_dim3A_127 = vector.shape_cast %min3A_123 : vector<2000xf32> to vector<2000x1xf32>
    %broadcast_in_dim3A_128 = arith.constant 0.000000e+00 : f32
    %broadcast_in_dim3A_129 = vector.broadcast %broadcast_in_dim3A_128 : f32 to vector<2000x124xf32>
    %concatenate3A = tpu.concatenate %broadcast_in_dim3A_124, %broadcast_in_dim3A_125, %broadcast_in_dim3A_126, %broadcast_in_dim3A_127, %broadcast_in_dim3A_129 in 1 : vector<2000x1xf32>, vector<2000x1xf32>, vector<2000x1xf32>, vector<2000x1xf32>, vector<2000x124xf32> -> vector<2000x128xf32>
    %swap3A = arith.constant 0 : index
    %swap3A_130 = arith.constant 0 : index
    %swap3A_131 = vector.load %arg4[%swap3A, %swap3A_130] : memref<2000x128xf32, #tpu.memory_space<vmem>>, vector<2000x128xf32>
    tpu.vector_store %arg4[%swap3A, %swap3A_130], %concatenate3A {strides = array<i32>} : memref<2000x128xf32, #tpu.memory_space<vmem>>, vector<2000x128xf32>,
    %bitcast_convert_type3A = tpu.bitcast %squeeze3A : vector<2000xf32> -> vector<2000xi32>
    %xor3A = arith.constant -1 : i32
    %xor3A_132 = vector.broadcast %xor3A : i32 to vector<2000xi32>
    %xor3A_133 = arith.xori %bitcast_convert_type3A, %xor3A_132 : vector<2000xi32>
    %broadcast_in_dim3A_134 = vector.shape_cast %xor3A_133 : vector<2000xi32> to vector<2000x1xi32>
    %swap3A_135 = arith.constant 0 : index
    %swap3A_136 = arith.constant 0 : index
    %swap3A_137 = vector.load %arg5[%swap3A_135, %swap3A_136] : memref<2000x1xi32, #tpu.memory_space<vmem>>, vector<2000x1xi32>
    tpu.vector_store %arg5[%swap3A_135, %swap3A_136], %broadcast_in_dim3A_134 {strides = array<i32>} : memref<2000x1xi32, #tpu.memory_space<vmem>>, vector<2000x1xi32>,
    %gt3A = arith.constant 0 : i32
    %gt3A_138 = vector.broadcast %gt3A : i32 to vector<2000xi32>
    %gt3A_139 = arith.cmpi sgt, %reduce_min3A_5, %gt3A_138 : vector<2000xi32>
    %ge3A = arith.constant 0.699999988 : f32
    %ge3A_140 = vector.broadcast %ge3A : f32 to vector<2000xf32>
    %ge3A_141 = arith.cmpf oge, %squeeze3A, %ge3A_140 : vector<2000xf32>
    %and3A_142 = arith.andi %gt3A_139, %ge3A_141 : vector<2000xi1>
    %jit3A_143 = arith.constant 0 : i32
    %broadcast_in_dim3A_144 = vector.broadcast %jit3A_143 : i32 to vector<2000xi32>
    %select_n3A_145 = arith.select %and3A_142, %reduce_min3A_5, %broadcast_in_dim3A_144 : vector<2000xi1>, vector<2000xi32>
    %broadcast_in_dim3A_146 = vector.shape_cast %select_n3A_145 : vector<2000xi32> to vector<2000x1xi32>
    %swap3A_147 = arith.constant 0 : index
    %swap3A_148 = arith.constant 0 : index
    %swap3A_149 = vector.load %arg6[%swap3A_147, %swap3A_148] : memref<2000x1xi32, #tpu.memory_space<vmem>>, vector<2000x1xi32>
    tpu.vector_store %arg6[%swap3A_147, %swap3A_148], %broadcast_in_dim3A_146 {strides = array<i32>} : memref<2000x1xi32, #tpu.memory_space<vmem>>, vector<2000x1xi32>,
    return
  }
  func.func @transform_0(%arg0: i32) -> (i32, i32) {
    %c0_i32 = arith.constant 0 : i32
    %c0_i32_0 = arith.constant 0 : i32
    return %arg0, %c0_i32 : i32, i32
  }
  func.func @transform_1(%arg0: i32) -> (i32, i32) {
    %c0_i32 = arith.constant 0 : i32
    %c0_i32_0 = arith.constant 0 : i32
    return %arg0, %c0_i32 : i32, i32
  }
  func.func @transform_2(%arg0: i32) -> (i32, i32) {
    %c0_i32 = arith.constant 0 : i32
    %c0_i32_0 = arith.constant 0 : i32
    return %arg0, %c0_i32 : i32, i32
  }
  func.func @transform_3(%arg0: i32) -> (i32, i32) {
    %c0_i32 = arith.constant 0 : i32
    %c0_i32_0 = arith.constant 0 : i32
    return %arg0, %c0_i32 : i32, i32
  }
  func.func @transform_4(%arg0: i32) -> (i32, i32) {
    %c0_i32 = arith.constant 0 : i32
    %c0_i32_0 = arith.constant 0 : i32
    return %arg0, %c0_i32 : i32, i32
  }
  func.func @transform_5(%arg0: i32) -> (i32, i32) {
    %c0_i32 = arith.constant 0 : i32
    %c0_i32_0 = arith.constant 0 : i32
    return %arg0, %c0_i32 : i32, i32
  }
}

</mosaic_0001>

<sc_bundles>
// kernel: kernel.5.cloned.1.call-start
scs
__scs_entry_jumppad:
0x0: {  	(pc) =	sbr.rel $0x88, $3  }
0x1: {  	(tag) =	ssettag $0x0;
	lr =	simm.s32 $0x1  }
0x2: {  	[smem:$0x3F9E] =	sst lr;
	_ =	strace $0xD0000000  }
0x3: {  	_ = 	snop  }
0x4: {  	_ = 	snop  }
0x5: {  	_ = 	snop  }
0x6: {  	_ = 	snop  }
0x7: {  	_ = 	snop  }
__scs_overlays_trampoline_lowered:
0x8: {  	[smem:$0x3FAD] =	sst s0  }
0x9: {  	[smem:$0x3FAE] =	sst s1  }
0xa: {  	[smem:$0x3FAF] =	sst s2  }
0xb: {  	[smem:$0x3FB0] =	sst s3  }
0xc: {  	[smem:$0x3FB1] =	sst s4  }
0xd: {  	[smem:$0x3FB2] =	sst s5  }
0xe: {  	[smem:$0x3FB3] =	sst s6  }
0xf: {  	[smem:$0x3FB4] =	sst s7  }
0x10: {  	[smem:$0x3FB5] =	sst s8  }
0x11: {  	[smem:$0x3FB6] =	sst s9;
	s0 =	simm.s32 @!p0 $0x0  }
0x12: {  	s1 =	sld [smem:$0x3F9C];
	s0 =	simm.s32 @p0 $0x1  }
0x13: {  	[smem:$0x3FB7] =	sst s0;
	s0 =	simm.s32 @!p1 $0x0  }
0x14: {  	s2 =	sld [smem:$0x3F9B];
	s0 =	simm.s32 @p1 $0x1  }
0x15: {  	[smem:$0x3FB8] =	sst s0;
	s0 =	simm.s32 @!p2 $0x0  }
0x16: {  	s3 =	sld [smem:$0x3FDB];
	s0 =	simm.s32 @p2 $0x1  }
0x17: {  	s4 =	simm.s32 $0x1BF5;
	[smem:$0x3FBA] =	sst s0  }
0x18: {  	s0 =	sld [smem:$0x3F9D];
	_ =	swait.ge [sflag:s4], $0x0  }
0x19: {  	s7 =	sld [smem:$0x3F9E]  }
0x1a: {  	s8 =	sadd.s32 $0xFFFFE003, lr  }
0x1b: {  	s9 =	sadd.s32 $0xFFFFFEF7, lr;
	s5 =	simm.s32 $0xFFFFFFFF;
	p2 =	slt.u32 s8, $0xFFFFF086  }
0x1c: {  	p1 =	slt.u32 s9, $0xF7A;
	s5 =	simm.s32 @!p2 $0x0  }
0x1d: {  	s5 =	simm.s32 @p1 $0x1;
	p0 =	seq.s32 s7, s2  }
0x1e: {  	s7 =	smul.u32 @!p0 $0xF7A, s2;
	p2 =	seq.s32 @!p0 s5, $0x0  }
0x1f: {  	s9 =	smul.u32 $0xF7A, s1;
	s8 =	simm.s32 @!p0 $0x1BF5;
	p2 =	por !p2, p0  }
0x20: {  	[sflag:s8] =	ssyncset.s32 @!p0 $0xFFFFF086;
	s6 =	sadd.s32 @!p0 s3, s7;
	s7 =	simm.s32 @!p0 $0x108  }
0x21: {  	s3 =	sadd.s32 s3, s9;
	s6 =	sadd.s32 @!p0 $0x88, s6;
	s7 =	simm.s32 @p2 $0x1082  }
0x22: {  	[simem:s7], [sflag:s8] =	dma.local @!p0 [hbm:s6], $0xF7A  }
0x23: {  	s9 =	sor.u32 $0xD0000000, s2;
	s6 =	simm.s32 $0x108;
	_ =	swait.ge @!p0 [sflag:s8], $0x0  }
0x24: {  	s3 =	sadd.s32 $0x88, s3;
	s6 =	simm.s32 @!p1 $0x1082;
	[sflag:s4] =	ssyncset.s32 $0xFFFFF086  }
0x25: {  	[simem:s6], [sflag:s4] =	dma.local [hbm:s3], $0xF7A  }
0x26: {  	[smem:$0x3F9E] =	sst s1;
	(tag) =	ssettag s2;
	_ =	strace s9  }
0x27: {  	s1 =	sld [smem:$0x3FAE]  }
0x28: {  	s2 =	sld [smem:$0x3FAF]  }
0x29: {  	s4 =	sld [smem:$0x3FB1]  }
0x2a: {  	p0 =	seq.s32 s5, $0x0;
	s5 =	sld [smem:$0x3FB2]  }
0x2b: {  	s6 =	sld [smem:$0x3FB3]  }
0x2c: {  	s7 =	sld [smem:$0x3FB4]  }
0x2d: {  	s3 =	simm.s32 $0x108;
	s8 =	sld [smem:$0x3FB5]  }
0x2e: {  	s3 =	simm.s32 @!p0 $0x1082;
	s9 =	sld [smem:$0x3FB6]  }
0x2f: {  	lr =	sadd.s32 s0, s3;
	s0 =	sld [smem:$0x3FAD]  }
0x30: {  	s3 =	sld [smem:$0x3FB0]  }
0x31: {  	[smem:$0x3FB9] =	sst s10  }
0x32: {  	s10 =	sld [smem:$0x3FB7];
	_ =	sdelay $0x3  }
0x33: {  	p0 =	seq.s32 s10, $0x1;
	s10 =	sld [smem:$0x3FB9];
	_ =	sdelay $0x3  }
0x34: {  	[smem:$0x3FB9] =	sst s10  }
0x35: {  	s10 =	sld [smem:$0x3FB8];
	_ =	sdelay $0x3  }
0x36: {  	p1 =	seq.s32 s10, $0x1;
	s10 =	sld [smem:$0x3FB9];
	_ =	sdelay $0x3  }
0x37: {  	[smem:$0x3FB9] =	sst s10  }
0x38: {  	s10 =	sld [smem:$0x3FBA]  }
0x39: {  	_ = 	snop;
	(pc) =	sbr.ind lr, $3  }
0x3a: {  	_ = 	snop  }
0x3b: {  	_ = 	snop  }
0x3c: {  	p2 =	seq.s32 s10, $0x1;
	s10 =	sld [smem:$0x3FB9]  }
0x3d: {  	_ =	shalt  }
0x3e: {  	_ =	shalt  }
0x3f: {  	_ =	shalt  }
0x40: {  	_ =	shalt  }
0x41: {  	_ =	shalt  }
0x42: {  	_ =	shalt  }
0x43: {  	_ =	shalt  }
0x44: {  	_ =	shalt  }
0x45: {  	_ =	shalt  }
0x46: {  	_ =	shalt  }
0x47: {  	_ =	shalt  }
0x48: {  	_ =	shalt  }
0x49: {  	_ =	shalt  }
0x4a: {  	_ =	shalt  }
0x4b: {  	_ =	shalt  }
0x4c: {  	_ =	shalt  }
0x4d: {  	_ =	shalt  }
0x4e: {  	_ =	shalt  }
0x4f: {  	_ =	shalt  }
0x50: {  	_ =	shalt  }
0x51: {  	_ =	shalt  }
0x52: {  	_ =	shalt  }
0x53: {  	_ =	shalt  }
0x54: {  	_ =	shalt  }
0x55: {  	_ =	shalt  }
0x56: {  	_ =	shalt  }
0x57: {  	_ =	shalt  }
0x58: {  	_ =	shalt  }
0x59: {  	_ =	shalt  }
0x5a: {  	_ =	shalt  }
0x5b: {  	_ =	shalt  }
0x5c: {  	_ =	shalt  }
0x5d: {  	_ =	shalt  }
0x5e: {  	_ =	shalt  }
0x5f: {  	_ =	shalt  }
0x60: {  	_ =	shalt  }
0x61: {  	_ =	shalt  }
0x62: {  	_ =	shalt  }
0x63: {  	_ =	shalt  }
0x64: {  	_ =	shalt  }
0x65: {  	_ =	shalt  }
0x66: {  	_ =	shalt  }
0x67: {  	_ =	shalt  }
0x68: {  	_ =	shalt  }
0x69: {  	_ =	shalt  }
0x6a: {  	_ =	shalt  }
0x6b: {  	_ =	shalt  }
0x6c: {  	_ =	shalt  }
0x6d: {  	_ =	shalt  }
0x6e: {  	_ =	shalt  }
0x6f: {  	_ =	shalt  }
0x70: {  	_ =	shalt  }
0x71: {  	_ =	shalt  }
0x72: {  	_ =	shalt  }
0x73: {  	_ =	shalt  }
0x74: {  	_ =	shalt  }
0x75: {  	_ =	shalt  }
0x76: {  	_ =	shalt  }
0x77: {  	_ =	shalt  }
0x78: {  	_ =	shalt  }
0x79: {  	_ =	shalt  }
0x7a: {  	_ =	shalt  }
0x7b: {  	_ =	shalt  }
0x7c: {  	_ =	shalt  }
0x7d: {  	_ =	shalt  }
0x7e: {  	_ =	shalt  }
0x7f: {  	_ =	shalt  }
0x80: {  	_ =	shalt  }
0x81: {  	_ =	shalt  }
0x82: {  	_ =	shalt  }
0x83: {  	_ =	shalt  }
0x84: {  	_ =	shalt  }
0x85: {  	_ =	shalt  }
0x86: {  	_ =	shalt  }
0x87: {  	_ =	shalt  }
.Lfunc_end0:
.L_simem_size_0:
called_computation_lowered:
.L_overlay_start_0:
0x88: {  	s0 =	sld [smem:$0x3FD9]  }
0x89: {  	s1 =	sld [smem:$0x3FFE];
	_ =	sdelay $0x3  }
0x8a: {  	s0 =	sadd.s32 s1, s0  }
0x8b: {  	[smem:$0x3FC5] =	sst s0  }
0x8c: {  	_ = 	snop  }
0x8d: {  	(tm) =	ssettm $0x1  }
0x8e: {  	s15 =	sld [smem:$0x3FFB];
	_ =	sdelay $0x3  }
0x8f: {  	_ =	strace s15  }
0x90: {  	s0 =	sld [smem:$0x3FFC];
	_ =	sdelay $0x3  }
0x91: {  	_ =	strace s0  }
0x92: {  	s0 =	sld [smem:$0x3FFD];
	_ =	sdelay $0x3  }
0x93: {  	_ =	strace s0  }
0x94: {  	_ =	strace $0x8FFFFFFF  }
0x95: {  	s16 =	sld [smem:$0x3FDB];
	_ =	sdelay $0x1  }
0x96: {  	s17 =	simm.s32 $_scs_section_size  }
0x97: {  	s2 =	simm.s32 $_size__tile_overlayer_lowered;
	s3 =	simm.s32 $_tile_overlayer_lowered  }
0x98: {  	s20 =	simm.s32 $0x1BFF;
	s19 =	sshll.u32 s3, $0x1;
	s0 =	sadd.s32 s17, s16  }
0x99: {  	s4 =	simm.s32 $0x0;
	s18 =	sshll.u32 s2, $0x1;
	s2 =	sadd.s32 s19, s0  }
0x9a: {  	[timem:s4], [sflag:s20] =	dma.local [hbm:s2], s18  }
0x9b: {  	_ =	swait.ge [sflag:s20], s18  }
0x9c: {  	s1 =	ssub.s32 $0x0, s18;
	[sflag:s20] =	ssyncset.done $0x0  }
0x9d: {  	[sflag:s20] =	ssyncadd.s32 s1;
	_ =	sdelay $0x1  }
0x9e: {  	s21 =	simm.s32 $0x1B8B  }
0x9f: {  	_ =	swait.ge [sflag:s21], $0x1  }
0xa0: {  	[sflag:s21] =	ssyncset.done $0x0  }
0xa1: {  	s23 =	simm.s32 $0x1B8E;
	s22 =	sld [smem:$0x3FFE];
	[sflag:s21] =	ssyncadd.s32 $0xFFFFFFFF  }
0xa2: {  	s24 =	simm.s32 $execute0_lowered;
	[smem:$0x3FD2] =	sst s23  }
0xa3: {  	s2 =	sshll.u32 s24, $0x1;
	_ =	strace $0x80000046;
	[dreg:$0x1] =	wrdreg $0xFFFFFFFF  }
0xa4: {  	s25 =	simm.s32 $_size_execute0_lowered;
	s0 =	sadd.s32 s0, s2;
	[dreg:$0x0] =	wrdreg $0x0  }
0xa5: {  	s2 =	sshll.u32 s25, $0x1;
	[dreg:$0x2] =	wrdreg s0  }
0xa6: {  	[dreg:$0x3] =	wrdreg s2  }
0xa7: {  	[dreg:$0x4] =	wrdreg $0xC0  }
0xa8: {  	_ =	task [dreg:s4], $0x5FFFF  }
0xa9: {  	[dreg:$0x1] =	wrdreg $0xFFFFFFFF  }
0xaa: {  	[dreg:$0x0] =	wrdreg $0x60  }
0xab: {  	[dreg:$0x2] =	wrdreg s22  }
0xac: {  	[dreg:$0x3] =	wrdreg $0x9  }
0xad: {  	_ =	task.clear_ibuf [dreg:s4], $0x4FFFF;
	_ =	strace $0x90000046  }
0xae: {  	s26 =	simm.s32 $0x9;
	_ =	strace $0x80000048  }
0xaf: {  	_ =	swait.ge [sflag:s26], $0x1  }
0xb0: {  	[sflag:s26] =	ssyncadd.s32 $0xFFFFFFFF  }
0xb1: {  	_ =	strace $0x90000048  }
0xb2: {  	_ =	sfence  }
0xb3: {  	s28 =	sld [smem:$0x0];
	_ =	sdelay $0x1  }
0xb4: {  	s29 =	srdreg.scid  }
0xb5: {  	s30 =	sshll.u32 s29, $0xD;
	s31 =	sshrl.u32 s29, $0x2  }
0xb6: {  	s1 =	sand.u32 $0x1, s29;
	s2 =	sand.u32 $0x4000, s30;
	s0 =	sadd.s32 s31, s28  }
0xb7: {  	s1 =	sor.u32 s2, s1;
	s0 =	sshll.u32 s0, $0x11  }
0xb8: {  	s0 =	sor.u32 s0, s1  }
0xb9: {  	s0 =	sadd.s32 $0x8F2B, s0  }
0xba: {  	[sflag:s0] =	ssyncadd.remote.s32 $0x1  }
0xbb: {  	_ =	sfence.sel $0xFFFF  }
0xbc: {  	[dreg:$0x0] =	wrdreg $0xFFFFFFFF;
	(pc) =	sbr.abs _section_cstart, $3  }
0xbd: {  	[dreg:$0x1] =	wrdreg $0xFFFFFFFF  }
0xbe: {  	_ =	task.clear_ibuf [dreg:s4], $0x2FFFF;
	_ =	strace $0x9FFFFFFF  }
0xbf: {  	(tm) =	ssettm $0x7FFFFFFF  }
tec
execute0_lowered:
.L_overlay_start_1:
0x0: {  	(tag) =	ssettag $0x1  }
0x1: {  	s1 =	rddreg [dreg:$0x0]  }
0x2: {  	s0 =	rddreg [dreg:$0x1];
	s3 =	simm.s32 $0x0  }
0x3: {  	[smem:$0x7FF] =	sst s3  }
0x4: {  	s31 =	simm.s32 $0x2;
	s2 =	sadd.s32 $0x4E800, s1;
	_ =	strace $0x80000047  }
0x5: {  	[tilespmem:s3], [sflag:$0x2] =	stream.linear.gather [hbm4b:s2+s3], $0x4E20, $0x38;
	[tilespmem:$0x17380] =	vst v63  }
0x6: {  	_ =	swait.ge [sflag:s31], $0x4E20  }
0x7: {  	[sflag:s31] =	ssyncset.done $0x0  }
0x8: {  	s5 =	simm.s32 $0x4E30;
	s4 =	sadd.s32 $0x4F200, s1;
	[sflag:s31] =	ssyncadd.s32 $0xFFFFB1E0  }
0x9: {  	[tilespmem:s5], [sflag:$0x2] =	stream.linear.gather [hbm4b:s4+s3], $0x4E20, $0x38;
	[tilespmem:$0x17380] =	vst v63  }
0xa: {  	_ =	swait.ge [sflag:s31], $0x4E20  }
0xb: {  	[sflag:s31] =	ssyncset.done $0x0  }
0xc: {  	[sflag:s31] =	ssyncadd.s32 $0xFFFFB1E0  }
0xd: {  	[smem:$0x0] =	sst s3  }
0xe: {  	[smem:$0x1] =	sst s3  }
0xf: {  	[smem:$0x2] =	sst s3  }
0x10: {  	[smem:$0x3] =	sst s3  }
0x11: {  	[smem:$0x4] =	sst s3  }
0x12: {  	[smem:$0x5] =	sst s3  }
0x13: {  	[smem:$0x6] =	sst s3  }
0x14: {  	[smem:$0x7] =	sst s3  }
0x15: {  	[smem:$0x8] =	sst s3  }
0x16: {  	[smem:$0x9] =	sst s3  }
0x17: {  	[smem:$0xA] =	sst s3  }
0x18: {  	[smem:$0xB] =	sst s3  }
0x19: {  	[smem:$0xC] =	sst s3  }
0x1a: {  	s2 =	sadd.s32 $0x600, s1;
	[smem:$0xD] =	sst s3  }
0x1b: {  	s5 =	sadd.s32 $0x4FC00, s1;
	s1 =	stileid.u32;
	[smem:$0xE] =	sst s3  }
0x1c: {  	v0 =	vimm.f32 $9.000000000e+00;
	s4 =	simm.s32 $0x0;
	[smem:$0xF] =	sst s3;
	s3 =	simm.s32 $0x40  }
.LBB2_1:
0x1d: {  	p0 =	sne.s32 s3, $0x22C0;
	[tilespmem:s4+$0x15BD0] =	vst v0;
	s4 =	smov.u32 s3;
	s3 =	sadd.s32 $0x40, s3  }
.Ltmp0:
0x1e: {  	(pc) =	sbr.rel @p0 .LBB2_1-.Ltmp0, $2  }
0x1f: {  	_ =	sdelay $0x2  }
0x20: {  	s4 =	sshra.s32 s4, $0x2  }
0x21: {  	[tilespmem:s4+$0x15BD0] =	vst v0;
	v0 =	vimm.f32 $0.0e+00  }
0x22: {  	[tilespmem:$0x164A0] =	vst v0  }
0x23: {  	[tilespmem:$0x164B0] =	vst v0  }
0x24: {  	[tilespmem:$0x164C0] =	vst v0  }
0x25: {  	[tilespmem:$0x164D0] =	vst v0  }
0x26: {  	[tilespmem:$0x164E0] =	vst v0  }
0x27: {  	[tilespmem:$0x164F0] =	vst v0  }
0x28: {  	[tilespmem:$0x16500] =	vst v0  }
0x29: {  	[tilespmem:$0x16510] =	vst v0  }
0x2a: {  	[tilespmem:$0x16520] =	vst v0  }
0x2b: {  	[tilespmem:$0x16530] =	vst v0  }
0x2c: {  	[tilespmem:$0x16540] =	vst v0  }
0x2d: {  	[tilespmem:$0x16550] =	vst v0  }
0x2e: {  	[tilespmem:$0x16560] =	vst v0  }
0x2f: {  	[tilespmem:$0x16570] =	vst v0  }
0x30: {  	[tilespmem:$0x16580] =	vst v0  }
0x31: {  	[tilespmem:$0x16590] =	vst v0  }
0x32: {  	[tilespmem:$0x165A0] =	vst v0  }
0x33: {  	[tilespmem:$0x165B0] =	vst v0  }
0x34: {  	[tilespmem:$0x165C0] =	vst v0  }
0x35: {  	[tilespmem:$0x165D0] =	vst v0  }
0x36: {  	[tilespmem:$0x165E0] =	vst v0  }
0x37: {  	[tilespmem:$0x165F0] =	vst v0  }
0x38: {  	[tilespmem:$0x16600] =	vst v0  }
0x39: {  	[tilespmem:$0x16610] =	vst v0  }
0x3a: {  	[tilespmem:$0x16620] =	vst v0  }
0x3b: {  	[tilespmem:$0x16630] =	vst v0  }
0x3c: {  	[tilespmem:$0x16640] =	vst v0  }
0x3d: {  	[tilespmem:$0x16650] =	vst v0  }
0x3e: {  	[tilespmem:$0x16660] =	vst v0  }
0x3f: {  	[tilespmem:$0x16670] =	vst v0  }
0x40: {  	p1 =	por $0x0, $0x0;
	[tilespmem:$0x16680] =	vst v0  }
.Ltmp1:
0x41: {  	[tilespmem:$0x16690] =	vst v0;
	(pc) =	sbr.rel @p1 .LBB2_3-.Ltmp1, $4  }
0x42: {  	[tilespmem:$0x166A0] =	vst v0  }
0x43: {  	[tilespmem:$0x166B0] =	vst v0  }
0x44: {  	s3 =	simm.s32 $0x4E30;
	[tilespmem:$0x166C0] =	vst v0;
	v0 =	vlaneseq.u32  }
0x45: {  	v2 =	vmov s1;
	s4 =	simm.s32 $0x0;
	p0 =	por $0x0, $0x0;
	v1 =	vmul.u32 $0x80, v0;
	v0 =	vimm.s32 $0x0;
	v3 =	vld [tilespmem:s3+$0x0];
	s3 =	simm.s32 $0x10  }
0x46: {  	_ =	sdelay $0x3  }
0x47: {  	v4 =	vadd.s32 $0xFFFFFFFF, v3  }
0x48: {  	v4 =	vand.u32 $0xF, v4  }
0x49: {  	vm0 =	vne.s32 v3, $0x0;
	vm1 =	veq.s32 v4, v2  }
0x4a: {  	vm0 =	vmand vm0, vm1  }
0x4b: {  	v4 =	vsel vm0, $0x1, v0  }
0x4c: {  	(xrf0) =	vadd.scan.msk.s32 $0xffff, v4  }
0x4d: {  	v4 =	vld [tilespmem:s4+$0x0];
	_ =	sdelay $0x1  }
0x4e: {  	v5 =	vmov s4;
	p1 =	por $0x0, $0x0  }
.Ltmp2:
0x4f: {  	v5 =	vshll.u32 v5, $0x7;
	(pc) =	sbr.rel @p1 .LBB2_5-.Ltmp2, $4  }
0x50: {  	v5 =	vor.u32 v1, v5  }
0x51: {  	v3 =	vor.u32 v5, v3;
	[tilespmem:s4+$0x9C60] =	vst.msk vm0, v4;
	v4, _, _ =	vpop (xrf0)  }
0x52: {  	s8 =	simm.s32 $0x4E40;
	s9 =	simm.s32 $0x20;
	[tilespmem:s4+$0xEA90] =	vst.msk vm0, v3;
	(v2sf) =	vpush v4, $0xF  }
0x53: {  	p0 =	por $0x1, $0x1;
	s7 =	simm.s32 $0x0;
	s6 =	simm.s32 $0x0;
	v3 =	vld [tilespmem:s8+$0x0]  }
.LBB2_6:
0x54: {  	p1 =	seq.s32 s9, $0x4E10  }
0x55: {  	v4 =	vmov s3;
	s3 =	smov.u32 s9  }
0x56: {  	v4 =	vshll.u32 v4, $0x7  }
0x57: {  	v4 =	vor.u32 v1, v4  }
0x58: {  	v5 =	vadd.s32 $0xFFFFFFFF, v3;
	v4 =	vor.u32 v4, v3  }
0x59: {  	v5 =	vand.u32 $0xF, v5  }
0x5a: {  	vm0 =	vne.s32 v3, $0x0;
	vm1 =	veq.s32 v5, v2  }
0x5b: {  	vm0 =	vmand vm0, vm1  }
0x5c: {  	v3 =	vsel vm0, $0x1, v0  }
0x5d: {  	s7 =	sadd.s32 $0x10, s7;
	(xrf0) =	vadd.scan.msk.s32 $0xffff, v3  }
0x5e: {  	v3 =	vld [tilespmem:s7+$0x0];
	_ =	sdelay $0x2  }
.Ltmp3:
0x5f: {  	s10 =	spop (v2sf);
	(pc) =	sbr.rel @!p1 .LBB2_6-.Ltmp3, $4  }
0x60: {  	s6 =	sadd.s32 s6, s10  }
0x61: {  	[tilespmem:s6+$0x9C60] =	vst.msk vm0, v3;
	v3, _, _ =	vpop (xrf0)  }
0x62: {  	s8 =	sadd.s32 $0x10, s8;
	[tilespmem:s6+$0xEA90] =	vst.msk vm0, v4;
	(v2sf) =	vpush v3, $0xF  }
0x63: {  	s9 =	sadd.s32 $0x10, s9;
	v3 =	vld [tilespmem:s8+$0x0]  }
.LBB2_7:
0x64: {  	_ =	sdelay $0x3  }
0x65: {  	v4 =	vadd.s32 $0xFFFFFFFF, v3  }
0x66: {  	v4 =	vand.u32 $0xF, v4  }
0x67: {  	vm0 =	vne.s32 v3, $0x0;
	vm1 =	veq.s32 v4, v2  }
0x68: {  	vm0 =	vmand vm0, vm1  }
0x69: {  	v2 =	vsel vm0, $0x1, v0  }
0x6a: {  	(xrf0) =	vadd.scan.msk.s32 $0xffff, v2;
	_ =	sdelay $0x5  }
0x6b: {  	v2, _, _ =	vpop (xrf0)  }
0x6c: {  	(v2sf) =	vpush v2, $0xF;
	_ =	sdelay $0x7  }
0x6d: {  	s7 =	sadd.s32 @p0 $0x10, s7;
	s8 =	simm.s32 $0x0  }
0x6e: {  	s8 =	smov.u32 @p0 s7  }
0x6f: {  	v2 =	vld [tilespmem:s8+$0x0];
	_ =	sdelay $0x1  }
0x70: {  	v63 =	vmov s3;
	s7 =	spop @p0 (v2sf)  }
0x71: {  	v4 =	vshll.u32 v63, $0x7;
	s3 =	sadd.s32 @p0 s6, s7;
	s6 =	simm.s32 $0x0  }
0x72: {  	v1 =	vor.u32 v1, v4;
	s6 =	smov.u32 @p0 s3  }
0x73: {  	s30 =	simm.s32 $0x0;
	v1 =	vor.u32 v1, v3;
	[tilespmem:s6+$0x9C60] =	vst.msk vm0, v2;
	s29 =	spop (v2sf)  }
0x74: {  	[tilespmem:s6+$0xEA90] =	vst.msk vm0, v1;
	s3 =	sadd.s32 s6, s29;
	s6 =	smul.u32 $0x440, s30;
	_ =	sdelay $0x1  }
0x75: {  	s31 =	sand.u32 $0xF0, s4;
	s6 =	sshra.s32 s6, $0x2  }
0x76: {  	s7 =	sadd.s32 s31, s6  }
0x77: {  	s6 =	simm.s32 $0x1;
	[tilespmem:s7+$0x139D0] =	vst v0  }
.LBB2_8:
0x78: {  	s7 =	sshrl.u32 s6, $0x4  }
0x79: {  	p0 =	seq.s32 s6, $0xFF;
	s6 =	sadd.s32 $0x1, s6;
	s7 =	smul.u32 $0x440, s7  }
.Ltmp4:
0x7a: {  	(pc) =	sbr.rel @!p0 .LBB2_8-.Ltmp4, $4  }
0x7b: {  	s4 =	sadd.s32 $0x10, s4  }
0x7c: {  	s8 =	sand.u32 $0xF0, s4;
	s7 =	sshra.s32 s7, $0x2  }
0x7d: {  	s7 =	sadd.s32 s8, s7  }
0x7e: {  	[tilespmem:s7+$0x139D0] =	vst v0  }
0x7f: {  	s4 =	sadd.s32 $0xF, s3  }
0x80: {  	s4 =	sshra.s32 s4, $0x4  }
0x81: {  	p0 =	slt.s32 s4, $0x1  }
.Ltmp5:
0x82: {  	_ = 	snop;
	(pc) =	sbr.rel @p0 .LBB2_13-.Ltmp5, $4  }
0x83: {  	_ = 	snop  }
0x84: {  	v2 =	vlaneseq.u32  }
0x85: {  	v0 =	vmul.u32 s4, v2  }
0x86: {  	s6 =	smul.u32 $0x90, s1;
	v1 =	vmov s3  }
0x87: {  	s9 =	simm.s32 $0x0  }
0x88: {  	v4 =	vadd.s32 s9, v0;
	_ =	sdelay $0x3  }
0x89: {  	s7 =	simm.s32 $0x9C60  }
0x8a: {  	v5 =	vld.idx.msk [tilespmem:v4+s7+$0x0], $0xffff  }
0x8b: {  	p1 =	sne.s32 s4, $0x1  }
.Ltmp6:
0x8c: {  	_ = 	snop;
	(pc) =	sbr.rel @!p1 .LBB2_12-.Ltmp6, $4  }
0x8d: {  	_ = 	snop  }
0x8e: {  	v3 =	vmul.u32 $0x110, v2  }
0x8f: {  	vm0 =	vlt.s32 v4, v1;
	v5 =	vand.u32 $0xFF, v5  }
0x90: {  	v2 =	vimm.s32 $0x1;
	s8 =	simm.s32 $0x139D0;
	s9 =	simm.s32 $0x1;
	v4 =	vadd.s32 v3, v5  }
.LBB2_11:
0x91: {  	v5 =	vadd.s32 s9, v0;
	s9 =	sadd.s32 $0x1, s9  }
0x92: {  	p1 =	sne.s32 s4, s9;
	_ =	sdelay $0x2  }
0x93: {  	[tilespmem:v4+s8+$0x0] =	vst.idx.add.s32.msk vm0, v2  }
0x94: {  	v4 =	vld.idx.msk [tilespmem:v5+s7+$0x0], $0xffff;
	_ =	sdelay $0x2  }
.Ltmp7:
0x95: {  	(pc) =	sbr.rel @p1 .LBB2_11-.Ltmp7, $3  }
0x96: {  	_ =	sdelay $0x1  }
0x97: {  	vm0 =	vlt.s32 v5, v1;
	v4 =	vand.u32 $0xFF, v4  }
0x98: {  	v4 =	vadd.s32 v3, v4  }
.LBB2_12:
0x99: {  	_ =	sdelay $0x4  }
0x9a: {  	[tilespmem:v4+s8+$0x0] =	vst.idx.add.s32.msk vm0, v2  }
.LBB2_13:
0x9b: {  	s7 =	simm.s32 $0x0  }
0x9c: {  	v2 =	vld [tilespmem:s7+$0x139D0]  }
0x9d: {  	v3 =	vld [tilespmem:s7+$0x13AE0]  }
0x9e: {  	v4 =	vld [tilespmem:s7+$0x13BF0]  }
0x9f: {  	v5 =	vld [tilespmem:s7+$0x13D00]  }
0xa0: {  	v6 =	vld [tilespmem:s7+$0x13E10]  }
0xa1: {  	v7 =	vld [tilespmem:s7+$0x13F20]  }
0xa2: {  	v2 =	vadd.s32 v2, v3;
	v3 =	vld [tilespmem:s7+$0x14030]  }
0xa3: {  	v2 =	vadd.s32 v2, v4;
	v4 =	vld [tilespmem:s7+$0x14140]  }
0xa4: {  	v2 =	vadd.s32 v2, v5;
	v5 =	vld [tilespmem:s7+$0x14250]  }
0xa5: {  	v2 =	vadd.s32 v2, v6;
	v6 =	vld [tilespmem:s7+$0x14360]  }
0xa6: {  	v2 =	vadd.s32 v2, v7;
	v7 =	vld [tilespmem:s7+$0x14470]  }
0xa7: {  	v8 =	vld [tilespmem:s7+$0x14580];
	v2 =	vadd.s32 v2, v3  }
0xa8: {  	v3 =	vld [tilespmem:s7+$0x14690];
	v2 =	vadd.s32 v2, v4  }
0xa9: {  	v4 =	vld [tilespmem:s7+$0x147A0];
	v2 =	vadd.s32 v2, v5  }
0xaa: {  	v5 =	vld [tilespmem:s7+$0x148B0];
	v2 =	vadd.s32 v2, v6  }
0xab: {  	s8 =	simm.s32 $0x10;
	s10 =	simm.s32 $0x80;
	v6 =	vld [tilespmem:s7+$0x149C0];
	v7 =	vadd.s32 v2, v7  }
0xac: {  	s9 =	simm.s32 $0x0;
	s5 =	sadd.s32 s5, s6;
	s6 =	simm.s32 $0x0;
	v2 =	vld [tilespmem:s8+$0x139D0];
	v7 =	vadd.s32 v7, v8  }
.LBB2_14:
0xad: {  	p1 =	sne.s32 s10, $0x3C0;
	v8 =	vld [tilespmem:s8+$0x13AE0];
	v3 =	vadd.s32 v7, v3  }
0xae: {  	v7 =	vld [tilespmem:s8+$0x13BF0];
	v3 =	vadd.s32 v3, v4  }
0xaf: {  	v4 =	vld [tilespmem:s8+$0x13D00];
	v3 =	vadd.s32 v3, v5  }
0xb0: {  	v5 =	vld [tilespmem:s8+$0x13E10];
	v3 =	vadd.s32 v3, v6  }
0xb1: {  	v6 =	vld [tilespmem:s8+$0x13F20];
	[tilespmem:s9+$0x138C0] =	vst v3;
	s9 =	smov.u32 s8  }
0xb2: {  	v2 =	vadd.s32 v2, v8;
	v3 =	vld [tilespmem:s9+$0x14030]  }
0xb3: {  	v2 =	vadd.s32 v2, v7;
	v7 =	vld [tilespmem:s9+$0x14140]  }
0xb4: {  	v2 =	vadd.s32 v2, v4;
	v4 =	vld [tilespmem:s9+$0x14250]  }
0xb5: {  	v2 =	vadd.s32 v2, v5;
	v5 =	vld [tilespmem:s9+$0x14360]  }
0xb6: {  	v2 =	vadd.s32 v2, v6;
	v6 =	vld [tilespmem:s9+$0x14470]  }
0xb7: {  	v2 =	vadd.s32 v2, v3;
	v8 =	vld [tilespmem:s9+$0x14580]  }
.Ltmp8:
0xb8: {  	v2 =	vadd.s32 v2, v7;
	v3 =	vld [tilespmem:s9+$0x14690];
	(pc) =	sbr.rel @p1 .LBB2_14-.Ltmp8, $4  }
0xb9: {  	v2 =	vadd.s32 v2, v4;
	v4 =	vld [tilespmem:s9+$0x147A0]  }
0xba: {  	v2 =	vadd.s32 v2, v5;
	v5 =	vld [tilespmem:s9+$0x148B0]  }
0xbb: {  	s8 =	sshra.s32 s10, $0x2;
	v7 =	vadd.s32 v2, v6;
	v6 =	vld [tilespmem:s9+$0x149C0]  }
0xbc: {  	s10 =	sadd.s32 $0x40, s10;
	v2 =	vld [tilespmem:s8+$0x139D0];
	v7 =	vadd.s32 v7, v8  }
0xbd: {  	v8 =	vld [tilespmem:s8+$0x13AE0];
	v3 =	vadd.s32 v7, v3  }
0xbe: {  	v52 =	vld [tilespmem:s8+$0x13BF0];
	v3 =	vadd.s32 v3, v4  }
0xbf: {  	v53 =	vld [tilespmem:s8+$0x13D00];
	v3 =	vadd.s32 v3, v5  }
0xc0: {  	v54 =	vld [tilespmem:s8+$0x13E10];
	v3 =	vadd.s32 v3, v6  }
0xc1: {  	v55 =	vld [tilespmem:s8+$0x13F20];
	[tilespmem:s9+$0x138C0] =	vst v3  }
0xc2: {  	v2 =	vadd.s32 v2, v8;
	v3 =	vld [tilespmem:s8+$0x14030]  }
0xc3: {  	v56 =	vld [tilespmem:s8+$0x14140];
	v2 =	vadd.s32 v2, v52  }
0xc4: {  	v57 =	vld [tilespmem:s8+$0x14250];
	v2 =	vadd.s32 v2, v53  }
0xc5: {  	v58 =	vld [tilespmem:s8+$0x14360];
	v2 =	vadd.s32 v2, v54  }
0xc6: {  	v59 =	vld [tilespmem:s8+$0x14470];
	v2 =	vadd.s32 v2, v55  }
0xc7: {  	v2 =	vadd.s32 v2, v3;
	v3 =	vld [tilespmem:s8+$0x14580]  }
0xc8: {  	v60 =	vld [tilespmem:s8+$0x14690];
	v2 =	vadd.s32 v2, v56  }
0xc9: {  	v61 =	vld [tilespmem:s8+$0x147A0];
	v2 =	vadd.s32 v2, v57  }
0xca: {  	v62 =	vld [tilespmem:s8+$0x148B0];
	v2 =	vadd.s32 v2, v58  }
0xcb: {  	v63 =	vld [tilespmem:s8+$0x149C0];
	v2 =	vadd.s32 v2, v59  }
0xcc: {  	v2 =	vadd.s32 v2, v3  }
0xcd: {  	v2 =	vadd.s32 v2, v60  }
0xce: {  	v2 =	vadd.s32 v2, v61  }
0xcf: {  	v2 =	vadd.s32 v2, v62  }
0xd0: {  	v2 =	vadd.s32 v2, v63  }
0xd1: {  	[tilespmem:s8+$0x138C0] =	vst v2  }
0xd2: {  	v2 =	vld [tilespmem:s7+$0x138C0];
	_ =	sdelay $0x4  }
0xd3: {  	(v2sf) =	vpush v2, $0x0;
	_ =	sdelay $0x8  }
0xd4: {  	v3 =	vmov s6  }
0xd5: {  	s8 =	simm.s32 $0x1;
	[tilespmem:s7+$0x138C0] =	vst.msk $0x1, v3;
	s7 =	simm.s32 $0x8  }
.LBB2_16:
0xd6: {  	p1 =	sne.s32 s7, $0x3FC;
	v2 =	vld [tilespmem:s8+$0x138C0];
	_ =	sdelay $0x3  }
0xd7: {  	s9 =	spop (v2sf)  }
0xd8: {  	(v2sf) =	vpush v2, $0x0;
	s6 =	sadd.s32 s6, s9  }
0xd9: {  	v2 =	vmov s6  }
0xda: {  	[tilespmem:s8+$0x138C0] =	vst.msk $0x1, v2;
	_ =	sdelay $0x3  }
.Ltmp9:
0xdb: {  	(pc) =	sbr.rel @p1 .LBB2_16-.Ltmp9, $2  }
0xdc: {  	_ =	sdelay $0x2  }
0xdd: {  	s8 =	sshra.s32 s7, $0x2;
	s7 =	sadd.s32 $0x4, s7  }
0xde: {  	_ = 	snop  }
0xdf: {  	v2 =	vld [tilespmem:s8+$0x138C0];
	_ =	sdelay $0x2  }
0xe0: {  	s7 =	spop (v2sf)  }
0xe1: {  	s6 =	sadd.s32 s6, s7  }
0xe2: {  	(v2sf) =	vpush v2, $0x0;
	v2 =	vmov s6  }
0xe3: {  	s6 =	simm.s32 $0x0;
	[tilespmem:s8+$0x138C0] =	vst.msk $0x1, v2  }
0xe4: {  	v2 =	vld [tilespmem:s6+$0x138C0]  }
0xe5: {  	v3 =	vld [tilespmem:s6+$0x139D0]  }
0xe6: {  	v4 =	vld [tilespmem:s6+$0x13AE0]  }
0xe7: {  	v5 =	vld [tilespmem:s6+$0x13BF0]  }
0xe8: {  	v6 =	vld [tilespmem:s6+$0x13D00]  }
0xe9: {  	v7 =	vld [tilespmem:s6+$0x13E10]  }
0xea: {  	[tilespmem:s6+$0x14AD0] =	vst v2;
	v2 =	vadd.s32 v2, v3;
	v3 =	vld [tilespmem:s6+$0x13F20]  }
0xeb: {  	[tilespmem:s6+$0x14BE0] =	vst v2;
	v2 =	vadd.s32 v2, v4;
	v4 =	vld [tilespmem:s6+$0x14030]  }
0xec: {  	[tilespmem:s6+$0x14CF0] =	vst v2;
	v2 =	vadd.s32 v2, v5;
	v5 =	vld [tilespmem:s6+$0x14140]  }
0xed: {  	[tilespmem:s6+$0x14E00] =	vst v2;
	v2 =	vadd.s32 v2, v6;
	v6 =	vld [tilespmem:s6+$0x14250]  }
0xee: {  	[tilespmem:s6+$0x14F10] =	vst v2;
	v2 =	vadd.s32 v2, v7;
	v7 =	vld [tilespmem:s6+$0x14360]  }
0xef: {  	v8 =	vld [tilespmem:s6+$0x14470];
	[tilespmem:s6+$0x15020] =	vst v2;
	v2 =	vadd.s32 v2, v3  }
0xf0: {  	v3 =	vld [tilespmem:s6+$0x14580];
	[tilespmem:s6+$0x15130] =	vst v2;
	v2 =	vadd.s32 v2, v4  }
0xf1: {  	v4 =	vld [tilespmem:s6+$0x14690];
	[tilespmem:s6+$0x15240] =	vst v2;
	v2 =	vadd.s32 v2, v5  }
0xf2: {  	v5 =	vld [tilespmem:s6+$0x147A0];
	[tilespmem:s6+$0x15350] =	vst v2;
	v2 =	vadd.s32 v2, v6  }
0xf3: {  	s7 =	simm.s32 $0x10;
	v6 =	vld [tilespmem:s6+$0x148B0];
	[tilespmem:s6+$0x15460] =	vst v2;
	v7 =	vadd.s32 v2, v7  }
0xf4: {  	s8 =	simm.s32 $0x80;
	s31 =	spop (v2sf);
	v2 =	vld [tilespmem:s7+$0x138C0];
	[tilespmem:s6+$0x15570] =	vst v7;
	v7 =	vadd.s32 v7, v8  }
.LBB2_18:
0xf5: {  	p1 =	seq.s32 s8, $0x3C0;
	v8 =	vld [tilespmem:s7+$0x139D0];
	[tilespmem:s6+$0x15680] =	vst v7;
	v3 =	vadd.s32 v7, v3  }
0xf6: {  	v7 =	vld [tilespmem:s7+$0x13AE0];
	[tilespmem:s6+$0x15790] =	vst v3;
	v3 =	vadd.s32 v3, v4  }
0xf7: {  	v4 =	vld [tilespmem:s7+$0x13BF0];
	[tilespmem:s6+$0x158A0] =	vst v3;
	v3 =	vadd.s32 v3, v5  }
0xf8: {  	v5 =	vld [tilespmem:s7+$0x13D00];
	[tilespmem:s6+$0x159B0] =	vst v3;
	v3 =	vadd.s32 v3, v6  }
0xf9: {  	v6 =	vld [tilespmem:s7+$0x13E10];
	[tilespmem:s6+$0x15AC0] =	vst v3;
	s6 =	smov.u32 s7  }
0xfa: {  	[tilespmem:s6+$0x14AD0] =	vst v2;
	v2 =	vadd.s32 v2, v8;
	v3 =	vld [tilespmem:s6+$0x13F20]  }
0xfb: {  	[tilespmem:s6+$0x14BE0] =	vst v2;
	v2 =	vadd.s32 v2, v7;
	v7 =	vld [tilespmem:s6+$0x14030]  }
0xfc: {  	[tilespmem:s6+$0x14CF0] =	vst v2;
	v2 =	vadd.s32 v2, v4;
	v4 =	vld [tilespmem:s6+$0x14140]  }
0xfd: {  	[tilespmem:s6+$0x14E00] =	vst v2;
	v2 =	vadd.s32 v2, v5;
	v5 =	vld [tilespmem:s6+$0x14250]  }
0xfe: {  	[tilespmem:s6+$0x14F10] =	vst v2;
	v2 =	vadd.s32 v2, v6;
	v6 =	vld [tilespmem:s6+$0x14360]  }
0xff: {  	[tilespmem:s6+$0x15020] =	vst v2;
	v2 =	vadd.s32 v2, v3;
	v8 =	vld [tilespmem:s6+$0x14470]  }
.Ltmp10:
0x100: {  	[tilespmem:s6+$0x15130] =	vst v2;
	v2 =	vadd.s32 v2, v7;
	v3 =	vld [tilespmem:s6+$0x14580];
	(pc) =	sbr.rel @!p1 .LBB2_18-.Ltmp10, $4  }
0x101: {  	[tilespmem:s6+$0x15240] =	vst v2;
	v2 =	vadd.s32 v2, v4;
	v4 =	vld [tilespmem:s6+$0x14690]  }
0x102: {  	[tilespmem:s6+$0x15350] =	vst v2;
	v2 =	vadd.s32 v2, v5;
	v5 =	vld [tilespmem:s6+$0x147A0]  }
0x103: {  	s7 =	sshra.s32 s8, $0x2;
	[tilespmem:s6+$0x15460] =	vst v2;
	v7 =	vadd.s32 v2, v6;
	v6 =	vld [tilespmem:s6+$0x148B0]  }
0x104: {  	s8 =	sadd.s32 $0x40, s8;
	v2 =	vld [tilespmem:s7+$0x138C0];
	[tilespmem:s6+$0x15570] =	vst v7;
	v7 =	vadd.s32 v7, v8  }
0x105: {  	v8 =	vld [tilespmem:s7+$0x139D0];
	[tilespmem:s6+$0x15680] =	vst v7;
	v3 =	vadd.s32 v7, v3  }
0x106: {  	v52 =	vld [tilespmem:s7+$0x13AE0];
	[tilespmem:s6+$0x15790] =	vst v3;
	v3 =	vadd.s32 v3, v4  }
0x107: {  	v53 =	vld [tilespmem:s7+$0x13BF0];
	[tilespmem:s6+$0x158A0] =	vst v3;
	v3 =	vadd.s32 v3, v5  }
0x108: {  	v54 =	vld [tilespmem:s7+$0x13D00];
	[tilespmem:s6+$0x159B0] =	vst v3;
	v3 =	vadd.s32 v3, v6  }
0x109: {  	v55 =	vld [tilespmem:s7+$0x13E10];
	[tilespmem:s6+$0x15AC0] =	vst v3  }
0x10a: {  	[tilespmem:s7+$0x14AD0] =	vst v2;
	v2 =	vadd.s32 v2, v8;
	v3 =	vld [tilespmem:s7+$0x13F20]  }
0x10b: {  	v56 =	vld [tilespmem:s7+$0x14030];
	[tilespmem:s7+$0x14BE0] =	vst v2;
	v2 =	vadd.s32 v2, v52  }
0x10c: {  	v57 =	vld [tilespmem:s7+$0x14140];
	[tilespmem:s7+$0x14CF0] =	vst v2;
	v2 =	vadd.s32 v2, v53  }
0x10d: {  	v58 =	vld [tilespmem:s7+$0x14250];
	[tilespmem:s7+$0x14E00] =	vst v2;
	v2 =	vadd.s32 v2, v54  }
0x10e: {  	v59 =	vld [tilespmem:s7+$0x14360];
	[tilespmem:s7+$0x14F10] =	vst v2;
	v2 =	vadd.s32 v2, v55  }
0x10f: {  	[tilespmem:s7+$0x15020] =	vst v2;
	v2 =	vadd.s32 v2, v3;
	v3 =	vld [tilespmem:s7+$0x14470]  }
0x110: {  	v60 =	vld [tilespmem:s7+$0x14580];
	[tilespmem:s7+$0x15130] =	vst v2;
	v2 =	vadd.s32 v2, v56  }
0x111: {  	v61 =	vld [tilespmem:s7+$0x14690];
	[tilespmem:s7+$0x15240] =	vst v2;
	v2 =	vadd.s32 v2, v57  }
0x112: {  	v62 =	vld [tilespmem:s7+$0x147A0];
	[tilespmem:s7+$0x15350] =	vst v2;
	v2 =	vadd.s32 v2, v58  }
0x113: {  	v63 =	vld [tilespmem:s7+$0x148B0];
	[tilespmem:s7+$0x15460] =	vst v2;
	v2 =	vadd.s32 v2, v59  }
0x114: {  	p1 =	sgt.s32 s4, $0x0;
	[tilespmem:s7+$0x15570] =	vst v2;
	v2 =	vadd.s32 v2, v3  }
.Ltmp11:
0x115: {  	[tilespmem:s7+$0x15680] =	vst v2;
	v2 =	vadd.s32 v2, v60;
	(pc) =	sbr.rel @!p1 .LBB2_20-.Ltmp11, $4  }
0x116: {  	[tilespmem:s7+$0x15790] =	vst v2;
	v2 =	vadd.s32 v2, v61  }
0x117: {  	[tilespmem:s7+$0x158A0] =	vst v2;
	v2 =	vadd.s32 v2, v62  }
0x118: {  	[tilespmem:s7+$0x159B0] =	vst v2;
	v2 =	vadd.s32 v2, v63  }
0x119: {  	[tilespmem:s7+$0x15AC0] =	vst v2  }
0x11a: {  	s6 =	simm.s32 $0x0  }
0x11b: {  	v8 =	vadd.s32 s6, v0;
	_ =	sdelay $0x3  }
0x11c: {  	s7 =	simm.s32 $0x9C60  }
0x11d: {  	v4 =	vld.idx.msk [tilespmem:v8+s7+$0x0], $0xffff;
	_ =	sdelay $0x2  }
0x11e: {  	v2 =	vlaneseq.u32  }
0x11f: {  	v3 =	vmul.u32 $0x110, v2  }
0x120: {  	v5 =	vand.u32 $0xFF, v4  }
0x121: {  	v6 =	vadd.s32 v3, v5;
	_ =	sdelay $0x1  }
0x122: {  	p2 =	seq.s32 s4, $0x1  }
.Ltmp12:
0x123: {  	_ = 	snop;
	(pc) =	sbr.rel @p2 .LBB2_57-.Ltmp12, $4  }
0x124: {  	s8 =	simm.s32 $0x14AD0  }
0x125: {  	v7 =	vld.idx.msk [tilespmem:v6+s8+$0x0], $0xffff  }
0x126: {  	s9 =	simm.s32 $0xEA90  }
0x127: {  	s10 =	simm.s32 $0x4E30;
	s11 =	simm.s32 $0x1;
	v2 =	vimm.s32 $0x1;
	vm0 =	vlt.s32 v8, v1;
	v5 =	vld.idx.msk [tilespmem:v8+s9+$0x0], $0xffff  }
.LBB2_56:
0x128: {  	_ =	sdelay $0x2  }
0x129: {  	v8 =	vadd.s32 s11, v0;
	_ =	sdelay $0x1  }
0x12a: {  	s11 =	sadd.s32 $0x1, s11;
	[tilespmem:v7+s6+$0x0] =	vst.idx.msk vm0, v4  }
0x12b: {  	p2 =	seq.s32 s4, s11;
	[tilespmem:v7+s10+$0x0] =	vst.idx.msk vm0, v5  }
0x12c: {  	[tilespmem:v6+s8+$0x0] =	vst.idx.add.s32.msk vm0, v2  }
0x12d: {  	v4 =	vld.idx.msk [tilespmem:v8+s7+$0x0], $0xffff  }
0x12e: {  	v5 =	vld.idx.msk [tilespmem:v8+s9+$0x0], $0xffff;
	_ =	sdelay $0x4  }
0x12f: {  	v6 =	vand.u32 $0xFF, v4  }
0x130: {  	v6 =	vadd.s32 v3, v6;
	_ =	sdelay $0x2  }
.Ltmp13:
0x131: {  	(pc) =	sbr.rel @!p2 .LBB2_56-.Ltmp13, $3  }
0x132: {  	_ = 	snop  }
0x133: {  	v7 =	vld.idx.msk [tilespmem:v6+s8+$0x0], $0xffff;
	_ =	sdelay $0x1  }
0x134: {  	vm0 =	vlt.s32 v8, v1  }
.LBB2_57:
0x135: {  	_ =	sdelay $0x5  }
0x136: {  	[tilespmem:v7+s6+$0x0] =	vst.idx.msk vm0, v4  }
0x137: {  	[tilespmem:v7+s10+$0x0] =	vst.idx.msk vm0, v5  }
0x138: {  	[tilespmem:v6+s8+$0x0] =	vst.idx.add.s32.msk vm0, v2  }
.LBB2_20:
0x139: {  	s7 =	simm.s32 $0x0  }
0x13a: {  	s7 =	smul.u32 $0x440, s7  }
0x13b: {  	s6 =	simm.s32 $0x0  }
0x13c: {  	s8 =	sand.u32 $0xF0, s6;
	s7 =	sshra.s32 s7, $0x2  }
0x13d: {  	v2 =	vimm.s32 $0x0;
	s8 =	sadd.s32 s8, s7  }
0x13e: {  	s7 =	simm.s32 $0x1;
	[tilespmem:s8+$0x139D0] =	vst v2  }
.LBB2_21:
0x13f: {  	s8 =	sshrl.u32 s7, $0x4  }
0x140: {  	p2 =	seq.s32 s7, $0xFF;
	s7 =	sadd.s32 $0x1, s7;
	s8 =	smul.u32 $0x440, s8  }
.Ltmp14:
0x141: {  	(pc) =	sbr.rel @!p2 .LBB2_21-.Ltmp14, $4  }
0x142: {  	s6 =	sadd.s32 $0x10, s6  }
0x143: {  	s9 =	sand.u32 $0xF0, s6;
	s8 =	sshra.s32 s8, $0x2  }
0x144: {  	s8 =	sadd.s32 s9, s8  }
0x145: {  	[tilespmem:s8+$0x139D0] =	vst v2  }
.Ltmp15:
0x146: {  	(pc) =	sbr.rel @p0 .LBB2_26-.Ltmp15, $1  }
0x147: {  	_ =	sdelay $0x3  }
0x148: {  	s6 =	simm.s32 $0x0  }
0x149: {  	v4 =	vadd.s32 s6, v0;
	_ =	sdelay $0x4  }
0x14a: {  	v5 =	vld.idx.msk [tilespmem:v4+s6+$0x0], $0xffff;
	_ =	sdelay $0x1  }
0x14b: {  	p2 =	sne.s32 s4, $0x1  }
.Ltmp16:
0x14c: {  	_ = 	snop;
	(pc) =	sbr.rel @!p2 .LBB2_25-.Ltmp16, $4  }
0x14d: {  	v2 =	vlaneseq.u32  }
0x14e: {  	v3 =	vmul.u32 $0x110, v2;
	v5 =	vshrl.u32 v5, $0x8  }
0x14f: {  	vm0 =	vlt.s32 v4, v1;
	v5 =	vand.u32 $0xFF, v5  }
0x150: {  	s7 =	simm.s32 $0x139D0;
	s8 =	simm.s32 $0x1;
	v2 =	vimm.s32 $0x1;
	v4 =	vadd.s32 v3, v5  }
.LBB2_24:
0x151: {  	v5 =	vadd.s32 s8, v0;
	s8 =	sadd.s32 $0x1, s8  }
0x152: {  	p2 =	sne.s32 s4, s8;
	_ =	sdelay $0x2  }
0x153: {  	[tilespmem:v4+s7+$0x0] =	vst.idx.add.s32.msk vm0, v2  }
0x154: {  	v4 =	vld.idx.msk [tilespmem:v5+s6+$0x0], $0xffff;
	_ =	sdelay $0x3  }
.Ltmp17:
0x155: {  	(pc) =	sbr.rel @p2 .LBB2_24-.Ltmp17, $4  }
0x156: {  	_ = 	snop  }
0x157: {  	v4 =	vshrl.u32 v4, $0x8  }
0x158: {  	vm0 =	vlt.s32 v5, v1;
	v4 =	vand.u32 $0xFF, v4  }
0x159: {  	v4 =	vadd.s32 v3, v4  }
.LBB2_25:
0x15a: {  	_ =	sdelay $0x4  }
0x15b: {  	[tilespmem:v4+s7+$0x0] =	vst.idx.add.s32.msk vm0, v2  }
.LBB2_26:
0x15c: {  	s7 =	simm.s32 $0x0  }
0x15d: {  	v2 =	vld [tilespmem:s7+$0x139D0]  }
0x15e: {  	v3 =	vld [tilespmem:s7+$0x13AE0]  }
0x15f: {  	v4 =	vld [tilespmem:s7+$0x13BF0]  }
0x160: {  	v5 =	vld [tilespmem:s7+$0x13D00]  }
0x161: {  	v6 =	vld [tilespmem:s7+$0x13E10]  }
0x162: {  	v7 =	vld [tilespmem:s7+$0x13F20]  }
0x163: {  	v2 =	vadd.s32 v2, v3;
	v3 =	vld [tilespmem:s7+$0x14030]  }
0x164: {  	v2 =	vadd.s32 v2, v4;
	v4 =	vld [tilespmem:s7+$0x14140]  }
0x165: {  	v2 =	vadd.s32 v2, v5;
	v5 =	vld [tilespmem:s7+$0x14250]  }
0x166: {  	v2 =	vadd.s32 v2, v6;
	v6 =	vld [tilespmem:s7+$0x14360]  }
0x167: {  	v2 =	vadd.s32 v2, v7;
	v7 =	vld [tilespmem:s7+$0x14470]  }
0x168: {  	v8 =	vld [tilespmem:s7+$0x14580];
	v2 =	vadd.s32 v2, v3  }
0x169: {  	v3 =	vld [tilespmem:s7+$0x14690];
	v2 =	vadd.s32 v2, v4  }
0x16a: {  	v4 =	vld [tilespmem:s7+$0x147A0];
	v2 =	vadd.s32 v2, v5  }
0x16b: {  	v5 =	vld [tilespmem:s7+$0x148B0];
	v2 =	vadd.s32 v2, v6  }
0x16c: {  	s8 =	simm.s32 $0x10;
	v6 =	vld [tilespmem:s7+$0x149C0];
	v7 =	vadd.s32 v2, v7  }
0x16d: {  	s6 =	simm.s32 $0x0;
	s10 =	simm.s32 $0x80;
	s9 =	simm.s32 $0x0;
	v2 =	vld [tilespmem:s8+$0x139D0];
	v7 =	vadd.s32 v7, v8  }
.LBB2_27:
0x16e: {  	p2 =	sne.s32 s10, $0x3C0;
	v8 =	vld [tilespmem:s8+$0x13AE0];
	v3 =	vadd.s32 v7, v3  }
0x16f: {  	v7 =	vld [tilespmem:s8+$0x13BF0];
	v3 =	vadd.s32 v3, v4  }
0x170: {  	v4 =	vld [tilespmem:s8+$0x13D00];
	v3 =	vadd.s32 v3, v5  }
0x171: {  	v5 =	vld [tilespmem:s8+$0x13E10];
	v3 =	vadd.s32 v3, v6  }
0x172: {  	v6 =	vld [tilespmem:s8+$0x13F20];
	[tilespmem:s9+$0x138C0] =	vst v3;
	s9 =	smov.u32 s8  }
0x173: {  	v2 =	vadd.s32 v2, v8;
	v3 =	vld [tilespmem:s9+$0x14030]  }
0x174: {  	v2 =	vadd.s32 v2, v7;
	v7 =	vld [tilespmem:s9+$0x14140]  }
0x175: {  	v2 =	vadd.s32 v2, v4;
	v4 =	vld [tilespmem:s9+$0x14250]  }
0x176: {  	v2 =	vadd.s32 v2, v5;
	v5 =	vld [tilespmem:s9+$0x14360]  }
0x177: {  	v2 =	vadd.s32 v2, v6;
	v6 =	vld [tilespmem:s9+$0x14470]  }
0x178: {  	v2 =	vadd.s32 v2, v3;
	v8 =	vld [tilespmem:s9+$0x14580]  }
.Ltmp18:
0x179: {  	v2 =	vadd.s32 v2, v7;
	v3 =	vld [tilespmem:s9+$0x14690];
	(pc) =	sbr.rel @p2 .LBB2_27-.Ltmp18, $4  }
0x17a: {  	v2 =	vadd.s32 v2, v4;
	v4 =	vld [tilespmem:s9+$0x147A0]  }
0x17b: {  	v2 =	vadd.s32 v2, v5;
	v5 =	vld [tilespmem:s9+$0x148B0]  }
0x17c: {  	s8 =	sshra.s32 s10, $0x2;
	v7 =	vadd.s32 v2, v6;
	v6 =	vld [tilespmem:s9+$0x149C0]  }
0x17d: {  	s10 =	sadd.s32 $0x40, s10;
	v2 =	vld [tilespmem:s8+$0x139D0];
	v7 =	vadd.s32 v7, v8  }
0x17e: {  	v8 =	vld [tilespmem:s8+$0x13AE0];
	v3 =	vadd.s32 v7, v3  }
0x17f: {  	v52 =	vld [tilespmem:s8+$0x13BF0];
	v3 =	vadd.s32 v3, v4  }
0x180: {  	v53 =	vld [tilespmem:s8+$0x13D00];
	v3 =	vadd.s32 v3, v5  }
0x181: {  	v54 =	vld [tilespmem:s8+$0x13E10];
	v3 =	vadd.s32 v3, v6  }
0x182: {  	v55 =	vld [tilespmem:s8+$0x13F20];
	[tilespmem:s9+$0x138C0] =	vst v3  }
0x183: {  	v2 =	vadd.s32 v2, v8;
	v3 =	vld [tilespmem:s8+$0x14030]  }
0x184: {  	v56 =	vld [tilespmem:s8+$0x14140];
	v2 =	vadd.s32 v2, v52  }
0x185: {  	v57 =	vld [tilespmem:s8+$0x14250];
	v2 =	vadd.s32 v2, v53  }
0x186: {  	v58 =	vld [tilespmem:s8+$0x14360];
	v2 =	vadd.s32 v2, v54  }
0x187: {  	v59 =	vld [tilespmem:s8+$0x14470];
	v2 =	vadd.s32 v2, v55  }
0x188: {  	v2 =	vadd.s32 v2, v3;
	v3 =	vld [tilespmem:s8+$0x14580]  }
0x189: {  	v60 =	vld [tilespmem:s8+$0x14690];
	v2 =	vadd.s32 v2, v56  }
0x18a: {  	v61 =	vld [tilespmem:s8+$0x147A0];
	v2 =	vadd.s32 v2, v57  }
0x18b: {  	v62 =	vld [tilespmem:s8+$0x148B0];
	v2 =	vadd.s32 v2, v58  }
0x18c: {  	v63 =	vld [tilespmem:s8+$0x149C0];
	v2 =	vadd.s32 v2, v59  }
0x18d: {  	v2 =	vadd.s32 v2, v3  }
0x18e: {  	v2 =	vadd.s32 v2, v60  }
0x18f: {  	v2 =	vadd.s32 v2, v61  }
0x190: {  	v2 =	vadd.s32 v2, v62  }
0x191: {  	v2 =	vadd.s32 v2, v63  }
0x192: {  	[tilespmem:s8+$0x138C0] =	vst v2  }
0x193: {  	v2 =	vld [tilespmem:s7+$0x138C0];
	_ =	sdelay $0x4  }
0x194: {  	(v2sf) =	vpush v2, $0x0;
	_ =	sdelay $0x8  }
0x195: {  	v3 =	vmov s6  }
0x196: {  	s8 =	simm.s32 $0x1;
	[tilespmem:s7+$0x138C0] =	vst.msk $0x1, v3;
	s7 =	simm.s32 $0x8  }
.LBB2_29:
0x197: {  	p2 =	sne.s32 s7, $0x3FC;
	v2 =	vld [tilespmem:s8+$0x138C0];
	_ =	sdelay $0x3  }
0x198: {  	s9 =	spop (v2sf)  }
0x199: {  	(v2sf) =	vpush v2, $0x0;
	s6 =	sadd.s32 s6, s9  }
0x19a: {  	v2 =	vmov s6  }
0x19b: {  	[tilespmem:s8+$0x138C0] =	vst.msk $0x1, v2;
	_ =	sdelay $0x3  }
.Ltmp19:
0x19c: {  	(pc) =	sbr.rel @p2 .LBB2_29-.Ltmp19, $2  }
0x19d: {  	_ =	sdelay $0x2  }
0x19e: {  	s8 =	sshra.s32 s7, $0x2;
	s7 =	sadd.s32 $0x4, s7  }
0x19f: {  	_ = 	snop  }
0x1a0: {  	v2 =	vld [tilespmem:s8+$0x138C0];
	_ =	sdelay $0x2  }
0x1a1: {  	s7 =	spop (v2sf)  }
0x1a2: {  	s6 =	sadd.s32 s6, s7  }
0x1a3: {  	(v2sf) =	vpush v2, $0x0;
	v2 =	vmov s6  }
0x1a4: {  	s6 =	simm.s32 $0x0;
	[tilespmem:s8+$0x138C0] =	vst.msk $0x1, v2  }
0x1a5: {  	v2 =	vld [tilespmem:s6+$0x138C0]  }
0x1a6: {  	v3 =	vld [tilespmem:s6+$0x139D0]  }
0x1a7: {  	v4 =	vld [tilespmem:s6+$0x13AE0]  }
0x1a8: {  	v5 =	vld [tilespmem:s6+$0x13BF0]  }
0x1a9: {  	v6 =	vld [tilespmem:s6+$0x13D00]  }
0x1aa: {  	v7 =	vld [tilespmem:s6+$0x13E10]  }
0x1ab: {  	[tilespmem:s6+$0x14AD0] =	vst v2;
	v2 =	vadd.s32 v2, v3;
	v3 =	vld [tilespmem:s6+$0x13F20]  }
0x1ac: {  	[tilespmem:s6+$0x14BE0] =	vst v2;
	v2 =	vadd.s32 v2, v4;
	v4 =	vld [tilespmem:s6+$0x14030]  }
0x1ad: {  	[tilespmem:s6+$0x14CF0] =	vst v2;
	v2 =	vadd.s32 v2, v5;
	v5 =	vld [tilespmem:s6+$0x14140]  }
0x1ae: {  	[tilespmem:s6+$0x14E00] =	vst v2;
	v2 =	vadd.s32 v2, v6;
	v6 =	vld [tilespmem:s6+$0x14250]  }
0x1af: {  	[tilespmem:s6+$0x14F10] =	vst v2;
	v2 =	vadd.s32 v2, v7;
	v7 =	vld [tilespmem:s6+$0x14360]  }
0x1b0: {  	v8 =	vld [tilespmem:s6+$0x14470];
	[tilespmem:s6+$0x15020] =	vst v2;
	v2 =	vadd.s32 v2, v3  }
0x1b1: {  	v3 =	vld [tilespmem:s6+$0x14580];
	[tilespmem:s6+$0x15130] =	vst v2;
	v2 =	vadd.s32 v2, v4  }
0x1b2: {  	v4 =	vld [tilespmem:s6+$0x14690];
	[tilespmem:s6+$0x15240] =	vst v2;
	v2 =	vadd.s32 v2, v5  }
0x1b3: {  	v5 =	vld [tilespmem:s6+$0x147A0];
	[tilespmem:s6+$0x15350] =	vst v2;
	v2 =	vadd.s32 v2, v6  }
0x1b4: {  	s7 =	simm.s32 $0x10;
	v6 =	vld [tilespmem:s6+$0x148B0];
	[tilespmem:s6+$0x15460] =	vst v2;
	v7 =	vadd.s32 v2, v7  }
0x1b5: {  	s8 =	simm.s32 $0x80;
	s31 =	spop (v2sf);
	v2 =	vld [tilespmem:s7+$0x138C0];
	[tilespmem:s6+$0x15570] =	vst v7;
	v7 =	vadd.s32 v7, v8  }
.LBB2_31:
0x1b6: {  	p2 =	seq.s32 s8, $0x3C0;
	v8 =	vld [tilespmem:s7+$0x139D0];
	[tilespmem:s6+$0x15680] =	vst v7;
	v3 =	vadd.s32 v7, v3  }
0x1b7: {  	v7 =	vld [tilespmem:s7+$0x13AE0];
	[tilespmem:s6+$0x15790] =	vst v3;
	v3 =	vadd.s32 v3, v4  }
0x1b8: {  	v4 =	vld [tilespmem:s7+$0x13BF0];
	[tilespmem:s6+$0x158A0] =	vst v3;
	v3 =	vadd.s32 v3, v5  }
0x1b9: {  	v5 =	vld [tilespmem:s7+$0x13D00];
	[tilespmem:s6+$0x159B0] =	vst v3;
	v3 =	vadd.s32 v3, v6  }
0x1ba: {  	v6 =	vld [tilespmem:s7+$0x13E10];
	[tilespmem:s6+$0x15AC0] =	vst v3;
	s6 =	smov.u32 s7  }
0x1bb: {  	[tilespmem:s6+$0x14AD0] =	vst v2;
	v2 =	vadd.s32 v2, v8;
	v3 =	vld [tilespmem:s6+$0x13F20]  }
0x1bc: {  	[tilespmem:s6+$0x14BE0] =	vst v2;
	v2 =	vadd.s32 v2, v7;
	v7 =	vld [tilespmem:s6+$0x14030]  }
0x1bd: {  	[tilespmem:s6+$0x14CF0] =	vst v2;
	v2 =	vadd.s32 v2, v4;
	v4 =	vld [tilespmem:s6+$0x14140]  }
0x1be: {  	[tilespmem:s6+$0x14E00] =	vst v2;
	v2 =	vadd.s32 v2, v5;
	v5 =	vld [tilespmem:s6+$0x14250]  }
0x1bf: {  	[tilespmem:s6+$0x14F10] =	vst v2;
	v2 =	vadd.s32 v2, v6;
	v6 =	vld [tilespmem:s6+$0x14360]  }
0x1c0: {  	[tilespmem:s6+$0x15020] =	vst v2;
	v2 =	vadd.s32 v2, v3;
	v8 =	vld [tilespmem:s6+$0x14470]  }
.Ltmp20:
0x1c1: {  	[tilespmem:s6+$0x15130] =	vst v2;
	v2 =	vadd.s32 v2, v7;
	v3 =	vld [tilespmem:s6+$0x14580];
	(pc) =	sbr.rel @!p2 .LBB2_31-.Ltmp20, $4  }
0x1c2: {  	[tilespmem:s6+$0x15240] =	vst v2;
	v2 =	vadd.s32 v2, v4;
	v4 =	vld [tilespmem:s6+$0x14690]  }
0x1c3: {  	[tilespmem:s6+$0x15350] =	vst v2;
	v2 =	vadd.s32 v2, v5;
	v5 =	vld [tilespmem:s6+$0x147A0]  }
0x1c4: {  	s7 =	sshra.s32 s8, $0x2;
	[tilespmem:s6+$0x15460] =	vst v2;
	v7 =	vadd.s32 v2, v6;
	v6 =	vld [tilespmem:s6+$0x148B0]  }
0x1c5: {  	s8 =	sadd.s32 $0x40, s8;
	v2 =	vld [tilespmem:s7+$0x138C0];
	[tilespmem:s6+$0x15570] =	vst v7;
	v7 =	vadd.s32 v7, v8  }
0x1c6: {  	v8 =	vld [tilespmem:s7+$0x139D0];
	[tilespmem:s6+$0x15680] =	vst v7;
	v3 =	vadd.s32 v7, v3  }
0x1c7: {  	v52 =	vld [tilespmem:s7+$0x13AE0];
	[tilespmem:s6+$0x15790] =	vst v3;
	v3 =	vadd.s32 v3, v4  }
0x1c8: {  	v53 =	vld [tilespmem:s7+$0x13BF0];
	[tilespmem:s6+$0x158A0] =	vst v3;
	v3 =	vadd.s32 v3, v5  }
0x1c9: {  	v54 =	vld [tilespmem:s7+$0x13D00];
	[tilespmem:s6+$0x159B0] =	vst v3;
	v3 =	vadd.s32 v3, v6  }
0x1ca: {  	v55 =	vld [tilespmem:s7+$0x13E10];
	[tilespmem:s6+$0x15AC0] =	vst v3  }
0x1cb: {  	[tilespmem:s7+$0x14AD0] =	vst v2;
	v2 =	vadd.s32 v2, v8;
	v3 =	vld [tilespmem:s7+$0x13F20]  }
0x1cc: {  	v56 =	vld [tilespmem:s7+$0x14030];
	[tilespmem:s7+$0x14BE0] =	vst v2;
	v2 =	vadd.s32 v2, v52  }
0x1cd: {  	v57 =	vld [tilespmem:s7+$0x14140];
	[tilespmem:s7+$0x14CF0] =	vst v2;
	v2 =	vadd.s32 v2, v53  }
0x1ce: {  	v58 =	vld [tilespmem:s7+$0x14250];
	[tilespmem:s7+$0x14E00] =	vst v2;
	v2 =	vadd.s32 v2, v54  }
0x1cf: {  	v59 =	vld [tilespmem:s7+$0x14360];
	[tilespmem:s7+$0x14F10] =	vst v2;
	v2 =	vadd.s32 v2, v55  }
0x1d0: {  	[tilespmem:s7+$0x15020] =	vst v2;
	v2 =	vadd.s32 v2, v3;
	v3 =	vld [tilespmem:s7+$0x14470]  }
0x1d1: {  	v60 =	vld [tilespmem:s7+$0x14580];
	[tilespmem:s7+$0x15130] =	vst v2;
	v2 =	vadd.s32 v2, v56  }
0x1d2: {  	v61 =	vld [tilespmem:s7+$0x14690];
	[tilespmem:s7+$0x15240] =	vst v2;
	v2 =	vadd.s32 v2, v57  }
0x1d3: {  	v62 =	vld [tilespmem:s7+$0x147A0];
	[tilespmem:s7+$0x15350] =	vst v2;
	v2 =	vadd.s32 v2, v58  }
0x1d4: {  	v63 =	vld [tilespmem:s7+$0x148B0];
	[tilespmem:s7+$0x15460] =	vst v2;
	v2 =	vadd.s32 v2, v59  }
0x1d5: {  	[tilespmem:s7+$0x15570] =	vst v2;
	v2 =	vadd.s32 v2, v3  }
.Ltmp21:
0x1d6: {  	[tilespmem:s7+$0x15680] =	vst v2;
	v2 =	vadd.s32 v2, v60;
	(pc) =	sbr.rel @!p1 .LBB2_33-.Ltmp21, $4  }
0x1d7: {  	[tilespmem:s7+$0x15790] =	vst v2;
	v2 =	vadd.s32 v2, v61  }
0x1d8: {  	[tilespmem:s7+$0x158A0] =	vst v2;
	v2 =	vadd.s32 v2, v62  }
0x1d9: {  	[tilespmem:s7+$0x159B0] =	vst v2;
	v2 =	vadd.s32 v2, v63  }
0x1da: {  	[tilespmem:s7+$0x15AC0] =	vst v2  }
0x1db: {  	s6 =	simm.s32 $0x0  }
0x1dc: {  	v8 =	vadd.s32 s6, v0;
	_ =	sdelay $0x4  }
0x1dd: {  	v4 =	vld.idx.msk [tilespmem:v8+s6+$0x0], $0xffff;
	_ =	sdelay $0x3  }
0x1de: {  	v2 =	vlaneseq.u32  }
0x1df: {  	v2 =	vmul.u32 $0x110, v2;
	v5 =	vshrl.u32 v4, $0x8  }
0x1e0: {  	v5 =	vand.u32 $0xFF, v5  }
0x1e1: {  	v6 =	vadd.s32 v2, v5;
	_ =	sdelay $0x1  }
0x1e2: {  	p1 =	seq.s32 s4, $0x1  }
.Ltmp22:
0x1e3: {  	_ = 	snop;
	(pc) =	sbr.rel @p1 .LBB2_60-.Ltmp22, $4  }
0x1e4: {  	s7 =	simm.s32 $0x14AD0  }
0x1e5: {  	v7 =	vld.idx.msk [tilespmem:v6+s7+$0x0], $0xffff  }
0x1e6: {  	s8 =	simm.s32 $0x4E30  }
0x1e7: {  	s9 =	simm.s32 $0x9C60;
	s10 =	simm.s32 $0xEA90;
	v3 =	vimm.s32 $0x1;
	s11 =	simm.s32 $0x1;
	vm0 =	vlt.s32 v8, v1;
	v5 =	vld.idx.msk [tilespmem:v8+s8+$0x0], $0xffff  }
.LBB2_59:
0x1e8: {  	_ =	sdelay $0x2  }
0x1e9: {  	v8 =	vadd.s32 s11, v0;
	_ =	sdelay $0x1  }
0x1ea: {  	s11 =	sadd.s32 $0x1, s11;
	[tilespmem:v7+s9+$0x0] =	vst.idx.msk vm0, v4  }
0x1eb: {  	p1 =	seq.s32 s4, s11;
	[tilespmem:v7+s10+$0x0] =	vst.idx.msk vm0, v5  }
0x1ec: {  	[tilespmem:v6+s7+$0x0] =	vst.idx.add.s32.msk vm0, v3  }
0x1ed: {  	v4 =	vld.idx.msk [tilespmem:v8+s6+$0x0], $0xffff  }
0x1ee: {  	v5 =	vld.idx.msk [tilespmem:v8+s8+$0x0], $0xffff;
	_ =	sdelay $0x4  }
0x1ef: {  	v6 =	vshrl.u32 v4, $0x8  }
0x1f0: {  	v6 =	vand.u32 $0xFF, v6  }
0x1f1: {  	v6 =	vadd.s32 v2, v6;
	_ =	sdelay $0x2  }
.Ltmp23:
0x1f2: {  	(pc) =	sbr.rel @!p1 .LBB2_59-.Ltmp23, $3  }
0x1f3: {  	_ = 	snop  }
0x1f4: {  	v7 =	vld.idx.msk [tilespmem:v6+s7+$0x0], $0xffff;
	_ =	sdelay $0x1  }
0x1f5: {  	vm0 =	vlt.s32 v8, v1  }
.LBB2_60:
0x1f6: {  	_ =	sdelay $0x5  }
0x1f7: {  	[tilespmem:v7+s9+$0x0] =	vst.idx.msk vm0, v4  }
0x1f8: {  	[tilespmem:v7+s10+$0x0] =	vst.idx.msk vm0, v5  }
0x1f9: {  	[tilespmem:v6+s7+$0x0] =	vst.idx.add.s32.msk vm0, v3  }
.LBB2_33:
0x1fa: {  	s7 =	simm.s32 $0x0  }
0x1fb: {  	s7 =	smul.u32 $0x440, s7  }
0x1fc: {  	s6 =	simm.s32 $0x0  }
0x1fd: {  	s8 =	sand.u32 $0xF0, s6;
	s7 =	sshra.s32 s7, $0x2  }
0x1fe: {  	v2 =	vimm.s32 $0x0;
	s8 =	sadd.s32 s8, s7  }
0x1ff: {  	s7 =	simm.s32 $0x1;
	[tilespmem:s8+$0x139D0] =	vst v2  }
.LBB2_34:
0x200: {  	s8 =	sshrl.u32 s7, $0x4  }
0x201: {  	p1 =	seq.s32 s7, $0xFF;
	s7 =	sadd.s32 $0x1, s7;
	s8 =	smul.u32 $0x440, s8  }
.Ltmp24:
0x202: {  	(pc) =	sbr.rel @!p1 .LBB2_34-.Ltmp24, $4  }
0x203: {  	s6 =	sadd.s32 $0x10, s6  }
0x204: {  	s9 =	sand.u32 $0xF0, s6;
	s8 =	sshra.s32 s8, $0x2  }
0x205: {  	s8 =	sadd.s32 s9, s8  }
0x206: {  	[tilespmem:s8+$0x139D0] =	vst v2  }
.Ltmp25:
0x207: {  	(pc) =	sbr.rel @p0 .LBB2_39-.Ltmp25, $1  }
0x208: {  	_ =	sdelay $0x3  }
0x209: {  	s8 =	simm.s32 $0x0  }
0x20a: {  	v4 =	vadd.s32 s8, v0;
	_ =	sdelay $0x3  }
0x20b: {  	s6 =	simm.s32 $0x9C60  }
0x20c: {  	v5 =	vld.idx.msk [tilespmem:v4+s6+$0x0], $0xffff;
	_ =	sdelay $0x1  }
0x20d: {  	p1 =	sne.s32 s4, $0x1  }
.Ltmp26:
0x20e: {  	_ = 	snop;
	(pc) =	sbr.rel @!p1 .LBB2_38-.Ltmp26, $4  }
0x20f: {  	v2 =	vlaneseq.u32  }
0x210: {  	v3 =	vmul.u32 $0x110, v2;
	v5 =	vshrl.u32 v5, $0x10  }
0x211: {  	vm0 =	vlt.s32 v4, v1;
	v5 =	vand.u32 $0xFF, v5  }
0x212: {  	s7 =	simm.s32 $0x139D0;
	v2 =	vimm.s32 $0x1;
	s8 =	simm.s32 $0x1;
	v4 =	vadd.s32 v3, v5  }
.LBB2_37:
0x213: {  	v5 =	vadd.s32 s8, v0;
	s8 =	sadd.s32 $0x1, s8  }
0x214: {  	p1 =	sne.s32 s4, s8;
	_ =	sdelay $0x2  }
0x215: {  	[tilespmem:v4+s7+$0x0] =	vst.idx.add.s32.msk vm0, v2  }
0x216: {  	v4 =	vld.idx.msk [tilespmem:v5+s6+$0x0], $0xffff;
	_ =	sdelay $0x3  }
.Ltmp27:
0x217: {  	(pc) =	sbr.rel @p1 .LBB2_37-.Ltmp27, $4  }
0x218: {  	_ = 	snop  }
0x219: {  	v4 =	vshrl.u32 v4, $0x10  }
0x21a: {  	vm0 =	vlt.s32 v5, v1;
	v4 =	vand.u32 $0xFF, v4  }
0x21b: {  	v4 =	vadd.s32 v3, v4  }
.LBB2_38:
0x21c: {  	_ =	sdelay $0x4  }
0x21d: {  	[tilespmem:v4+s7+$0x0] =	vst.idx.add.s32.msk vm0, v2  }
.LBB2_39:
0x21e: {  	s7 =	simm.s32 $0x0  }
0x21f: {  	v2 =	vld [tilespmem:s7+$0x139D0]  }
0x220: {  	v3 =	vld [tilespmem:s7+$0x13AE0]  }
0x221: {  	v4 =	vld [tilespmem:s7+$0x13BF0]  }
0x222: {  	v5 =	vld [tilespmem:s7+$0x13D00]  }
0x223: {  	v6 =	vld [tilespmem:s7+$0x13E10]  }
0x224: {  	v7 =	vld [tilespmem:s7+$0x13F20]  }
0x225: {  	v2 =	vadd.s32 v2, v3;
	v3 =	vld [tilespmem:s7+$0x14030]  }
0x226: {  	v2 =	vadd.s32 v2, v4;
	v4 =	vld [tilespmem:s7+$0x14140]  }
0x227: {  	v2 =	vadd.s32 v2, v5;
	v5 =	vld [tilespmem:s7+$0x14250]  }
0x228: {  	v2 =	vadd.s32 v2, v6;
	v6 =	vld [tilespmem:s7+$0x14360]  }
0x229: {  	v2 =	vadd.s32 v2, v7;
	v7 =	vld [tilespmem:s7+$0x14470]  }
0x22a: {  	v8 =	vld [tilespmem:s7+$0x14580];
	v2 =	vadd.s32 v2, v3  }
0x22b: {  	v3 =	vld [tilespmem:s7+$0x14690];
	v2 =	vadd.s32 v2, v4  }
0x22c: {  	v4 =	vld [tilespmem:s7+$0x147A0];
	v2 =	vadd.s32 v2, v5  }
0x22d: {  	v5 =	vld [tilespmem:s7+$0x148B0];
	v2 =	vadd.s32 v2, v6  }
0x22e: {  	s8 =	simm.s32 $0x10;
	v6 =	vld [tilespmem:s7+$0x149C0];
	v7 =	vadd.s32 v2, v7  }
0x22f: {  	s6 =	simm.s32 $0x0;
	s10 =	simm.s32 $0x80;
	s9 =	simm.s32 $0x0;
	v2 =	vld [tilespmem:s8+$0x139D0];
	v7 =	vadd.s32 v7, v8  }
.LBB2_40:
0x230: {  	p1 =	sne.s32 s10, $0x3C0;
	v8 =	vld [tilespmem:s8+$0x13AE0];
	v3 =	vadd.s32 v7, v3  }
0x231: {  	v7 =	vld [tilespmem:s8+$0x13BF0];
	v3 =	vadd.s32 v3, v4  }
0x232: {  	v4 =	vld [tilespmem:s8+$0x13D00];
	v3 =	vadd.s32 v3, v5  }
0x233: {  	v5 =	vld [tilespmem:s8+$0x13E10];
	v3 =	vadd.s32 v3, v6  }
0x234: {  	v6 =	vld [tilespmem:s8+$0x13F20];
	[tilespmem:s9+$0x138C0] =	vst v3;
	s9 =	smov.u32 s8  }
0x235: {  	v2 =	vadd.s32 v2, v8;
	v3 =	vld [tilespmem:s9+$0x14030]  }
0x236: {  	v2 =	vadd.s32 v2, v7;
	v7 =	vld [tilespmem:s9+$0x14140]  }
0x237: {  	v2 =	vadd.s32 v2, v4;
	v4 =	vld [tilespmem:s9+$0x14250]  }
0x238: {  	v2 =	vadd.s32 v2, v5;
	v5 =	vld [tilespmem:s9+$0x14360]  }
0x239: {  	v2 =	vadd.s32 v2, v6;
	v6 =	vld [tilespmem:s9+$0x14470]  }
0x23a: {  	v2 =	vadd.s32 v2, v3;
	v8 =	vld [tilespmem:s9+$0x14580]  }
.Ltmp28:
0x23b: {  	v2 =	vadd.s32 v2, v7;
	v3 =	vld [tilespmem:s9+$0x14690];
	(pc) =	sbr.rel @p1 .LBB2_40-.Ltmp28, $4  }
0x23c: {  	v2 =	vadd.s32 v2, v4;
	v4 =	vld [tilespmem:s9+$0x147A0]  }
0x23d: {  	v2 =	vadd.s32 v2, v5;
	v5 =	vld [tilespmem:s9+$0x148B0]  }
0x23e: {  	s8 =	sshra.s32 s10, $0x2;
	v7 =	vadd.s32 v2, v6;
	v6 =	vld [tilespmem:s9+$0x149C0]  }
0x23f: {  	s10 =	sadd.s32 $0x40, s10;
	v2 =	vld [tilespmem:s8+$0x139D0];
	v7 =	vadd.s32 v7, v8  }
0x240: {  	v8 =	vld [tilespmem:s8+$0x13AE0];
	v3 =	vadd.s32 v7, v3  }
0x241: {  	v52 =	vld [tilespmem:s8+$0x13BF0];
	v3 =	vadd.s32 v3, v4  }
0x242: {  	v53 =	vld [tilespmem:s8+$0x13D00];
	v3 =	vadd.s32 v3, v5  }
0x243: {  	v54 =	vld [tilespmem:s8+$0x13E10];
	v3 =	vadd.s32 v3, v6  }
0x244: {  	v55 =	vld [tilespmem:s8+$0x13F20];
	[tilespmem:s9+$0x138C0] =	vst v3  }
0x245: {  	v2 =	vadd.s32 v2, v8;
	v3 =	vld [tilespmem:s8+$0x14030]  }
0x246: {  	v56 =	vld [tilespmem:s8+$0x14140];
	v2 =	vadd.s32 v2, v52  }
0x247: {  	v57 =	vld [tilespmem:s8+$0x14250];
	v2 =	vadd.s32 v2, v53  }
0x248: {  	v58 =	vld [tilespmem:s8+$0x14360];
	v2 =	vadd.s32 v2, v54  }
0x249: {  	v59 =	vld [tilespmem:s8+$0x14470];
	v2 =	vadd.s32 v2, v55  }
0x24a: {  	v2 =	vadd.s32 v2, v3;
	v3 =	vld [tilespmem:s8+$0x14580]  }
0x24b: {  	v60 =	vld [tilespmem:s8+$0x14690];
	v2 =	vadd.s32 v2, v56  }
0x24c: {  	v61 =	vld [tilespmem:s8+$0x147A0];
	v2 =	vadd.s32 v2, v57  }
0x24d: {  	v62 =	vld [tilespmem:s8+$0x148B0];
	v2 =	vadd.s32 v2, v58  }
0x24e: {  	v63 =	vld [tilespmem:s8+$0x149C0];
	v2 =	vadd.s32 v2, v59  }
0x24f: {  	v2 =	vadd.s32 v2, v3  }
0x250: {  	v2 =	vadd.s32 v2, v60  }
0x251: {  	v2 =	vadd.s32 v2, v61  }
0x252: {  	v2 =	vadd.s32 v2, v62  }
0x253: {  	v2 =	vadd.s32 v2, v63  }
0x254: {  	[tilespmem:s8+$0x138C0] =	vst v2  }
0x255: {  	v2 =	vld [tilespmem:s7+$0x138C0];
	_ =	sdelay $0x4  }
0x256: {  	(v2sf) =	vpush v2, $0x0;
	_ =	sdelay $0x8  }
0x257: {  	v3 =	vmov s6  }
0x258: {  	s8 =	simm.s32 $0x1;
	[tilespmem:s7+$0x138C0] =	vst.msk $0x1, v3;
	s7 =	simm.s32 $0x8  }
.LBB2_42:
0x259: {  	p1 =	sne.s32 s7, $0x3FC;
	v2 =	vld [tilespmem:s8+$0x138C0];
	_ =	sdelay $0x3  }
0x25a: {  	s9 =	spop (v2sf)  }
0x25b: {  	(v2sf) =	vpush v2, $0x0;
	s6 =	sadd.s32 s6, s9  }
0x25c: {  	v2 =	vmov s6  }
0x25d: {  	[tilespmem:s8+$0x138C0] =	vst.msk $0x1, v2;
	_ =	sdelay $0x3  }
.Ltmp29:
0x25e: {  	(pc) =	sbr.rel @p1 .LBB2_42-.Ltmp29, $2  }
0x25f: {  	_ =	sdelay $0x2  }
0x260: {  	s8 =	sshra.s32 s7, $0x2;
	s7 =	sadd.s32 $0x4, s7  }
0x261: {  	_ = 	snop  }
0x262: {  	v2 =	vld [tilespmem:s8+$0x138C0];
	_ =	sdelay $0x2  }
0x263: {  	s7 =	spop (v2sf)  }
0x264: {  	s6 =	sadd.s32 s6, s7  }
0x265: {  	(v2sf) =	vpush v2, $0x0;
	v2 =	vmov s6  }
0x266: {  	s6 =	simm.s32 $0x0;
	[tilespmem:s8+$0x138C0] =	vst.msk $0x1, v2  }
0x267: {  	v2 =	vld [tilespmem:s6+$0x138C0]  }
0x268: {  	v3 =	vld [tilespmem:s6+$0x139D0]  }
0x269: {  	v4 =	vld [tilespmem:s6+$0x13AE0]  }
0x26a: {  	v5 =	vld [tilespmem:s6+$0x13BF0]  }
0x26b: {  	v6 =	vld [tilespmem:s6+$0x13D00]  }
0x26c: {  	v7 =	vld [tilespmem:s6+$0x13E10]  }
0x26d: {  	[tilespmem:s6+$0x14AD0] =	vst v2;
	v2 =	vadd.s32 v2, v3;
	v3 =	vld [tilespmem:s6+$0x13F20]  }
0x26e: {  	[tilespmem:s6+$0x14BE0] =	vst v2;
	v2 =	vadd.s32 v2, v4;
	v4 =	vld [tilespmem:s6+$0x14030]  }
0x26f: {  	[tilespmem:s6+$0x14CF0] =	vst v2;
	v2 =	vadd.s32 v2, v5;
	v5 =	vld [tilespmem:s6+$0x14140]  }
0x270: {  	[tilespmem:s6+$0x14E00] =	vst v2;
	v2 =	vadd.s32 v2, v6;
	v6 =	vld [tilespmem:s6+$0x14250]  }
0x271: {  	[tilespmem:s6+$0x14F10] =	vst v2;
	v2 =	vadd.s32 v2, v7;
	v7 =	vld [tilespmem:s6+$0x14360]  }
0x272: {  	v8 =	vld [tilespmem:s6+$0x14470];
	[tilespmem:s6+$0x15020] =	vst v2;
	v2 =	vadd.s32 v2, v3  }
0x273: {  	v3 =	vld [tilespmem:s6+$0x14580];
	[tilespmem:s6+$0x15130] =	vst v2;
	v2 =	vadd.s32 v2, v4  }
0x274: {  	v4 =	vld [tilespmem:s6+$0x14690];
	[tilespmem:s6+$0x15240] =	vst v2;
	v2 =	vadd.s32 v2, v5  }
0x275: {  	v5 =	vld [tilespmem:s6+$0x147A0];
	[tilespmem:s6+$0x15350] =	vst v2;
	v2 =	vadd.s32 v2, v6  }
0x276: {  	s7 =	simm.s32 $0x10;
	v6 =	vld [tilespmem:s6+$0x148B0];
	[tilespmem:s6+$0x15460] =	vst v2;
	v7 =	vadd.s32 v2, v7  }
0x277: {  	s8 =	simm.s32 $0x80;
	s31 =	spop (v2sf);
	v2 =	vld [tilespmem:s7+$0x138C0];
	[tilespmem:s6+$0x15570] =	vst v7;
	v7 =	vadd.s32 v7, v8  }
.LBB2_44:
0x278: {  	p1 =	seq.s32 s8, $0x3C0;
	v8 =	vld [tilespmem:s7+$0x139D0];
	[tilespmem:s6+$0x15680] =	vst v7;
	v3 =	vadd.s32 v7, v3  }
0x279: {  	v7 =	vld [tilespmem:s7+$0x13AE0];
	[tilespmem:s6+$0x15790] =	vst v3;
	v3 =	vadd.s32 v3, v4  }
0x27a: {  	v4 =	vld [tilespmem:s7+$0x13BF0];
	[tilespmem:s6+$0x158A0] =	vst v3;
	v3 =	vadd.s32 v3, v5  }
0x27b: {  	v5 =	vld [tilespmem:s7+$0x13D00];
	[tilespmem:s6+$0x159B0] =	vst v3;
	v3 =	vadd.s32 v3, v6  }
0x27c: {  	v6 =	vld [tilespmem:s7+$0x13E10];
	[tilespmem:s6+$0x15AC0] =	vst v3;
	s6 =	smov.u32 s7  }
0x27d: {  	[tilespmem:s6+$0x14AD0] =	vst v2;
	v2 =	vadd.s32 v2, v8;
	v3 =	vld [tilespmem:s6+$0x13F20]  }
0x27e: {  	[tilespmem:s6+$0x14BE0] =	vst v2;
	v2 =	vadd.s32 v2, v7;
	v7 =	vld [tilespmem:s6+$0x14030]  }
0x27f: {  	[tilespmem:s6+$0x14CF0] =	vst v2;
	v2 =	vadd.s32 v2, v4;
	v4 =	vld [tilespmem:s6+$0x14140]  }
0x280: {  	[tilespmem:s6+$0x14E00] =	vst v2;
	v2 =	vadd.s32 v2, v5;
	v5 =	vld [tilespmem:s6+$0x14250]  }
0x281: {  	[tilespmem:s6+$0x14F10] =	vst v2;
	v2 =	vadd.s32 v2, v6;
	v6 =	vld [tilespmem:s6+$0x14360]  }
0x282: {  	[tilespmem:s6+$0x15020] =	vst v2;
	v2 =	vadd.s32 v2, v3;
	v8 =	vld [tilespmem:s6+$0x14470]  }
.Ltmp30:
0x283: {  	[tilespmem:s6+$0x15130] =	vst v2;
	v2 =	vadd.s32 v2, v7;
	v3 =	vld [tilespmem:s6+$0x14580];
	(pc) =	sbr.rel @!p1 .LBB2_44-.Ltmp30, $4  }
0x284: {  	[tilespmem:s6+$0x15240] =	vst v2;
	v2 =	vadd.s32 v2, v4;
	v4 =	vld [tilespmem:s6+$0x14690]  }
0x285: {  	[tilespmem:s6+$0x15350] =	vst v2;
	v2 =	vadd.s32 v2, v5;
	v5 =	vld [tilespmem:s6+$0x147A0]  }
0x286: {  	s7 =	sshra.s32 s8, $0x2;
	[tilespmem:s6+$0x15460] =	vst v2;
	v7 =	vadd.s32 v2, v6;
	v6 =	vld [tilespmem:s6+$0x148B0]  }
0x287: {  	s8 =	sadd.s32 $0x40, s8;
	v2 =	vld [tilespmem:s7+$0x138C0];
	[tilespmem:s6+$0x15570] =	vst v7;
	v7 =	vadd.s32 v7, v8  }
0x288: {  	v8 =	vld [tilespmem:s7+$0x139D0];
	[tilespmem:s6+$0x15680] =	vst v7;
	v3 =	vadd.s32 v7, v3  }
0x289: {  	v52 =	vld [tilespmem:s7+$0x13AE0];
	[tilespmem:s6+$0x15790] =	vst v3;
	v3 =	vadd.s32 v3, v4  }
0x28a: {  	v53 =	vld [tilespmem:s7+$0x13BF0];
	[tilespmem:s6+$0x158A0] =	vst v3;
	v3 =	vadd.s32 v3, v5  }
0x28b: {  	v54 =	vld [tilespmem:s7+$0x13D00];
	[tilespmem:s6+$0x159B0] =	vst v3;
	v3 =	vadd.s32 v3, v6  }
0x28c: {  	v55 =	vld [tilespmem:s7+$0x13E10];
	[tilespmem:s6+$0x15AC0] =	vst v3  }
0x28d: {  	[tilespmem:s7+$0x14AD0] =	vst v2;
	v2 =	vadd.s32 v2, v8;
	v3 =	vld [tilespmem:s7+$0x13F20]  }
0x28e: {  	v56 =	vld [tilespmem:s7+$0x14030];
	[tilespmem:s7+$0x14BE0] =	vst v2;
	v2 =	vadd.s32 v2, v52  }
0x28f: {  	v57 =	vld [tilespmem:s7+$0x14140];
	[tilespmem:s7+$0x14CF0] =	vst v2;
	v2 =	vadd.s32 v2, v53  }
0x290: {  	v58 =	vld [tilespmem:s7+$0x14250];
	[tilespmem:s7+$0x14E00] =	vst v2;
	v2 =	vadd.s32 v2, v54  }
0x291: {  	v59 =	vld [tilespmem:s7+$0x14360];
	[tilespmem:s7+$0x14F10] =	vst v2;
	v2 =	vadd.s32 v2, v55  }
0x292: {  	[tilespmem:s7+$0x15020] =	vst v2;
	v2 =	vadd.s32 v2, v3;
	v3 =	vld [tilespmem:s7+$0x14470]  }
0x293: {  	v60 =	vld [tilespmem:s7+$0x14580];
	[tilespmem:s7+$0x15130] =	vst v2;
	v2 =	vadd.s32 v2, v56  }
0x294: {  	v61 =	vld [tilespmem:s7+$0x14690];
	[tilespmem:s7+$0x15240] =	vst v2;
	v2 =	vadd.s32 v2, v57  }
0x295: {  	v62 =	vld [tilespmem:s7+$0x147A0];
	[tilespmem:s7+$0x15350] =	vst v2;
	v2 =	vadd.s32 v2, v58  }
0x296: {  	v63 =	vld [tilespmem:s7+$0x148B0];
	[tilespmem:s7+$0x15460] =	vst v2;
	v2 =	vadd.s32 v2, v59  }
0x297: {  	[tilespmem:s7+$0x15570] =	vst v2;
	v2 =	vadd.s32 v2, v3  }
.Ltmp31:
0x298: {  	[tilespmem:s7+$0x15680] =	vst v2;
	v2 =	vadd.s32 v2, v60;
	(pc) =	sbr.rel @p0 .LBB2_84-.Ltmp31, $4  }
0x299: {  	[tilespmem:s7+$0x15790] =	vst v2;
	v2 =	vadd.s32 v2, v61  }
0x29a: {  	[tilespmem:s7+$0x158A0] =	vst v2;
	v2 =	vadd.s32 v2, v62  }
0x29b: {  	[tilespmem:s7+$0x159B0] =	vst v2;
	v2 =	vadd.s32 v2, v63  }
0x29c: {  	[tilespmem:s7+$0x15AC0] =	vst v2  }
0x29d: {  	s6 =	simm.s32 $0x0  }
0x29e: {  	v8 =	vadd.s32 s6, v0;
	_ =	sdelay $0x3  }
0x29f: {  	s7 =	simm.s32 $0x9C60  }
0x2a0: {  	v4 =	vld.idx.msk [tilespmem:v8+s7+$0x0], $0xffff;
	_ =	sdelay $0x3  }
0x2a1: {  	v2 =	vlaneseq.u32  }
0x2a2: {  	v3 =	vmul.u32 $0x110, v2;
	v5 =	vshrl.u32 v4, $0x10  }
0x2a3: {  	v5 =	vand.u32 $0xFF, v5  }
0x2a4: {  	v6 =	vadd.s32 v3, v5;
	_ =	sdelay $0x1  }
0x2a5: {  	p0 =	seq.s32 s4, $0x1  }
.Ltmp32:
0x2a6: {  	_ = 	snop;
	(pc) =	sbr.rel @p0 .LBB2_48-.Ltmp32, $4  }
0x2a7: {  	s8 =	simm.s32 $0x14AD0  }
0x2a8: {  	v7 =	vld.idx.msk [tilespmem:v6+s8+$0x0], $0xffff  }
0x2a9: {  	s9 =	simm.s32 $0xEA90  }
0x2aa: {  	s10 =	simm.s32 $0x4E30;
	s11 =	simm.s32 $0x1;
	v2 =	vimm.s32 $0x1;
	vm0 =	vlt.s32 v8, v1;
	v5 =	vld.idx.msk [tilespmem:v8+s9+$0x0], $0xffff  }
.LBB2_47:
0x2ab: {  	_ =	sdelay $0x2  }
0x2ac: {  	v8 =	vadd.s32 s11, v0;
	_ =	sdelay $0x1  }
0x2ad: {  	s11 =	sadd.s32 $0x1, s11;
	[tilespmem:v7+s6+$0x0] =	vst.idx.msk vm0, v4  }
0x2ae: {  	p0 =	seq.s32 s4, s11;
	[tilespmem:v7+s10+$0x0] =	vst.idx.msk vm0, v5  }
0x2af: {  	[tilespmem:v6+s8+$0x0] =	vst.idx.add.s32.msk vm0, v2  }
0x2b0: {  	v4 =	vld.idx.msk [tilespmem:v8+s7+$0x0], $0xffff  }
0x2b1: {  	v5 =	vld.idx.msk [tilespmem:v8+s9+$0x0], $0xffff;
	_ =	sdelay $0x4  }
0x2b2: {  	v6 =	vshrl.u32 v4, $0x10  }
0x2b3: {  	v6 =	vand.u32 $0xFF, v6  }
0x2b4: {  	v6 =	vadd.s32 v3, v6;
	_ =	sdelay $0x2  }
.Ltmp33:
0x2b5: {  	(pc) =	sbr.rel @!p0 .LBB2_47-.Ltmp33, $3  }
0x2b6: {  	_ = 	snop  }
0x2b7: {  	v7 =	vld.idx.msk [tilespmem:v6+s8+$0x0], $0xffff;
	_ =	sdelay $0x1  }
0x2b8: {  	vm0 =	vlt.s32 v8, v1  }
.LBB2_48:
0x2b9: {  	_ =	sdelay $0x4  }
.Ltmp34:
0x2ba: {  	_ = 	snop;
	(pc) =	sbr.rel .LBB2_49-.Ltmp34, $4  }
0x2bb: {  	[tilespmem:v7+s6+$0x0] =	vst.idx.msk vm0, v4  }
0x2bc: {  	s12 =	simm.s32 $0x0;
	[tilespmem:v7+s10+$0x0] =	vst.idx.msk vm0, v5  }
0x2bd: {  	v0 =	vimm.s32 $0x0;
	s7 =	simm.s32 $0x16EE0;
	v1 =	vlaneseq.u32;
	s9 =	simm.s32 $0x1;
	s11 =	simm.s32 $0x0;
	[tilespmem:v6+s8+$0x0] =	vst.idx.add.s32.msk vm0, v2  }
0x2be: {  	s6 =	simm.s32 $0x10;
	s10 =	smov.u32 s3;
	s8 =	simm.s32 $0x166E0;
	[tilespmem:s3+$0x4E30] =	vst v0;
	v0 =	vand.u32 $0x3, v1;
	v1 =	vimm.f32 $0.0e+00  }
.LBB2_82:
0x2bf: {  	s11 =	sadd.s32 $0x1, s11  }
0x2c0: {  	p0 =	sne.s32 s11, s4  }
.Ltmp35:
0x2c1: {  	_ = 	snop;
	(pc) =	sbr.rel @!p0 .LBB2_83-.Ltmp35, $2  }
0x2c2: {  	_ =	sdelay $0x2  }
0x2c3: {  	s10 =	sadd.s32 $0xFFFFFFF0, s10  }
.LBB2_49:
0x2c4: {  	s13 =	sshll.u32 s11, $0x4  }
0x2c5: {  	v2 =	vld [tilespmem:s13+$0x4E30];
	_ =	sdelay $0x3  }
0x2c6: {  	s14 =	ssub.s32 s3, s13  }
0x2c7: {  	p0 =	slt.s32 s14, $0x1;
	v2 =	vshrl.u32 v2, $0x7  }
.Ltmp36:
0x2c8: {  	[tilespmem:$0x16EE0] =	vst v2;
	(pc) =	sbr.rel @p0 .LBB2_82-.Ltmp36, $4  }
0x2c9: {  	[tilespmem:s8], [sflag:$0x1] =	stream.indirect.gather [hbm4b:s2+s6], $0x80, s7, s6, $0xb8;
	[tilespmem:$0x17380] =	vst v63  }
0x2ca: {  	_ =	swait.ge [sflag:s9], $0x800  }
0x2cb: {  	[sflag:s9] =	ssyncset.done $0x0  }
0x2cc: {  	[sflag:s9] =	ssyncadd.s32 $0xFFFFF800  }
.Ltmp37:
0x2cd: {  	(pc) =	sbr.rel .LBB2_51-.Ltmp37, $4  }
0x2ce: {  	_ = 	snop  }
0x2cf: {  	p0 =	sgt.s32 s10, $0x1;
	s14 =	smov.u32 s10  }
0x2d0: {  	s14 =	simm.s32 @!p0 $0x1  }
0x2d1: {  	v2 =	vmov s13;
	s15 =	simm.s32 $0x0;
	s14 =	smin.u32 s14, $0x10  }
.LBB2_80:
0x2d2: {  	s12 =	smul.u32 $0x70, s16;
	_ =	sdelay $0x1  }
0x2d3: {  	s12 =	sadd.s32 s17, s12  }
0x2d4: {  	s20 =	sand.u32 $0x7, s17;
	s19 =	sand.u32 $0xFFFFFFF8, s12  }
0x2d5: {  	[tilespmem:s12+$0x15BD0] =	vst.msk $0x1, v4;
	s19 =	sor.u32 s20, s19  }
0x2d6: {  	[tilespmem:s19+$0x15E00] =	vst.msk $0x1, v5  }
0x2d7: {  	[tilespmem:s19+$0x16030] =	vst.msk $0x1, v6  }
0x2d8: {  	[tilespmem:s19+$0x16260] =	vst.msk $0x1, v7  }
0x2d9: {  	s31 =	sadd.s32 $0x1, s17;
	[tilespmem:s12+$0x164A0] =	vst.msk $0x1, v8  }
0x2da: {  	[smem:s16] =	sst s31;
	v4 =	vld [tilespmem:s18+$0x0]  }
0x2db: {  	s16 =	sld [smem:$0x6];
	_ =	sdelay $0x2  }
0x2dc: {  	s12 =	sadd.s32 $0x1, s16;
	[tilespmem:s16+$0x17138] =	vst.msk $0x1, v3  }
0x2dd: {  	[smem:$0x6] =	sst s12;
	[tilespmem:s16+$0x16EF8] =	vst.msk $0x1, v4  }
.LBB2_81:
0x2de: {  	s15 =	sadd.s32 $0x1, s15  }
0x2df: {  	p0 =	sne.s32 s15, s14  }
.Ltmp38:
0x2e0: {  	_ = 	snop;
	(pc) =	sbr.rel @!p0 .LBB2_82-.Ltmp38, $1  }
0x2e1: {  	_ =	sdelay $0x3  }
.LBB2_51:
0x2e2: {  	_ =	sdelay $0x3  }
0x2e3: {  	v3 =	vld.idx.msk [tilespmem:v2+s15+$0x4E30 ss:$0x1], $0xffff;
	_ =	sdelay $0x4  }
0x2e4: {  	(v2sf) =	vpush v3, $0x0;
	_ =	sdelay $0xe  }
0x2e5: {  	s16 =	spop (v2sf)  }
0x2e6: {  	s16 =	sand.u32 $0x7F, s16  }
0x2e7: {  	s16 =	sadd.s32 $0xFFFFFFFF, s16  }
0x2e8: {  	s16 =	sshra.s32 s16, $0x4  }
0x2e9: {  	s17 =	sld [smem:s16+$0x0];
	_ =	sdelay $0x2  }
0x2ea: {  	p0 =	sgt.s32 s17, $0x63  }
.Ltmp39:
0x2eb: {  	_ = 	snop;
	(pc) =	sbr.rel @p0 .LBB2_81-.Ltmp39, $2  }
0x2ec: {  	_ =	sdelay $0x2  }
0x2ed: {  	s18 =	sadd.s32 s13, s15  }
0x2ee: {  	s19 =	sshll.u32 s15, $0x7  }
0x2ef: {  	v4 =	vor.u32 s19, v0;
	_ =	sdelay $0x4  }
0x2f0: {  	v4 =	vld.idx.msk [tilespmem:v4+s8+$0x0], $0xffff;
	_ =	sdelay $0x4  }
0x2f1: {  	(v2sf) =	vpush v4, $0x0  }
0x2f2: {  	(v2sf) =	vpush v4, $0x1  }
0x2f3: {  	(v2sf) =	vpush v4, $0x2  }
0x2f4: {  	(v2sf) =	vpush v4, $0x3;
	_ =	sdelay $0xb  }
0x2f5: {  	s30 =	spop (v2sf)  }
0x2f6: {  	s20 =	spop (v2sf)  }
0x2f7: {  	s21 =	spop (v2sf)  }
0x2f8: {  	s22 =	spop (v2sf);
	s19 =	ssub.f32 s21, s30  }
0x2f9: {  	s20 =	ssub.f32 s22, s20  }
0x2fa: {  	s31 =	sadd.s32 $0xF, s17  }
0x2fb: {  	s22 =	smul.f32 s20, s19;
	s20 =	sshra.s32 s31, $0x4  }
0x2fc: {  	p0 =	sgt.s32 s20, $0x0  }
.Ltmp40:
0x2fd: {  	_ = 	snop;
	(pc) =	sbr.rel @!p0 .LBB2_80-.Ltmp40, $3  }
0x2fe: {  	_ =	sdelay $0x1  }
0x2ff: {  	v5 =	vbroadcast v4, $0x1  }
0x300: {  	v6 =	vbroadcast v4, $0x2;
	v7 =	vbroadcast v4, $0x3;
	v8 =	vmov s22  }
0x301: {  	s19 =	smul.u32 $0x1C0, s16;
	_ =	sdelay $0x1  }
0x302: {  	s19 =	sshra.s32 s19, $0x2  }
0x303: {  	s23 =	sadd.s32 $0x16030, s19  }
0x304: {  	v13 =	vld [tilespmem:s23+$0xFFFFFBA0]  }
0x305: {  	v9 =	vld [tilespmem:s23+$0x0]  }
0x306: {  	p0 =	sne.s32 s20, $0x1;
	s21 =	sadd.s32 $0xFFFFFFFF, s20;
	p3 =	por $0x0, $0x0;
	v10 =	vld [tilespmem:s23+$0xFFFFFDD0]  }
.Ltmp41:
0x307: {  	s20 =	sadd.s32 $0x10, s23;
	v11 =	vld [tilespmem:s23+$0x230];
	s23 =	simm.s32 @!p3 $0x0;
	(pc) =	sbr.rel @!p0 .LBB2_54-.Ltmp41, $4  }
0x308: {  	s23 =	simm.s32 @p3 $0x1;
	p3 =	por $0x0, $0x0  }
0x309: {  	v15 =	vbroadcast v4, $0x0;
	[smem:$0x7FC] =	sst s23;
	s23 =	simm.s32 @!p3 $0x0  }
0x30a: {  	p1 =	por $0x0, $0x0;
	s19 =	sadd.s32 $0x164A0, s19;
	s23 =	simm.s32 @p3 $0x1  }
0x30b: {  	p2 =	por $0x0, $0x0;
	p5 =	por $0x0, $0x0;
	v8 =	vmov s22;
	v12 =	vld [tilespmem:s19+$0x0];
	[smem:$0x7FD] =	sst s23;
	v14 =	vmax.f32 v15, v13  }
0x30c: {  	v17 =	vld [tilespmem:s20+$0xFFFFFBA0];
	p0 =	sne.s32 s21, $0x1  }
.Ltmp42:
0x30d: {  	_ = 	snop;
	(pc) =	sbr.rel @!p0 .LBB2_62-.Ltmp42, $4  }
0x30e: {  	v13 =	vmin.f32 v6, v9;
	v9 =	vld [tilespmem:s20+$0x0]  }
0x30f: {  	v16 =	vmax.f32 v5, v10;
	v10 =	vld [tilespmem:s20+$0xFFFFFDD0];
	v18 =	vsub.f32 v13, v14;
	v14 =	vmin.f32 v7, v11  }
0x310: {  	s22 =	sadd.s32 $0x10, s19;
	v11 =	vld [tilespmem:s20+$0x230];
	v16 =	vsub.f32 v14, v16  }
0x311: {  	s19 =	sadd.s32 $0xFFFFFFFF, s21;
	s21 =	sadd.s32 $0x10, s20;
	p1 =	por $0x1, $0x1;
	v21 =	vmax.f32 v18, $0.0e+00;
	v13 =	vadd.f32 v12, v8;
	v12 =	vld [tilespmem:s22+$0x0];
	v14 =	vmax.f32 v15, v17  }
0x312: {  	v17 =	vld [tilespmem:s21+$0xFFFFFBA0];
	v16 =	vmax.f32 v16, $0.0e+00;
	p0 =	sne.s32 s19, $0x1  }
.Ltmp43:
0x313: {  	v19 =	vmul.f32 v16, v21;
	(pc) =	sbr.rel @!p0 .LBB2_64-.Ltmp43, $4  }
0x314: {  	v18 =	vmin.f32 v6, v9;
	v9 =	vld [tilespmem:s21+$0x0];
	v16 =	vmax.f32 v5, v10  }
0x315: {  	v18 =	vsub.f32 v18, v14;
	v10 =	vld [tilespmem:s21+$0xFFFFFDD0];
	v14 =	vmin.f32 v7, v11;
	v20 =	vsub.f32 v13, v19  }
0x316: {  	s20 =	sadd.s32 $0x10, s22;
	v11 =	vld [tilespmem:s21+$0x230];
	v16 =	vsub.f32 v14, v16;
	v13 =	vadd.f32 v12, v8  }
0x317: {  	s19 =	sadd.s32 $0xFFFFFFFF, s19;
	p2 =	por $0x1, $0x1;
	s21 =	sadd.s32 $0x10, s21;
	v12 =	vld [tilespmem:s20+$0x0];
	v21 =	vmax.f32 v18, $0.0e+00;
	v14 =	vmax.f32 v15, v17;
	v23 =	vmax.f32 v20, $9.999999960e-13  }
0x318: {  	v17 =	vld [tilespmem:s21+$0xFFFFFBA0];
	v16 =	vmax.f32 v16, $0.0e+00;
	p0 =	sne.s32 s19, $0x1  }
.Ltmp44:
0x319: {  	v18 =	vmul.f32 v16, v21;
	(pc) =	sbr.rel @!p0 .LBB2_66-.Ltmp44, $4  }
0x31a: {  	v20 =	vmin.f32 v6, v9;
	v9 =	vld [tilespmem:s21+$0x0];
	v16 =	vmax.f32 v5, v10  }
0x31b: {  	v20 =	vsub.f32 v20, v14;
	v10 =	vld [tilespmem:s21+$0xFFFFFDD0];
	v14 =	vmin.f32 v7, v11;
	v22 =	vsub.f32 v13, v18  }
0x31c: {  	(erf) = vrcp.f32 v23;
	s20 =	sadd.s32 $0x10, s20;
	v11 =	vld [tilespmem:s21+$0x230];
	v16 =	vsub.f32 v14, v16;
	v13 =	vadd.f32 v12, v8  }
0x31d: {  	s19 =	sadd.s32 $0xFFFFFFFF, s19;
	p5 =	por $0x1, $0x1;
	s21 =	sadd.s32 $0x10, s21;
	v12 =	vld [tilespmem:s20+$0x0];
	v21 =	vmax.f32 v20, $0.0e+00;
	v14 =	vmax.f32 v15, v17;
	v23 =	vmax.f32 v22, $9.999999960e-13  }
0x31e: {  	_ =	sdelay $0x1  }
0x31f: {  	v17 =	vld [tilespmem:s21+$0xFFFFFBA0]  }
0x320: {  	v16 =	vmax.f32 v16, $0.0e+00;
	p0 =	sne.s32 s19, $0x1  }
.Ltmp45:
0x321: {  	v22 =	vmul.f32 v16, v21;
	(pc) =	sbr.rel @!p0 .LBB2_68-.Ltmp45, $4  }
0x322: {  	(erf) = vrcp.f32 v23;
	p3 =	por $0x1, $0x1;
	v20 =	vmin.f32 v6, v9;
	v9 =	vld [tilespmem:s21+$0x0];
	v16 =	vmax.f32 v5, v10  }
0x323: {  	s22 =	simm.s32 @!p3 $0x0;
	v20 =	vsub.f32 v20, v14;
	v10 =	vld [tilespmem:s21+$0xFFFFFDD0];
	v14 =	vmin.f32 v7, v11;
	v23 =	vsub.f32 v13, v22  }
0x324: {  	s20 =	sadd.s32 $0x10, s20;
	s22 =	simm.s32 @p3 $0x1;
	v11 =	vld [tilespmem:s21+$0x230];
	v16 =	vsub.f32 v14, v16;
	v13 =	vadd.f32 v12, v8;
	v14 =	vmax.f32 v15, v17;
	v21 =	vpop (erf)  }
0x325: {  	s19 =	sadd.s32 $0xFFFFFFFF, s19;
	s21 =	sadd.s32 $0x10, s21;
	[smem:$0x7FC] =	sst s22;
	v12 =	vld [tilespmem:s20+$0x0];
	v23 =	vmax.f32 v23, $9.999999960e-13;
	v24 =	vmul.f32 v21, v19;
	v21 =	vmax.f32 v20, $0.0e+00  }
0x326: {  	_ = 	snop  }
0x327: {  	v19 =	vld [tilespmem:s21+$0xFFFFFBA0];
	v16 =	vmax.f32 v16, $0.0e+00;
	p0 =	sne.s32 s19, $0x1  }
.Ltmp46:
0x328: {  	vm0 =	vgt.f32 v24, $3.000000120e-01;
	v20 =	vmin.f32 v6, v9;
	v17 =	vmul.f32 v16, v21;
	(pc) =	sbr.rel @!p0 .LBB2_70-.Ltmp46, $4  }
0x329: {  	(erf) = vrcp.f32 v23;
	p3 =	por $0x1, $0x1;
	v9 =	vld [tilespmem:s21+$0x0];
	v21 =	vsel vm0, $0x3F800000, v1;
	v20 =	vsub.f32 v20, v14  }
0x32a: {  	s22 =	simm.s32 @!p3 $0x0;
	v16 =	vmax.f32 v5, v10;
	v10 =	vld [tilespmem:s21+$0xFFFFFDD0];
	v11 =	vmin.f32 v7, v11;
	v23 =	vsub.f32 v13, v17  }
0x32b: {  	s20 =	sadd.s32 $0x10, s20;
	s19 =	sadd.s32 $0xFFFFFFFF, s19;
	s22 =	simm.s32 @p3 $0x1;
	(xrf0) =	vmax.scan.msk.f32 $0xffff, v21;
	v16 =	vsub.f32 v11, v16;
	v11 =	vld [tilespmem:s21+$0x230];
	v13 =	vadd.f32 v12, v8;
	v21 =	vmax.f32 v20, $0.0e+00;
	v14 =	vpop (erf)  }
0x32c: {  	p4 =	por $0x0, $0x0;
	[smem:$0x7FD] =	sst s22;
	v12 =	vld [tilespmem:s20+$0x0];
	s21 =	sadd.s32 $0x10, s21;
	v23 =	vmax.f32 v23, $9.999999960e-13;
	v18 =	vmul.f32 v14, v18;
	v14 =	vmax.f32 v15, v19  }
0x32d: {  	_ =	sdelay $0x2  }
0x32e: {  	(erf) = vrcp.f32 v23;
	v23 =	vmin.f32 v6, v9  }
0x32f: {  	v23 =	vsub.f32 v23, v14;
	v14, _, _ =	vpop (xrf0)  }
0x330: {  	(v2sf) =	vpush v14, $0xF;
	_ =	sdelay $0x8  }
0x331: {  	v19 =	vld [tilespmem:s21+$0xFFFFFBA0];
	v16 =	vmax.f32 v16, $0.0e+00;
	p0 =	sne.s32 s19, $0x1  }
.Ltmp47:
0x332: {  	vm0 =	vgt.f32 v18, $3.000000120e-01;
	v20 =	vmul.f32 v16, v21;
	(pc) =	sbr.rel @!p0 .LBB2_72-.Ltmp47, $4  }
0x333: {  	v9 =	vld [tilespmem:s21+$0x0];
	v21 =	vsel vm0, $0x3F800000, v1  }
0x334: {  	v16 =	vmax.f32 v5, v10;
	v10 =	vld [tilespmem:s21+$0xFFFFFDD0];
	v11 =	vmin.f32 v7, v11;
	v24 =	vsub.f32 v13, v20  }
0x335: {  	s20 =	sadd.s32 $0x10, s20;
	v16 =	vsub.f32 v11, v16;
	v11 =	vld [tilespmem:s21+$0x230];
	v13 =	vadd.f32 v12, v8;
	(xrf0) =	vmax.scan.msk.f32 $0xffff, v21;
	v21 =	vmax.f32 v23, $0.0e+00;
	v14 =	vpop (erf)  }
0x336: {  	s19 =	sadd.s32 $0xFFFFFFFF, s19;
	v12 =	vld [tilespmem:s20+$0x0];
	s21 =	sadd.s32 $0x10, s21;
	v23 =	vmax.f32 v24, $9.999999960e-13;
	v22 =	vmul.f32 v14, v22;
	v14 =	vmax.f32 v15, v19  }
0x337: {  	_ =	sdelay $0x2  }
0x338: {  	(erf) = vrcp.f32 v23;
	v23 =	vmin.f32 v6, v9  }
0x339: {  	p0 =	por $0x1, $0x1;
	v23 =	vsub.f32 v23, v14;
	v14, _, _ =	vpop (xrf0)  }
0x33a: {  	s22 =	simm.s32 @!p0 $0x0;
	(v2sf) =	vpush v14, $0xF  }
0x33b: {  	v19 =	vld [tilespmem:s21+$0xFFFFFBA0];
	v16 =	vmax.f32 v16, $0.0e+00;
	s22 =	simm.s32 @p0 $0x1;
	p0 =	sne.s32 s19, $0x1  }
.Ltmp48:
0x33c: {  	vm0 =	vgt.f32 v22, $3.000000120e-01;
	v26 =	vmul.f32 v16, v21;
	(pc) =	sbr.rel @!p0 .LBB2_74-.Ltmp48, $4  }
0x33d: {  	p6 =	por $0x1, $0x1;
	v9 =	vld [tilespmem:s21+$0x0];
	v21 =	vsel vm0, $0x3F800000, v1  }
0x33e: {  	v16 =	vmax.f32 v5, v10;
	v10 =	vld [tilespmem:s21+$0xFFFFFDD0];
	[smem:$0x7FB] =	sst s22;
	v11 =	vmin.f32 v7, v11;
	v24 =	vsub.f32 v13, v26;
	s22 =	simm.s32 @!p6 $0x0  }
0x33f: {  	s20 =	sadd.s32 $0x10, s20;
	v16 =	vsub.f32 v11, v16;
	v11 =	vld [tilespmem:s21+$0x230];
	v13 =	vadd.f32 v12, v8;
	(xrf0) =	vmax.scan.msk.f32 $0xffff, v21;
	v21 =	vmax.f32 v23, $0.0e+00;
	s22 =	simm.s32 @p6 $0x1;
	v14 =	vpop (erf)  }
0x340: {  	s19 =	sadd.s32 $0xFFFFFFFF, s19;
	v12 =	vld [tilespmem:s20+$0x0];
	s21 =	sadd.s32 $0x10, s21;
	v27 =	vmax.f32 v24, $9.999999960e-13;
	[smem:$0x7FA] =	sst s22;
	v25 =	vmul.f32 v14, v17;
	v14 =	vmax.f32 v15, v19  }
0x341: {  	_ =	sdelay $0x2  }
0x342: {  	v24 =	vmin.f32 v6, v9  }
0x343: {  	v28 =	vsub.f32 v24, v14;
	v14, _, _ =	vpop (xrf0)  }
0x344: {  	(v2sf) =	vpush v14, $0xF  }
0x345: {  	v23 =	vld [tilespmem:s21+$0xFFFFFBA0];
	v16 =	vmax.f32 v16, $0.0e+00;
	p6 =	sne.s32 s19, $0x1  }
.Ltmp49:
0x346: {  	vm0 =	vgt.f32 v25, $3.000000120e-01;
	v19 =	vmul.f32 v16, v21;
	(pc) =	sbr.rel @!p6 .LBB2_76-.Ltmp49, $4  }
0x347: {  	(erf) = vrcp.f32 v27;
	v9 =	vld [tilespmem:s21+$0x0];
	v21 =	vsel vm0, $0x3F800000, v1  }
0x348: {  	v30 =	vpop (erf);
	v16 =	vmax.f32 v5, v10;
	v10 =	vld [tilespmem:s21+$0xFFFFFDD0];
	v24 =	vmin.f32 v7, v11;
	v29 =	vsub.f32 v13, v19  }
0x349: {  	s19 =	sadd.s32 $0xFFFFFFFF, s19;
	s20 =	sadd.s32 $0x10, s20;
	v11 =	vld [tilespmem:s21+$0x230];
	v16 =	vsub.f32 v24, v16;
	v13 =	vadd.f32 v12, v8;
	v24 =	vmul.f32 v30, v20  }
0x34a: {  	p4 =	por $0x1, $0x1;
	p0 =	por $0x0, $0x0;
	s21 =	sadd.s32 $0x10, s21;
	(xrf0) =	vmax.scan.msk.f32 $0xffff, v21;
	v12 =	vld [tilespmem:s20+$0x0];
	v21 =	vmax.f32 v28, $0.0e+00;
	v14 =	vmax.f32 v15, v23;
	v23 =	vmax.f32 v29, $9.999999960e-13;
	v28 =	vmovc v26  }
.LBB2_77:
0x34b: {  	s22 =	spop (v2sf)  }
0x34c: {  	p6 =	sgt.f32 s22, $0.0e+00;
	_ =	sdelay $0x1  }
0x34d: {  	v29 =	vld [tilespmem:s21+$0xFFFFFBA0];
	v16 =	vmax.f32 v16, $0.0e+00;
	(erf) = vrcp.f32 v23;
	vm0 =	vgt.f32 v24, $3.000000120e-01;
	p0 =	por p0, p6;
	p6 =	sne.s32 s19, $0x1  }
.Ltmp50:
0x34e: {  	v23 =	vmin.f32 v6, v9;
	v30 =	vmul.f32 v16, v21;
	v16 =	vsel vm0, $0x3F800000, v1;
	(pc) =	sbr.rel @p6 .LBB2_77-.Ltmp50, $4  }
0x34f: {  	v9 =	vld [tilespmem:s21+$0x0];
	v21 =	vmax.f32 v5, v10;
	v23 =	vsub.f32 v23, v14;
	(xrf0) =	vmax.scan.msk.f32 $0xffff, v16;
	v14, _, _ =	vpop (xrf0)  }
0x350: {  	v10 =	vld [tilespmem:s21+$0xFFFFFDD0];
	v16 =	vmin.f32 v7, v11;
	v31 =	vsub.f32 v13, v30;
	v24 =	vpop (erf);
	(v2sf) =	vpush v14, $0xF  }
0x351: {  	s20 =	sadd.s32 $0x10, s20;
	s19 =	sadd.s32 $0xFFFFFFFF, s19;
	v11 =	vld [tilespmem:s21+$0x230];
	v16 =	vsub.f32 v16, v21;
	v13 =	vadd.f32 v12, v8;
	v24 =	vmul.f32 v24, v28;
	v28 =	vmovc v19  }
0x352: {  	s21 =	sadd.s32 $0x10, s21;
	v21 =	vmax.f32 v23, $0.0e+00;
	v19 =	vmovc v30;
	v12 =	vld [tilespmem:s20+$0x0];
	v14 =	vmax.f32 v15, v29;
	v23 =	vmax.f32 v31, $9.999999960e-13  }
0x353: {  	_ = 	snop  }
.LBB2_79:
0x354: {  	_ = 	snop  }
0x355: {  	v15 =	vmax.f32 @p1 v16, $0.0e+00;
	v9 =	vmin.f32 v6, v9  }
0x356: {  	v15 =	vmul.f32 @p1 v15, v21;
	v10 =	vmax.f32 v5, v10;
	v11 =	vmin.f32 v7, v11  }
0x357: {  	v9 =	vsub.f32 v9, v14;
	v10 =	vsub.f32 v11, v10  }
0x358: {  	v11 =	vsub.f32 @p1 v13, v15  }
0x359: {  	(erf) = vrcp.f32 @p2 v23;
	v9 =	vmax.f32 v9, $0.0e+00;
	v10 =	vmax.f32 v10, $0.0e+00  }
0x35a: {  	v12 =	vadd.f32 v12, v8;
	v11 =	vmax.f32 @p1 v11, $9.999999960e-13;
	v9 =	vmul.f32 v10, v9  }
0x35b: {  	v10 =	vpsel p1, v11, v27  }
0x35c: {  	(erf) = vrcp.f32 @p1 v10;
	v10 =	vsub.f32 v12, v9;
	_ =	sdelay $0x1  }
0x35d: {  	v10 =	vmax.f32 v10, $9.999999960e-13  }
0x35e: {  	s19 =	simm.s32 @!p1 $0x0;
	s21 =	sld [smem:$0x7FC];
	(erf) = vrcp.f32 v10  }
0x35f: {  	s19 =	simm.s32 @p1 $0x1  }
0x360: {  	[smem:$0x7F9] =	sst s19;
	s19 =	simm.s32 @!p2 $0x0;
	v12 =	vmov @p1 v15;
	v10 =	vpop @p5 (erf)  }
0x361: {  	p3 =	por p2, p2;
	s19 =	simm.s32 @p2 $0x1;
	v11 =	vmov @p2 v19;
	v12 =	vpsel p1, v12, v26;
	v10 =	vmul.f32 @p5 v10, v28;
	v13 =	vpop @p2 (erf);
	p2 =	seq.s32 s21, $0x1  }
0x362: {  	v11 =	vpsel p3, v11, v20;
	vm0 =	vgt.f32 @p2 v24, $3.000000120e-01  }
0x363: {  	v11 =	vmul.f32 @p3 v13, v11;
	v14 =	vsel @p2 vm0, $0x3F800000, v1;
	v10 =	vpsel p5, v10, v25  }
0x364: {  	s22 =	sld [smem:$0x7FD];
	(xrf0) =	vmax.scan.msk.f32 @p2 $0xffff, v14;
	vm0 =	vgt.f32 @p5 v10, $3.000000120e-01;
	v10 =	vpsel p1, v12, v17;
	v12 =	vpop @p1 (erf)  }
0x365: {  	v11 =	vpsel p3, v11, v22;
	v13 =	vsel @p5 vm0, $0x3F800000, v1;
	v10 =	vmul.f32 @p1 v12, v10  }
0x366: {  	vm0 =	vgt.f32 @p3 v11, $3.000000120e-01;
	(xrf0) =	vmax.scan.msk.f32 @p5 $0xffff, v13  }
0x367: {  	p6 =	seq.s32 s22, $0x1;
	v11 =	vsel @p3 vm0, $0x3F800000, v1;
	v10 =	vpsel p1, v10, v18;
	v63 =	vpop (erf)  }
0x368: {  	v13, _, _ =	vpop @p6 (xrf0);
	(xrf0) =	vmax.scan.msk.f32 @p3 $0xffff, v11;
	vm0 =	vgt.f32 @p1 v10, $3.000000120e-01;
	v9 =	vmul.f32 v63, v9  }
0x369: {  	(v2sf) =	vpush @p6 v13, $0xF;
	v10 =	vsel @p1 vm0, $0x3F800000, v1  }
0x36a: {  	v11, _, _ =	vpop @p2 (xrf0);
	(xrf0) =	vmax.scan.msk.f32 @p1 $0xffff, v10;
	vm15 =	vgt.f32 v9, $3.000000120e-01  }
0x36b: {  	[smem:$0x7F8] =	sst s19;
	s19 =	simm.s32 @!p5 $0x0;
	(v2sf) =	vpush @p2 v11, $0xF;
	v9 =	vsel vm15, $0x3F800000, v1  }
0x36c: {  	s19 =	simm.s32 @p5 $0x1;
	v10, _, _ =	vpop @p5 (xrf0);
	(xrf0) =	vmax.scan.msk.f32 $0xffff, v9  }
0x36d: {  	[smem:$0x7F7] =	sst s19;
	s19 =	simm.s32 @!p2 $0x0;
	(v2sf) =	vpush @p5 v10, $0xF  }
0x36e: {  	s19 =	simm.s32 @p2 $0x1;
	v9, _, _ =	vpop @p3 (xrf0)  }
0x36f: {  	[smem:$0x7FC] =	sst s19;
	s19 =	simm.s32 @!p6 $0x0;
	(v2sf) =	vpush @p3 v9, $0xF  }
0x370: {  	s23 =	sld [smem:$0x7FA];
	s19 =	simm.s32 @p6 $0x1;
	v9, _, _ =	vpop @p1 (xrf0)  }
0x371: {  	[smem:$0x7FD] =	sst s19;
	s19 =	spop @p4 (v2sf);
	(v2sf) =	vpush @p1 v9, $0xF  }
0x372: {  	s26 =	sld [smem:$0x7FB];
	p1 =	sgt.f32 @p4 s19, $0.0e+00;
	v9, _, _ =	vpop (xrf0)  }
0x373: {  	s25 =	sld [smem:$0x7FD];
	p2 =	seq.s32 s23, $0x1;
	(v2sf) =	vpush v9, $0xF  }
0x374: {  	s19 =	spop @p2 (v2sf);
	p6 =	por @p4 p0, p1;
	p0 =	por $0x0, $0x0  }
0x375: {  	p3 =	sgt.f32 @p2 s19, $0.0e+00;
	p6 =	por @!p4 p0, p0;
	p0 =	seq.s32 s26, $0x1  }
0x376: {  	s24 =	sld [smem:$0x7FC];
	p5 =	seq.s32 s25, $0x1;
	s19 =	spop @p0 (v2sf)  }
0x377: {  	p3 =	por @p2 p6, p3;
	p6 =	por $0x0, $0x0;
	p4 =	sgt.f32 @p0 s19, $0.0e+00  }
0x378: {  	s28 =	sld [smem:$0x7F7];
	p3 =	por @!p2 p6, p6;
	s19 =	spop @p5 (v2sf)  }
0x379: {  	p1 =	seq.s32 s24, $0x1;
	p3 =	por @p0 p3, p4;
	p2 =	sgt.f32 @p5 s19, $0.0e+00  }
0x37a: {  	s29 =	sld [smem:$0x7F8];
	p3 =	por @!p0 p6, p6;
	s19 =	spop @p1 (v2sf)  }
0x37b: {  	p0 =	por @p5 p3, p2;
	p2 =	sgt.f32 @p1 s19, $0.0e+00;
	p3 =	seq.s32 s28, $0x1  }
0x37c: {  	s30 =	sld [smem:$0x7F9];
	p0 =	por @!p5 p6, p6;
	s19 =	spop @p3 (v2sf)  }
0x37d: {  	p0 =	por @p1 p0, p2;
	p5 =	sgt.f32 @p3 s19, $0.0e+00;
	p2 =	seq.s32 s29, $0x1  }
0x37e: {  	p0 =	por @!p1 p6, p6;
	s19 =	spop @p2 (v2sf)  }
0x37f: {  	p1 =	seq.s32 s30, $0x1;
	p0 =	por @p3 p0, p5;
	p4 =	sgt.f32 @p2 s19, $0.0e+00  }
0x380: {  	p0 =	por @!p3 p6, p6;
	s19 =	spop @p1 (v2sf)  }
0x381: {  	p0 =	por @p2 p0, p4;
	p3 =	sgt.f32 @p1 s19, $0.0e+00  }
0x382: {  	p0 =	por @!p2 p6, p6;
	s31 =	spop (v2sf)  }
0x383: {  	p2 =	por $0x0, $0x0;
	p0 =	por @p1 p0, p3;
	p6 =	sgt.f32 s31, $0.0e+00  }
0x384: {  	p0 =	por @!p1 p2, p2  }
0x385: {  	p0 =	por p0, p6  }
.Ltmp51:
0x386: {  	_ = 	snop;
	(pc) =	sbr.rel @p0 .LBB2_81-.Ltmp51, $4  }
.Ltmp52:
0x387: {  	_ = 	snop;
	(pc) =	sbr.rel @!p0 .LBB2_80-.Ltmp52, $4  }
0x388: {  	_ = 	snop  }
0x389: {  	_ = 	snop  }
0x38a: {  	_ = 	snop  }
0x38b: {  	_ = 	snop  }
.LBB2_54:
0x38c: {  	p0 =	por $0x0, $0x0  }
.Ltmp53:
0x38d: {  	s19 =	simm.s32 @!p0 $0x0;
	(pc) =	sbr.rel .LBB2_79-.Ltmp53, $4  }
0x38e: {  	s19 =	simm.s32 @p0 $0x1;
	p0 =	por $0x0, $0x0  }
0x38f: {  	[smem:$0x7FA] =	sst s19;
	s19 =	simm.s32 @!p0 $0x0  }
0x390: {  	s19 =	simm.s32 @p0 $0x1  }
0x391: {  	p4 =	por $0x0, $0x0;
	p0 =	por $0x0, $0x0;
	[smem:$0x7FB] =	sst s19  }
.LBB2_62:
0x392: {  	p0 =	por $0x0, $0x0  }
.Ltmp54:
0x393: {  	s19 =	simm.s32 @!p0 $0x0;
	(pc) =	sbr.rel .LBB2_79-.Ltmp54, $4  }
0x394: {  	s19 =	simm.s32 @p0 $0x1;
	p0 =	por $0x0, $0x0  }
0x395: {  	[smem:$0x7FA] =	sst s19;
	s19 =	simm.s32 @!p0 $0x0  }
0x396: {  	s19 =	simm.s32 @p0 $0x1  }
0x397: {  	p4 =	por $0x0, $0x0;
	p0 =	por $0x0, $0x0;
	[smem:$0x7FB] =	sst s19  }
.LBB2_64:
0x398: {  	p0 =	por $0x0, $0x0  }
.Ltmp55:
0x399: {  	s19 =	simm.s32 @!p0 $0x0;
	(pc) =	sbr.rel .LBB2_79-.Ltmp55, $4  }
0x39a: {  	s19 =	simm.s32 @p0 $0x1;
	p0 =	por $0x0, $0x0  }
0x39b: {  	[smem:$0x7FA] =	sst s19;
	s19 =	simm.s32 @!p0 $0x0  }
0x39c: {  	s19 =	simm.s32 @p0 $0x1  }
0x39d: {  	p4 =	por $0x0, $0x0;
	p0 =	por $0x0, $0x0;
	[smem:$0x7FB] =	sst s19  }
.LBB2_66:
0x39e: {  	p0 =	por $0x0, $0x0  }
.Ltmp56:
0x39f: {  	s19 =	simm.s32 @!p0 $0x0;
	(pc) =	sbr.rel .LBB2_79-.Ltmp56, $4  }
0x3a0: {  	s19 =	simm.s32 @p0 $0x1;
	p0 =	por $0x0, $0x0  }
0x3a1: {  	[smem:$0x7FA] =	sst s19;
	s19 =	simm.s32 @!p0 $0x0  }
0x3a2: {  	s19 =	simm.s32 @p0 $0x1  }
0x3a3: {  	p4 =	por $0x0, $0x0;
	v28 =	vmov v19;
	v19 =	vmov v18;
	p0 =	por $0x0, $0x0;
	[smem:$0x7FB] =	sst s19  }
.LBB2_68:
0x3a4: {  	p0 =	por $0x0, $0x0  }
.Ltmp57:
0x3a5: {  	s19 =	simm.s32 @!p0 $0x0;
	(pc) =	sbr.rel .LBB2_79-.Ltmp57, $4  }
0x3a6: {  	s19 =	simm.s32 @p0 $0x1;
	p0 =	por $0x0, $0x0  }
0x3a7: {  	[smem:$0x7FA] =	sst s19;
	s19 =	simm.s32 @!p0 $0x0  }
0x3a8: {  	s19 =	simm.s32 @p0 $0x1  }
0x3a9: {  	p4 =	por $0x0, $0x0;
	v28 =	vmov v18;
	v19 =	vmov v22;
	p0 =	por $0x0, $0x0;
	[smem:$0x7FB] =	sst s19  }
.LBB2_70:
0x3aa: {  	p0 =	por $0x0, $0x0  }
.Ltmp58:
0x3ab: {  	s19 =	simm.s32 @!p0 $0x0;
	(pc) =	sbr.rel .LBB2_79-.Ltmp58, $4  }
0x3ac: {  	s19 =	simm.s32 @p0 $0x1;
	p0 =	por $0x0, $0x0  }
0x3ad: {  	[smem:$0x7FA] =	sst s19;
	s19 =	simm.s32 @!p0 $0x0  }
0x3ae: {  	s19 =	simm.s32 @p0 $0x1  }
0x3af: {  	v19 =	vmov v17;
	v28 =	vmov v22;
	v24 =	vmov v18;
	p0 =	por $0x0, $0x0;
	[smem:$0x7FB] =	sst s19  }
.LBB2_72:
0x3b0: {  	p0 =	por $0x0, $0x0  }
.Ltmp59:
0x3b1: {  	s19 =	simm.s32 @!p0 $0x0;
	(pc) =	sbr.rel .LBB2_79-.Ltmp59, $4  }
0x3b2: {  	s19 =	simm.s32 @p0 $0x1;
	p0 =	por $0x1, $0x1  }
0x3b3: {  	[smem:$0x7FA] =	sst s19;
	s19 =	simm.s32 @!p0 $0x0  }
0x3b4: {  	s19 =	simm.s32 @p0 $0x1  }
0x3b5: {  	v19 =	vmov v20;
	v28 =	vmov v17;
	v24 =	vmov v22;
	p0 =	por $0x0, $0x0;
	[smem:$0x7FB] =	sst s19  }
.LBB2_74:
.Ltmp60:
0x3b6: {  	(pc) =	sbr.rel .LBB2_79-.Ltmp60, $2  }
0x3b7: {  	_ =	sdelay $0x3  }
0x3b8: {  	v23 =	vmovc v27;
	p0 =	por $0x0, $0x0;
	v28 =	vmov v20;
	v19 =	vmov v26;
	v24 =	vmov v25  }
.LBB2_76:
.Ltmp61:
0x3b9: {  	(pc) =	sbr.rel .LBB2_79-.Ltmp61, $2  }
0x3ba: {  	_ =	sdelay $0x2  }
0x3bb: {  	p0 =	por $0x0, $0x0;
	v28 =	vmov v26  }
.LBB2_84:
0x3bc: {  	v0 =	vimm.s32 $0x0  }
0x3bd: {  	s12 =	simm.s32 $0x0;
	[tilespmem:s3+$0x4E30] =	vst v0  }
.LBB2_83:
0x3be: {  	v0 =	vmov s12;
	s2 =	simm.s32 $0x16EF0  }
0x3bf: {  	s3 =	simm.s32 $0x0;
	s31 =	simm.s32 $0x2;
	[tilespmem:s2+$0x0] =	vst.msk $0x1, v0  }
0x3c0: {  	[hbm4b:s5+s3] =	stream.linear.scatter [tilespmem:s2], [sflag:$0x2], $0x480, $0x38;
	[tilespmem:$0x17380] =	vst v63  }
0x3c1: {  	_ =	swait.ge [sflag:s31], $0x480  }
0x3c2: {  	[sflag:s31] =	ssyncset.done $0x0  }
0x3c3: {  	[sflag:s31] =	ssyncadd.s32 $0xFFFFFB80  }
0x3c4: {  	_ =	sfence.sel $0x180000  }
0x3c5: {  	[bflag:$0x0] =	sbarrier.arrive $0xFFFF  }
0x3c6: {  	p0 =	sne.s32 s1, $0x0;
	_ =	strace $0x90000047  }
0x3c7: {  	s0 =	sadd.s32 @!p0 $0x100000, s0;
	[bflag:$0x2] =	sbarrier.arrive $0xFFFF  }
0x3c8: {  	[sflag:s0] =	ssyncadd.tile.s32 @!p0 $0x1;
	_ =	shalt  }
.LBB2_3:
.Ltmp62:
0x3c9: {  	(pc) =	sbr.rel .LBB2_7-.Ltmp62, $2  }
0x3ca: {  	_ =	sdelay $0x2  }
0x3cb: {  	s3 =	simm.s32 $0x0;
	s7 =	simm.s32 $0x0;
	s6 =	simm.s32 $0x0  }
.LBB2_5:
.Ltmp63:
0x3cc: {  	(pc) =	sbr.rel .LBB2_7-.Ltmp63, $2  }
0x3cd: {  	_ =	sdelay $0x2  }
0x3ce: {  	s7 =	simm.s32 $0x0;
	s6 =	simm.s32 $0x0  }
.Lfunc_end2:
_tile_overlayer_lowered:
.L_overlay_start_2:
0x3cf: {  	(tag) =	ssettag $0x2  }
0x3d0: {  	s0 =	rddreg [dreg:$0x0];
	s2 =	stileid.u32  }
0x3d1: {  	s1 =	rddreg [dreg:$0x1];
	p0 =	sne.s32 s2, $0x0  }
0x3d2: {  	s3 =	rddreg [dreg:$0x2];
	[bflag:$0x3] =	sbarrier.arrive $0xFFFF;
	s2 =	simm.s32 @!p0 $0x1C02  }
0x3d3: {  	[timem:s3], [sflag:s2] =	dma.local @!p0 [hbm:s0], s1  }
0x3d4: {  	s0 =	simm.s32 @!p0 $0x2  }
0x3d5: {  	_ =	swait.ge @!p0 [sflag:s0], s1  }
0x3d6: {  	s1 =	ssub.s32 @!p0 $0x0, s1;
	[sflag:s0] =	ssyncset.done @!p0 $0x0  }
0x3d7: {  	[sflag:s0] =	ssyncadd.s32 @!p0 s1  }
0x3d8: {  	[bflag:$0x3] =	sbarrier.arrive $0xFFFF  }
0x3d9: {  	_ =	shalt  }

// kernel: kernel.8.cloned.1.call-start
scs
__scs_entry_jumppad:
0x0: {  	(pc) =	sbr.rel $0x88, $3  }
0x1: {  	(tag) =	ssettag $0x0;
	lr =	simm.s32 $0x1  }
0x2: {  	[smem:$0x3F9E] =	sst lr;
	_ =	strace $0xD0000000  }
0x3: {  	_ = 	snop  }
0x4: {  	_ = 	snop  }
0x5: {  	_ = 	snop  }
0x6: {  	_ = 	snop  }
0x7: {  	_ = 	snop  }
__scs_overlays_trampoline_lowered:
0x8: {  	[smem:$0x3FAD] =	sst s0  }
0x9: {  	[smem:$0x3FAE] =	sst s1  }
0xa: {  	[smem:$0x3FAF] =	sst s2  }
0xb: {  	[smem:$0x3FB0] =	sst s3  }
0xc: {  	[smem:$0x3FB1] =	sst s4  }
0xd: {  	[smem:$0x3FB2] =	sst s5  }
0xe: {  	[smem:$0x3FB3] =	sst s6  }
0xf: {  	[smem:$0x3FB4] =	sst s7  }
0x10: {  	[smem:$0x3FB5] =	sst s8  }
0x11: {  	[smem:$0x3FB6] =	sst s9;
	s0 =	simm.s32 @!p0 $0x0  }
0x12: {  	s1 =	sld [smem:$0x3F9C];
	s0 =	simm.s32 @p0 $0x1  }
0x13: {  	[smem:$0x3FB7] =	sst s0;
	s0 =	simm.s32 @!p1 $0x0  }
0x14: {  	s2 =	sld [smem:$0x3F9B];
	s0 =	simm.s32 @p1 $0x1  }
0x15: {  	[smem:$0x3FB8] =	sst s0;
	s0 =	simm.s32 @!p2 $0x0  }
0x16: {  	s3 =	sld [smem:$0x3FDB];
	s0 =	simm.s32 @p2 $0x1  }
0x17: {  	s4 =	simm.s32 $0x1BF5;
	[smem:$0x3FBA] =	sst s0  }
0x18: {  	s0 =	sld [smem:$0x3F9D];
	_ =	swait.ge [sflag:s4], $0x0  }
0x19: {  	s7 =	sld [smem:$0x3F9E]  }
0x1a: {  	s8 =	sadd.s32 $0xFFFFE003, lr  }
0x1b: {  	s9 =	sadd.s32 $0xFFFFFEF7, lr;
	s5 =	simm.s32 $0xFFFFFFFF;
	p2 =	slt.u32 s8, $0xFFFFF086  }
0x1c: {  	p1 =	slt.u32 s9, $0xF7A;
	s5 =	simm.s32 @!p2 $0x0  }
0x1d: {  	s5 =	simm.s32 @p1 $0x1;
	p0 =	seq.s32 s7, s2  }
0x1e: {  	s7 =	smul.u32 @!p0 $0xF7A, s2;
	p2 =	seq.s32 @!p0 s5, $0x0  }
0x1f: {  	s9 =	smul.u32 $0xF7A, s1;
	s8 =	simm.s32 @!p0 $0x1BF5;
	p2 =	por !p2, p0  }
0x20: {  	[sflag:s8] =	ssyncset.s32 @!p0 $0xFFFFF086;
	s6 =	sadd.s32 @!p0 s3, s7;
	s7 =	simm.s32 @!p0 $0x108  }
0x21: {  	s3 =	sadd.s32 s3, s9;
	s6 =	sadd.s32 @!p0 $0x88, s6;
	s7 =	simm.s32 @p2 $0x1082  }
0x22: {  	[simem:s7], [sflag:s8] =	dma.local @!p0 [hbm:s6], $0xF7A  }
0x23: {  	s9 =	sor.u32 $0xD0000000, s2;
	s6 =	simm.s32 $0x108;
	_ =	swait.ge @!p0 [sflag:s8], $0x0  }
0x24: {  	s3 =	sadd.s32 $0x88, s3;
	s6 =	simm.s32 @!p1 $0x1082;
	[sflag:s4] =	ssyncset.s32 $0xFFFFF086  }
0x25: {  	[simem:s6], [sflag:s4] =	dma.local [hbm:s3], $0xF7A  }
0x26: {  	[smem:$0x3F9E] =	sst s1;
	(tag) =	ssettag s2;
	_ =	strace s9  }
0x27: {  	s1 =	sld [smem:$0x3FAE]  }
0x28: {  	s2 =	sld [smem:$0x3FAF]  }
0x29: {  	s4 =	sld [smem:$0x3FB1]  }
0x2a: {  	p0 =	seq.s32 s5, $0x0;
	s5 =	sld [smem:$0x3FB2]  }
0x2b: {  	s6 =	sld [smem:$0x3FB3]  }
0x2c: {  	s7 =	sld [smem:$0x3FB4]  }
0x2d: {  	s3 =	simm.s32 $0x108;
	s8 =	sld [smem:$0x3FB5]  }
0x2e: {  	s3 =	simm.s32 @!p0 $0x1082;
	s9 =	sld [smem:$0x3FB6]  }
0x2f: {  	lr =	sadd.s32 s0, s3;
	s0 =	sld [smem:$0x3FAD]  }
0x30: {  	s3 =	sld [smem:$0x3FB0]  }
0x31: {  	[smem:$0x3FB9] =	sst s10  }
0x32: {  	s10 =	sld [smem:$0x3FB7];
	_ =	sdelay $0x3  }
0x33: {  	p0 =	seq.s32 s10, $0x1;
	s10 =	sld [smem:$0x3FB9];
	_ =	sdelay $0x3  }
0x34: {  	[smem:$0x3FB9] =	sst s10  }
0x35: {  	s10 =	sld [smem:$0x3FB8];
	_ =	sdelay $0x3  }
0x36: {  	p1 =	seq.s32 s10, $0x1;
	s10 =	sld [smem:$0x3FB9];
	_ =	sdelay $0x3  }
0x37: {  	[smem:$0x3FB9] =	sst s10  }
0x38: {  	s10 =	sld [smem:$0x3FBA]  }
0x39: {  	_ = 	snop;
	(pc) =	sbr.ind lr, $3  }
0x3a: {  	_ = 	snop  }
0x3b: {  	_ = 	snop  }
0x3c: {  	p2 =	seq.s32 s10, $0x1;
	s10 =	sld [smem:$0x3FB9]  }
0x3d: {  	_ =	shalt  }
0x3e: {  	_ =	shalt  }
0x3f: {  	_ =	shalt  }
0x40: {  	_ =	shalt  }
0x41: {  	_ =	shalt  }
0x42: {  	_ =	shalt  }
0x43: {  	_ =	shalt  }
0x44: {  	_ =	shalt  }
0x45: {  	_ =	shalt  }
0x46: {  	_ =	shalt  }
0x47: {  	_ =	shalt  }
0x48: {  	_ =	shalt  }
0x49: {  	_ =	shalt  }
0x4a: {  	_ =	shalt  }
0x4b: {  	_ =	shalt  }
0x4c: {  	_ =	shalt  }
0x4d: {  	_ =	shalt  }
0x4e: {  	_ =	shalt  }
0x4f: {  	_ =	shalt  }
0x50: {  	_ =	shalt  }
0x51: {  	_ =	shalt  }
0x52: {  	_ =	shalt  }
0x53: {  	_ =	shalt  }
0x54: {  	_ =	shalt  }
0x55: {  	_ =	shalt  }
0x56: {  	_ =	shalt  }
0x57: {  	_ =	shalt  }
0x58: {  	_ =	shalt  }
0x59: {  	_ =	shalt  }
0x5a: {  	_ =	shalt  }
0x5b: {  	_ =	shalt  }
0x5c: {  	_ =	shalt  }
0x5d: {  	_ =	shalt  }
0x5e: {  	_ =	shalt  }
0x5f: {  	_ =	shalt  }
0x60: {  	_ =	shalt  }
0x61: {  	_ =	shalt  }
0x62: {  	_ =	shalt  }
0x63: {  	_ =	shalt  }
0x64: {  	_ =	shalt  }
0x65: {  	_ =	shalt  }
0x66: {  	_ =	shalt  }
0x67: {  	_ =	shalt  }
0x68: {  	_ =	shalt  }
0x69: {  	_ =	shalt  }
0x6a: {  	_ =	shalt  }
0x6b: {  	_ =	shalt  }
0x6c: {  	_ =	shalt  }
0x6d: {  	_ =	shalt  }
0x6e: {  	_ =	shalt  }
0x6f: {  	_ =	shalt  }
0x70: {  	_ =	shalt  }
0x71: {  	_ =	shalt  }
0x72: {  	_ =	shalt  }
0x73: {  	_ =	shalt  }
0x74: {  	_ =	shalt  }
0x75: {  	_ =	shalt  }
0x76: {  	_ =	shalt  }
0x77: {  	_ =	shalt  }
0x78: {  	_ =	shalt  }
0x79: {  	_ =	shalt  }
0x7a: {  	_ =	shalt  }
0x7b: {  	_ =	shalt  }
0x7c: {  	_ =	shalt  }
0x7d: {  	_ =	shalt  }
0x7e: {  	_ =	shalt  }
0x7f: {  	_ =	shalt  }
0x80: {  	_ =	shalt  }
0x81: {  	_ =	shalt  }
0x82: {  	_ =	shalt  }
0x83: {  	_ =	shalt  }
0x84: {  	_ =	shalt  }
0x85: {  	_ =	shalt  }
0x86: {  	_ =	shalt  }
0x87: {  	_ =	shalt  }
.Lfunc_end0:
.L_simem_size_0:
called_computation.1_lowered:
.L_overlay_start_0:
0x88: {  	s0 =	sld [smem:$0x3FD9]  }
0x89: {  	s1 =	sld [smem:$0x3FFE];
	_ =	sdelay $0x3  }
0x8a: {  	s0 =	sadd.s32 s1, s0  }
0x8b: {  	[smem:$0x3FC5] =	sst s0  }
0x8c: {  	_ = 	snop  }
0x8d: {  	(tm) =	ssettm $0x1  }
0x8e: {  	s15 =	sld [smem:$0x3FFB];
	_ =	sdelay $0x3  }
0x8f: {  	_ =	strace s15  }
0x90: {  	s0 =	sld [smem:$0x3FFC];
	_ =	sdelay $0x3  }
0x91: {  	_ =	strace s0  }
0x92: {  	s0 =	sld [smem:$0x3FFD];
	_ =	sdelay $0x3  }
0x93: {  	_ =	strace s0  }
0x94: {  	_ =	strace $0x8FFFFFFF  }
0x95: {  	s16 =	sld [smem:$0x3FDB];
	_ =	sdelay $0x1  }
0x96: {  	s17 =	simm.s32 $_scs_section_size  }
0x97: {  	s2 =	simm.s32 $_size__tile_overlayer_lowered;
	s3 =	simm.s32 $_tile_overlayer_lowered  }
0x98: {  	s20 =	simm.s32 $0x1BFF;
	s19 =	sshll.u32 s3, $0x1;
	s0 =	sadd.s32 s17, s16  }
0x99: {  	s4 =	simm.s32 $0x0;
	s18 =	sshll.u32 s2, $0x1;
	s2 =	sadd.s32 s19, s0  }
0x9a: {  	[timem:s4], [sflag:s20] =	dma.local [hbm:s2], s18  }
0x9b: {  	_ =	swait.ge [sflag:s20], s18  }
0x9c: {  	s1 =	ssub.s32 $0x0, s18;
	[sflag:s20] =	ssyncset.done $0x0  }
0x9d: {  	[sflag:s20] =	ssyncadd.s32 s1;
	_ =	sdelay $0x1  }
0x9e: {  	s21 =	simm.s32 $0x1B8B  }
0x9f: {  	_ =	swait.ge [sflag:s21], $0x1  }
0xa0: {  	[sflag:s21] =	ssyncset.done $0x0  }
0xa1: {  	s23 =	simm.s32 $0x1B8E;
	s22 =	sld [smem:$0x3FFE];
	[sflag:s21] =	ssyncadd.s32 $0xFFFFFFFF  }
0xa2: {  	s24 =	simm.s32 $execute0_lowered;
	[smem:$0x3FD2] =	sst s23  }
0xa3: {  	s2 =	sshll.u32 s24, $0x1;
	_ =	strace $0x80000049;
	[dreg:$0x1] =	wrdreg $0xFFFFFFFF  }
0xa4: {  	s25 =	simm.s32 $_size_execute0_lowered;
	s0 =	sadd.s32 s0, s2;
	[dreg:$0x0] =	wrdreg $0x0  }
0xa5: {  	s2 =	sshll.u32 s25, $0x1;
	[dreg:$0x2] =	wrdreg s0  }
0xa6: {  	[dreg:$0x3] =	wrdreg s2  }
0xa7: {  	[dreg:$0x4] =	wrdreg $0xC0  }
0xa8: {  	_ =	task [dreg:s4], $0x5FFFF  }
0xa9: {  	[dreg:$0x1] =	wrdreg $0xFFFFFFFF  }
0xaa: {  	[dreg:$0x0] =	wrdreg $0x60  }
0xab: {  	[dreg:$0x2] =	wrdreg s22  }
0xac: {  	[dreg:$0x3] =	wrdreg $0x9  }
0xad: {  	_ =	task.clear_ibuf [dreg:s4], $0x4FFFF;
	_ =	strace $0x90000049  }
0xae: {  	s26 =	simm.s32 $0x9;
	_ =	strace $0x8000004B  }
0xaf: {  	_ =	swait.ge [sflag:s26], $0x1  }
0xb0: {  	[sflag:s26] =	ssyncadd.s32 $0xFFFFFFFF  }
0xb1: {  	_ =	strace $0x9000004B  }
0xb2: {  	_ =	sfence  }
0xb3: {  	s28 =	sld [smem:$0x0];
	_ =	sdelay $0x1  }
0xb4: {  	s29 =	srdreg.scid  }
0xb5: {  	s30 =	sshll.u32 s29, $0xD;
	s31 =	sshrl.u32 s29, $0x2  }
0xb6: {  	s1 =	sand.u32 $0x1, s29;
	s2 =	sand.u32 $0x4000, s30;
	s0 =	sadd.s32 s31, s28  }
0xb7: {  	s1 =	sor.u32 s2, s1;
	s0 =	sshll.u32 s0, $0x11  }
0xb8: {  	s0 =	sor.u32 s0, s1  }
0xb9: {  	s0 =	sadd.s32 $0x8F2B, s0  }
0xba: {  	[sflag:s0] =	ssyncadd.remote.s32 $0x1  }
0xbb: {  	_ =	sfence.sel $0xFFFF  }
0xbc: {  	[dreg:$0x0] =	wrdreg $0xFFFFFFFF;
	(pc) =	sbr.abs _section_cstart, $3  }
0xbd: {  	[dreg:$0x1] =	wrdreg $0xFFFFFFFF  }
0xbe: {  	_ =	task.clear_ibuf [dreg:s4], $0x2FFFF;
	_ =	strace $0x9FFFFFFF  }
0xbf: {  	(tm) =	ssettm $0x7FFFFFFF  }
tec
execute0_lowered:
.L_overlay_start_1:
0x0: {  	(tag) =	ssettag $0x1  }
0x1: {  	s1 =	rddreg [dreg:$0x0];
	v0 =	vimm.f32 $0.0e+00  }
0x2: {  	s0 =	rddreg [dreg:$0x1];
	_ =	strace $0x8000004A;
	[tilespmem:$0x89D0] =	vst v0  }
0x3: {  	[tilespmem:$0x89E0] =	vst v0  }
0x4: {  	[tilespmem:$0x89F0] =	vst v0  }
0x5: {  	[tilespmem:$0x8A00] =	vst v0  }
0x6: {  	[tilespmem:$0x8A10] =	vst v0  }
0x7: {  	[tilespmem:$0x8A20] =	vst v0  }
0x8: {  	s3 =	simm.s32 $0x0;
	[tilespmem:$0x8A30] =	vst v0  }
0x9: {  	[smem:$0x10] =	sst s3;
	[tilespmem:$0x8A40] =	vst v0  }
0xa: {  	[tilespmem:$0x8A50] =	vst v0;
	[smem:$0x0] =	sst s3  }
0xb: {  	[tilespmem:$0x8A60] =	vst v0;
	[smem:$0x11] =	sst s3  }
0xc: {  	[tilespmem:$0x8A70] =	vst v0;
	[smem:$0x1] =	sst s3  }
0xd: {  	[tilespmem:$0x8A80] =	vst v0;
	[smem:$0x12] =	sst s3  }
0xe: {  	[tilespmem:$0x8A90] =	vst v0;
	[smem:$0x2] =	sst s3  }
0xf: {  	[tilespmem:$0x8AA0] =	vst v0;
	[smem:$0x13] =	sst s3  }
0x10: {  	[tilespmem:$0x8AB0] =	vst v0;
	[smem:$0x3] =	sst s3  }
0x11: {  	[tilespmem:$0x8AC0] =	vst v0;
	[smem:$0x14] =	sst s3  }
0x12: {  	[tilespmem:$0x8AD0] =	vst v0;
	[smem:$0x4] =	sst s3  }
0x13: {  	[tilespmem:$0x8AE0] =	vst v0;
	[smem:$0x15] =	sst s3  }
0x14: {  	[tilespmem:$0x8AF0] =	vst v0;
	[smem:$0x5] =	sst s3  }
0x15: {  	[tilespmem:$0x8B00] =	vst v0;
	[smem:$0x16] =	sst s3  }
0x16: {  	[tilespmem:$0x8B10] =	vst v0;
	[smem:$0x6] =	sst s3  }
0x17: {  	[tilespmem:$0x8B20] =	vst v0;
	[smem:$0x17] =	sst s3  }
0x18: {  	[tilespmem:$0x8B30] =	vst v0;
	[smem:$0x7] =	sst s3  }
0x19: {  	[tilespmem:$0x8B40] =	vst v0;
	[smem:$0x18] =	sst s3  }
0x1a: {  	[tilespmem:$0x8B50] =	vst v0;
	[smem:$0x8] =	sst s3  }
0x1b: {  	[tilespmem:$0x8B60] =	vst v0;
	[smem:$0x19] =	sst s3  }
0x1c: {  	[tilespmem:$0x8B70] =	vst v0;
	[smem:$0x9] =	sst s3  }
0x1d: {  	[tilespmem:$0x8B80] =	vst v0;
	[smem:$0x1A] =	sst s3  }
0x1e: {  	[tilespmem:$0x8B90] =	vst v0;
	[smem:$0xA] =	sst s3  }
0x1f: {  	[tilespmem:$0x8BA0] =	vst v0;
	[smem:$0x1B] =	sst s3  }
0x20: {  	[tilespmem:$0x8BB0] =	vst v0;
	[smem:$0xB] =	sst s3  }
0x21: {  	[tilespmem:$0x8BC0] =	vst v0;
	[smem:$0x1C] =	sst s3  }
0x22: {  	[tilespmem:$0x8BD0] =	vst v0;
	[smem:$0xC] =	sst s3  }
0x23: {  	[tilespmem:$0x8BE0] =	vst v0;
	[smem:$0x1D] =	sst s3  }
0x24: {  	[tilespmem:$0x8BF0] =	vst v0;
	[smem:$0xD] =	sst s3  }
0x25: {  	[tilespmem:$0x8C00] =	vst v0;
	[smem:$0x1E] =	sst s3  }
0x26: {  	[tilespmem:$0x8C10] =	vst v0;
	[smem:$0xE] =	sst s3  }
0x27: {  	s2 =	stileid.u32;
	[tilespmem:$0x8C20] =	vst v0;
	[smem:$0x1F] =	sst s3  }
0x28: {  	p0 =	sne.s32 s2, $0x0;
	[tilespmem:$0x8C30] =	vst v0;
	[smem:$0xF] =	sst s3  }
0x29: {  	_ =	sfence.sel @p0 $0x180000  }
0x2a: {  	[bflag:$0x0] =	sbarrier.arrive @p0 $0xFFFF  }
0x2b: {  	_ =	strace @p0 $0x9000004A  }
0x2c: {  	[bflag:$0x2] =	sbarrier.arrive @p0 $0xFFFF  }
0x2d: {  	_ =	shalt @p0  }
.LBB2_1:
0x2e: {  	s2 =	sadd.s32 $0x4FC00, s1;
	s4 =	simm.s32 $0x2  }
0x2f: {  	[tilespmem:s3], [sflag:$0x2] =	stream.linear.gather [hbm4b:s2+s3], $0x4800, $0x38;
	[tilespmem:$0x8C40] =	vst v63  }
0x30: {  	_ =	swait.ge [sflag:s4], $0x4800  }
0x31: {  	[sflag:s4] =	ssyncset.done $0x0  }
0x32: {  	s5 =	simm.s32 $0x4;
	[sflag:s4] =	ssyncadd.s32 $0xFFFFB800  }
0x33: {  	s2 =	sadd.s32 $0x600, s1;
	s1 =	sadd.s32 $0x4E800, s1;
	s4 =	simm.s32 $0x0;
	v0 =	vld [tilespmem:s3+$0x0]  }
.LBB2_2:
0x34: {  	p0 =	sne.s32 s5, $0x3C;
	v1 =	vld [tilespmem:s3+$0x8];
	_ =	sdelay $0x3  }
0x35: {  	(v2sf) =	vpush v0, $0x0;
	_ =	sdelay $0xb  }
0x36: {  	v0 =	vld [tilespmem:s3+$0x248];
	_ =	sdelay $0x2  }
0x37: {  	s6 =	spop (v2sf)  }
.Ltmp0:
0x38: {  	p1 =	sgt.s32 s6, $0x0;
	(pc) =	sbr.rel @p0 .LBB2_2-.Ltmp0, $4  }
0x39: {  	s6 =	sshra.s32 s4, $0x2;
	s4 =	smov.u32 s5;
	v1 =	vpsel !p1, $0x7FFFFFFF, v1;
	v0 =	vpsel !p1, $0x40000000, v0  }
0x3a: {  	[tilespmem:s6+$0x4830] =	vst.msk $0x1, v0  }
0x3b: {  	s3 =	sadd.s32 $0x480, s3;
	[tilespmem:s6+$0x4810] =	vst.msk $0x1, v1  }
0x3c: {  	s5 =	sadd.s32 $0x4, s5;
	v0 =	vld [tilespmem:s3+$0x0]  }
0x3d: {  	_ =	sdelay $0x3  }
0x3e: {  	(v2sf) =	vpush v0, $0x0;
	_ =	sdelay $0xb  }
0x3f: {  	v0 =	vld [tilespmem:s3+$0x248]  }
0x40: {  	v1 =	vld [tilespmem:s3+$0x8];
	_ =	sdelay $0x1  }
0x41: {  	s30 =	spop (v2sf)  }
0x42: {  	p0 =	sgt.s32 s30, $0x0  }
0x43: {  	s31 =	sshra.s32 s4, $0x2;
	v0 =	vpsel !p0, $0x40000000, v0  }
0x44: {  	v1 =	vpsel !p0, $0x7FFFFFFF, v1;
	[tilespmem:s31+$0x4830] =	vst.msk $0x1, v0  }
0x45: {  	[tilespmem:s31+$0x4810] =	vst.msk $0x1, v1  }
0x46: {  	v0 =	vld [tilespmem:$0x4810];
	_ =	sdelay $0x4  }
0x47: {  	v1 =	vxor.u32 $0x80000000, v0  }
0x48: {  	(xrf0) =	vmin.scan.msk.u32 $0xffff, v1;
	_ =	sdelay $0x5  }
0x49: {  	v1, _, _ =	vpop (xrf0)  }
0x4a: {  	(v2sf) =	vpush v1, $0xF;
	_ =	sdelay $0xe  }
0x4b: {  	s3 =	spop (v2sf)  }
0x4c: {  	p0 =	sne.s32 s3, $0xFFFFFFFF  }
0x4d: {  	v1 =	vld @p0 [tilespmem:$0x4830];
	_ =	sdelay $0x2  }
0x4e: {  	s4 =	sxor.u32 @p0 $0x80000000, s3  }
0x4f: {  	vm0 =	veq.s32 @p0 v0, s4  }
0x50: {  	v0 =	vnsel @p0 vm0, $0x40000000, v1  }
0x51: {  	v1 =	vxor.u32 @p0 $0x80000000, v0  }
0x52: {  	(xrf0) =	vmin.scan.msk.u32 @p0 $0xffff, v1;
	_ =	sdelay $0x5  }
0x53: {  	v1, _, _ =	vpop @p0 (xrf0)  }
0x54: {  	(v2sf) =	vpush @p0 v1, $0xF;
	_ =	sdelay $0xe  }
0x55: {  	s4 =	spop @p0 (v2sf)  }
0x56: {  	s5 =	sxor.u32 @p0 $0x80000000, s4  }
0x57: {  	vm0 =	veq.s32 @p0 v0, s5  }
0x58: {  	v0 =	vmctz.xlane @p0 vm0;
	_ =	sdelay $0x1  }
0x59: {  	(v2sf) =	vpush @p0 v0, $0x0;
	_ =	sdelay $0x6  }
0x5a: {  	v0 =	vlaneseq.u32  }
0x5b: {  	[tilespmem:$0x4850] =	vst v0;
	v1 =	vor.u32 $0x10, v0  }
0x5c: {  	[tilespmem:$0x4860] =	vst v1;
	v1 =	vor.u32 $0x20, v0  }
0x5d: {  	[tilespmem:$0x4870] =	vst v1;
	v1 =	vor.u32 $0x30, v0  }
0x5e: {  	[tilespmem:$0x4880] =	vst v1;
	v1 =	vor.u32 $0x40, v0  }
0x5f: {  	[tilespmem:$0x4890] =	vst v1;
	v1 =	vor.u32 $0x50, v0  }
0x60: {  	[tilespmem:$0x48A0] =	vst v1;
	v1 =	vor.u32 $0x60, v0  }
0x61: {  	s5 =	sshrl.u32 @p0 s5, $0x7;
	v0 =	vor.u32 $0x70, v0;
	[tilespmem:$0x48B0] =	vst v1  }
0x62: {  	s6 =	simm.s32 $0x4850;
	s7 =	sxor.u32 @p0 $0x7FFFFFFF, s3;
	[tilespmem:$0x48C0] =	vst v0;
	v0 =	vmov @p0 s5;
	s9 =	spop @p0 (v2sf)  }
0x63: {  	s3 =	simm.s32 $0x48D0;
	v1 =	vmov @p0 s7;
	s5 =	sand.u32 @p0 $0x7F, s4;
	[tilespmem:s6+$0x0] =	vst.msk @p0 $0x1, v0;
	s6 =	smul.u32 @p0 $0x1200, s9  }
0x64: {  	s4 =	simm.s32 $0x4950;
	v0 =	vmov @p0 s5;
	[tilespmem:s3+$0x0] =	vst.msk @p0 $0x1, v1  }
0x65: {  	[tilespmem:s4+$0x0] =	vst.msk @p0 $0x1, v0;
	s5 =	sshra.s32 @p0 s6, $0x2  }
0x66: {  	v0 =	vld @p0 [tilespmem:s5+$0x0];
	_ =	sdelay $0x4  }
0x67: {  	(v2sf) =	vpush @p0 v0, $0x0;
	_ =	sdelay $0x4  }
0x68: {  	s6 =	simm.s32 $0x1  }
0x69: {  	[smem:$0x7] =	sst @p0 s6  }
0x6a: {  	s6 =	sld @p0 [smem:s9+$0x10];
	_ =	sdelay $0x2  }
0x6b: {  	s7 =	sadd.s32 @p0 $0x1, s6  }
0x6c: {  	s5 =	sadd.s32 @p0 s7, s5  }
0x6d: {  	v0 =	vld @p0 [tilespmem:s5+$0x248]  }
0x6e: {  	v1 =	vld @p0 [tilespmem:s5+$0x8];
	_ =	sdelay $0x1  }
0x6f: {  	s6 =	spop @p0 (v2sf)  }
0x70: {  	s8 =	simm.s32 @p0 $0x1;
	p1 =	slt.s32 @p0 s7, s6  }
0x71: {  	[smem:s9+$0x10] =	sst @p0 s7;
	s6 =	simm.s32 @!p0 $0x1;
	p1 =	por !p1, !p0  }
0x72: {  	s5 =	simm.s32 $0x2;
	s7 =	simm.s32 $0x4851;
	s6 =	smov.u32 @p0 s8;
	v1 =	vpsel p1, $0x7FFFFFFF, v1;
	v0 =	vpsel p1, $0x40000000, v0  }
.LBB2_4:
0x73: {  	s4 =	sadd.s32 $0x1, s4  }
0x74: {  	[tilespmem:s9+$0x4810] =	vst.msk @p0 $0x1, v1;
	s3 =	sadd.s32 $0x1, s3;
	s8 =	smov.u32 s5;
	s5 =	sadd.s32 $0x1, s5  }
0x75: {  	p1 =	sne.s32 s5, $0x65;
	[tilespmem:s9+$0x4830] =	vst.msk @p0 $0x1, v0  }
0x76: {  	v0 =	vld [tilespmem:$0x4810];
	_ =	sdelay $0x4  }
0x77: {  	v1 =	vxor.u32 $0x80000000, v0  }
0x78: {  	(xrf0) =	vmin.scan.msk.u32 $0xffff, v1;
	_ =	sdelay $0x5  }
0x79: {  	v1, _, _ =	vpop (xrf0)  }
0x7a: {  	(v2sf) =	vpush v1, $0xF;
	_ =	sdelay $0xe  }
0x7b: {  	s9 =	spop (v2sf)  }
0x7c: {  	p0 =	sne.s32 s9, $0xFFFFFFFF  }
0x7d: {  	s10 =	sxor.u32 @p0 $0x80000000, s9;
	v1 =	vld @p0 [tilespmem:$0x4830];
	s9 =	sxor.u32 @p0 $0x7FFFFFFF, s9;
	s11 =	sadd.s32 @p0 $0x1, s6  }
0x7e: {  	s6 =	sadd.s32 @!p0 $0x1, s6;
	vm0 =	veq.s32 @p0 v0, s10;
	v0 =	vmov @p0 s9  }
0x7f: {  	s6 =	smov.u32 @p0 s11;
	_ =	sdelay $0x2  }
0x80: {  	v1 =	vnsel @p0 vm0, $0x40000000, v1  }
0x81: {  	v2 =	vxor.u32 @p0 $0x80000000, v1  }
0x82: {  	(xrf0) =	vmin.scan.msk.u32 @p0 $0xffff, v2;
	_ =	sdelay $0x5  }
0x83: {  	v2, _, _ =	vpop @p0 (xrf0)  }
0x84: {  	(v2sf) =	vpush @p0 v2, $0xF;
	_ =	sdelay $0xe  }
0x85: {  	s9 =	spop @p0 (v2sf)  }
0x86: {  	s10 =	sxor.u32 @p0 $0x80000000, s9;
	s9 =	sand.u32 @p0 $0x7F, s9  }
0x87: {  	vm0 =	veq.s32 @p0 v1, s10;
	s10 =	sshrl.u32 @p0 s10, $0x7;
	v1 =	vmov @p0 s9  }
0x88: {  	v2 =	vmctz.xlane @p0 vm0;
	v3 =	vmov @p0 s10;
	_ =	sdelay $0x1  }
0x89: {  	(v2sf) =	vpush @p0 v2, $0x0;
	_ =	sdelay $0xe  }
0x8a: {  	[smem:$0x7] =	sst @p0 s8;
	s9 =	spop @p0 (v2sf)  }
0x8b: {  	[tilespmem:s7+$0x0] =	vst.msk @p0 $0x1, v3;
	s8 =	sld @p0 [smem:s9+$0x10];
	s10 =	smul.u32 @p0 $0x1200, s9  }
0x8c: {  	[tilespmem:s3+$0x0] =	vst.msk @p0 $0x1, v0  }
0x8d: {  	[tilespmem:s4+$0x0] =	vst.msk @p0 $0x1, v1;
	s10 =	sshra.s32 @p0 s10, $0x2  }
0x8e: {  	s8 =	sadd.s32 @p0 $0x1, s8;
	v0 =	vld @p0 [tilespmem:s10+$0x0]  }
0x8f: {  	[smem:s9+$0x10] =	sst @p0 s8;
	s10 =	sadd.s32 @p0 s8, s10;
	_ =	sdelay $0x3  }
0x90: {  	(v2sf) =	vpush @p0 v0, $0x0;
	_ =	sdelay $0xb  }
0x91: {  	v0 =	vld @p0 [tilespmem:s10+$0x248]  }
0x92: {  	v1 =	vld @p0 [tilespmem:s10+$0x8]  }
.Ltmp1:
0x93: {  	(pc) =	sbr.rel @p1 .LBB2_4-.Ltmp1, $4  }
0x94: {  	s10 =	spop @p0 (v2sf)  }
0x95: {  	p2 =	slt.s32 @p0 s8, s10  }
0x96: {  	p2 =	por !p2, !p0  }
0x97: {  	s7 =	sadd.s32 $0x1, s7;
	v1 =	vpsel p2, $0x7FFFFFFF, v1;
	v0 =	vpsel p2, $0x40000000, v0  }
0x98: {  	s3 =	sld [smem:$0x7];
	_ =	sdelay $0x2  }
0x99: {  	p1 =	slt.s32 s3, $0x1  }
.Ltmp2:
0x9a: {  	_ = 	snop;
	(pc) =	sbr.rel @p1 .LBB2_17-.Ltmp2, $3  }
0x9b: {  	_ =	sdelay $0x1  }
0x9c: {  	[tilespmem:s9+$0x4810] =	vst.msk @p0 $0x1, v1  }
0x9d: {  	[tilespmem:s9+$0x4830] =	vst.msk @p0 $0x1, v0  }
0x9e: {  	p1 =	sne.s32 s3, $0x1  }
.Ltmp3:
0x9f: {  	_ = 	snop;
	(pc) =	sbr.rel @!p1 .LBB2_7-.Ltmp3, $3  }
0xa0: {  	_ =	sdelay $0x1  }
0xa1: {  	s5 =	simm.s32 $0x48D0;
	s6 =	simm.s32 $0x4950  }
0xa2: {  	s4 =	simm.s32 $0x89D5;
	p0 =	por $0x0, $0x0;
	v0 =	vld [tilespmem:s6+$0x0];
	s6 =	sadd.s32 $0xFFFFFFFF, s3  }
0xa3: {  	_ =	sdelay $0x3  }
0xa4: {  	v0 =	vcvt.s32.f32 v0;
	_ =	sdelay $0x1  }
0xa5: {  	[tilespmem:s4+$0xFFFFFFFF] =	vst.msk $0x1, v0  }
0xa6: {  	v0 =	vld [tilespmem:s5+$0x0]  }
0xa7: {  	p2 =	sne.s32 s6, $0x1  }
.Ltmp4:
0xa8: {  	_ = 	snop;
	(pc) =	sbr.rel @!p2 .LBB2_9-.Ltmp4, $3  }
0xa9: {  	_ =	sdelay $0x1  }
0xaa: {  	s8 =	simm.s32 $0x4951;
	s9 =	sadd.s32 $0xFFFFFFFF, s6;
	[tilespmem:s4+$0x0] =	vst.msk $0x1, v0  }
0xab: {  	p1 =	por $0x1, $0x1;
	s6 =	simm.s32 $0x89D5;
	s7 =	simm.s32 $0x48D0;
	v0 =	vld [tilespmem:s8+$0x0]  }
.LBB2_10:
0xac: {  	p2 =	sne.s32 s9, $0x1;
	_ =	sdelay $0x3  }
0xad: {  	v0 =	vcvt.s32.f32 v0  }
0xae: {  	s6 =	sadd.s32 $0x6, s6  }
0xaf: {  	s7 =	sadd.s32 $0x1, s7;
	[tilespmem:s6+$0xFFFFFFFF] =	vst.msk $0x1, v0  }
0xb0: {  	v0 =	vld [tilespmem:s7+$0x0];
	_ =	sdelay $0x1  }
.Ltmp5:
0xb1: {  	(pc) =	sbr.rel @p2 .LBB2_10-.Ltmp5, $3  }
0xb2: {  	_ =	sdelay $0x1  }
0xb3: {  	s8 =	sadd.s32 $0x1, s8;
	[tilespmem:s6+$0x0] =	vst.msk $0x1, v0  }
0xb4: {  	s9 =	sadd.s32 $0xFFFFFFFF, s9;
	v0 =	vld [tilespmem:s8+$0x0]  }
.LBB2_11:
0xb5: {  	_ =	sdelay $0x3  }
0xb6: {  	s6 =	sadd.s32 @p1 $0x6, s6;
	v0 =	vcvt.s32.f32 v0  }
0xb7: {  	s4 =	smov.u32 @p1 s6;
	s6 =	sadd.s32 @p1 $0x1, s7  }
0xb8: {  	s5 =	smov.u32 @p1 s6;
	[tilespmem:s4+$0xFFFFFFFF] =	vst.msk $0x1, v0  }
0xb9: {  	v0 =	vld [tilespmem:s5+$0x0];
	_ =	sdelay $0x3  }
0xba: {  	s28 =	simm.s32 $0x80;
	v1 =	vlaneseq.u32;
	s29 =	simm.s32 $0x4850  }
0xbb: {  	s30 =	simm.s32 $0x0;
	p1 =	seq.s32 s3, $0x1;
	[tilespmem:s4+$0x0] =	vst.msk $0x1, v0;
	s4 =	simm.s32 $0x49D0;
	v0 =	vand.u32 $0x3, v1  }
0xbc: {  	[tilespmem:s4], [sflag:$0x1] =	stream.indirect.gather [hbm4b:s2+s28], $0x80, s29, s28, $0xb8;
	v1 =	vor.u32 s30, v0;
	[tilespmem:$0x8C40] =	vst v63  }
.Ltmp6:
0xbd: {  	s31 =	simm.s32 $0x1;
	(pc) =	sbr.rel @p1 .LBB2_12-.Ltmp6, $4  }
0xbe: {  	_ =	swait.ge [sflag:s31], $0x4000  }
0xbf: {  	[sflag:s31] =	ssyncset.done $0x0  }
0xc0: {  	[sflag:s31] =	ssyncadd.s32 $0xFFFFC000  }
0xc1: {  	s2 =	simm.s32 $0x89D2;
	v1 =	vld.idx.msk [tilespmem:v1+s4+$0x0], $0xffff  }
0xc2: {  	_ =	sdelay $0x2  }
0xc3: {  	s5 =	simm.s32 $0x80  }
0xc4: {  	p1 =	seq.s32 s3, $0x2;
	v2 =	vor.u32 s5, v0;
	v3 =	vbroadcast v1, $0x1  }
.Ltmp7:
0xc5: {  	[tilespmem:s2+$0xFFFFFFFE] =	vst.msk $0x1, v1;
	v4 =	vbroadcast v1, $0x2;
	(pc) =	sbr.rel @p1 .LBB2_14-.Ltmp7, $4  }
0xc6: {  	v1 =	vbroadcast v1, $0x3;
	[tilespmem:s2+$0xFFFFFFFF] =	vst.msk $0x1, v3  }
0xc7: {  	[tilespmem:s2+$0x0] =	vst.msk $0x1, v4  }
0xc8: {  	[tilespmem:s2+$0x1] =	vst.msk $0x1, v1  }
0xc9: {  	s6 =	simm.s32 $0x2;
	p0 =	por $0x1, $0x1;
	s5 =	simm.s32 $0x89D2;
	v1 =	vld.idx.msk [tilespmem:v2+s4+$0x0], $0xffff  }
.LBB2_15:
0xca: {  	_ =	sdelay $0x2  }
0xcb: {  	s7 =	sshll.u32 s6, $0x7;
	s6 =	sadd.s32 $0x1, s6;
	s5 =	sadd.s32 $0x6, s5  }
0xcc: {  	v2 =	vor.u32 s7, v0;
	p1 =	seq.s32 s3, s6;
	[tilespmem:s5+$0xFFFFFFFE] =	vst.msk $0x1, v1;
	v3 =	vbroadcast v1, $0x1;
	v4 =	vbroadcast v1, $0x2  }
.Ltmp8:
0xcd: {  	v1 =	vbroadcast v1, $0x3;
	(pc) =	sbr.rel @!p1 .LBB2_15-.Ltmp8, $4  }
0xce: {  	[tilespmem:s5+$0xFFFFFFFF] =	vst.msk $0x1, v3  }
0xcf: {  	[tilespmem:s5+$0x0] =	vst.msk $0x1, v4  }
0xd0: {  	[tilespmem:s5+$0x1] =	vst.msk $0x1, v1  }
0xd1: {  	v1 =	vld.idx.msk [tilespmem:v2+s4+$0x0], $0xffff  }
.LBB2_16:
0xd2: {  	_ =	sdelay $0x2  }
0xd3: {  	s3 =	sadd.s32 @p0 $0x6, s5  }
.Ltmp9:
0xd4: {  	s2 =	smov.u32 @p0 s3;
	v0 =	vbroadcast v1, $0x1;
	(pc) =	sbr.rel .LBB2_18-.Ltmp9, $4  }
0xd5: {  	[tilespmem:s2+$0xFFFFFFFE] =	vst.msk $0x1, v1;
	v2 =	vbroadcast v1, $0x2  }
0xd6: {  	v63 =	vbroadcast v1, $0x3;
	[tilespmem:s2+$0xFFFFFFFF] =	vst.msk $0x1, v0  }
0xd7: {  	[tilespmem:s2+$0x0] =	vst.msk $0x1, v2  }
0xd8: {  	[tilespmem:s2+$0x1] =	vst.msk $0x1, v63  }
.LBB2_17:
0xd9: {  	s3 =	simm.s32 $0x80  }
0xda: {  	s4 =	simm.s32 $0x4850;
	s5 =	simm.s32 $0x49D0;
	s31 =	simm.s32 $0x1  }
0xdb: {  	[tilespmem:s5], [sflag:$0x1] =	stream.indirect.gather [hbm4b:s2+s3], $0x80, s4, s3, $0xb8;
	[tilespmem:$0x8C40] =	vst v63  }
0xdc: {  	_ =	swait.ge [sflag:s31], $0x4000  }
0xdd: {  	[sflag:s31] =	ssyncset.done $0x0  }
0xde: {  	[sflag:s31] =	ssyncadd.s32 $0xFFFFC000  }
.LBB2_18:
0xdf: {  	s2 =	simm.s32 $0x0;
	s3 =	simm.s32 $0x89D0;
	s31 =	simm.s32 $0x2  }
0xe0: {  	[hbm4b:s1+s2] =	stream.linear.scatter [tilespmem:s3], [sflag:$0x2], $0x258, $0x38;
	[tilespmem:$0x8C40] =	vst v63  }
0xe1: {  	_ =	swait.ge [sflag:s31], $0x258  }
0xe2: {  	[sflag:s31] =	ssyncset.done $0x0  }
0xe3: {  	[sflag:s31] =	ssyncadd.s32 $0xFFFFFDA8  }
0xe4: {  	_ =	sfence.sel $0x180000  }
0xe5: {  	[bflag:$0x0] =	sbarrier.arrive $0xFFFF  }
0xe6: {  	_ =	strace $0x9000004A  }
0xe7: {  	s0 =	sadd.s32 $0x100000, s0;
	[bflag:$0x2] =	sbarrier.arrive $0xFFFF  }
0xe8: {  	[sflag:s0] =	ssyncadd.tile.s32 $0x1;
	_ =	shalt  }
.LBB2_7:
.Ltmp10:
0xe9: {  	(pc) =	sbr.rel .LBB2_11-.Ltmp10, $2  }
0xea: {  	_ =	sdelay $0x2  }
0xeb: {  	s6 =	simm.s32 $0x89D5;
	s7 =	simm.s32 $0x48D0;
	p1 =	por $0x0, $0x0  }
.LBB2_12:
.Ltmp11:
0xec: {  	(pc) =	sbr.rel .LBB2_16-.Ltmp11, $2  }
0xed: {  	_ =	sdelay $0x2  }
0xee: {  	s5 =	simm.s32 $0x89D2  }
.LBB2_9:
.Ltmp12:
0xef: {  	(pc) =	sbr.rel .LBB2_11-.Ltmp12, $2  }
0xf0: {  	_ =	sdelay $0x2  }
0xf1: {  	s6 =	simm.s32 $0x89D5;
	s7 =	simm.s32 $0x48D0  }
.LBB2_14:
.Ltmp13:
0xf2: {  	(pc) =	sbr.rel .LBB2_16-.Ltmp13, $2  }
0xf3: {  	_ =	sdelay $0x2  }
0xf4: {  	s5 =	simm.s32 $0x89D2  }
.Lfunc_end2:
_tile_overlayer_lowered:
.L_overlay_start_2:
0xf5: {  	(tag) =	ssettag $0x2  }
0xf6: {  	s0 =	rddreg [dreg:$0x0];
	s2 =	stileid.u32  }
0xf7: {  	s1 =	rddreg [dreg:$0x1];
	p0 =	sne.s32 s2, $0x0  }
0xf8: {  	s3 =	rddreg [dreg:$0x2];
	[bflag:$0x3] =	sbarrier.arrive $0xFFFF;
	s2 =	simm.s32 @!p0 $0x1C02  }
0xf9: {  	[timem:s3], [sflag:s2] =	dma.local @!p0 [hbm:s0], s1  }
0xfa: {  	s0 =	simm.s32 @!p0 $0x2  }
0xfb: {  	_ =	swait.ge @!p0 [sflag:s0], s1  }
0xfc: {  	s1 =	ssub.s32 @!p0 $0x0, s1;
	[sflag:s0] =	ssyncset.done @!p0 $0x0  }
0xfd: {  	[sflag:s0] =	ssyncadd.s32 @!p0 s1  }
0xfe: {  	[bflag:$0x3] =	sbarrier.arrive $0xFFFF  }
0xff: {  	_ =	shalt  }

</sc_bundles>
